<compile_context>
chip_gen: v7x
topology: tpu7x:2x2x1
jax: 0.10.2.dev20260603
libtpu: 0.0.44.dev20260713+nightly
codegen_flags: <defaults>
</compile_context>

<pallas_src>
import functools

import jax
import jax.numpy as jnp
from jax import lax
from jax.experimental import pallas as pl
from jax.experimental.pallas import tpu as pltpu
from jax.experimental.pallas import tpu_sc as plsc

_BLOCK = 64
_NSWAP = 256
_NC = 2
_NS = 16
_NW = _NC * _NS
_LANES = 16
_NBUF = 2
_NBUF_S = 2


def _sc_swap_body(cache_hbm, srcs_hbm, dsts_hbm, out_hbm,
                  sv, dv, tbuf, spbuf, sems):
    nper = cache_hbm.shape[0] // _BLOCK // _NW
    cid = lax.axis_index("c")
    sid = lax.axis_index("s")
    wid = sid * _NC + cid
    base = wid * nper

    pltpu.sync_copy(srcs_hbm, sv)
    pltpu.sync_copy(dsts_hbm, dv)

    iota = lax.iota(jnp.int32, _LANES)
    bid0 = iota + base
    bid1 = iota + (base + _LANES)

    def scan_chunk(c, carry, flip):
        m0, m1 = carry
        svec = sv[pl.ds(c * _LANES, _LANES)]
        dvec = dv[pl.ds(c * _LANES, _LANES)]
        if flip:
            svec, dvec = dvec, svec
        for j in range(_LANES):
            d = dvec[j]
            s = svec[j]
            m0 = jnp.where(bid0 == d, s, m0)
            m1 = jnp.where(bid1 == d, s, m1)
        return m0, m1

    nchunk = _NSWAP // _LANES
    m0, m1 = lax.fori_loop(
        0, nchunk, functools.partial(scan_chunk, flip=False), (bid0, bid1))
    m0, m1 = lax.fori_loop(
        0, nchunk, functools.partial(scan_chunk, flip=True), (m0, m1))
    ms = (m0, m1)

    def blkidx(b):
        return ms[b // _LANES][b % _LANES]

    def make_pipe(items, buf_at, nrows, gsem, ssem, nbuf):
        def gstart(i, slot):
            src, dst = items[i]
            pltpu.make_async_copy(
                cache_hbm.at[pl.ds(src, nrows)], buf_at(slot), gsem.at[slot]
            ).start()

        def gwait(slot):
            pltpu.make_async_copy(
                cache_hbm.at[pl.ds(0, nrows)], buf_at(slot), gsem.at[slot]
            ).wait()

        def sstart(i, slot):
            src, dst = items[i]
            pltpu.make_async_copy(
                buf_at(slot), out_hbm.at[pl.ds(dst, nrows)], ssem.at[slot]
            ).start()

        def swait(slot):
            pltpu.make_async_copy(
                buf_at(slot), out_hbm.at[pl.ds(0, nrows)], ssem.at[slot]
            ).wait()

        return dict(n=len(items), nbuf=nbuf, gstart=gstart, gwait=gwait,
                    sstart=sstart, swait=swait)

    def pipe_prime(p):
        for t in range(p["nbuf"] - 1):
            p["gstart"](t, t)

    def pipe_flush(p, k):
        slot = k % p["nbuf"]
        p["gwait"](slot)
        p["sstart"](k, slot)

    def pipe_refill(p, k):
        nxt = k + p["nbuf"] - 1
        if nxt < p["n"]:
            if k >= 1:
                p["swait"](nxt % p["nbuf"])
            p["gstart"](nxt, nxt % p["nbuf"])

    def pipe_drain(p):
        for t in range(p["nbuf"]):
            p["swait"]((p["n"] - 1 - t) % p["nbuf"])

    half = _BLOCK // 2
    t_items = [(blkidx(b) * _BLOCK, (base + b) * _BLOCK)
               for b in range(0, nper, 2)]
    s_items = [(blkidx(b) * _BLOCK + h * half, (base + b) * _BLOCK + h * half)
               for b in range(1, nper, 2) for h in (0, 1)]

    pipe_t = make_pipe(t_items, lambda slot: tbuf.at[slot], _BLOCK,
                       sems[0][0], sems[0][1], _NBUF)
    pipe_s = make_pipe(s_items, lambda slot: spbuf.at[sid].at[slot], half,
                       sems[1][0], sems[1][1], _NBUF_S)

    pipe_prime(pipe_t)
    pipe_prime(pipe_s)
    for k in range(len(t_items)):
        pipe_flush(pipe_t, k)
        pipe_flush(pipe_s, 2 * k)
        pipe_refill(pipe_s, 2 * k)
        pipe_refill(pipe_t, k)
        pipe_flush(pipe_s, 2 * k + 1)
        pipe_refill(pipe_s, 2 * k + 1)
    pipe_drain(pipe_t)
    pipe_drain(pipe_s)


def kernel(cache, srcs, dsts, block_size):
    rows, d = cache.shape

    def body(cache_hbm, srcs_hbm, dsts_hbm, out_hbm, sv, dv, tbuf, spbuf,
             g0, s0, g1, s1):
        _sc_swap_body(cache_hbm, srcs_hbm, dsts_hbm, out_hbm,
                      sv, dv, tbuf, spbuf, ((g0, s0), (g1, s1)))

    run = functools.partial(
        pl.kernel,
        out_type=jax.ShapeDtypeStruct((rows, d), cache.dtype),
        mesh=plsc.VectorSubcoreMesh(core_axis_name="c", subcore_axis_name="s"),
        scratch_types=[
            pltpu.VMEM((_NSWAP,), jnp.int32),
            pltpu.VMEM((_NSWAP,), jnp.int32),
            pltpu.VMEM((_NBUF, _BLOCK, d), cache.dtype),
            pltpu.VMEM_SHARED((_NS, _NBUF_S, _BLOCK // 2, d), cache.dtype),
            pltpu.SemaphoreType.DMA((_NBUF,)),
            pltpu.SemaphoreType.DMA((_NBUF,)),
            pltpu.SemaphoreType.DMA((_NBUF,)),
            pltpu.SemaphoreType.DMA((_NBUF,)),
        ],
    )(body)
    return run(cache, srcs, dsts)

# --- scband reference (transcript-rebuilt; emitter-appended) ---
"""Pipeline reference for scband-cache-swap-utils-62113817034829 (READ-ONLY COPY).

The authoritative reference and input builder live on the scoring server;
editing this copy changes nothing except your own understanding.
"""

import jax, jax.numpy as jnp
import numpy as np

NUM_BLOCKS = 1024
BLOCK_SIZE = 64
D = 512
N_SWAP = 256


def setup_inputs(seed: int = 0) -> dict:
    key = jax.random.key(seed)
    k1, k2, k3 = jax.random.split(key, 3)
    cache = jax.random.normal(k1, (NUM_BLOCKS * BLOCK_SIZE, D), dtype=jnp.float32)
    srcs = jax.random.randint(k2, (N_SWAP,), 0, NUM_BLOCKS, dtype=jnp.int32)
    dsts = jax.random.randint(k3, (N_SWAP,), 0, NUM_BLOCKS, dtype=jnp.int32)
    return {"cache": cache, "srcs": srcs, "dsts": dsts, "block_size": BLOCK_SIZE}


def reference(cache, srcs, dsts, block_size):
    # block_slots = arange(block_size), as in __init__
    block_slots = jnp.arange(BLOCK_SIZE, dtype=srcs.dtype)
    # expand block ids to flat slot indices: (ids * block_size)[:, None] + slots, then flatten
    s = ((srcs * block_size)[:, None] + block_slots).reshape(-1)
    d = ((dsts * block_size)[:, None] + block_slots).reshape(-1)
    # gather both sides first (index_select), then swap via scatter-overwrite (index_copy_)
    prev_srcs = jnp.take(cache, s, axis=0)
    prev_dsts = jnp.take(cache, d, axis=0)
    cache = cache.at[d].set(prev_srcs)
    cache = cache.at[s].set(prev_dsts)
    return cache

if __name__ == "__main__":
    import jax
    _d = setup_inputs()
    print(jax.jit(kernel)(*tuple(_d.values())))

</pallas_src>

<mosaic_0001>
#map = affine_map<(d0, d1) -> (0, 0)>
#map1 = affine_map<(d0, d1) -> (0)>
module attributes {stable_mosaic.version = 14 : i64} {
  func.func @body(%arg0: i32, %arg1: i32, %arg2: memref<65536x512xf32, #tpu.memory_space<hbm>>, %arg3: memref<256xi32, #tpu.memory_space<hbm>>, %arg4: memref<256xi32, #tpu.memory_space<hbm>>, %arg5: memref<65536x512xf32, #tpu.memory_space<hbm>>, %arg6: memref<256xi32, #tpu.memory_space<vmem>>, %arg7: memref<256xi32, #tpu.memory_space<vmem>>, %arg8: memref<2x64x512xf32, #tpu.memory_space<vmem>>, %arg9: memref<16x2x32x512xf32, #tpu.memory_space<vmem_shared>>, %arg10: memref<2x!tpu.dma_semaphore, #tpu.memory_space<semaphore_mem>>, %arg11: memref<2x!tpu.dma_semaphore, #tpu.memory_space<semaphore_mem>>, %arg12: memref<2x!tpu.dma_semaphore, #tpu.memory_space<semaphore_mem>>, %arg13: memref<2x!tpu.dma_semaphore, #tpu.memory_space<semaphore_mem>>) attributes {dimension_semantics = [#tpu.dimension_semantics<core_parallel>, #tpu.dimension_semantics<subcore_parallel>], iteration_bounds = array<i64: 2, 16>, scalar_prefetch = 0 : i64, scratch_operands = 8 : i64, tpu.core_type = #tpu.core_type<sc_vector_subcore>, window_params = [{transform_indices = #map}, {transform_indices = #map1}, {transform_indices = #map1}, {transform_indices = #map}]} {
    %mul3A = arith.constant 2 : i32
    %mul3A_0 = arith.muli %arg1, %mul3A : i32
    %add3A = arith.addi %mul3A_0, %arg0 : i32
    %mul3A_1 = arith.constant 32 : i32
    %mul3A_2 = arith.muli %add3A, %mul3A_1 : i32
    "tpu.region"() ({
      %run_scoped3A = tpu.sem_alloc : memref<!tpu.dma_semaphore, #tpu.memory_space<semaphore_mem>>
      tpu.enqueue_dma source(%arg3 : memref<256xi32, #tpu.memory_space<hbm>>) target(%arg6 : memref<256xi32, #tpu.memory_space<vmem>>) target_semaphore(%run_scoped3A : memref<!tpu.dma_semaphore, #tpu.memory_space<semaphore_mem>>)
      tpu.wait_dma2 semaphore(%run_scoped3A : memref<!tpu.dma_semaphore, #tpu.memory_space<semaphore_mem>>) src(%arg3 : memref<256xi32, #tpu.memory_space<hbm>>) dst(%arg6 : memref<256xi32, #tpu.memory_space<vmem>>)
      tpu.yield
    }) : () -> ()
    "tpu.region"() ({
      %run_scoped3A = tpu.sem_alloc : memref<!tpu.dma_semaphore, #tpu.memory_space<semaphore_mem>>
      tpu.enqueue_dma source(%arg4 : memref<256xi32, #tpu.memory_space<hbm>>) target(%arg7 : memref<256xi32, #tpu.memory_space<vmem>>) target_semaphore(%run_scoped3A : memref<!tpu.dma_semaphore, #tpu.memory_space<semaphore_mem>>)
      tpu.wait_dma2 semaphore(%run_scoped3A : memref<!tpu.dma_semaphore, #tpu.memory_space<semaphore_mem>>) src(%arg4 : memref<256xi32, #tpu.memory_space<hbm>>) dst(%arg7 : memref<256xi32, #tpu.memory_space<vmem>>)
      tpu.yield
    }) : () -> ()
    %iota3A = tpu.iota {dimensions = array<i32: 0>} : vector<16xi32>
    %add3A_3 = vector.broadcast %mul3A_2 : i32 to vector<16xi32>
    %add3A_4 = arith.addi %iota3A, %add3A_3 : vector<16xi32>
    %add3A_5 = arith.constant 16 : i32
    %add3A_6 = arith.addi %mul3A_2, %add3A_5 : i32
    %add3A_7 = vector.broadcast %add3A_6 : i32 to vector<16xi32>
    %add3A_8 = arith.addi %iota3A, %add3A_7 : vector<16xi32>
    %scan3A = arith.constant 0 : i32
    %scan3A_9 = arith.constant 16 : i32
    %scan3A_10 = arith.addi %scan3A, %scan3A_9 : i32
    %scan3A_11 = arith.constant 1 : i32
    %scan3A_12:2 = scf.for %scan3A_3600 = %scan3A to %scan3A_10 step %scan3A_11 iter_args(%scan3A_3601 = %add3A_4, %scan3A_3602 = %add3A_8) -> (vector<16xi32>, vector<16xi32>)  : i32 {
      %mul3A_3603 = arith.constant 16 : i32
      %mul3A_3604 = arith.muli %scan3A_3600, %mul3A_3603 : i32
      %get3A = arith.index_cast %mul3A_3604 : i32 to index
      %get3A_3605 = tpu.vector_load %arg6[%get3A] {strides = array<i32>} : memref<256xi32, #tpu.memory_space<vmem>>, vector<16xi32>,
      %get3A_3606 = vector.shape_cast %get3A_3605 : vector<16xi32> to vector<16xi32>
      %mul3A_3607 = arith.constant 16 : i32
      %mul3A_3608 = arith.muli %scan3A_3600, %mul3A_3607 : i32
      %get3A_3609 = arith.index_cast %mul3A_3608 : i32 to index
      %get3A_3610 = tpu.vector_load %arg7[%get3A_3609] {strides = array<i32>} : memref<256xi32, #tpu.memory_space<vmem>>, vector<16xi32>,
      %get3A_3611 = vector.shape_cast %get3A_3610 : vector<16xi32> to vector<16xi32>
      %slice3A_3612 = vector.extract_strided_slice %get3A_3611 {offsets = [0], sizes = [1], strides = [1]} : vector<16xi32> to vector<1xi32>
      %squeeze3A_3613 = vector.extract %slice3A_3612[0] : i32 from vector<1xi32>
      %slice3A_3614 = vector.extract_strided_slice %get3A_3606 {offsets = [0], sizes = [1], strides = [1]} : vector<16xi32> to vector<1xi32>
      %squeeze3A_3615 = vector.extract %slice3A_3614[0] : i32 from vector<1xi32>
      %eq3A = vector.broadcast %squeeze3A_3613 : i32 to vector<16xi32>
      %eq3A_3616 = arith.cmpi eq, %add3A_4, %eq3A : vector<16xi32>
      %broadcast_in_dim3A = vector.broadcast %squeeze3A_3615 : i32 to vector<16xi32>
      %select_n3A = arith.select %eq3A_3616, %broadcast_in_dim3A, %scan3A_3601 : vector<16xi1>, vector<16xi32>
      %eq3A_3617 = vector.broadcast %squeeze3A_3613 : i32 to vector<16xi32>
      %eq3A_3618 = arith.cmpi eq, %add3A_8, %eq3A_3617 : vector<16xi32>
      %broadcast_in_dim3A_3619 = vector.broadcast %squeeze3A_3615 : i32 to vector<16xi32>
      %select_n3A_3620 = arith.select %eq3A_3618, %broadcast_in_dim3A_3619, %scan3A_3602 : vector<16xi1>, vector<16xi32>
      %slice3A_3621 = vector.extract_strided_slice %get3A_3611 {offsets = [1], sizes = [1], strides = [1]} : vector<16xi32> to vector<1xi32>
      %squeeze3A_3622 = vector.extract %slice3A_3621[0] : i32 from vector<1xi32>
      %slice3A_3623 = vector.extract_strided_slice %get3A_3606 {offsets = [1], sizes = [1], strides = [1]} : vector<16xi32> to vector<1xi32>
      %squeeze3A_3624 = vector.extract %slice3A_3623[0] : i32 from vector<1xi32>
      %eq3A_3625 = vector.broadcast %squeeze3A_3622 : i32 to vector<16xi32>
      %eq3A_3626 = arith.cmpi eq, %add3A_4, %eq3A_3625 : vector<16xi32>
      %broadcast_in_dim3A_3627 = vector.broadcast %squeeze3A_3624 : i32 to vector<16xi32>
      %select_n3A_3628 = arith.select %eq3A_3626, %broadcast_in_dim3A_3627, %select_n3A : vector<16xi1>, vector<16xi32>
      %eq3A_3629 = vector.broadcast %squeeze3A_3622 : i32 to vector<16xi32>
      %eq3A_3630 = arith.cmpi eq, %add3A_8, %eq3A_3629 : vector<16xi32>
      %broadcast_in_dim3A_3631 = vector.broadcast %squeeze3A_3624 : i32 to vector<16xi32>
      %select_n3A_3632 = arith.select %eq3A_3630, %broadcast_in_dim3A_3631, %select_n3A_3620 : vector<16xi1>, vector<16xi32>
      %slice3A_3633 = vector.extract_strided_slice %get3A_3611 {offsets = [2], sizes = [1], strides = [1]} : vector<16xi32> to vector<1xi32>
      %squeeze3A_3634 = vector.extract %slice3A_3633[0] : i32 from vector<1xi32>
      %slice3A_3635 = vector.extract_strided_slice %get3A_3606 {offsets = [2], sizes = [1], strides = [1]} : vector<16xi32> to vector<1xi32>
      %squeeze3A_3636 = vector.extract %slice3A_3635[0] : i32 from vector<1xi32>
      %eq3A_3637 = vector.broadcast %squeeze3A_3634 : i32 to vector<16xi32>
      %eq3A_3638 = arith.cmpi eq, %add3A_4, %eq3A_3637 : vector<16xi32>
      %broadcast_in_dim3A_3639 = vector.broadcast %squeeze3A_3636 : i32 to vector<16xi32>
      %select_n3A_3640 = arith.select %eq3A_3638, %broadcast_in_dim3A_3639, %select_n3A_3628 : vector<16xi1>, vector<16xi32>
      %eq3A_3641 = vector.broadcast %squeeze3A_3634 : i32 to vector<16xi32>
      %eq3A_3642 = arith.cmpi eq, %add3A_8, %eq3A_3641 : vector<16xi32>
      %broadcast_in_dim3A_3643 = vector.broadcast %squeeze3A_3636 : i32 to vector<16xi32>
      %select_n3A_3644 = arith.select %eq3A_3642, %broadcast_in_dim3A_3643, %select_n3A_3632 : vector<16xi1>, vector<16xi32>
      %slice3A_3645 = vector.extract_strided_slice %get3A_3611 {offsets = [3], sizes = [1], strides = [1]} : vector<16xi32> to vector<1xi32>
      %squeeze3A_3646 = vector.extract %slice3A_3645[0] : i32 from vector<1xi32>
      %slice3A_3647 = vector.extract_strided_slice %get3A_3606 {offsets = [3], sizes = [1], strides = [1]} : vector<16xi32> to vector<1xi32>
      %squeeze3A_3648 = vector.extract %slice3A_3647[0] : i32 from vector<1xi32>
      %eq3A_3649 = vector.broadcast %squeeze3A_3646 : i32 to vector<16xi32>
      %eq3A_3650 = arith.cmpi eq, %add3A_4, %eq3A_3649 : vector<16xi32>
      %broadcast_in_dim3A_3651 = vector.broadcast %squeeze3A_3648 : i32 to vector<16xi32>
      %select_n3A_3652 = arith.select %eq3A_3650, %broadcast_in_dim3A_3651, %select_n3A_3640 : vector<16xi1>, vector<16xi32>
      %eq3A_3653 = vector.broadcast %squeeze3A_3646 : i32 to vector<16xi32>
      %eq3A_3654 = arith.cmpi eq, %add3A_8, %eq3A_3653 : vector<16xi32>
      %broadcast_in_dim3A_3655 = vector.broadcast %squeeze3A_3648 : i32 to vector<16xi32>
      %select_n3A_3656 = arith.select %eq3A_3654, %broadcast_in_dim3A_3655, %select_n3A_3644 : vector<16xi1>, vector<16xi32>
      %slice3A_3657 = vector.extract_strided_slice %get3A_3611 {offsets = [4], sizes = [1], strides = [1]} : vector<16xi32> to vector<1xi32>
      %squeeze3A_3658 = vector.extract %slice3A_3657[0] : i32 from vector<1xi32>
      %slice3A_3659 = vector.extract_strided_slice %get3A_3606 {offsets = [4], sizes = [1], strides = [1]} : vector<16xi32> to vector<1xi32>
      %squeeze3A_3660 = vector.extract %slice3A_3659[0] : i32 from vector<1xi32>
      %eq3A_3661 = vector.broadcast %squeeze3A_3658 : i32 to vector<16xi32>
      %eq3A_3662 = arith.cmpi eq, %add3A_4, %eq3A_3661 : vector<16xi32>
      %broadcast_in_dim3A_3663 = vector.broadcast %squeeze3A_3660 : i32 to vector<16xi32>
      %select_n3A_3664 = arith.select %eq3A_3662, %broadcast_in_dim3A_3663, %select_n3A_3652 : vector<16xi1>, vector<16xi32>
      %eq3A_3665 = vector.broadcast %squeeze3A_3658 : i32 to vector<16xi32>
      %eq3A_3666 = arith.cmpi eq, %add3A_8, %eq3A_3665 : vector<16xi32>
      %broadcast_in_dim3A_3667 = vector.broadcast %squeeze3A_3660 : i32 to vector<16xi32>
      %select_n3A_3668 = arith.select %eq3A_3666, %broadcast_in_dim3A_3667, %select_n3A_3656 : vector<16xi1>, vector<16xi32>
      %slice3A_3669 = vector.extract_strided_slice %get3A_3611 {offsets = [5], sizes = [1], strides = [1]} : vector<16xi32> to vector<1xi32>
      %squeeze3A_3670 = vector.extract %slice3A_3669[0] : i32 from vector<1xi32>
      %slice3A_3671 = vector.extract_strided_slice %get3A_3606 {offsets = [5], sizes = [1], strides = [1]} : vector<16xi32> to vector<1xi32>
      %squeeze3A_3672 = vector.extract %slice3A_3671[0] : i32 from vector<1xi32>
      %eq3A_3673 = vector.broadcast %squeeze3A_3670 : i32 to vector<16xi32>
      %eq3A_3674 = arith.cmpi eq, %add3A_4, %eq3A_3673 : vector<16xi32>
      %broadcast_in_dim3A_3675 = vector.broadcast %squeeze3A_3672 : i32 to vector<16xi32>
      %select_n3A_3676 = arith.select %eq3A_3674, %broadcast_in_dim3A_3675, %select_n3A_3664 : vector<16xi1>, vector<16xi32>
      %eq3A_3677 = vector.broadcast %squeeze3A_3670 : i32 to vector<16xi32>
      %eq3A_3678 = arith.cmpi eq, %add3A_8, %eq3A_3677 : vector<16xi32>
      %broadcast_in_dim3A_3679 = vector.broadcast %squeeze3A_3672 : i32 to vector<16xi32>
      %select_n3A_3680 = arith.select %eq3A_3678, %broadcast_in_dim3A_3679, %select_n3A_3668 : vector<16xi1>, vector<16xi32>
      %slice3A_3681 = vector.extract_strided_slice %get3A_3611 {offsets = [6], sizes = [1], strides = [1]} : vector<16xi32> to vector<1xi32>
      %squeeze3A_3682 = vector.extract %slice3A_3681[0] : i32 from vector<1xi32>
      %slice3A_3683 = vector.extract_strided_slice %get3A_3606 {offsets = [6], sizes = [1], strides = [1]} : vector<16xi32> to vector<1xi32>
      %squeeze3A_3684 = vector.extract %slice3A_3683[0] : i32 from vector<1xi32>
      %eq3A_3685 = vector.broadcast %squeeze3A_3682 : i32 to vector<16xi32>
      %eq3A_3686 = arith.cmpi eq, %add3A_4, %eq3A_3685 : vector<16xi32>
      %broadcast_in_dim3A_3687 = vector.broadcast %squeeze3A_3684 : i32 to vector<16xi32>
      %select_n3A_3688 = arith.select %eq3A_3686, %broadcast_in_dim3A_3687, %select_n3A_3676 : vector<16xi1>, vector<16xi32>
      %eq3A_3689 = vector.broadcast %squeeze3A_3682 : i32 to vector<16xi32>
      %eq3A_3690 = arith.cmpi eq, %add3A_8, %eq3A_3689 : vector<16xi32>
      %broadcast_in_dim3A_3691 = vector.broadcast %squeeze3A_3684 : i32 to vector<16xi32>
      %select_n3A_3692 = arith.select %eq3A_3690, %broadcast_in_dim3A_3691, %select_n3A_3680 : vector<16xi1>, vector<16xi32>
      %slice3A_3693 = vector.extract_strided_slice %get3A_3611 {offsets = [7], sizes = [1], strides = [1]} : vector<16xi32> to vector<1xi32>
      %squeeze3A_3694 = vector.extract %slice3A_3693[0] : i32 from vector<1xi32>
      %slice3A_3695 = vector.extract_strided_slice %get3A_3606 {offsets = [7], sizes = [1], strides = [1]} : vector<16xi32> to vector<1xi32>
      %squeeze3A_3696 = vector.extract %slice3A_3695[0] : i32 from vector<1xi32>
      %eq3A_3697 = vector.broadcast %squeeze3A_3694 : i32 to vector<16xi32>
      %eq3A_3698 = arith.cmpi eq, %add3A_4, %eq3A_3697 : vector<16xi32>
      %broadcast_in_dim3A_3699 = vector.broadcast %squeeze3A_3696 : i32 to vector<16xi32>
      %select_n3A_3700 = arith.select %eq3A_3698, %broadcast_in_dim3A_3699, %select_n3A_3688 : vector<16xi1>, vector<16xi32>
      %eq3A_3701 = vector.broadcast %squeeze3A_3694 : i32 to vector<16xi32>
      %eq3A_3702 = arith.cmpi eq, %add3A_8, %eq3A_3701 : vector<16xi32>
      %broadcast_in_dim3A_3703 = vector.broadcast %squeeze3A_3696 : i32 to vector<16xi32>
      %select_n3A_3704 = arith.select %eq3A_3702, %broadcast_in_dim3A_3703, %select_n3A_3692 : vector<16xi1>, vector<16xi32>
      %slice3A_3705 = vector.extract_strided_slice %get3A_3611 {offsets = [8], sizes = [1], strides = [1]} : vector<16xi32> to vector<1xi32>
      %squeeze3A_3706 = vector.extract %slice3A_3705[0] : i32 from vector<1xi32>
      %slice3A_3707 = vector.extract_strided_slice %get3A_3606 {offsets = [8], sizes = [1], strides = [1]} : vector<16xi32> to vector<1xi32>
      %squeeze3A_3708 = vector.extract %slice3A_3707[0] : i32 from vector<1xi32>
      %eq3A_3709 = vector.broadcast %squeeze3A_3706 : i32 to vector<16xi32>
      %eq3A_3710 = arith.cmpi eq, %add3A_4, %eq3A_3709 : vector<16xi32>
      %broadcast_in_dim3A_3711 = vector.broadcast %squeeze3A_3708 : i32 to vector<16xi32>
      %select_n3A_3712 = arith.select %eq3A_3710, %broadcast_in_dim3A_3711, %select_n3A_3700 : vector<16xi1>, vector<16xi32>
      %eq3A_3713 = vector.broadcast %squeeze3A_3706 : i32 to vector<16xi32>
      %eq3A_3714 = arith.cmpi eq, %add3A_8, %eq3A_3713 : vector<16xi32>
      %broadcast_in_dim3A_3715 = vector.broadcast %squeeze3A_3708 : i32 to vector<16xi32>
      %select_n3A_3716 = arith.select %eq3A_3714, %broadcast_in_dim3A_3715, %select_n3A_3704 : vector<16xi1>, vector<16xi32>
      %slice3A_3717 = vector.extract_strided_slice %get3A_3611 {offsets = [9], sizes = [1], strides = [1]} : vector<16xi32> to vector<1xi32>
      %squeeze3A_3718 = vector.extract %slice3A_3717[0] : i32 from vector<1xi32>
      %slice3A_3719 = vector.extract_strided_slice %get3A_3606 {offsets = [9], sizes = [1], strides = [1]} : vector<16xi32> to vector<1xi32>
      %squeeze3A_3720 = vector.extract %slice3A_3719[0] : i32 from vector<1xi32>
      %eq3A_3721 = vector.broadcast %squeeze3A_3718 : i32 to vector<16xi32>
      %eq3A_3722 = arith.cmpi eq, %add3A_4, %eq3A_3721 : vector<16xi32>
      %broadcast_in_dim3A_3723 = vector.broadcast %squeeze3A_3720 : i32 to vector<16xi32>
      %select_n3A_3724 = arith.select %eq3A_3722, %broadcast_in_dim3A_3723, %select_n3A_3712 : vector<16xi1>, vector<16xi32>
      %eq3A_3725 = vector.broadcast %squeeze3A_3718 : i32 to vector<16xi32>
      %eq3A_3726 = arith.cmpi eq, %add3A_8, %eq3A_3725 : vector<16xi32>
      %broadcast_in_dim3A_3727 = vector.broadcast %squeeze3A_3720 : i32 to vector<16xi32>
      %select_n3A_3728 = arith.select %eq3A_3726, %broadcast_in_dim3A_3727, %select_n3A_3716 : vector<16xi1>, vector<16xi32>
      %slice3A_3729 = vector.extract_strided_slice %get3A_3611 {offsets = [10], sizes = [1], strides = [1]} : vector<16xi32> to vector<1xi32>
      %squeeze3A_3730 = vector.extract %slice3A_3729[0] : i32 from vector<1xi32>
      %slice3A_3731 = vector.extract_strided_slice %get3A_3606 {offsets = [10], sizes = [1], strides = [1]} : vector<16xi32> to vector<1xi32>
      %squeeze3A_3732 = vector.extract %slice3A_3731[0] : i32 from vector<1xi32>
      %eq3A_3733 = vector.broadcast %squeeze3A_3730 : i32 to vector<16xi32>
      %eq3A_3734 = arith.cmpi eq, %add3A_4, %eq3A_3733 : vector<16xi32>
      %broadcast_in_dim3A_3735 = vector.broadcast %squeeze3A_3732 : i32 to vector<16xi32>
      %select_n3A_3736 = arith.select %eq3A_3734, %broadcast_in_dim3A_3735, %select_n3A_3724 : vector<16xi1>, vector<16xi32>
      %eq3A_3737 = vector.broadcast %squeeze3A_3730 : i32 to vector<16xi32>
      %eq3A_3738 = arith.cmpi eq, %add3A_8, %eq3A_3737 : vector<16xi32>
      %broadcast_in_dim3A_3739 = vector.broadcast %squeeze3A_3732 : i32 to vector<16xi32>
      %select_n3A_3740 = arith.select %eq3A_3738, %broadcast_in_dim3A_3739, %select_n3A_3728 : vector<16xi1>, vector<16xi32>
      %slice3A_3741 = vector.extract_strided_slice %get3A_3611 {offsets = [11], sizes = [1], strides = [1]} : vector<16xi32> to vector<1xi32>
      %squeeze3A_3742 = vector.extract %slice3A_3741[0] : i32 from vector<1xi32>
      %slice3A_3743 = vector.extract_strided_slice %get3A_3606 {offsets = [11], sizes = [1], strides = [1]} : vector<16xi32> to vector<1xi32>
      %squeeze3A_3744 = vector.extract %slice3A_3743[0] : i32 from vector<1xi32>
      %eq3A_3745 = vector.broadcast %squeeze3A_3742 : i32 to vector<16xi32>
      %eq3A_3746 = arith.cmpi eq, %add3A_4, %eq3A_3745 : vector<16xi32>
      %broadcast_in_dim3A_3747 = vector.broadcast %squeeze3A_3744 : i32 to vector<16xi32>
      %select_n3A_3748 = arith.select %eq3A_3746, %broadcast_in_dim3A_3747, %select_n3A_3736 : vector<16xi1>, vector<16xi32>
      %eq3A_3749 = vector.broadcast %squeeze3A_3742 : i32 to vector<16xi32>
      %eq3A_3750 = arith.cmpi eq, %add3A_8, %eq3A_3749 : vector<16xi32>
      %broadcast_in_dim3A_3751 = vector.broadcast %squeeze3A_3744 : i32 to vector<16xi32>
      %select_n3A_3752 = arith.select %eq3A_3750, %broadcast_in_dim3A_3751, %select_n3A_3740 : vector<16xi1>, vector<16xi32>
      %slice3A_3753 = vector.extract_strided_slice %get3A_3611 {offsets = [12], sizes = [1], strides = [1]} : vector<16xi32> to vector<1xi32>
      %squeeze3A_3754 = vector.extract %slice3A_3753[0] : i32 from vector<1xi32>
      %slice3A_3755 = vector.extract_strided_slice %get3A_3606 {offsets = [12], sizes = [1], strides = [1]} : vector<16xi32> to vector<1xi32>
      %squeeze3A_3756 = vector.extract %slice3A_3755[0] : i32 from vector<1xi32>
      %eq3A_3757 = vector.broadcast %squeeze3A_3754 : i32 to vector<16xi32>
      %eq3A_3758 = arith.cmpi eq, %add3A_4, %eq3A_3757 : vector<16xi32>
      %broadcast_in_dim3A_3759 = vector.broadcast %squeeze3A_3756 : i32 to vector<16xi32>
      %select_n3A_3760 = arith.select %eq3A_3758, %broadcast_in_dim3A_3759, %select_n3A_3748 : vector<16xi1>, vector<16xi32>
      %eq3A_3761 = vector.broadcast %squeeze3A_3754 : i32 to vector<16xi32>
      %eq3A_3762 = arith.cmpi eq, %add3A_8, %eq3A_3761 : vector<16xi32>
      %broadcast_in_dim3A_3763 = vector.broadcast %squeeze3A_3756 : i32 to vector<16xi32>
      %select_n3A_3764 = arith.select %eq3A_3762, %broadcast_in_dim3A_3763, %select_n3A_3752 : vector<16xi1>, vector<16xi32>
      %slice3A_3765 = vector.extract_strided_slice %get3A_3611 {offsets = [13], sizes = [1], strides = [1]} : vector<16xi32> to vector<1xi32>
      %squeeze3A_3766 = vector.extract %slice3A_3765[0] : i32 from vector<1xi32>
      %slice3A_3767 = vector.extract_strided_slice %get3A_3606 {offsets = [13], sizes = [1], strides = [1]} : vector<16xi32> to vector<1xi32>
      %squeeze3A_3768 = vector.extract %slice3A_3767[0] : i32 from vector<1xi32>
      %eq3A_3769 = vector.broadcast %squeeze3A_3766 : i32 to vector<16xi32>
      %eq3A_3770 = arith.cmpi eq, %add3A_4, %eq3A_3769 : vector<16xi32>
      %broadcast_in_dim3A_3771 = vector.broadcast %squeeze3A_3768 : i32 to vector<16xi32>
      %select_n3A_3772 = arith.select %eq3A_3770, %broadcast_in_dim3A_3771, %select_n3A_3760 : vector<16xi1>, vector<16xi32>
      %eq3A_3773 = vector.broadcast %squeeze3A_3766 : i32 to vector<16xi32>
      %eq3A_3774 = arith.cmpi eq, %add3A_8, %eq3A_3773 : vector<16xi32>
      %broadcast_in_dim3A_3775 = vector.broadcast %squeeze3A_3768 : i32 to vector<16xi32>
      %select_n3A_3776 = arith.select %eq3A_3774, %broadcast_in_dim3A_3775, %select_n3A_3764 : vector<16xi1>, vector<16xi32>
      %slice3A_3777 = vector.extract_strided_slice %get3A_3611 {offsets = [14], sizes = [1], strides = [1]} : vector<16xi32> to vector<1xi32>
      %squeeze3A_3778 = vector.extract %slice3A_3777[0] : i32 from vector<1xi32>
      %slice3A_3779 = vector.extract_strided_slice %get3A_3606 {offsets = [14], sizes = [1], strides = [1]} : vector<16xi32> to vector<1xi32>
      %squeeze3A_3780 = vector.extract %slice3A_3779[0] : i32 from vector<1xi32>
      %eq3A_3781 = vector.broadcast %squeeze3A_3778 : i32 to vector<16xi32>
      %eq3A_3782 = arith.cmpi eq, %add3A_4, %eq3A_3781 : vector<16xi32>
      %broadcast_in_dim3A_3783 = vector.broadcast %squeeze3A_3780 : i32 to vector<16xi32>
      %select_n3A_3784 = arith.select %eq3A_3782, %broadcast_in_dim3A_3783, %select_n3A_3772 : vector<16xi1>, vector<16xi32>
      %eq3A_3785 = vector.broadcast %squeeze3A_3778 : i32 to vector<16xi32>
      %eq3A_3786 = arith.cmpi eq, %add3A_8, %eq3A_3785 : vector<16xi32>
      %broadcast_in_dim3A_3787 = vector.broadcast %squeeze3A_3780 : i32 to vector<16xi32>
      %select_n3A_3788 = arith.select %eq3A_3786, %broadcast_in_dim3A_3787, %select_n3A_3776 : vector<16xi1>, vector<16xi32>
      %slice3A_3789 = vector.extract_strided_slice %get3A_3611 {offsets = [15], sizes = [1], strides = [1]} : vector<16xi32> to vector<1xi32>
      %squeeze3A_3790 = vector.extract %slice3A_3789[0] : i32 from vector<1xi32>
      %slice3A_3791 = vector.extract_strided_slice %get3A_3606 {offsets = [15], sizes = [1], strides = [1]} : vector<16xi32> to vector<1xi32>
      %squeeze3A_3792 = vector.extract %slice3A_3791[0] : i32 from vector<1xi32>
      %eq3A_3793 = vector.broadcast %squeeze3A_3790 : i32 to vector<16xi32>
      %eq3A_3794 = arith.cmpi eq, %add3A_4, %eq3A_3793 : vector<16xi32>
      %broadcast_in_dim3A_3795 = vector.broadcast %squeeze3A_3792 : i32 to vector<16xi32>
      %select_n3A_3796 = arith.select %eq3A_3794, %broadcast_in_dim3A_3795, %select_n3A_3784 : vector<16xi1>, vector<16xi32>
      %eq3A_3797 = vector.broadcast %squeeze3A_3790 : i32 to vector<16xi32>
      %eq3A_3798 = arith.cmpi eq, %add3A_8, %eq3A_3797 : vector<16xi32>
      %broadcast_in_dim3A_3799 = vector.broadcast %squeeze3A_3792 : i32 to vector<16xi32>
      %select_n3A_3800 = arith.select %eq3A_3798, %broadcast_in_dim3A_3799, %select_n3A_3788 : vector<16xi1>, vector<16xi32>
      scf.yield %select_n3A_3796, %select_n3A_3800 : vector<16xi32>, vector<16xi32>
    }
    %scan3A_13 = arith.constant 16 : i32
    %scan3A_14 = arith.constant 0 : i32
    %scan3A_15 = arith.constant 16 : i32
    %scan3A_16 = arith.addi %scan3A_14, %scan3A_15 : i32
    %scan3A_17 = arith.constant 1 : i32
    %scan3A_18:2 = scf.for %scan3A_3600 = %scan3A_14 to %scan3A_16 step %scan3A_17 iter_args(%scan3A_3601 = %scan3A_12#0, %scan3A_3602 = %scan3A_12#1) -> (vector<16xi32>, vector<16xi32>)  : i32 {
      %mul3A_3603 = arith.constant 16 : i32
      %mul3A_3604 = arith.muli %scan3A_3600, %mul3A_3603 : i32
      %get3A = arith.index_cast %mul3A_3604 : i32 to index
      %get3A_3605 = tpu.vector_load %arg6[%get3A] {strides = array<i32>} : memref<256xi32, #tpu.memory_space<vmem>>, vector<16xi32>,
      %get3A_3606 = vector.shape_cast %get3A_3605 : vector<16xi32> to vector<16xi32>
      %mul3A_3607 = arith.constant 16 : i32
      %mul3A_3608 = arith.muli %scan3A_3600, %mul3A_3607 : i32
      %get3A_3609 = arith.index_cast %mul3A_3608 : i32 to index
      %get3A_3610 = tpu.vector_load %arg7[%get3A_3609] {strides = array<i32>} : memref<256xi32, #tpu.memory_space<vmem>>, vector<16xi32>,
      %get3A_3611 = vector.shape_cast %get3A_3610 : vector<16xi32> to vector<16xi32>
      %slice3A_3612 = vector.extract_strided_slice %get3A_3606 {offsets = [0], sizes = [1], strides = [1]} : vector<16xi32> to vector<1xi32>
      %squeeze3A_3613 = vector.extract %slice3A_3612[0] : i32 from vector<1xi32>
      %slice3A_3614 = vector.extract_strided_slice %get3A_3611 {offsets = [0], sizes = [1], strides = [1]} : vector<16xi32> to vector<1xi32>
      %squeeze3A_3615 = vector.extract %slice3A_3614[0] : i32 from vector<1xi32>
      %eq3A = vector.broadcast %squeeze3A_3613 : i32 to vector<16xi32>
      %eq3A_3616 = arith.cmpi eq, %add3A_4, %eq3A : vector<16xi32>
      %broadcast_in_dim3A = vector.broadcast %squeeze3A_3615 : i32 to vector<16xi32>
      %select_n3A = arith.select %eq3A_3616, %broadcast_in_dim3A, %scan3A_3601 : vector<16xi1>, vector<16xi32>
      %eq3A_3617 = vector.broadcast %squeeze3A_3613 : i32 to vector<16xi32>
      %eq3A_3618 = arith.cmpi eq, %add3A_8, %eq3A_3617 : vector<16xi32>
      %broadcast_in_dim3A_3619 = vector.broadcast %squeeze3A_3615 : i32 to vector<16xi32>
      %select_n3A_3620 = arith.select %eq3A_3618, %broadcast_in_dim3A_3619, %scan3A_3602 : vector<16xi1>, vector<16xi32>
      %slice3A_3621 = vector.extract_strided_slice %get3A_3606 {offsets = [1], sizes = [1], strides = [1]} : vector<16xi32> to vector<1xi32>
      %squeeze3A_3622 = vector.extract %slice3A_3621[0] : i32 from vector<1xi32>
      %slice3A_3623 = vector.extract_strided_slice %get3A_3611 {offsets = [1], sizes = [1], strides = [1]} : vector<16xi32> to vector<1xi32>
      %squeeze3A_3624 = vector.extract %slice3A_3623[0] : i32 from vector<1xi32>
      %eq3A_3625 = vector.broadcast %squeeze3A_3622 : i32 to vector<16xi32>
      %eq3A_3626 = arith.cmpi eq, %add3A_4, %eq3A_3625 : vector<16xi32>
      %broadcast_in_dim3A_3627 = vector.broadcast %squeeze3A_3624 : i32 to vector<16xi32>
      %select_n3A_3628 = arith.select %eq3A_3626, %broadcast_in_dim3A_3627, %select_n3A : vector<16xi1>, vector<16xi32>
      %eq3A_3629 = vector.broadcast %squeeze3A_3622 : i32 to vector<16xi32>
      %eq3A_3630 = arith.cmpi eq, %add3A_8, %eq3A_3629 : vector<16xi32>
      %broadcast_in_dim3A_3631 = vector.broadcast %squeeze3A_3624 : i32 to vector<16xi32>
      %select_n3A_3632 = arith.select %eq3A_3630, %broadcast_in_dim3A_3631, %select_n3A_3620 : vector<16xi1>, vector<16xi32>
      %slice3A_3633 = vector.extract_strided_slice %get3A_3606 {offsets = [2], sizes = [1], strides = [1]} : vector<16xi32> to vector<1xi32>
      %squeeze3A_3634 = vector.extract %slice3A_3633[0] : i32 from vector<1xi32>
      %slice3A_3635 = vector.extract_strided_slice %get3A_3611 {offsets = [2], sizes = [1], strides = [1]} : vector<16xi32> to vector<1xi32>
      %squeeze3A_3636 = vector.extract %slice3A_3635[0] : i32 from vector<1xi32>
      %eq3A_3637 = vector.broadcast %squeeze3A_3634 : i32 to vector<16xi32>
      %eq3A_3638 = arith.cmpi eq, %add3A_4, %eq3A_3637 : vector<16xi32>
      %broadcast_in_dim3A_3639 = vector.broadcast %squeeze3A_3636 : i32 to vector<16xi32>
      %select_n3A_3640 = arith.select %eq3A_3638, %broadcast_in_dim3A_3639, %select_n3A_3628 : vector<16xi1>, vector<16xi32>
      %eq3A_3641 = vector.broadcast %squeeze3A_3634 : i32 to vector<16xi32>
      %eq3A_3642 = arith.cmpi eq, %add3A_8, %eq3A_3641 : vector<16xi32>
      %broadcast_in_dim3A_3643 = vector.broadcast %squeeze3A_3636 : i32 to vector<16xi32>
      %select_n3A_3644 = arith.select %eq3A_3642, %broadcast_in_dim3A_3643, %select_n3A_3632 : vector<16xi1>, vector<16xi32>
      %slice3A_3645 = vector.extract_strided_slice %get3A_3606 {offsets = [3], sizes = [1], strides = [1]} : vector<16xi32> to vector<1xi32>
      %squeeze3A_3646 = vector.extract %slice3A_3645[0] : i32 from vector<1xi32>
      %slice3A_3647 = vector.extract_strided_slice %get3A_3611 {offsets = [3], sizes = [1], strides = [1]} : vector<16xi32> to vector<1xi32>
      %squeeze3A_3648 = vector.extract %slice3A_3647[0] : i32 from vector<1xi32>
      %eq3A_3649 = vector.broadcast %squeeze3A_3646 : i32 to vector<16xi32>
      %eq3A_3650 = arith.cmpi eq, %add3A_4, %eq3A_3649 : vector<16xi32>
      %broadcast_in_dim3A_3651 = vector.broadcast %squeeze3A_3648 : i32 to vector<16xi32>
      %select_n3A_3652 = arith.select %eq3A_3650, %broadcast_in_dim3A_3651, %select_n3A_3640 : vector<16xi1>, vector<16xi32>
      %eq3A_3653 = vector.broadcast %squeeze3A_3646 : i32 to vector<16xi32>
      %eq3A_3654 = arith.cmpi eq, %add3A_8, %eq3A_3653 : vector<16xi32>
      %broadcast_in_dim3A_3655 = vector.broadcast %squeeze3A_3648 : i32 to vector<16xi32>
      %select_n3A_3656 = arith.select %eq3A_3654, %broadcast_in_dim3A_3655, %select_n3A_3644 : vector<16xi1>, vector<16xi32>
      %slice3A_3657 = vector.extract_strided_slice %get3A_3606 {offsets = [4], sizes = [1], strides = [1]} : vector<16xi32> to vector<1xi32>
      %squeeze3A_3658 = vector.extract %slice3A_3657[0] : i32 from vector<1xi32>
      %slice3A_3659 = vector.extract_strided_slice %get3A_3611 {offsets = [4], sizes = [1], strides = [1]} : vector<16xi32> to vector<1xi32>
      %squeeze3A_3660 = vector.extract %slice3A_3659[0] : i32 from vector<1xi32>
      %eq3A_3661 = vector.broadcast %squeeze3A_3658 : i32 to vector<16xi32>
      %eq3A_3662 = arith.cmpi eq, %add3A_4, %eq3A_3661 : vector<16xi32>
      %broadcast_in_dim3A_3663 = vector.broadcast %squeeze3A_3660 : i32 to vector<16xi32>
      %select_n3A_3664 = arith.select %eq3A_3662, %broadcast_in_dim3A_3663, %select_n3A_3652 : vector<16xi1>, vector<16xi32>
      %eq3A_3665 = vector.broadcast %squeeze3A_3658 : i32 to vector<16xi32>
      %eq3A_3666 = arith.cmpi eq, %add3A_8, %eq3A_3665 : vector<16xi32>
      %broadcast_in_dim3A_3667 = vector.broadcast %squeeze3A_3660 : i32 to vector<16xi32>
      %select_n3A_3668 = arith.select %eq3A_3666, %broadcast_in_dim3A_3667, %select_n3A_3656 : vector<16xi1>, vector<16xi32>
      %slice3A_3669 = vector.extract_strided_slice %get3A_3606 {offsets = [5], sizes = [1], strides = [1]} : vector<16xi32> to vector<1xi32>
      %squeeze3A_3670 = vector.extract %slice3A_3669[0] : i32 from vector<1xi32>
      %slice3A_3671 = vector.extract_strided_slice %get3A_3611 {offsets = [5], sizes = [1], strides = [1]} : vector<16xi32> to vector<1xi32>
      %squeeze3A_3672 = vector.extract %slice3A_3671[0] : i32 from vector<1xi32>
      %eq3A_3673 = vector.broadcast %squeeze3A_3670 : i32 to vector<16xi32>
      %eq3A_3674 = arith.cmpi eq, %add3A_4, %eq3A_3673 : vector<16xi32>
      %broadcast_in_dim3A_3675 = vector.broadcast %squeeze3A_3672 : i32 to vector<16xi32>
      %select_n3A_3676 = arith.select %eq3A_3674, %broadcast_in_dim3A_3675, %select_n3A_3664 : vector<16xi1>, vector<16xi32>
      %eq3A_3677 = vector.broadcast %squeeze3A_3670 : i32 to vector<16xi32>
      %eq3A_3678 = arith.cmpi eq, %add3A_8, %eq3A_3677 : vector<16xi32>
      %broadcast_in_dim3A_3679 = vector.broadcast %squeeze3A_3672 : i32 to vector<16xi32>
      %select_n3A_3680 = arith.select %eq3A_3678, %broadcast_in_dim3A_3679, %select_n3A_3668 : vector<16xi1>, vector<16xi32>
      %slice3A_3681 = vector.extract_strided_slice %get3A_3606 {offsets = [6], sizes = [1], strides = [1]} : vector<16xi32> to vector<1xi32>
      %squeeze3A_3682 = vector.extract %slice3A_3681[0] : i32 from vector<1xi32>
      %slice3A_3683 = vector.extract_strided_slice %get3A_3611 {offsets = [6], sizes = [1], strides = [1]} : vector<16xi32> to vector<1xi32>
      %squeeze3A_3684 = vector.extract %slice3A_3683[0] : i32 from vector<1xi32>
      %eq3A_3685 = vector.broadcast %squeeze3A_3682 : i32 to vector<16xi32>
      %eq3A_3686 = arith.cmpi eq, %add3A_4, %eq3A_3685 : vector<16xi32>
      %broadcast_in_dim3A_3687 = vector.broadcast %squeeze3A_3684 : i32 to vector<16xi32>
      %select_n3A_3688 = arith.select %eq3A_3686, %broadcast_in_dim3A_3687, %select_n3A_3676 : vector<16xi1>, vector<16xi32>
      %eq3A_3689 = vector.broadcast %squeeze3A_3682 : i32 to vector<16xi32>
      %eq3A_3690 = arith.cmpi eq, %add3A_8, %eq3A_3689 : vector<16xi32>
      %broadcast_in_dim3A_3691 = vector.broadcast %squeeze3A_3684 : i32 to vector<16xi32>
      %select_n3A_3692 = arith.select %eq3A_3690, %broadcast_in_dim3A_3691, %select_n3A_3680 : vector<16xi1>, vector<16xi32>
      %slice3A_3693 = vector.extract_strided_slice %get3A_3606 {offsets = [7], sizes = [1], strides = [1]} : vector<16xi32> to vector<1xi32>
      %squeeze3A_3694 = vector.extract %slice3A_3693[0] : i32 from vector<1xi32>
      %slice3A_3695 = vector.extract_strided_slice %get3A_3611 {offsets = [7], sizes = [1], strides = [1]} : vector<16xi32> to vector<1xi32>
      %squeeze3A_3696 = vector.extract %slice3A_3695[0] : i32 from vector<1xi32>
      %eq3A_3697 = vector.broadcast %squeeze3A_3694 : i32 to vector<16xi32>
      %eq3A_3698 = arith.cmpi eq, %add3A_4, %eq3A_3697 : vector<16xi32>
      %broadcast_in_dim3A_3699 = vector.broadcast %squeeze3A_3696 : i32 to vector<16xi32>
      %select_n3A_3700 = arith.select %eq3A_3698, %broadcast_in_dim3A_3699, %select_n3A_3688 : vector<16xi1>, vector<16xi32>
      %eq3A_3701 = vector.broadcast %squeeze3A_3694 : i32 to vector<16xi32>
      %eq3A_3702 = arith.cmpi eq, %add3A_8, %eq3A_3701 : vector<16xi32>
      %broadcast_in_dim3A_3703 = vector.broadcast %squeeze3A_3696 : i32 to vector<16xi32>
      %select_n3A_3704 = arith.select %eq3A_3702, %broadcast_in_dim3A_3703, %select_n3A_3692 : vector<16xi1>, vector<16xi32>
      %slice3A_3705 = vector.extract_strided_slice %get3A_3606 {offsets = [8], sizes = [1], strides = [1]} : vector<16xi32> to vector<1xi32>
      %squeeze3A_3706 = vector.extract %slice3A_3705[0] : i32 from vector<1xi32>
      %slice3A_3707 = vector.extract_strided_slice %get3A_3611 {offsets = [8], sizes = [1], strides = [1]} : vector<16xi32> to vector<1xi32>
      %squeeze3A_3708 = vector.extract %slice3A_3707[0] : i32 from vector<1xi32>
      %eq3A_3709 = vector.broadcast %squeeze3A_3706 : i32 to vector<16xi32>
      %eq3A_3710 = arith.cmpi eq, %add3A_4, %eq3A_3709 : vector<16xi32>
      %broadcast_in_dim3A_3711 = vector.broadcast %squeeze3A_3708 : i32 to vector<16xi32>
      %select_n3A_3712 = arith.select %eq3A_3710, %broadcast_in_dim3A_3711, %select_n3A_3700 : vector<16xi1>, vector<16xi32>
      %eq3A_3713 = vector.broadcast %squeeze3A_3706 : i32 to vector<16xi32>
      %eq3A_3714 = arith.cmpi eq, %add3A_8, %eq3A_3713 : vector<16xi32>
      %broadcast_in_dim3A_3715 = vector.broadcast %squeeze3A_3708 : i32 to vector<16xi32>
      %select_n3A_3716 = arith.select %eq3A_3714, %broadcast_in_dim3A_3715, %select_n3A_3704 : vector<16xi1>, vector<16xi32>
      %slice3A_3717 = vector.extract_strided_slice %get3A_3606 {offsets = [9], sizes = [1], strides = [1]} : vector<16xi32> to vector<1xi32>
      %squeeze3A_3718 = vector.extract %slice3A_3717[0] : i32 from vector<1xi32>
      %slice3A_3719 = vector.extract_strided_slice %get3A_3611 {offsets = [9], sizes = [1], strides = [1]} : vector<16xi32> to vector<1xi32>
      %squeeze3A_3720 = vector.extract %slice3A_3719[0] : i32 from vector<1xi32>
      %eq3A_3721 = vector.broadcast %squeeze3A_3718 : i32 to vector<16xi32>
      %eq3A_3722 = arith.cmpi eq, %add3A_4, %eq3A_3721 : vector<16xi32>
      %broadcast_in_dim3A_3723 = vector.broadcast %squeeze3A_3720 : i32 to vector<16xi32>
      %select_n3A_3724 = arith.select %eq3A_3722, %broadcast_in_dim3A_3723, %select_n3A_3712 : vector<16xi1>, vector<16xi32>
      %eq3A_3725 = vector.broadcast %squeeze3A_3718 : i32 to vector<16xi32>
      %eq3A_3726 = arith.cmpi eq, %add3A_8, %eq3A_3725 : vector<16xi32>
      %broadcast_in_dim3A_3727 = vector.broadcast %squeeze3A_3720 : i32 to vector<16xi32>
      %select_n3A_3728 = arith.select %eq3A_3726, %broadcast_in_dim3A_3727, %select_n3A_3716 : vector<16xi1>, vector<16xi32>
      %slice3A_3729 = vector.extract_strided_slice %get3A_3606 {offsets = [10], sizes = [1], strides = [1]} : vector<16xi32> to vector<1xi32>
      %squeeze3A_3730 = vector.extract %slice3A_3729[0] : i32 from vector<1xi32>
      %slice3A_3731 = vector.extract_strided_slice %get3A_3611 {offsets = [10], sizes = [1], strides = [1]} : vector<16xi32> to vector<1xi32>
      %squeeze3A_3732 = vector.extract %slice3A_3731[0] : i32 from vector<1xi32>
      %eq3A_3733 = vector.broadcast %squeeze3A_3730 : i32 to vector<16xi32>
      %eq3A_3734 = arith.cmpi eq, %add3A_4, %eq3A_3733 : vector<16xi32>
      %broadcast_in_dim3A_3735 = vector.broadcast %squeeze3A_3732 : i32 to vector<16xi32>
      %select_n3A_3736 = arith.select %eq3A_3734, %broadcast_in_dim3A_3735, %select_n3A_3724 : vector<16xi1>, vector<16xi32>
      %eq3A_3737 = vector.broadcast %squeeze3A_3730 : i32 to vector<16xi32>
      %eq3A_3738 = arith.cmpi eq, %add3A_8, %eq3A_3737 : vector<16xi32>
      %broadcast_in_dim3A_3739 = vector.broadcast %squeeze3A_3732 : i32 to vector<16xi32>
      %select_n3A_3740 = arith.select %eq3A_3738, %broadcast_in_dim3A_3739, %select_n3A_3728 : vector<16xi1>, vector<16xi32>
      %slice3A_3741 = vector.extract_strided_slice %get3A_3606 {offsets = [11], sizes = [1], strides = [1]} : vector<16xi32> to vector<1xi32>
      %squeeze3A_3742 = vector.extract %slice3A_3741[0] : i32 from vector<1xi32>
      %slice3A_3743 = vector.extract_strided_slice %get3A_3611 {offsets = [11], sizes = [1], strides = [1]} : vector<16xi32> to vector<1xi32>
      %squeeze3A_3744 = vector.extract %slice3A_3743[0] : i32 from vector<1xi32>
      %eq3A_3745 = vector.broadcast %squeeze3A_3742 : i32 to vector<16xi32>
      %eq3A_3746 = arith.cmpi eq, %add3A_4, %eq3A_3745 : vector<16xi32>
      %broadcast_in_dim3A_3747 = vector.broadcast %squeeze3A_3744 : i32 to vector<16xi32>
      %select_n3A_3748 = arith.select %eq3A_3746, %broadcast_in_dim3A_3747, %select_n3A_3736 : vector<16xi1>, vector<16xi32>
      %eq3A_3749 = vector.broadcast %squeeze3A_3742 : i32 to vector<16xi32>
      %eq3A_3750 = arith.cmpi eq, %add3A_8, %eq3A_3749 : vector<16xi32>
      %broadcast_in_dim3A_3751 = vector.broadcast %squeeze3A_3744 : i32 to vector<16xi32>
      %select_n3A_3752 = arith.select %eq3A_3750, %broadcast_in_dim3A_3751, %select_n3A_3740 : vector<16xi1>, vector<16xi32>
      %slice3A_3753 = vector.extract_strided_slice %get3A_3606 {offsets = [12], sizes = [1], strides = [1]} : vector<16xi32> to vector<1xi32>
      %squeeze3A_3754 = vector.extract %slice3A_3753[0] : i32 from vector<1xi32>
      %slice3A_3755 = vector.extract_strided_slice %get3A_3611 {offsets = [12], sizes = [1], strides = [1]} : vector<16xi32> to vector<1xi32>
      %squeeze3A_3756 = vector.extract %slice3A_3755[0] : i32 from vector<1xi32>
      %eq3A_3757 = vector.broadcast %squeeze3A_3754 : i32 to vector<16xi32>
      %eq3A_3758 = arith.cmpi eq, %add3A_4, %eq3A_3757 : vector<16xi32>
      %broadcast_in_dim3A_3759 = vector.broadcast %squeeze3A_3756 : i32 to vector<16xi32>
      %select_n3A_3760 = arith.select %eq3A_3758, %broadcast_in_dim3A_3759, %select_n3A_3748 : vector<16xi1>, vector<16xi32>
      %eq3A_3761 = vector.broadcast %squeeze3A_3754 : i32 to vector<16xi32>
      %eq3A_3762 = arith.cmpi eq, %add3A_8, %eq3A_3761 : vector<16xi32>
      %broadcast_in_dim3A_3763 = vector.broadcast %squeeze3A_3756 : i32 to vector<16xi32>
      %select_n3A_3764 = arith.select %eq3A_3762, %broadcast_in_dim3A_3763, %select_n3A_3752 : vector<16xi1>, vector<16xi32>
      %slice3A_3765 = vector.extract_strided_slice %get3A_3606 {offsets = [13], sizes = [1], strides = [1]} : vector<16xi32> to vector<1xi32>
      %squeeze3A_3766 = vector.extract %slice3A_3765[0] : i32 from vector<1xi32>
      %slice3A_3767 = vector.extract_strided_slice %get3A_3611 {offsets = [13], sizes = [1], strides = [1]} : vector<16xi32> to vector<1xi32>
      %squeeze3A_3768 = vector.extract %slice3A_3767[0] : i32 from vector<1xi32>
      %eq3A_3769 = vector.broadcast %squeeze3A_3766 : i32 to vector<16xi32>
      %eq3A_3770 = arith.cmpi eq, %add3A_4, %eq3A_3769 : vector<16xi32>
      %broadcast_in_dim3A_3771 = vector.broadcast %squeeze3A_3768 : i32 to vector<16xi32>
      %select_n3A_3772 = arith.select %eq3A_3770, %broadcast_in_dim3A_3771, %select_n3A_3760 : vector<16xi1>, vector<16xi32>
      %eq3A_3773 = vector.broadcast %squeeze3A_3766 : i32 to vector<16xi32>
      %eq3A_3774 = arith.cmpi eq, %add3A_8, %eq3A_3773 : vector<16xi32>
      %broadcast_in_dim3A_3775 = vector.broadcast %squeeze3A_3768 : i32 to vector<16xi32>
      %select_n3A_3776 = arith.select %eq3A_3774, %broadcast_in_dim3A_3775, %select_n3A_3764 : vector<16xi1>, vector<16xi32>
      %slice3A_3777 = vector.extract_strided_slice %get3A_3606 {offsets = [14], sizes = [1], strides = [1]} : vector<16xi32> to vector<1xi32>
      %squeeze3A_3778 = vector.extract %slice3A_3777[0] : i32 from vector<1xi32>
      %slice3A_3779 = vector.extract_strided_slice %get3A_3611 {offsets = [14], sizes = [1], strides = [1]} : vector<16xi32> to vector<1xi32>
      %squeeze3A_3780 = vector.extract %slice3A_3779[0] : i32 from vector<1xi32>
      %eq3A_3781 = vector.broadcast %squeeze3A_3778 : i32 to vector<16xi32>
      %eq3A_3782 = arith.cmpi eq, %add3A_4, %eq3A_3781 : vector<16xi32>
      %broadcast_in_dim3A_3783 = vector.broadcast %squeeze3A_3780 : i32 to vector<16xi32>
      %select_n3A_3784 = arith.select %eq3A_3782, %broadcast_in_dim3A_3783, %select_n3A_3772 : vector<16xi1>, vector<16xi32>
      %eq3A_3785 = vector.broadcast %squeeze3A_3778 : i32 to vector<16xi32>
      %eq3A_3786 = arith.cmpi eq, %add3A_8, %eq3A_3785 : vector<16xi32>
      %broadcast_in_dim3A_3787 = vector.broadcast %squeeze3A_3780 : i32 to vector<16xi32>
      %select_n3A_3788 = arith.select %eq3A_3786, %broadcast_in_dim3A_3787, %select_n3A_3776 : vector<16xi1>, vector<16xi32>
      %slice3A_3789 = vector.extract_strided_slice %get3A_3606 {offsets = [15], sizes = [1], strides = [1]} : vector<16xi32> to vector<1xi32>
      %squeeze3A_3790 = vector.extract %slice3A_3789[0] : i32 from vector<1xi32>
      %slice3A_3791 = vector.extract_strided_slice %get3A_3611 {offsets = [15], sizes = [1], strides = [1]} : vector<16xi32> to vector<1xi32>
      %squeeze3A_3792 = vector.extract %slice3A_3791[0] : i32 from vector<1xi32>
      %eq3A_3793 = vector.broadcast %squeeze3A_3790 : i32 to vector<16xi32>
      %eq3A_3794 = arith.cmpi eq, %add3A_4, %eq3A_3793 : vector<16xi32>
      %broadcast_in_dim3A_3795 = vector.broadcast %squeeze3A_3792 : i32 to vector<16xi32>
      %select_n3A_3796 = arith.select %eq3A_3794, %broadcast_in_dim3A_3795, %select_n3A_3784 : vector<16xi1>, vector<16xi32>
      %eq3A_3797 = vector.broadcast %squeeze3A_3790 : i32 to vector<16xi32>
      %eq3A_3798 = arith.cmpi eq, %add3A_8, %eq3A_3797 : vector<16xi32>
      %broadcast_in_dim3A_3799 = vector.broadcast %squeeze3A_3792 : i32 to vector<16xi32>
      %select_n3A_3800 = arith.select %eq3A_3798, %broadcast_in_dim3A_3799, %select_n3A_3788 : vector<16xi1>, vector<16xi32>
      scf.yield %select_n3A_3796, %select_n3A_3800 : vector<16xi32>, vector<16xi32>
    }
    %scan3A_19 = arith.constant 16 : i32
    %slice3A = vector.extract_strided_slice %scan3A_18#0 {offsets = [0], sizes = [1], strides = [1]} : vector<16xi32> to vector<1xi32>
    %squeeze3A = vector.extract %slice3A[0] : i32 from vector<1xi32>
    %mul3A_20 = arith.constant 64 : i32
    %mul3A_21 = arith.muli %squeeze3A, %mul3A_20 : i32
    %add3A_22 = arith.constant 0 : i32
    %add3A_23 = arith.addi %mul3A_2, %add3A_22 : i32
    %mul3A_24 = arith.constant 64 : i32
    %mul3A_25 = arith.muli %add3A_23, %mul3A_24 : i32
    %slice3A_26 = vector.extract_strided_slice %scan3A_18#0 {offsets = [2], sizes = [1], strides = [1]} : vector<16xi32> to vector<1xi32>
    %squeeze3A_27 = vector.extract %slice3A_26[0] : i32 from vector<1xi32>
    %mul3A_28 = arith.constant 64 : i32
    %mul3A_29 = arith.muli %squeeze3A_27, %mul3A_28 : i32
    %add3A_30 = arith.constant 2 : i32
    %add3A_31 = arith.addi %mul3A_2, %add3A_30 : i32
    %mul3A_32 = arith.constant 64 : i32
    %mul3A_33 = arith.muli %add3A_31, %mul3A_32 : i32
    %slice3A_34 = vector.extract_strided_slice %scan3A_18#0 {offsets = [4], sizes = [1], strides = [1]} : vector<16xi32> to vector<1xi32>
    %squeeze3A_35 = vector.extract %slice3A_34[0] : i32 from vector<1xi32>
    %mul3A_36 = arith.constant 64 : i32
    %mul3A_37 = arith.muli %squeeze3A_35, %mul3A_36 : i32
    %add3A_38 = arith.constant 4 : i32
    %add3A_39 = arith.addi %mul3A_2, %add3A_38 : i32
    %mul3A_40 = arith.constant 64 : i32
    %mul3A_41 = arith.muli %add3A_39, %mul3A_40 : i32
    %slice3A_42 = vector.extract_strided_slice %scan3A_18#0 {offsets = [6], sizes = [1], strides = [1]} : vector<16xi32> to vector<1xi32>
    %squeeze3A_43 = vector.extract %slice3A_42[0] : i32 from vector<1xi32>
    %mul3A_44 = arith.constant 64 : i32
    %mul3A_45 = arith.muli %squeeze3A_43, %mul3A_44 : i32
    %add3A_46 = arith.constant 6 : i32
    %add3A_47 = arith.addi %mul3A_2, %add3A_46 : i32
    %mul3A_48 = arith.constant 64 : i32
    %mul3A_49 = arith.muli %add3A_47, %mul3A_48 : i32
    %slice3A_50 = vector.extract_strided_slice %scan3A_18#0 {offsets = [8], sizes = [1], strides = [1]} : vector<16xi32> to vector<1xi32>
    %squeeze3A_51 = vector.extract %slice3A_50[0] : i32 from vector<1xi32>
    %mul3A_52 = arith.constant 64 : i32
    %mul3A_53 = arith.muli %squeeze3A_51, %mul3A_52 : i32
    %add3A_54 = arith.constant 8 : i32
    %add3A_55 = arith.addi %mul3A_2, %add3A_54 : i32
    %mul3A_56 = arith.constant 64 : i32
    %mul3A_57 = arith.muli %add3A_55, %mul3A_56 : i32
    %slice3A_58 = vector.extract_strided_slice %scan3A_18#0 {offsets = [10], sizes = [1], strides = [1]} : vector<16xi32> to vector<1xi32>
    %squeeze3A_59 = vector.extract %slice3A_58[0] : i32 from vector<1xi32>
    %mul3A_60 = arith.constant 64 : i32
    %mul3A_61 = arith.muli %squeeze3A_59, %mul3A_60 : i32
    %add3A_62 = arith.constant 10 : i32
    %add3A_63 = arith.addi %mul3A_2, %add3A_62 : i32
    %mul3A_64 = arith.constant 64 : i32
    %mul3A_65 = arith.muli %add3A_63, %mul3A_64 : i32
    %slice3A_66 = vector.extract_strided_slice %scan3A_18#0 {offsets = [12], sizes = [1], strides = [1]} : vector<16xi32> to vector<1xi32>
    %squeeze3A_67 = vector.extract %slice3A_66[0] : i32 from vector<1xi32>
    %mul3A_68 = arith.constant 64 : i32
    %mul3A_69 = arith.muli %squeeze3A_67, %mul3A_68 : i32
    %add3A_70 = arith.constant 12 : i32
    %add3A_71 = arith.addi %mul3A_2, %add3A_70 : i32
    %mul3A_72 = arith.constant 64 : i32
    %mul3A_73 = arith.muli %add3A_71, %mul3A_72 : i32
    %slice3A_74 = vector.extract_strided_slice %scan3A_18#0 {offsets = [14], sizes = [1], strides = [1]} : vector<16xi32> to vector<1xi32>
    %squeeze3A_75 = vector.extract %slice3A_74[0] : i32 from vector<1xi32>
    %mul3A_76 = arith.constant 64 : i32
    %mul3A_77 = arith.muli %squeeze3A_75, %mul3A_76 : i32
    %add3A_78 = arith.constant 14 : i32
    %add3A_79 = arith.addi %mul3A_2, %add3A_78 : i32
    %mul3A_80 = arith.constant 64 : i32
    %mul3A_81 = arith.muli %add3A_79, %mul3A_80 : i32
    %slice3A_82 = vector.extract_strided_slice %scan3A_18#1 {offsets = [0], sizes = [1], strides = [1]} : vector<16xi32> to vector<1xi32>
    %squeeze3A_83 = vector.extract %slice3A_82[0] : i32 from vector<1xi32>
    %mul3A_84 = arith.constant 64 : i32
    %mul3A_85 = arith.muli %squeeze3A_83, %mul3A_84 : i32
    %add3A_86 = arith.constant 16 : i32
    %add3A_87 = arith.addi %mul3A_2, %add3A_86 : i32
    %mul3A_88 = arith.constant 64 : i32
    %mul3A_89 = arith.muli %add3A_87, %mul3A_88 : i32
    %slice3A_90 = vector.extract_strided_slice %scan3A_18#1 {offsets = [2], sizes = [1], strides = [1]} : vector<16xi32> to vector<1xi32>
    %squeeze3A_91 = vector.extract %slice3A_90[0] : i32 from vector<1xi32>
    %mul3A_92 = arith.constant 64 : i32
    %mul3A_93 = arith.muli %squeeze3A_91, %mul3A_92 : i32
    %add3A_94 = arith.constant 18 : i32
    %add3A_95 = arith.addi %mul3A_2, %add3A_94 : i32
    %mul3A_96 = arith.constant 64 : i32
    %mul3A_97 = arith.muli %add3A_95, %mul3A_96 : i32
    %slice3A_98 = vector.extract_strided_slice %scan3A_18#1 {offsets = [4], sizes = [1], strides = [1]} : vector<16xi32> to vector<1xi32>
    %squeeze3A_99 = vector.extract %slice3A_98[0] : i32 from vector<1xi32>
    %mul3A_100 = arith.constant 64 : i32
    %mul3A_101 = arith.muli %squeeze3A_99, %mul3A_100 : i32
    %add3A_102 = arith.constant 20 : i32
    %add3A_103 = arith.addi %mul3A_2, %add3A_102 : i32
    %mul3A_104 = arith.constant 64 : i32
    %mul3A_105 = arith.muli %add3A_103, %mul3A_104 : i32
    %slice3A_106 = vector.extract_strided_slice %scan3A_18#1 {offsets = [6], sizes = [1], strides = [1]} : vector<16xi32> to vector<1xi32>
    %squeeze3A_107 = vector.extract %slice3A_106[0] : i32 from vector<1xi32>
    %mul3A_108 = arith.constant 64 : i32
    %mul3A_109 = arith.muli %squeeze3A_107, %mul3A_108 : i32
    %add3A_110 = arith.constant 22 : i32
    %add3A_111 = arith.addi %mul3A_2, %add3A_110 : i32
    %mul3A_112 = arith.constant 64 : i32
    %mul3A_113 = arith.muli %add3A_111, %mul3A_112 : i32
    %slice3A_114 = vector.extract_strided_slice %scan3A_18#1 {offsets = [8], sizes = [1], strides = [1]} : vector<16xi32> to vector<1xi32>
    %squeeze3A_115 = vector.extract %slice3A_114[0] : i32 from vector<1xi32>
    %mul3A_116 = arith.constant 64 : i32
    %mul3A_117 = arith.muli %squeeze3A_115, %mul3A_116 : i32
    %add3A_118 = arith.constant 24 : i32
    %add3A_119 = arith.addi %mul3A_2, %add3A_118 : i32
    %mul3A_120 = arith.constant 64 : i32
    %mul3A_121 = arith.muli %add3A_119, %mul3A_120 : i32
    %slice3A_122 = vector.extract_strided_slice %scan3A_18#1 {offsets = [10], sizes = [1], strides = [1]} : vector<16xi32> to vector<1xi32>
    %squeeze3A_123 = vector.extract %slice3A_122[0] : i32 from vector<1xi32>
    %mul3A_124 = arith.constant 64 : i32
    %mul3A_125 = arith.muli %squeeze3A_123, %mul3A_124 : i32
    %add3A_126 = arith.constant 26 : i32
    %add3A_127 = arith.addi %mul3A_2, %add3A_126 : i32
    %mul3A_128 = arith.constant 64 : i32
    %mul3A_129 = arith.muli %add3A_127, %mul3A_128 : i32
    %slice3A_130 = vector.extract_strided_slice %scan3A_18#1 {offsets = [12], sizes = [1], strides = [1]} : vector<16xi32> to vector<1xi32>
    %squeeze3A_131 = vector.extract %slice3A_130[0] : i32 from vector<1xi32>
    %mul3A_132 = arith.constant 64 : i32
    %mul3A_133 = arith.muli %squeeze3A_131, %mul3A_132 : i32
    %add3A_134 = arith.constant 28 : i32
    %add3A_135 = arith.addi %mul3A_2, %add3A_134 : i32
    %mul3A_136 = arith.constant 64 : i32
    %mul3A_137 = arith.muli %add3A_135, %mul3A_136 : i32
    %slice3A_138 = vector.extract_strided_slice %scan3A_18#1 {offsets = [14], sizes = [1], strides = [1]} : vector<16xi32> to vector<1xi32>
    %squeeze3A_139 = vector.extract %slice3A_138[0] : i32 from vector<1xi32>
    %mul3A_140 = arith.constant 64 : i32
    %mul3A_141 = arith.muli %squeeze3A_139, %mul3A_140 : i32
    %add3A_142 = arith.constant 30 : i32
    %add3A_143 = arith.addi %mul3A_2, %add3A_142 : i32
    %mul3A_144 = arith.constant 64 : i32
    %mul3A_145 = arith.muli %add3A_143, %mul3A_144 : i32
    %slice3A_146 = vector.extract_strided_slice %scan3A_18#0 {offsets = [1], sizes = [1], strides = [1]} : vector<16xi32> to vector<1xi32>
    %squeeze3A_147 = vector.extract %slice3A_146[0] : i32 from vector<1xi32>
    %mul3A_148 = arith.constant 64 : i32
    %mul3A_149 = arith.muli %squeeze3A_147, %mul3A_148 : i32
    %add3A_150 = arith.constant 0 : i32
    %add3A_151 = arith.addi %mul3A_149, %add3A_150 : i32
    %add3A_152 = arith.constant 1 : i32
    %add3A_153 = arith.addi %mul3A_2, %add3A_152 : i32
    %mul3A_154 = arith.constant 64 : i32
    %mul3A_155 = arith.muli %add3A_153, %mul3A_154 : i32
    %add3A_156 = arith.constant 0 : i32
    %add3A_157 = arith.addi %mul3A_155, %add3A_156 : i32
    %slice3A_158 = vector.extract_strided_slice %scan3A_18#0 {offsets = [1], sizes = [1], strides = [1]} : vector<16xi32> to vector<1xi32>
    %squeeze3A_159 = vector.extract %slice3A_158[0] : i32 from vector<1xi32>
    %mul3A_160 = arith.constant 64 : i32
    %mul3A_161 = arith.muli %squeeze3A_159, %mul3A_160 : i32
    %add3A_162 = arith.constant 32 : i32
    %add3A_163 = arith.addi %mul3A_161, %add3A_162 : i32
    %add3A_164 = arith.constant 1 : i32
    %add3A_165 = arith.addi %mul3A_2, %add3A_164 : i32
    %mul3A_166 = arith.constant 64 : i32
    %mul3A_167 = arith.muli %add3A_165, %mul3A_166 : i32
    %add3A_168 = arith.constant 32 : i32
    %add3A_169 = arith.addi %mul3A_167, %add3A_168 : i32
    %slice3A_170 = vector.extract_strided_slice %scan3A_18#0 {offsets = [3], sizes = [1], strides = [1]} : vector<16xi32> to vector<1xi32>
    %squeeze3A_171 = vector.extract %slice3A_170[0] : i32 from vector<1xi32>
    %mul3A_172 = arith.constant 64 : i32
    %mul3A_173 = arith.muli %squeeze3A_171, %mul3A_172 : i32
    %add3A_174 = arith.constant 0 : i32
    %add3A_175 = arith.addi %mul3A_173, %add3A_174 : i32
    %add3A_176 = arith.constant 3 : i32
    %add3A_177 = arith.addi %mul3A_2, %add3A_176 : i32
    %mul3A_178 = arith.constant 64 : i32
    %mul3A_179 = arith.muli %add3A_177, %mul3A_178 : i32
    %add3A_180 = arith.constant 0 : i32
    %add3A_181 = arith.addi %mul3A_179, %add3A_180 : i32
    %slice3A_182 = vector.extract_strided_slice %scan3A_18#0 {offsets = [3], sizes = [1], strides = [1]} : vector<16xi32> to vector<1xi32>
    %squeeze3A_183 = vector.extract %slice3A_182[0] : i32 from vector<1xi32>
    %mul3A_184 = arith.constant 64 : i32
    %mul3A_185 = arith.muli %squeeze3A_183, %mul3A_184 : i32
    %add3A_186 = arith.constant 32 : i32
    %add3A_187 = arith.addi %mul3A_185, %add3A_186 : i32
    %add3A_188 = arith.constant 3 : i32
    %add3A_189 = arith.addi %mul3A_2, %add3A_188 : i32
    %mul3A_190 = arith.constant 64 : i32
    %mul3A_191 = arith.muli %add3A_189, %mul3A_190 : i32
    %add3A_192 = arith.constant 32 : i32
    %add3A_193 = arith.addi %mul3A_191, %add3A_192 : i32
    %slice3A_194 = vector.extract_strided_slice %scan3A_18#0 {offsets = [5], sizes = [1], strides = [1]} : vector<16xi32> to vector<1xi32>
    %squeeze3A_195 = vector.extract %slice3A_194[0] : i32 from vector<1xi32>
    %mul3A_196 = arith.constant 64 : i32
    %mul3A_197 = arith.muli %squeeze3A_195, %mul3A_196 : i32
    %add3A_198 = arith.constant 0 : i32
    %add3A_199 = arith.addi %mul3A_197, %add3A_198 : i32
    %add3A_200 = arith.constant 5 : i32
    %add3A_201 = arith.addi %mul3A_2, %add3A_200 : i32
    %mul3A_202 = arith.constant 64 : i32
    %mul3A_203 = arith.muli %add3A_201, %mul3A_202 : i32
    %add3A_204 = arith.constant 0 : i32
    %add3A_205 = arith.addi %mul3A_203, %add3A_204 : i32
    %slice3A_206 = vector.extract_strided_slice %scan3A_18#0 {offsets = [5], sizes = [1], strides = [1]} : vector<16xi32> to vector<1xi32>
    %squeeze3A_207 = vector.extract %slice3A_206[0] : i32 from vector<1xi32>
    %mul3A_208 = arith.constant 64 : i32
    %mul3A_209 = arith.muli %squeeze3A_207, %mul3A_208 : i32
    %add3A_210 = arith.constant 32 : i32
    %add3A_211 = arith.addi %mul3A_209, %add3A_210 : i32
    %add3A_212 = arith.constant 5 : i32
    %add3A_213 = arith.addi %mul3A_2, %add3A_212 : i32
    %mul3A_214 = arith.constant 64 : i32
    %mul3A_215 = arith.muli %add3A_213, %mul3A_214 : i32
    %add3A_216 = arith.constant 32 : i32
    %add3A_217 = arith.addi %mul3A_215, %add3A_216 : i32
    %slice3A_218 = vector.extract_strided_slice %scan3A_18#0 {offsets = [7], sizes = [1], strides = [1]} : vector<16xi32> to vector<1xi32>
    %squeeze3A_219 = vector.extract %slice3A_218[0] : i32 from vector<1xi32>
    %mul3A_220 = arith.constant 64 : i32
    %mul3A_221 = arith.muli %squeeze3A_219, %mul3A_220 : i32
    %add3A_222 = arith.constant 0 : i32
    %add3A_223 = arith.addi %mul3A_221, %add3A_222 : i32
    %add3A_224 = arith.constant 7 : i32
    %add3A_225 = arith.addi %mul3A_2, %add3A_224 : i32
    %mul3A_226 = arith.constant 64 : i32
    %mul3A_227 = arith.muli %add3A_225, %mul3A_226 : i32
    %add3A_228 = arith.constant 0 : i32
    %add3A_229 = arith.addi %mul3A_227, %add3A_228 : i32
    %slice3A_230 = vector.extract_strided_slice %scan3A_18#0 {offsets = [7], sizes = [1], strides = [1]} : vector<16xi32> to vector<1xi32>
    %squeeze3A_231 = vector.extract %slice3A_230[0] : i32 from vector<1xi32>
    %mul3A_232 = arith.constant 64 : i32
    %mul3A_233 = arith.muli %squeeze3A_231, %mul3A_232 : i32
    %add3A_234 = arith.constant 32 : i32
    %add3A_235 = arith.addi %mul3A_233, %add3A_234 : i32
    %add3A_236 = arith.constant 7 : i32
    %add3A_237 = arith.addi %mul3A_2, %add3A_236 : i32
    %mul3A_238 = arith.constant 64 : i32
    %mul3A_239 = arith.muli %add3A_237, %mul3A_238 : i32
    %add3A_240 = arith.constant 32 : i32
    %add3A_241 = arith.addi %mul3A_239, %add3A_240 : i32
    %slice3A_242 = vector.extract_strided_slice %scan3A_18#0 {offsets = [9], sizes = [1], strides = [1]} : vector<16xi32> to vector<1xi32>
    %squeeze3A_243 = vector.extract %slice3A_242[0] : i32 from vector<1xi32>
    %mul3A_244 = arith.constant 64 : i32
    %mul3A_245 = arith.muli %squeeze3A_243, %mul3A_244 : i32
    %add3A_246 = arith.constant 0 : i32
    %add3A_247 = arith.addi %mul3A_245, %add3A_246 : i32
    %add3A_248 = arith.constant 9 : i32
    %add3A_249 = arith.addi %mul3A_2, %add3A_248 : i32
    %mul3A_250 = arith.constant 64 : i32
    %mul3A_251 = arith.muli %add3A_249, %mul3A_250 : i32
    %add3A_252 = arith.constant 0 : i32
    %add3A_253 = arith.addi %mul3A_251, %add3A_252 : i32
    %slice3A_254 = vector.extract_strided_slice %scan3A_18#0 {offsets = [9], sizes = [1], strides = [1]} : vector<16xi32> to vector<1xi32>
    %squeeze3A_255 = vector.extract %slice3A_254[0] : i32 from vector<1xi32>
    %mul3A_256 = arith.constant 64 : i32
    %mul3A_257 = arith.muli %squeeze3A_255, %mul3A_256 : i32
    %add3A_258 = arith.constant 32 : i32
    %add3A_259 = arith.addi %mul3A_257, %add3A_258 : i32
    %add3A_260 = arith.constant 9 : i32
    %add3A_261 = arith.addi %mul3A_2, %add3A_260 : i32
    %mul3A_262 = arith.constant 64 : i32
    %mul3A_263 = arith.muli %add3A_261, %mul3A_262 : i32
    %add3A_264 = arith.constant 32 : i32
    %add3A_265 = arith.addi %mul3A_263, %add3A_264 : i32
    %slice3A_266 = vector.extract_strided_slice %scan3A_18#0 {offsets = [11], sizes = [1], strides = [1]} : vector<16xi32> to vector<1xi32>
    %squeeze3A_267 = vector.extract %slice3A_266[0] : i32 from vector<1xi32>
    %mul3A_268 = arith.constant 64 : i32
    %mul3A_269 = arith.muli %squeeze3A_267, %mul3A_268 : i32
    %add3A_270 = arith.constant 0 : i32
    %add3A_271 = arith.addi %mul3A_269, %add3A_270 : i32
    %add3A_272 = arith.constant 11 : i32
    %add3A_273 = arith.addi %mul3A_2, %add3A_272 : i32
    %mul3A_274 = arith.constant 64 : i32
    %mul3A_275 = arith.muli %add3A_273, %mul3A_274 : i32
    %add3A_276 = arith.constant 0 : i32
    %add3A_277 = arith.addi %mul3A_275, %add3A_276 : i32
    %slice3A_278 = vector.extract_strided_slice %scan3A_18#0 {offsets = [11], sizes = [1], strides = [1]} : vector<16xi32> to vector<1xi32>
    %squeeze3A_279 = vector.extract %slice3A_278[0] : i32 from vector<1xi32>
    %mul3A_280 = arith.constant 64 : i32
    %mul3A_281 = arith.muli %squeeze3A_279, %mul3A_280 : i32
    %add3A_282 = arith.constant 32 : i32
    %add3A_283 = arith.addi %mul3A_281, %add3A_282 : i32
    %add3A_284 = arith.constant 11 : i32
    %add3A_285 = arith.addi %mul3A_2, %add3A_284 : i32
    %mul3A_286 = arith.constant 64 : i32
    %mul3A_287 = arith.muli %add3A_285, %mul3A_286 : i32
    %add3A_288 = arith.constant 32 : i32
    %add3A_289 = arith.addi %mul3A_287, %add3A_288 : i32
    %slice3A_290 = vector.extract_strided_slice %scan3A_18#0 {offsets = [13], sizes = [1], strides = [1]} : vector<16xi32> to vector<1xi32>
    %squeeze3A_291 = vector.extract %slice3A_290[0] : i32 from vector<1xi32>
    %mul3A_292 = arith.constant 64 : i32
    %mul3A_293 = arith.muli %squeeze3A_291, %mul3A_292 : i32
    %add3A_294 = arith.constant 0 : i32
    %add3A_295 = arith.addi %mul3A_293, %add3A_294 : i32
    %add3A_296 = arith.constant 13 : i32
    %add3A_297 = arith.addi %mul3A_2, %add3A_296 : i32
    %mul3A_298 = arith.constant 64 : i32
    %mul3A_299 = arith.muli %add3A_297, %mul3A_298 : i32
    %add3A_300 = arith.constant 0 : i32
    %add3A_301 = arith.addi %mul3A_299, %add3A_300 : i32
    %slice3A_302 = vector.extract_strided_slice %scan3A_18#0 {offsets = [13], sizes = [1], strides = [1]} : vector<16xi32> to vector<1xi32>
    %squeeze3A_303 = vector.extract %slice3A_302[0] : i32 from vector<1xi32>
    %mul3A_304 = arith.constant 64 : i32
    %mul3A_305 = arith.muli %squeeze3A_303, %mul3A_304 : i32
    %add3A_306 = arith.constant 32 : i32
    %add3A_307 = arith.addi %mul3A_305, %add3A_306 : i32
    %add3A_308 = arith.constant 13 : i32
    %add3A_309 = arith.addi %mul3A_2, %add3A_308 : i32
    %mul3A_310 = arith.constant 64 : i32
    %mul3A_311 = arith.muli %add3A_309, %mul3A_310 : i32
    %add3A_312 = arith.constant 32 : i32
    %add3A_313 = arith.addi %mul3A_311, %add3A_312 : i32
    %slice3A_314 = vector.extract_strided_slice %scan3A_18#0 {offsets = [15], sizes = [1], strides = [1]} : vector<16xi32> to vector<1xi32>
    %squeeze3A_315 = vector.extract %slice3A_314[0] : i32 from vector<1xi32>
    %mul3A_316 = arith.constant 64 : i32
    %mul3A_317 = arith.muli %squeeze3A_315, %mul3A_316 : i32
    %add3A_318 = arith.constant 0 : i32
    %add3A_319 = arith.addi %mul3A_317, %add3A_318 : i32
    %add3A_320 = arith.constant 15 : i32
    %add3A_321 = arith.addi %mul3A_2, %add3A_320 : i32
    %mul3A_322 = arith.constant 64 : i32
    %mul3A_323 = arith.muli %add3A_321, %mul3A_322 : i32
    %add3A_324 = arith.constant 0 : i32
    %add3A_325 = arith.addi %mul3A_323, %add3A_324 : i32
    %slice3A_326 = vector.extract_strided_slice %scan3A_18#0 {offsets = [15], sizes = [1], strides = [1]} : vector<16xi32> to vector<1xi32>
    %squeeze3A_327 = vector.extract %slice3A_326[0] : i32 from vector<1xi32>
    %mul3A_328 = arith.constant 64 : i32
    %mul3A_329 = arith.muli %squeeze3A_327, %mul3A_328 : i32
    %add3A_330 = arith.constant 32 : i32
    %add3A_331 = arith.addi %mul3A_329, %add3A_330 : i32
    %add3A_332 = arith.constant 15 : i32
    %add3A_333 = arith.addi %mul3A_2, %add3A_332 : i32
    %mul3A_334 = arith.constant 64 : i32
    %mul3A_335 = arith.muli %add3A_333, %mul3A_334 : i32
    %add3A_336 = arith.constant 32 : i32
    %add3A_337 = arith.addi %mul3A_335, %add3A_336 : i32
    %slice3A_338 = vector.extract_strided_slice %scan3A_18#1 {offsets = [1], sizes = [1], strides = [1]} : vector<16xi32> to vector<1xi32>
    %squeeze3A_339 = vector.extract %slice3A_338[0] : i32 from vector<1xi32>
    %mul3A_340 = arith.constant 64 : i32
    %mul3A_341 = arith.muli %squeeze3A_339, %mul3A_340 : i32
    %add3A_342 = arith.constant 0 : i32
    %add3A_343 = arith.addi %mul3A_341, %add3A_342 : i32
    %add3A_344 = arith.constant 17 : i32
    %add3A_345 = arith.addi %mul3A_2, %add3A_344 : i32
    %mul3A_346 = arith.constant 64 : i32
    %mul3A_347 = arith.muli %add3A_345, %mul3A_346 : i32
    %add3A_348 = arith.constant 0 : i32
    %add3A_349 = arith.addi %mul3A_347, %add3A_348 : i32
    %slice3A_350 = vector.extract_strided_slice %scan3A_18#1 {offsets = [1], sizes = [1], strides = [1]} : vector<16xi32> to vector<1xi32>
    %squeeze3A_351 = vector.extract %slice3A_350[0] : i32 from vector<1xi32>
    %mul3A_352 = arith.constant 64 : i32
    %mul3A_353 = arith.muli %squeeze3A_351, %mul3A_352 : i32
    %add3A_354 = arith.constant 32 : i32
    %add3A_355 = arith.addi %mul3A_353, %add3A_354 : i32
    %add3A_356 = arith.constant 17 : i32
    %add3A_357 = arith.addi %mul3A_2, %add3A_356 : i32
    %mul3A_358 = arith.constant 64 : i32
    %mul3A_359 = arith.muli %add3A_357, %mul3A_358 : i32
    %add3A_360 = arith.constant 32 : i32
    %add3A_361 = arith.addi %mul3A_359, %add3A_360 : i32
    %slice3A_362 = vector.extract_strided_slice %scan3A_18#1 {offsets = [3], sizes = [1], strides = [1]} : vector<16xi32> to vector<1xi32>
    %squeeze3A_363 = vector.extract %slice3A_362[0] : i32 from vector<1xi32>
    %mul3A_364 = arith.constant 64 : i32
    %mul3A_365 = arith.muli %squeeze3A_363, %mul3A_364 : i32
    %add3A_366 = arith.constant 0 : i32
    %add3A_367 = arith.addi %mul3A_365, %add3A_366 : i32
    %add3A_368 = arith.constant 19 : i32
    %add3A_369 = arith.addi %mul3A_2, %add3A_368 : i32
    %mul3A_370 = arith.constant 64 : i32
    %mul3A_371 = arith.muli %add3A_369, %mul3A_370 : i32
    %add3A_372 = arith.constant 0 : i32
    %add3A_373 = arith.addi %mul3A_371, %add3A_372 : i32
    %slice3A_374 = vector.extract_strided_slice %scan3A_18#1 {offsets = [3], sizes = [1], strides = [1]} : vector<16xi32> to vector<1xi32>
    %squeeze3A_375 = vector.extract %slice3A_374[0] : i32 from vector<1xi32>
    %mul3A_376 = arith.constant 64 : i32
    %mul3A_377 = arith.muli %squeeze3A_375, %mul3A_376 : i32
    %add3A_378 = arith.constant 32 : i32
    %add3A_379 = arith.addi %mul3A_377, %add3A_378 : i32
    %add3A_380 = arith.constant 19 : i32
    %add3A_381 = arith.addi %mul3A_2, %add3A_380 : i32
    %mul3A_382 = arith.constant 64 : i32
    %mul3A_383 = arith.muli %add3A_381, %mul3A_382 : i32
    %add3A_384 = arith.constant 32 : i32
    %add3A_385 = arith.addi %mul3A_383, %add3A_384 : i32
    %slice3A_386 = vector.extract_strided_slice %scan3A_18#1 {offsets = [5], sizes = [1], strides = [1]} : vector<16xi32> to vector<1xi32>
    %squeeze3A_387 = vector.extract %slice3A_386[0] : i32 from vector<1xi32>
    %mul3A_388 = arith.constant 64 : i32
    %mul3A_389 = arith.muli %squeeze3A_387, %mul3A_388 : i32
    %add3A_390 = arith.constant 0 : i32
    %add3A_391 = arith.addi %mul3A_389, %add3A_390 : i32
    %add3A_392 = arith.constant 21 : i32
    %add3A_393 = arith.addi %mul3A_2, %add3A_392 : i32
    %mul3A_394 = arith.constant 64 : i32
    %mul3A_395 = arith.muli %add3A_393, %mul3A_394 : i32
    %add3A_396 = arith.constant 0 : i32
    %add3A_397 = arith.addi %mul3A_395, %add3A_396 : i32
    %slice3A_398 = vector.extract_strided_slice %scan3A_18#1 {offsets = [5], sizes = [1], strides = [1]} : vector<16xi32> to vector<1xi32>
    %squeeze3A_399 = vector.extract %slice3A_398[0] : i32 from vector<1xi32>
    %mul3A_400 = arith.constant 64 : i32
    %mul3A_401 = arith.muli %squeeze3A_399, %mul3A_400 : i32
    %add3A_402 = arith.constant 32 : i32
    %add3A_403 = arith.addi %mul3A_401, %add3A_402 : i32
    %add3A_404 = arith.constant 21 : i32
    %add3A_405 = arith.addi %mul3A_2, %add3A_404 : i32
    %mul3A_406 = arith.constant 64 : i32
    %mul3A_407 = arith.muli %add3A_405, %mul3A_406 : i32
    %add3A_408 = arith.constant 32 : i32
    %add3A_409 = arith.addi %mul3A_407, %add3A_408 : i32
    %slice3A_410 = vector.extract_strided_slice %scan3A_18#1 {offsets = [7], sizes = [1], strides = [1]} : vector<16xi32> to vector<1xi32>
    %squeeze3A_411 = vector.extract %slice3A_410[0] : i32 from vector<1xi32>
    %mul3A_412 = arith.constant 64 : i32
    %mul3A_413 = arith.muli %squeeze3A_411, %mul3A_412 : i32
    %add3A_414 = arith.constant 0 : i32
    %add3A_415 = arith.addi %mul3A_413, %add3A_414 : i32
    %add3A_416 = arith.constant 23 : i32
    %add3A_417 = arith.addi %mul3A_2, %add3A_416 : i32
    %mul3A_418 = arith.constant 64 : i32
    %mul3A_419 = arith.muli %add3A_417, %mul3A_418 : i32
    %add3A_420 = arith.constant 0 : i32
    %add3A_421 = arith.addi %mul3A_419, %add3A_420 : i32
    %slice3A_422 = vector.extract_strided_slice %scan3A_18#1 {offsets = [7], sizes = [1], strides = [1]} : vector<16xi32> to vector<1xi32>
    %squeeze3A_423 = vector.extract %slice3A_422[0] : i32 from vector<1xi32>
    %mul3A_424 = arith.constant 64 : i32
    %mul3A_425 = arith.muli %squeeze3A_423, %mul3A_424 : i32
    %add3A_426 = arith.constant 32 : i32
    %add3A_427 = arith.addi %mul3A_425, %add3A_426 : i32
    %add3A_428 = arith.constant 23 : i32
    %add3A_429 = arith.addi %mul3A_2, %add3A_428 : i32
    %mul3A_430 = arith.constant 64 : i32
    %mul3A_431 = arith.muli %add3A_429, %mul3A_430 : i32
    %add3A_432 = arith.constant 32 : i32
    %add3A_433 = arith.addi %mul3A_431, %add3A_432 : i32
    %slice3A_434 = vector.extract_strided_slice %scan3A_18#1 {offsets = [9], sizes = [1], strides = [1]} : vector<16xi32> to vector<1xi32>
    %squeeze3A_435 = vector.extract %slice3A_434[0] : i32 from vector<1xi32>
    %mul3A_436 = arith.constant 64 : i32
    %mul3A_437 = arith.muli %squeeze3A_435, %mul3A_436 : i32
    %add3A_438 = arith.constant 0 : i32
    %add3A_439 = arith.addi %mul3A_437, %add3A_438 : i32
    %add3A_440 = arith.constant 25 : i32
    %add3A_441 = arith.addi %mul3A_2, %add3A_440 : i32
    %mul3A_442 = arith.constant 64 : i32
    %mul3A_443 = arith.muli %add3A_441, %mul3A_442 : i32
    %add3A_444 = arith.constant 0 : i32
    %add3A_445 = arith.addi %mul3A_443, %add3A_444 : i32
    %slice3A_446 = vector.extract_strided_slice %scan3A_18#1 {offsets = [9], sizes = [1], strides = [1]} : vector<16xi32> to vector<1xi32>
    %squeeze3A_447 = vector.extract %slice3A_446[0] : i32 from vector<1xi32>
    %mul3A_448 = arith.constant 64 : i32
    %mul3A_449 = arith.muli %squeeze3A_447, %mul3A_448 : i32
    %add3A_450 = arith.constant 32 : i32
    %add3A_451 = arith.addi %mul3A_449, %add3A_450 : i32
    %add3A_452 = arith.constant 25 : i32
    %add3A_453 = arith.addi %mul3A_2, %add3A_452 : i32
    %mul3A_454 = arith.constant 64 : i32
    %mul3A_455 = arith.muli %add3A_453, %mul3A_454 : i32
    %add3A_456 = arith.constant 32 : i32
    %add3A_457 = arith.addi %mul3A_455, %add3A_456 : i32
    %slice3A_458 = vector.extract_strided_slice %scan3A_18#1 {offsets = [11], sizes = [1], strides = [1]} : vector<16xi32> to vector<1xi32>
    %squeeze3A_459 = vector.extract %slice3A_458[0] : i32 from vector<1xi32>
    %mul3A_460 = arith.constant 64 : i32
    %mul3A_461 = arith.muli %squeeze3A_459, %mul3A_460 : i32
    %add3A_462 = arith.constant 0 : i32
    %add3A_463 = arith.addi %mul3A_461, %add3A_462 : i32
    %add3A_464 = arith.constant 27 : i32
    %add3A_465 = arith.addi %mul3A_2, %add3A_464 : i32
    %mul3A_466 = arith.constant 64 : i32
    %mul3A_467 = arith.muli %add3A_465, %mul3A_466 : i32
    %add3A_468 = arith.constant 0 : i32
    %add3A_469 = arith.addi %mul3A_467, %add3A_468 : i32
    %slice3A_470 = vector.extract_strided_slice %scan3A_18#1 {offsets = [11], sizes = [1], strides = [1]} : vector<16xi32> to vector<1xi32>
    %squeeze3A_471 = vector.extract %slice3A_470[0] : i32 from vector<1xi32>
    %mul3A_472 = arith.constant 64 : i32
    %mul3A_473 = arith.muli %squeeze3A_471, %mul3A_472 : i32
    %add3A_474 = arith.constant 32 : i32
    %add3A_475 = arith.addi %mul3A_473, %add3A_474 : i32
    %add3A_476 = arith.constant 27 : i32
    %add3A_477 = arith.addi %mul3A_2, %add3A_476 : i32
    %mul3A_478 = arith.constant 64 : i32
    %mul3A_479 = arith.muli %add3A_477, %mul3A_478 : i32
    %add3A_480 = arith.constant 32 : i32
    %add3A_481 = arith.addi %mul3A_479, %add3A_480 : i32
    %slice3A_482 = vector.extract_strided_slice %scan3A_18#1 {offsets = [13], sizes = [1], strides = [1]} : vector<16xi32> to vector<1xi32>
    %squeeze3A_483 = vector.extract %slice3A_482[0] : i32 from vector<1xi32>
    %mul3A_484 = arith.constant 64 : i32
    %mul3A_485 = arith.muli %squeeze3A_483, %mul3A_484 : i32
    %add3A_486 = arith.constant 0 : i32
    %add3A_487 = arith.addi %mul3A_485, %add3A_486 : i32
    %add3A_488 = arith.constant 29 : i32
    %add3A_489 = arith.addi %mul3A_2, %add3A_488 : i32
    %mul3A_490 = arith.constant 64 : i32
    %mul3A_491 = arith.muli %add3A_489, %mul3A_490 : i32
    %add3A_492 = arith.constant 0 : i32
    %add3A_493 = arith.addi %mul3A_491, %add3A_492 : i32
    %slice3A_494 = vector.extract_strided_slice %scan3A_18#1 {offsets = [13], sizes = [1], strides = [1]} : vector<16xi32> to vector<1xi32>
    %squeeze3A_495 = vector.extract %slice3A_494[0] : i32 from vector<1xi32>
    %mul3A_496 = arith.constant 64 : i32
    %mul3A_497 = arith.muli %squeeze3A_495, %mul3A_496 : i32
    %add3A_498 = arith.constant 32 : i32
    %add3A_499 = arith.addi %mul3A_497, %add3A_498 : i32
    %add3A_500 = arith.constant 29 : i32
    %add3A_501 = arith.addi %mul3A_2, %add3A_500 : i32
    %mul3A_502 = arith.constant 64 : i32
    %mul3A_503 = arith.muli %add3A_501, %mul3A_502 : i32
    %add3A_504 = arith.constant 32 : i32
    %add3A_505 = arith.addi %mul3A_503, %add3A_504 : i32
    %slice3A_506 = vector.extract_strided_slice %scan3A_18#1 {offsets = [15], sizes = [1], strides = [1]} : vector<16xi32> to vector<1xi32>
    %squeeze3A_507 = vector.extract %slice3A_506[0] : i32 from vector<1xi32>
    %mul3A_508 = arith.constant 64 : i32
    %mul3A_509 = arith.muli %squeeze3A_507, %mul3A_508 : i32
    %add3A_510 = arith.constant 0 : i32
    %add3A_511 = arith.addi %mul3A_509, %add3A_510 : i32
    %add3A_512 = arith.constant 31 : i32
    %add3A_513 = arith.addi %mul3A_2, %add3A_512 : i32
    %mul3A_514 = arith.constant 64 : i32
    %mul3A_515 = arith.muli %add3A_513, %mul3A_514 : i32
    %add3A_516 = arith.constant 0 : i32
    %add3A_517 = arith.addi %mul3A_515, %add3A_516 : i32
    %slice3A_518 = vector.extract_strided_slice %scan3A_18#1 {offsets = [15], sizes = [1], strides = [1]} : vector<16xi32> to vector<1xi32>
    %squeeze3A_519 = vector.extract %slice3A_518[0] : i32 from vector<1xi32>
    %mul3A_520 = arith.constant 64 : i32
    %mul3A_521 = arith.muli %squeeze3A_519, %mul3A_520 : i32
    %add3A_522 = arith.constant 32 : i32
    %add3A_523 = arith.addi %mul3A_521, %add3A_522 : i32
    %add3A_524 = arith.constant 31 : i32
    %add3A_525 = arith.addi %mul3A_2, %add3A_524 : i32
    %mul3A_526 = arith.constant 64 : i32
    %mul3A_527 = arith.muli %add3A_525, %mul3A_526 : i32
    %add3A_528 = arith.constant 32 : i32
    %add3A_529 = arith.addi %mul3A_527, %add3A_528 : i32
    %dma_start3A = arith.constant 0 : i32
    %dma_start3A_530 = arith.constant 0 : i32
    %dma_start3A_531 = arith.constant 0 : i32
    %dma_start3A_532 = arith.constant 0 : i32
    %dma_start3A_533 = tpu.memref_slice %arg8[%dma_start3A, %dma_start3A_531, %dma_start3A_532] : memref<2x64x512xf32, #tpu.memory_space<vmem>> -> memref<1x64x512xf32, #tpu.memory_space<vmem>>
    %dma_start3A_534 = tpu.memref_squeeze %dma_start3A_533 : memref<1x64x512xf32, #tpu.memory_space<vmem>> -> memref<64x512xf32, #tpu.memory_space<vmem>>
    %dma_start3A_535 = arith.constant 0 : i32
    %dma_start3A_536 = tpu.memref_slice %arg2[%mul3A_21, %dma_start3A_535] : memref<65536x512xf32, #tpu.memory_space<hbm>> -> memref<64x512xf32, #tpu.memory_space<hbm>>
    %dma_start3A_537 = tpu.memref_slice %arg10[%dma_start3A_530] : memref<2x!tpu.dma_semaphore, #tpu.memory_space<semaphore_mem>> -> memref<1x!tpu.dma_semaphore, #tpu.memory_space<semaphore_mem>>
    %dma_start3A_538 = tpu.memref_squeeze %dma_start3A_537 : memref<1x!tpu.dma_semaphore, #tpu.memory_space<semaphore_mem>> -> memref<!tpu.dma_semaphore, #tpu.memory_space<semaphore_mem>>
    %dma_start3A_539 = arith.constant 0 : i32
    %dma_start3A_540 = arith.constant 0 : i32
    %dma_start3A_541 = tpu.memref_slice %arg8[%dma_start3A, %dma_start3A_539, %dma_start3A_540] : memref<2x64x512xf32, #tpu.memory_space<vmem>> -> memref<1x64x512xf32, #tpu.memory_space<vmem>>
    %dma_start3A_542 = tpu.memref_squeeze %dma_start3A_541 : memref<1x64x512xf32, #tpu.memory_space<vmem>> -> memref<64x512xf32, #tpu.memory_space<vmem>>
    %dma_start3A_543 = arith.constant 0 : i32
    %dma_start3A_544 = tpu.memref_slice %arg2[%mul3A_21, %dma_start3A_543] : memref<65536x512xf32, #tpu.memory_space<hbm>> -> memref<64x512xf32, #tpu.memory_space<hbm>>
    tpu.enqueue_dma source(%dma_start3A_544 : memref<64x512xf32, #tpu.memory_space<hbm>>) target(%dma_start3A_542 : memref<64x512xf32, #tpu.memory_space<vmem>>) target_semaphore(%dma_start3A_538 : memref<!tpu.dma_semaphore, #tpu.memory_space<semaphore_mem>>)
    %dma_start3A_545 = arith.constant 0 : i32
    %dma_start3A_546 = arith.constant 0 : i32
    %dma_start3A_547 = tpu.memref_slice %arg12[%dma_start3A_546] : memref<2x!tpu.dma_semaphore, #tpu.memory_space<semaphore_mem>> -> memref<1x!tpu.dma_semaphore, #tpu.memory_space<semaphore_mem>>
    %dma_start3A_548 = tpu.memref_squeeze %dma_start3A_547 : memref<1x!tpu.dma_semaphore, #tpu.memory_space<semaphore_mem>> -> memref<!tpu.dma_semaphore, #tpu.memory_space<semaphore_mem>>
    %dma_start3A_549 = arith.constant 0 : i32
    %dma_start3A_550 = arith.constant 0 : i32
    %dma_start3A_551 = arith.constant 0 : i32
    %dma_start3A_552 = tpu.memref_slice %arg9[%arg1, %dma_start3A_549, %dma_start3A_550, %dma_start3A_551] : memref<16x2x32x512xf32, #tpu.memory_space<vmem_shared>> -> memref<1x2x32x512xf32, #tpu.memory_space<vmem_shared>>
    %dma_start3A_553 = tpu.memref_squeeze %dma_start3A_552 : memref<1x2x32x512xf32, #tpu.memory_space<vmem_shared>> -> memref<2x32x512xf32, #tpu.memory_space<vmem_shared>>
    %dma_start3A_554 = arith.constant 0 : i32
    %dma_start3A_555 = arith.constant 0 : i32
    %dma_start3A_556 = tpu.memref_slice %dma_start3A_553[%dma_start3A_545, %dma_start3A_554, %dma_start3A_555] : memref<2x32x512xf32, #tpu.memory_space<vmem_shared>> -> memref<1x32x512xf32, #tpu.memory_space<vmem_shared>>
    %dma_start3A_557 = tpu.memref_squeeze %dma_start3A_556 : memref<1x32x512xf32, #tpu.memory_space<vmem_shared>> -> memref<32x512xf32, #tpu.memory_space<vmem_shared>>
    %dma_start3A_558 = arith.constant 0 : i32
    %dma_start3A_559 = tpu.memref_slice %arg2[%add3A_151, %dma_start3A_558] : memref<65536x512xf32, #tpu.memory_space<hbm>> -> memref<32x512xf32, #tpu.memory_space<hbm>>
    tpu.enqueue_dma source(%dma_start3A_559 : memref<32x512xf32, #tpu.memory_space<hbm>>) target(%dma_start3A_557 : memref<32x512xf32, #tpu.memory_space<vmem_shared>>) target_semaphore(%dma_start3A_548 : memref<!tpu.dma_semaphore, #tpu.memory_space<semaphore_mem>>)
    %dma_wait3A = arith.constant 0 : i32
    %dma_wait3A_560 = arith.constant 0 : i32
    %dma_wait3A_561 = arith.constant 0 : i32
    %dma_wait3A_562 = arith.constant 0 : i32
    %dma_wait3A_563 = tpu.memref_slice %arg8[%dma_wait3A, %dma_wait3A_561, %dma_wait3A_562] : memref<2x64x512xf32, #tpu.memory_space<vmem>> -> memref<1x64x512xf32, #tpu.memory_space<vmem>>
    %dma_wait3A_564 = tpu.memref_squeeze %dma_wait3A_563 : memref<1x64x512xf32, #tpu.memory_space<vmem>> -> memref<64x512xf32, #tpu.memory_space<vmem>>
    %dma_wait3A_565 = arith.constant 0 : i32
    %dma_wait3A_566 = arith.constant 0 : i32
    %dma_wait3A_567 = tpu.memref_slice %arg2[%dma_wait3A_565, %dma_wait3A_566] : memref<65536x512xf32, #tpu.memory_space<hbm>> -> memref<64x512xf32, #tpu.memory_space<hbm>>
    %dma_wait3A_568 = tpu.memref_slice %arg10[%dma_wait3A_560] : memref<2x!tpu.dma_semaphore, #tpu.memory_space<semaphore_mem>> -> memref<1x!tpu.dma_semaphore, #tpu.memory_space<semaphore_mem>>
    %dma_wait3A_569 = tpu.memref_squeeze %dma_wait3A_568 : memref<1x!tpu.dma_semaphore, #tpu.memory_space<semaphore_mem>> -> memref<!tpu.dma_semaphore, #tpu.memory_space<semaphore_mem>>
    %dma_wait3A_570 = arith.constant 0 : i32
    %dma_wait3A_571 = arith.constant 0 : i32
    %dma_wait3A_572 = tpu.memref_slice %arg8[%dma_wait3A, %dma_wait3A_570, %dma_wait3A_571] : memref<2x64x512xf32, #tpu.memory_space<vmem>> -> memref<1x64x512xf32, #tpu.memory_space<vmem>>
    %dma_wait3A_573 = tpu.memref_squeeze %dma_wait3A_572 : memref<1x64x512xf32, #tpu.memory_space<vmem>> -> memref<64x512xf32, #tpu.memory_space<vmem>>
    %dma_wait3A_574 = arith.constant 0 : i32
    %dma_wait3A_575 = arith.constant 0 : i32
    %dma_wait3A_576 = tpu.memref_slice %arg2[%dma_wait3A_574, %dma_wait3A_575] : memref<65536x512xf32, #tpu.memory_space<hbm>> -> memref<64x512xf32, #tpu.memory_space<hbm>>
    tpu.wait_dma2 semaphore(%dma_wait3A_569 : memref<!tpu.dma_semaphore, #tpu.memory_space<semaphore_mem>>) src(%dma_wait3A_576 : memref<64x512xf32, #tpu.memory_space<hbm>>) dst(%dma_wait3A_573 : memref<64x512xf32, #tpu.memory_space<vmem>>)
    %dma_start3A_577 = arith.constant 0 : i32
    %dma_start3A_578 = arith.constant 0 : i32
    %dma_start3A_579 = arith.constant 0 : i32
    %dma_start3A_580 = arith.constant 0 : i32
    %dma_start3A_581 = tpu.memref_slice %arg8[%dma_start3A_577, %dma_start3A_579, %dma_start3A_580] : memref<2x64x512xf32, #tpu.memory_space<vmem>> -> memref<1x64x512xf32, #tpu.memory_space<vmem>>
    %dma_start3A_582 = tpu.memref_squeeze %dma_start3A_581 : memref<1x64x512xf32, #tpu.memory_space<vmem>> -> memref<64x512xf32, #tpu.memory_space<vmem>>
    %dma_start3A_583 = arith.constant 0 : i32
    %dma_start3A_584 = tpu.memref_slice %arg5[%mul3A_25, %dma_start3A_583] : memref<65536x512xf32, #tpu.memory_space<hbm>> -> memref<64x512xf32, #tpu.memory_space<hbm>>
    %dma_start3A_585 = tpu.memref_slice %arg11[%dma_start3A_578] : memref<2x!tpu.dma_semaphore, #tpu.memory_space<semaphore_mem>> -> memref<1x!tpu.dma_semaphore, #tpu.memory_space<semaphore_mem>>
    %dma_start3A_586 = tpu.memref_squeeze %dma_start3A_585 : memref<1x!tpu.dma_semaphore, #tpu.memory_space<semaphore_mem>> -> memref<!tpu.dma_semaphore, #tpu.memory_space<semaphore_mem>>
    %dma_start3A_587 = arith.constant 0 : i32
    %dma_start3A_588 = tpu.memref_slice %arg5[%mul3A_25, %dma_start3A_587] : memref<65536x512xf32, #tpu.memory_space<hbm>> -> memref<64x512xf32, #tpu.memory_space<hbm>>
    %dma_start3A_589 = arith.constant 0 : i32
    %dma_start3A_590 = arith.constant 0 : i32
    %dma_start3A_591 = tpu.memref_slice %arg8[%dma_start3A_577, %dma_start3A_589, %dma_start3A_590] : memref<2x64x512xf32, #tpu.memory_space<vmem>> -> memref<1x64x512xf32, #tpu.memory_space<vmem>>
    %dma_start3A_592 = tpu.memref_squeeze %dma_start3A_591 : memref<1x64x512xf32, #tpu.memory_space<vmem>> -> memref<64x512xf32, #tpu.memory_space<vmem>>
    tpu.enqueue_dma source(%dma_start3A_592 : memref<64x512xf32, #tpu.memory_space<vmem>>) target(%dma_start3A_588 : memref<64x512xf32, #tpu.memory_space<hbm>>) target_semaphore(%dma_start3A_586 : memref<!tpu.dma_semaphore, #tpu.memory_space<semaphore_mem>>)
    %dma_wait3A_593 = arith.constant 0 : i32
    %dma_wait3A_594 = arith.constant 0 : i32
    %dma_wait3A_595 = tpu.memref_slice %arg12[%dma_wait3A_594] : memref<2x!tpu.dma_semaphore, #tpu.memory_space<semaphore_mem>> -> memref<1x!tpu.dma_semaphore, #tpu.memory_space<semaphore_mem>>
    %dma_wait3A_596 = tpu.memref_squeeze %dma_wait3A_595 : memref<1x!tpu.dma_semaphore, #tpu.memory_space<semaphore_mem>> -> memref<!tpu.dma_semaphore, #tpu.memory_space<semaphore_mem>>
    %dma_wait3A_597 = arith.constant 0 : i32
    %dma_wait3A_598 = arith.constant 0 : i32
    %dma_wait3A_599 = arith.constant 0 : i32
    %dma_wait3A_600 = tpu.memref_slice %arg9[%arg1, %dma_wait3A_597, %dma_wait3A_598, %dma_wait3A_599] : memref<16x2x32x512xf32, #tpu.memory_space<vmem_shared>> -> memref<1x2x32x512xf32, #tpu.memory_space<vmem_shared>>
    %dma_wait3A_601 = tpu.memref_squeeze %dma_wait3A_600 : memref<1x2x32x512xf32, #tpu.memory_space<vmem_shared>> -> memref<2x32x512xf32, #tpu.memory_space<vmem_shared>>
    %dma_wait3A_602 = arith.constant 0 : i32
    %dma_wait3A_603 = arith.constant 0 : i32
    %dma_wait3A_604 = tpu.memref_slice %dma_wait3A_601[%dma_wait3A_593, %dma_wait3A_602, %dma_wait3A_603] : memref<2x32x512xf32, #tpu.memory_space<vmem_shared>> -> memref<1x32x512xf32, #tpu.memory_space<vmem_shared>>
    %dma_wait3A_605 = tpu.memref_squeeze %dma_wait3A_604 : memref<1x32x512xf32, #tpu.memory_space<vmem_shared>> -> memref<32x512xf32, #tpu.memory_space<vmem_shared>>
    %dma_wait3A_606 = arith.constant 0 : i32
    %dma_wait3A_607 = arith.constant 0 : i32
    %dma_wait3A_608 = tpu.memref_slice %arg2[%dma_wait3A_606, %dma_wait3A_607] : memref<65536x512xf32, #tpu.memory_space<hbm>> -> memref<32x512xf32, #tpu.memory_space<hbm>>
    tpu.wait_dma2 semaphore(%dma_wait3A_596 : memref<!tpu.dma_semaphore, #tpu.memory_space<semaphore_mem>>) src(%dma_wait3A_608 : memref<32x512xf32, #tpu.memory_space<hbm>>) dst(%dma_wait3A_605 : memref<32x512xf32, #tpu.memory_space<vmem_shared>>)
    %dma_start3A_609 = arith.constant 0 : i32
    %dma_start3A_610 = arith.constant 0 : i32
    %dma_start3A_611 = tpu.memref_slice %arg13[%dma_start3A_610] : memref<2x!tpu.dma_semaphore, #tpu.memory_space<semaphore_mem>> -> memref<1x!tpu.dma_semaphore, #tpu.memory_space<semaphore_mem>>
    %dma_start3A_612 = tpu.memref_squeeze %dma_start3A_611 : memref<1x!tpu.dma_semaphore, #tpu.memory_space<semaphore_mem>> -> memref<!tpu.dma_semaphore, #tpu.memory_space<semaphore_mem>>
    %dma_start3A_613 = arith.constant 0 : i32
    %dma_start3A_614 = tpu.memref_slice %arg5[%add3A_157, %dma_start3A_613] : memref<65536x512xf32, #tpu.memory_space<hbm>> -> memref<32x512xf32, #tpu.memory_space<hbm>>
    %dma_start3A_615 = arith.constant 0 : i32
    %dma_start3A_616 = arith.constant 0 : i32
    %dma_start3A_617 = arith.constant 0 : i32
    %dma_start3A_618 = tpu.memref_slice %arg9[%arg1, %dma_start3A_615, %dma_start3A_616, %dma_start3A_617] : memref<16x2x32x512xf32, #tpu.memory_space<vmem_shared>> -> memref<1x2x32x512xf32, #tpu.memory_space<vmem_shared>>
    %dma_start3A_619 = tpu.memref_squeeze %dma_start3A_618 : memref<1x2x32x512xf32, #tpu.memory_space<vmem_shared>> -> memref<2x32x512xf32, #tpu.memory_space<vmem_shared>>
    %dma_start3A_620 = arith.constant 0 : i32
    %dma_start3A_621 = arith.constant 0 : i32
    %dma_start3A_622 = tpu.memref_slice %dma_start3A_619[%dma_start3A_609, %dma_start3A_620, %dma_start3A_621] : memref<2x32x512xf32, #tpu.memory_space<vmem_shared>> -> memref<1x32x512xf32, #tpu.memory_space<vmem_shared>>
    %dma_start3A_623 = tpu.memref_squeeze %dma_start3A_622 : memref<1x32x512xf32, #tpu.memory_space<vmem_shared>> -> memref<32x512xf32, #tpu.memory_space<vmem_shared>>
    tpu.enqueue_dma source(%dma_start3A_623 : memref<32x512xf32, #tpu.memory_space<vmem_shared>>) target(%dma_start3A_614 : memref<32x512xf32, #tpu.memory_space<hbm>>) target_semaphore(%dma_start3A_612 : memref<!tpu.dma_semaphore, #tpu.memory_space<semaphore_mem>>)
    %dma_start3A_624 = arith.constant 1 : i32
    %dma_start3A_625 = arith.constant 1 : i32
    %dma_start3A_626 = tpu.memref_slice %arg12[%dma_start3A_625] : memref<2x!tpu.dma_semaphore, #tpu.memory_space<semaphore_mem>> -> memref<1x!tpu.dma_semaphore, #tpu.memory_space<semaphore_mem>>
    %dma_start3A_627 = tpu.memref_squeeze %dma_start3A_626 : memref<1x!tpu.dma_semaphore, #tpu.memory_space<semaphore_mem>> -> memref<!tpu.dma_semaphore, #tpu.memory_space<semaphore_mem>>
    %dma_start3A_628 = arith.constant 0 : i32
    %dma_start3A_629 = arith.constant 0 : i32
    %dma_start3A_630 = arith.constant 0 : i32
    %dma_start3A_631 = tpu.memref_slice %arg9[%arg1, %dma_start3A_628, %dma_start3A_629, %dma_start3A_630] : memref<16x2x32x512xf32, #tpu.memory_space<vmem_shared>> -> memref<1x2x32x512xf32, #tpu.memory_space<vmem_shared>>
    %dma_start3A_632 = tpu.memref_squeeze %dma_start3A_631 : memref<1x2x32x512xf32, #tpu.memory_space<vmem_shared>> -> memref<2x32x512xf32, #tpu.memory_space<vmem_shared>>
    %dma_start3A_633 = arith.constant 0 : i32
    %dma_start3A_634 = arith.constant 0 : i32
    %dma_start3A_635 = tpu.memref_slice %dma_start3A_632[%dma_start3A_624, %dma_start3A_633, %dma_start3A_634] : memref<2x32x512xf32, #tpu.memory_space<vmem_shared>> -> memref<1x32x512xf32, #tpu.memory_space<vmem_shared>>
    %dma_start3A_636 = tpu.memref_squeeze %dma_start3A_635 : memref<1x32x512xf32, #tpu.memory_space<vmem_shared>> -> memref<32x512xf32, #tpu.memory_space<vmem_shared>>
    %dma_start3A_637 = arith.constant 0 : i32
    %dma_start3A_638 = tpu.memref_slice %arg2[%add3A_163, %dma_start3A_637] : memref<65536x512xf32, #tpu.memory_space<hbm>> -> memref<32x512xf32, #tpu.memory_space<hbm>>
    tpu.enqueue_dma source(%dma_start3A_638 : memref<32x512xf32, #tpu.memory_space<hbm>>) target(%dma_start3A_636 : memref<32x512xf32, #tpu.memory_space<vmem_shared>>) target_semaphore(%dma_start3A_627 : memref<!tpu.dma_semaphore, #tpu.memory_space<semaphore_mem>>)
    %dma_start3A_639 = arith.constant 1 : i32
    %dma_start3A_640 = arith.constant 1 : i32
    %dma_start3A_641 = arith.constant 0 : i32
    %dma_start3A_642 = arith.constant 0 : i32
    %dma_start3A_643 = tpu.memref_slice %arg8[%dma_start3A_639, %dma_start3A_641, %dma_start3A_642] : memref<2x64x512xf32, #tpu.memory_space<vmem>> -> memref<1x64x512xf32, #tpu.memory_space<vmem>>
    %dma_start3A_644 = tpu.memref_squeeze %dma_start3A_643 : memref<1x64x512xf32, #tpu.memory_space<vmem>> -> memref<64x512xf32, #tpu.memory_space<vmem>>
    %dma_start3A_645 = arith.constant 0 : i32
    %dma_start3A_646 = tpu.memref_slice %arg2[%mul3A_29, %dma_start3A_645] : memref<65536x512xf32, #tpu.memory_space<hbm>> -> memref<64x512xf32, #tpu.memory_space<hbm>>
    %dma_start3A_647 = tpu.memref_slice %arg10[%dma_start3A_640] : memref<2x!tpu.dma_semaphore, #tpu.memory_space<semaphore_mem>> -> memref<1x!tpu.dma_semaphore, #tpu.memory_space<semaphore_mem>>
    %dma_start3A_648 = tpu.memref_squeeze %dma_start3A_647 : memref<1x!tpu.dma_semaphore, #tpu.memory_space<semaphore_mem>> -> memref<!tpu.dma_semaphore, #tpu.memory_space<semaphore_mem>>
    %dma_start3A_649 = arith.constant 0 : i32
    %dma_start3A_650 = arith.constant 0 : i32
    %dma_start3A_651 = tpu.memref_slice %arg8[%dma_start3A_639, %dma_start3A_649, %dma_start3A_650] : memref<2x64x512xf32, #tpu.memory_space<vmem>> -> memref<1x64x512xf32, #tpu.memory_space<vmem>>
    %dma_start3A_652 = tpu.memref_squeeze %dma_start3A_651 : memref<1x64x512xf32, #tpu.memory_space<vmem>> -> memref<64x512xf32, #tpu.memory_space<vmem>>
    %dma_start3A_653 = arith.constant 0 : i32
    %dma_start3A_654 = tpu.memref_slice %arg2[%mul3A_29, %dma_start3A_653] : memref<65536x512xf32, #tpu.memory_space<hbm>> -> memref<64x512xf32, #tpu.memory_space<hbm>>
    tpu.enqueue_dma source(%dma_start3A_654 : memref<64x512xf32, #tpu.memory_space<hbm>>) target(%dma_start3A_652 : memref<64x512xf32, #tpu.memory_space<vmem>>) target_semaphore(%dma_start3A_648 : memref<!tpu.dma_semaphore, #tpu.memory_space<semaphore_mem>>)
    %dma_wait3A_655 = arith.constant 1 : i32
    %dma_wait3A_656 = arith.constant 1 : i32
    %dma_wait3A_657 = tpu.memref_slice %arg12[%dma_wait3A_656] : memref<2x!tpu.dma_semaphore, #tpu.memory_space<semaphore_mem>> -> memref<1x!tpu.dma_semaphore, #tpu.memory_space<semaphore_mem>>
    %dma_wait3A_658 = tpu.memref_squeeze %dma_wait3A_657 : memref<1x!tpu.dma_semaphore, #tpu.memory_space<semaphore_mem>> -> memref<!tpu.dma_semaphore, #tpu.memory_space<semaphore_mem>>
    %dma_wait3A_659 = arith.constant 0 : i32
    %dma_wait3A_660 = arith.constant 0 : i32
    %dma_wait3A_661 = arith.constant 0 : i32
    %dma_wait3A_662 = tpu.memref_slice %arg9[%arg1, %dma_wait3A_659, %dma_wait3A_660, %dma_wait3A_661] : memref<16x2x32x512xf32, #tpu.memory_space<vmem_shared>> -> memref<1x2x32x512xf32, #tpu.memory_space<vmem_shared>>
    %dma_wait3A_663 = tpu.memref_squeeze %dma_wait3A_662 : memref<1x2x32x512xf32, #tpu.memory_space<vmem_shared>> -> memref<2x32x512xf32, #tpu.memory_space<vmem_shared>>
    %dma_wait3A_664 = arith.constant 0 : i32
    %dma_wait3A_665 = arith.constant 0 : i32
    %dma_wait3A_666 = tpu.memref_slice %dma_wait3A_663[%dma_wait3A_655, %dma_wait3A_664, %dma_wait3A_665] : memref<2x32x512xf32, #tpu.memory_space<vmem_shared>> -> memref<1x32x512xf32, #tpu.memory_space<vmem_shared>>
    %dma_wait3A_667 = tpu.memref_squeeze %dma_wait3A_666 : memref<1x32x512xf32, #tpu.memory_space<vmem_shared>> -> memref<32x512xf32, #tpu.memory_space<vmem_shared>>
    %dma_wait3A_668 = arith.constant 0 : i32
    %dma_wait3A_669 = arith.constant 0 : i32
    %dma_wait3A_670 = tpu.memref_slice %arg2[%dma_wait3A_668, %dma_wait3A_669] : memref<65536x512xf32, #tpu.memory_space<hbm>> -> memref<32x512xf32, #tpu.memory_space<hbm>>
    tpu.wait_dma2 semaphore(%dma_wait3A_658 : memref<!tpu.dma_semaphore, #tpu.memory_space<semaphore_mem>>) src(%dma_wait3A_670 : memref<32x512xf32, #tpu.memory_space<hbm>>) dst(%dma_wait3A_667 : memref<32x512xf32, #tpu.memory_space<vmem_shared>>)
    %dma_start3A_671 = arith.constant 1 : i32
    %dma_start3A_672 = arith.constant 1 : i32
    %dma_start3A_673 = tpu.memref_slice %arg13[%dma_start3A_672] : memref<2x!tpu.dma_semaphore, #tpu.memory_space<semaphore_mem>> -> memref<1x!tpu.dma_semaphore, #tpu.memory_space<semaphore_mem>>
    %dma_start3A_674 = tpu.memref_squeeze %dma_start3A_673 : memref<1x!tpu.dma_semaphore, #tpu.memory_space<semaphore_mem>> -> memref<!tpu.dma_semaphore, #tpu.memory_space<semaphore_mem>>
    %dma_start3A_675 = arith.constant 0 : i32
    %dma_start3A_676 = tpu.memref_slice %arg5[%add3A_169, %dma_start3A_675] : memref<65536x512xf32, #tpu.memory_space<hbm>> -> memref<32x512xf32, #tpu.memory_space<hbm>>
    %dma_start3A_677 = arith.constant 0 : i32
    %dma_start3A_678 = arith.constant 0 : i32
    %dma_start3A_679 = arith.constant 0 : i32
    %dma_start3A_680 = tpu.memref_slice %arg9[%arg1, %dma_start3A_677, %dma_start3A_678, %dma_start3A_679] : memref<16x2x32x512xf32, #tpu.memory_space<vmem_shared>> -> memref<1x2x32x512xf32, #tpu.memory_space<vmem_shared>>
    %dma_start3A_681 = tpu.memref_squeeze %dma_start3A_680 : memref<1x2x32x512xf32, #tpu.memory_space<vmem_shared>> -> memref<2x32x512xf32, #tpu.memory_space<vmem_shared>>
    %dma_start3A_682 = arith.constant 0 : i32
    %dma_start3A_683 = arith.constant 0 : i32
    %dma_start3A_684 = tpu.memref_slice %dma_start3A_681[%dma_start3A_671, %dma_start3A_682, %dma_start3A_683] : memref<2x32x512xf32, #tpu.memory_space<vmem_shared>> -> memref<1x32x512xf32, #tpu.memory_space<vmem_shared>>
    %dma_start3A_685 = tpu.memref_squeeze %dma_start3A_684 : memref<1x32x512xf32, #tpu.memory_space<vmem_shared>> -> memref<32x512xf32, #tpu.memory_space<vmem_shared>>
    tpu.enqueue_dma source(%dma_start3A_685 : memref<32x512xf32, #tpu.memory_space<vmem_shared>>) target(%dma_start3A_676 : memref<32x512xf32, #tpu.memory_space<hbm>>) target_semaphore(%dma_start3A_674 : memref<!tpu.dma_semaphore, #tpu.memory_space<semaphore_mem>>)
    %dma_wait3A_686 = arith.constant 0 : i32
    %dma_wait3A_687 = arith.constant 0 : i32
    %dma_wait3A_688 = tpu.memref_slice %arg13[%dma_wait3A_687] : memref<2x!tpu.dma_semaphore, #tpu.memory_space<semaphore_mem>> -> memref<1x!tpu.dma_semaphore, #tpu.memory_space<semaphore_mem>>
    %dma_wait3A_689 = tpu.memref_squeeze %dma_wait3A_688 : memref<1x!tpu.dma_semaphore, #tpu.memory_space<semaphore_mem>> -> memref<!tpu.dma_semaphore, #tpu.memory_space<semaphore_mem>>
    %dma_wait3A_690 = arith.constant 0 : i32
    %dma_wait3A_691 = arith.constant 0 : i32
    %dma_wait3A_692 = tpu.memref_slice %arg5[%dma_wait3A_690, %dma_wait3A_691] : memref<65536x512xf32, #tpu.memory_space<hbm>> -> memref<32x512xf32, #tpu.memory_space<hbm>>
    %dma_wait3A_693 = arith.constant 0 : i32
    %dma_wait3A_694 = arith.constant 0 : i32
    %dma_wait3A_695 = arith.constant 0 : i32
    %dma_wait3A_696 = tpu.memref_slice %arg9[%arg1, %dma_wait3A_693, %dma_wait3A_694, %dma_wait3A_695] : memref<16x2x32x512xf32, #tpu.memory_space<vmem_shared>> -> memref<1x2x32x512xf32, #tpu.memory_space<vmem_shared>>
    %dma_wait3A_697 = tpu.memref_squeeze %dma_wait3A_696 : memref<1x2x32x512xf32, #tpu.memory_space<vmem_shared>> -> memref<2x32x512xf32, #tpu.memory_space<vmem_shared>>
    %dma_wait3A_698 = arith.constant 0 : i32
    %dma_wait3A_699 = arith.constant 0 : i32
    %dma_wait3A_700 = tpu.memref_slice %dma_wait3A_697[%dma_wait3A_686, %dma_wait3A_698, %dma_wait3A_699] : memref<2x32x512xf32, #tpu.memory_space<vmem_shared>> -> memref<1x32x512xf32, #tpu.memory_space<vmem_shared>>
    %dma_wait3A_701 = tpu.memref_squeeze %dma_wait3A_700 : memref<1x32x512xf32, #tpu.memory_space<vmem_shared>> -> memref<32x512xf32, #tpu.memory_space<vmem_shared>>
    tpu.wait_dma2 semaphore(%dma_wait3A_689 : memref<!tpu.dma_semaphore, #tpu.memory_space<semaphore_mem>>) src(%dma_wait3A_701 : memref<32x512xf32, #tpu.memory_space<vmem_shared>>) dst(%dma_wait3A_692 : memref<32x512xf32, #tpu.memory_space<hbm>>)
    %dma_start3A_702 = arith.constant 0 : i32
    %dma_start3A_703 = arith.constant 0 : i32
    %dma_start3A_704 = tpu.memref_slice %arg12[%dma_start3A_703] : memref<2x!tpu.dma_semaphore, #tpu.memory_space<semaphore_mem>> -> memref<1x!tpu.dma_semaphore, #tpu.memory_space<semaphore_mem>>
    %dma_start3A_705 = tpu.memref_squeeze %dma_start3A_704 : memref<1x!tpu.dma_semaphore, #tpu.memory_space<semaphore_mem>> -> memref<!tpu.dma_semaphore, #tpu.memory_space<semaphore_mem>>
    %dma_start3A_706 = arith.constant 0 : i32
    %dma_start3A_707 = arith.constant 0 : i32
    %dma_start3A_708 = arith.constant 0 : i32
    %dma_start3A_709 = tpu.memref_slice %arg9[%arg1, %dma_start3A_706, %dma_start3A_707, %dma_start3A_708] : memref<16x2x32x512xf32, #tpu.memory_space<vmem_shared>> -> memref<1x2x32x512xf32, #tpu.memory_space<vmem_shared>>
    %dma_start3A_710 = tpu.memref_squeeze %dma_start3A_709 : memref<1x2x32x512xf32, #tpu.memory_space<vmem_shared>> -> memref<2x32x512xf32, #tpu.memory_space<vmem_shared>>
    %dma_start3A_711 = arith.constant 0 : i32
    %dma_start3A_712 = arith.constant 0 : i32
    %dma_start3A_713 = tpu.memref_slice %dma_start3A_710[%dma_start3A_702, %dma_start3A_711, %dma_start3A_712] : memref<2x32x512xf32, #tpu.memory_space<vmem_shared>> -> memref<1x32x512xf32, #tpu.memory_space<vmem_shared>>
    %dma_start3A_714 = tpu.memref_squeeze %dma_start3A_713 : memref<1x32x512xf32, #tpu.memory_space<vmem_shared>> -> memref<32x512xf32, #tpu.memory_space<vmem_shared>>
    %dma_start3A_715 = arith.constant 0 : i32
    %dma_start3A_716 = tpu.memref_slice %arg2[%add3A_175, %dma_start3A_715] : memref<65536x512xf32, #tpu.memory_space<hbm>> -> memref<32x512xf32, #tpu.memory_space<hbm>>
    tpu.enqueue_dma source(%dma_start3A_716 : memref<32x512xf32, #tpu.memory_space<hbm>>) target(%dma_start3A_714 : memref<32x512xf32, #tpu.memory_space<vmem_shared>>) target_semaphore(%dma_start3A_705 : memref<!tpu.dma_semaphore, #tpu.memory_space<semaphore_mem>>)
    %dma_wait3A_717 = arith.constant 1 : i32
    %dma_wait3A_718 = arith.constant 1 : i32
    %dma_wait3A_719 = arith.constant 0 : i32
    %dma_wait3A_720 = arith.constant 0 : i32
    %dma_wait3A_721 = tpu.memref_slice %arg8[%dma_wait3A_717, %dma_wait3A_719, %dma_wait3A_720] : memref<2x64x512xf32, #tpu.memory_space<vmem>> -> memref<1x64x512xf32, #tpu.memory_space<vmem>>
    %dma_wait3A_722 = tpu.memref_squeeze %dma_wait3A_721 : memref<1x64x512xf32, #tpu.memory_space<vmem>> -> memref<64x512xf32, #tpu.memory_space<vmem>>
    %dma_wait3A_723 = arith.constant 0 : i32
    %dma_wait3A_724 = arith.constant 0 : i32
    %dma_wait3A_725 = tpu.memref_slice %arg2[%dma_wait3A_723, %dma_wait3A_724] : memref<65536x512xf32, #tpu.memory_space<hbm>> -> memref<64x512xf32, #tpu.memory_space<hbm>>
    %dma_wait3A_726 = tpu.memref_slice %arg10[%dma_wait3A_718] : memref<2x!tpu.dma_semaphore, #tpu.memory_space<semaphore_mem>> -> memref<1x!tpu.dma_semaphore, #tpu.memory_space<semaphore_mem>>
    %dma_wait3A_727 = tpu.memref_squeeze %dma_wait3A_726 : memref<1x!tpu.dma_semaphore, #tpu.memory_space<semaphore_mem>> -> memref<!tpu.dma_semaphore, #tpu.memory_space<semaphore_mem>>
    %dma_wait3A_728 = arith.constant 0 : i32
    %dma_wait3A_729 = arith.constant 0 : i32
    %dma_wait3A_730 = tpu.memref_slice %arg8[%dma_wait3A_717, %dma_wait3A_728, %dma_wait3A_729] : memref<2x64x512xf32, #tpu.memory_space<vmem>> -> memref<1x64x512xf32, #tpu.memory_space<vmem>>
    %dma_wait3A_731 = tpu.memref_squeeze %dma_wait3A_730 : memref<1x64x512xf32, #tpu.memory_space<vmem>> -> memref<64x512xf32, #tpu.memory_space<vmem>>
    %dma_wait3A_732 = arith.constant 0 : i32
    %dma_wait3A_733 = arith.constant 0 : i32
    %dma_wait3A_734 = tpu.memref_slice %arg2[%dma_wait3A_732, %dma_wait3A_733] : memref<65536x512xf32, #tpu.memory_space<hbm>> -> memref<64x512xf32, #tpu.memory_space<hbm>>
    tpu.wait_dma2 semaphore(%dma_wait3A_727 : memref<!tpu.dma_semaphore, #tpu.memory_space<semaphore_mem>>) src(%dma_wait3A_734 : memref<64x512xf32, #tpu.memory_space<hbm>>) dst(%dma_wait3A_731 : memref<64x512xf32, #tpu.memory_space<vmem>>)
    %dma_start3A_735 = arith.constant 1 : i32
    %dma_start3A_736 = arith.constant 1 : i32
    %dma_start3A_737 = arith.constant 0 : i32
    %dma_start3A_738 = arith.constant 0 : i32
    %dma_start3A_739 = tpu.memref_slice %arg8[%dma_start3A_735, %dma_start3A_737, %dma_start3A_738] : memref<2x64x512xf32, #tpu.memory_space<vmem>> -> memref<1x64x512xf32, #tpu.memory_space<vmem>>
    %dma_start3A_740 = tpu.memref_squeeze %dma_start3A_739 : memref<1x64x512xf32, #tpu.memory_space<vmem>> -> memref<64x512xf32, #tpu.memory_space<vmem>>
    %dma_start3A_741 = arith.constant 0 : i32
    %dma_start3A_742 = tpu.memref_slice %arg5[%mul3A_33, %dma_start3A_741] : memref<65536x512xf32, #tpu.memory_space<hbm>> -> memref<64x512xf32, #tpu.memory_space<hbm>>
    %dma_start3A_743 = tpu.memref_slice %arg11[%dma_start3A_736] : memref<2x!tpu.dma_semaphore, #tpu.memory_space<semaphore_mem>> -> memref<1x!tpu.dma_semaphore, #tpu.memory_space<semaphore_mem>>
    %dma_start3A_744 = tpu.memref_squeeze %dma_start3A_743 : memref<1x!tpu.dma_semaphore, #tpu.memory_space<semaphore_mem>> -> memref<!tpu.dma_semaphore, #tpu.memory_space<semaphore_mem>>
    %dma_start3A_745 = arith.constant 0 : i32
    %dma_start3A_746 = tpu.memref_slice %arg5[%mul3A_33, %dma_start3A_745] : memref<65536x512xf32, #tpu.memory_space<hbm>> -> memref<64x512xf32, #tpu.memory_space<hbm>>
    %dma_start3A_747 = arith.constant 0 : i32
    %dma_start3A_748 = arith.constant 0 : i32
    %dma_start3A_749 = tpu.memref_slice %arg8[%dma_start3A_735, %dma_start3A_747, %dma_start3A_748] : memref<2x64x512xf32, #tpu.memory_space<vmem>> -> memref<1x64x512xf32, #tpu.memory_space<vmem>>
    %dma_start3A_750 = tpu.memref_squeeze %dma_start3A_749 : memref<1x64x512xf32, #tpu.memory_space<vmem>> -> memref<64x512xf32, #tpu.memory_space<vmem>>
    tpu.enqueue_dma source(%dma_start3A_750 : memref<64x512xf32, #tpu.memory_space<vmem>>) target(%dma_start3A_746 : memref<64x512xf32, #tpu.memory_space<hbm>>) target_semaphore(%dma_start3A_744 : memref<!tpu.dma_semaphore, #tpu.memory_space<semaphore_mem>>)
    %dma_wait3A_751 = arith.constant 0 : i32
    %dma_wait3A_752 = arith.constant 0 : i32
    %dma_wait3A_753 = tpu.memref_slice %arg12[%dma_wait3A_752] : memref<2x!tpu.dma_semaphore, #tpu.memory_space<semaphore_mem>> -> memref<1x!tpu.dma_semaphore, #tpu.memory_space<semaphore_mem>>
    %dma_wait3A_754 = tpu.memref_squeeze %dma_wait3A_753 : memref<1x!tpu.dma_semaphore, #tpu.memory_space<semaphore_mem>> -> memref<!tpu.dma_semaphore, #tpu.memory_space<semaphore_mem>>
    %dma_wait3A_755 = arith.constant 0 : i32
    %dma_wait3A_756 = arith.constant 0 : i32
    %dma_wait3A_757 = arith.constant 0 : i32
    %dma_wait3A_758 = tpu.memref_slice %arg9[%arg1, %dma_wait3A_755, %dma_wait3A_756, %dma_wait3A_757] : memref<16x2x32x512xf32, #tpu.memory_space<vmem_shared>> -> memref<1x2x32x512xf32, #tpu.memory_space<vmem_shared>>
    %dma_wait3A_759 = tpu.memref_squeeze %dma_wait3A_758 : memref<1x2x32x512xf32, #tpu.memory_space<vmem_shared>> -> memref<2x32x512xf32, #tpu.memory_space<vmem_shared>>
    %dma_wait3A_760 = arith.constant 0 : i32
    %dma_wait3A_761 = arith.constant 0 : i32
    %dma_wait3A_762 = tpu.memref_slice %dma_wait3A_759[%dma_wait3A_751, %dma_wait3A_760, %dma_wait3A_761] : memref<2x32x512xf32, #tpu.memory_space<vmem_shared>> -> memref<1x32x512xf32, #tpu.memory_space<vmem_shared>>
    %dma_wait3A_763 = tpu.memref_squeeze %dma_wait3A_762 : memref<1x32x512xf32, #tpu.memory_space<vmem_shared>> -> memref<32x512xf32, #tpu.memory_space<vmem_shared>>
    %dma_wait3A_764 = arith.constant 0 : i32
    %dma_wait3A_765 = arith.constant 0 : i32
    %dma_wait3A_766 = tpu.memref_slice %arg2[%dma_wait3A_764, %dma_wait3A_765] : memref<65536x512xf32, #tpu.memory_space<hbm>> -> memref<32x512xf32, #tpu.memory_space<hbm>>
    tpu.wait_dma2 semaphore(%dma_wait3A_754 : memref<!tpu.dma_semaphore, #tpu.memory_space<semaphore_mem>>) src(%dma_wait3A_766 : memref<32x512xf32, #tpu.memory_space<hbm>>) dst(%dma_wait3A_763 : memref<32x512xf32, #tpu.memory_space<vmem_shared>>)
    %dma_start3A_767 = arith.constant 0 : i32
    %dma_start3A_768 = arith.constant 0 : i32
    %dma_start3A_769 = tpu.memref_slice %arg13[%dma_start3A_768] : memref<2x!tpu.dma_semaphore, #tpu.memory_space<semaphore_mem>> -> memref<1x!tpu.dma_semaphore, #tpu.memory_space<semaphore_mem>>
    %dma_start3A_770 = tpu.memref_squeeze %dma_start3A_769 : memref<1x!tpu.dma_semaphore, #tpu.memory_space<semaphore_mem>> -> memref<!tpu.dma_semaphore, #tpu.memory_space<semaphore_mem>>
    %dma_start3A_771 = arith.constant 0 : i32
    %dma_start3A_772 = tpu.memref_slice %arg5[%add3A_181, %dma_start3A_771] : memref<65536x512xf32, #tpu.memory_space<hbm>> -> memref<32x512xf32, #tpu.memory_space<hbm>>
    %dma_start3A_773 = arith.constant 0 : i32
    %dma_start3A_774 = arith.constant 0 : i32
    %dma_start3A_775 = arith.constant 0 : i32
    %dma_start3A_776 = tpu.memref_slice %arg9[%arg1, %dma_start3A_773, %dma_start3A_774, %dma_start3A_775] : memref<16x2x32x512xf32, #tpu.memory_space<vmem_shared>> -> memref<1x2x32x512xf32, #tpu.memory_space<vmem_shared>>
    %dma_start3A_777 = tpu.memref_squeeze %dma_start3A_776 : memref<1x2x32x512xf32, #tpu.memory_space<vmem_shared>> -> memref<2x32x512xf32, #tpu.memory_space<vmem_shared>>
    %dma_start3A_778 = arith.constant 0 : i32
    %dma_start3A_779 = arith.constant 0 : i32
    %dma_start3A_780 = tpu.memref_slice %dma_start3A_777[%dma_start3A_767, %dma_start3A_778, %dma_start3A_779] : memref<2x32x512xf32, #tpu.memory_space<vmem_shared>> -> memref<1x32x512xf32, #tpu.memory_space<vmem_shared>>
    %dma_start3A_781 = tpu.memref_squeeze %dma_start3A_780 : memref<1x32x512xf32, #tpu.memory_space<vmem_shared>> -> memref<32x512xf32, #tpu.memory_space<vmem_shared>>
    tpu.enqueue_dma source(%dma_start3A_781 : memref<32x512xf32, #tpu.memory_space<vmem_shared>>) target(%dma_start3A_772 : memref<32x512xf32, #tpu.memory_space<hbm>>) target_semaphore(%dma_start3A_770 : memref<!tpu.dma_semaphore, #tpu.memory_space<semaphore_mem>>)
    %dma_wait3A_782 = arith.constant 1 : i32
    %dma_wait3A_783 = arith.constant 1 : i32
    %dma_wait3A_784 = tpu.memref_slice %arg13[%dma_wait3A_783] : memref<2x!tpu.dma_semaphore, #tpu.memory_space<semaphore_mem>> -> memref<1x!tpu.dma_semaphore, #tpu.memory_space<semaphore_mem>>
    %dma_wait3A_785 = tpu.memref_squeeze %dma_wait3A_784 : memref<1x!tpu.dma_semaphore, #tpu.memory_space<semaphore_mem>> -> memref<!tpu.dma_semaphore, #tpu.memory_space<semaphore_mem>>
    %dma_wait3A_786 = arith.constant 0 : i32
    %dma_wait3A_787 = arith.constant 0 : i32
    %dma_wait3A_788 = tpu.memref_slice %arg5[%dma_wait3A_786, %dma_wait3A_787] : memref<65536x512xf32, #tpu.memory_space<hbm>> -> memref<32x512xf32, #tpu.memory_space<hbm>>
    %dma_wait3A_789 = arith.constant 0 : i32
    %dma_wait3A_790 = arith.constant 0 : i32
    %dma_wait3A_791 = arith.constant 0 : i32
    %dma_wait3A_792 = tpu.memref_slice %arg9[%arg1, %dma_wait3A_789, %dma_wait3A_790, %dma_wait3A_791] : memref<16x2x32x512xf32, #tpu.memory_space<vmem_shared>> -> memref<1x2x32x512xf32, #tpu.memory_space<vmem_shared>>
    %dma_wait3A_793 = tpu.memref_squeeze %dma_wait3A_792 : memref<1x2x32x512xf32, #tpu.memory_space<vmem_shared>> -> memref<2x32x512xf32, #tpu.memory_space<vmem_shared>>
    %dma_wait3A_794 = arith.constant 0 : i32
    %dma_wait3A_795 = arith.constant 0 : i32
    %dma_wait3A_796 = tpu.memref_slice %dma_wait3A_793[%dma_wait3A_782, %dma_wait3A_794, %dma_wait3A_795] : memref<2x32x512xf32, #tpu.memory_space<vmem_shared>> -> memref<1x32x512xf32, #tpu.memory_space<vmem_shared>>
    %dma_wait3A_797 = tpu.memref_squeeze %dma_wait3A_796 : memref<1x32x512xf32, #tpu.memory_space<vmem_shared>> -> memref<32x512xf32, #tpu.memory_space<vmem_shared>>
    tpu.wait_dma2 semaphore(%dma_wait3A_785 : memref<!tpu.dma_semaphore, #tpu.memory_space<semaphore_mem>>) src(%dma_wait3A_797 : memref<32x512xf32, #tpu.memory_space<vmem_shared>>) dst(%dma_wait3A_788 : memref<32x512xf32, #tpu.memory_space<hbm>>)
    %dma_start3A_798 = arith.constant 1 : i32
    %dma_start3A_799 = arith.constant 1 : i32
    %dma_start3A_800 = tpu.memref_slice %arg12[%dma_start3A_799] : memref<2x!tpu.dma_semaphore, #tpu.memory_space<semaphore_mem>> -> memref<1x!tpu.dma_semaphore, #tpu.memory_space<semaphore_mem>>
    %dma_start3A_801 = tpu.memref_squeeze %dma_start3A_800 : memref<1x!tpu.dma_semaphore, #tpu.memory_space<semaphore_mem>> -> memref<!tpu.dma_semaphore, #tpu.memory_space<semaphore_mem>>
    %dma_start3A_802 = arith.constant 0 : i32
    %dma_start3A_803 = arith.constant 0 : i32
    %dma_start3A_804 = arith.constant 0 : i32
    %dma_start3A_805 = tpu.memref_slice %arg9[%arg1, %dma_start3A_802, %dma_start3A_803, %dma_start3A_804] : memref<16x2x32x512xf32, #tpu.memory_space<vmem_shared>> -> memref<1x2x32x512xf32, #tpu.memory_space<vmem_shared>>
    %dma_start3A_806 = tpu.memref_squeeze %dma_start3A_805 : memref<1x2x32x512xf32, #tpu.memory_space<vmem_shared>> -> memref<2x32x512xf32, #tpu.memory_space<vmem_shared>>
    %dma_start3A_807 = arith.constant 0 : i32
    %dma_start3A_808 = arith.constant 0 : i32
    %dma_start3A_809 = tpu.memref_slice %dma_start3A_806[%dma_start3A_798, %dma_start3A_807, %dma_start3A_808] : memref<2x32x512xf32, #tpu.memory_space<vmem_shared>> -> memref<1x32x512xf32, #tpu.memory_space<vmem_shared>>
    %dma_start3A_810 = tpu.memref_squeeze %dma_start3A_809 : memref<1x32x512xf32, #tpu.memory_space<vmem_shared>> -> memref<32x512xf32, #tpu.memory_space<vmem_shared>>
    %dma_start3A_811 = arith.constant 0 : i32
    %dma_start3A_812 = tpu.memref_slice %arg2[%add3A_187, %dma_start3A_811] : memref<65536x512xf32, #tpu.memory_space<hbm>> -> memref<32x512xf32, #tpu.memory_space<hbm>>
    tpu.enqueue_dma source(%dma_start3A_812 : memref<32x512xf32, #tpu.memory_space<hbm>>) target(%dma_start3A_810 : memref<32x512xf32, #tpu.memory_space<vmem_shared>>) target_semaphore(%dma_start3A_801 : memref<!tpu.dma_semaphore, #tpu.memory_space<semaphore_mem>>)
    %dma_wait3A_813 = arith.constant 0 : i32
    %dma_wait3A_814 = arith.constant 0 : i32
    %dma_wait3A_815 = arith.constant 0 : i32
    %dma_wait3A_816 = arith.constant 0 : i32
    %dma_wait3A_817 = tpu.memref_slice %arg8[%dma_wait3A_813, %dma_wait3A_815, %dma_wait3A_816] : memref<2x64x512xf32, #tpu.memory_space<vmem>> -> memref<1x64x512xf32, #tpu.memory_space<vmem>>
    %dma_wait3A_818 = tpu.memref_squeeze %dma_wait3A_817 : memref<1x64x512xf32, #tpu.memory_space<vmem>> -> memref<64x512xf32, #tpu.memory_space<vmem>>
    %dma_wait3A_819 = arith.constant 0 : i32
    %dma_wait3A_820 = arith.constant 0 : i32
    %dma_wait3A_821 = tpu.memref_slice %arg5[%dma_wait3A_819, %dma_wait3A_820] : memref<65536x512xf32, #tpu.memory_space<hbm>> -> memref<64x512xf32, #tpu.memory_space<hbm>>
    %dma_wait3A_822 = tpu.memref_slice %arg11[%dma_wait3A_814] : memref<2x!tpu.dma_semaphore, #tpu.memory_space<semaphore_mem>> -> memref<1x!tpu.dma_semaphore, #tpu.memory_space<semaphore_mem>>
    %dma_wait3A_823 = tpu.memref_squeeze %dma_wait3A_822 : memref<1x!tpu.dma_semaphore, #tpu.memory_space<semaphore_mem>> -> memref<!tpu.dma_semaphore, #tpu.memory_space<semaphore_mem>>
    %dma_wait3A_824 = arith.constant 0 : i32
    %dma_wait3A_825 = arith.constant 0 : i32
    %dma_wait3A_826 = tpu.memref_slice %arg5[%dma_wait3A_824, %dma_wait3A_825] : memref<65536x512xf32, #tpu.memory_space<hbm>> -> memref<64x512xf32, #tpu.memory_space<hbm>>
    %dma_wait3A_827 = arith.constant 0 : i32
    %dma_wait3A_828 = arith.constant 0 : i32
    %dma_wait3A_829 = tpu.memref_slice %arg8[%dma_wait3A_813, %dma_wait3A_827, %dma_wait3A_828] : memref<2x64x512xf32, #tpu.memory_space<vmem>> -> memref<1x64x512xf32, #tpu.memory_space<vmem>>
    %dma_wait3A_830 = tpu.memref_squeeze %dma_wait3A_829 : memref<1x64x512xf32, #tpu.memory_space<vmem>> -> memref<64x512xf32, #tpu.memory_space<vmem>>
    tpu.wait_dma2 semaphore(%dma_wait3A_823 : memref<!tpu.dma_semaphore, #tpu.memory_space<semaphore_mem>>) src(%dma_wait3A_830 : memref<64x512xf32, #tpu.memory_space<vmem>>) dst(%dma_wait3A_826 : memref<64x512xf32, #tpu.memory_space<hbm>>)
    %dma_start3A_831 = arith.constant 0 : i32
    %dma_start3A_832 = arith.constant 0 : i32
    %dma_start3A_833 = arith.constant 0 : i32
    %dma_start3A_834 = arith.constant 0 : i32
    %dma_start3A_835 = tpu.memref_slice %arg8[%dma_start3A_831, %dma_start3A_833, %dma_start3A_834] : memref<2x64x512xf32, #tpu.memory_space<vmem>> -> memref<1x64x512xf32, #tpu.memory_space<vmem>>
    %dma_start3A_836 = tpu.memref_squeeze %dma_start3A_835 : memref<1x64x512xf32, #tpu.memory_space<vmem>> -> memref<64x512xf32, #tpu.memory_space<vmem>>
    %dma_start3A_837 = arith.constant 0 : i32
    %dma_start3A_838 = tpu.memref_slice %arg2[%mul3A_37, %dma_start3A_837] : memref<65536x512xf32, #tpu.memory_space<hbm>> -> memref<64x512xf32, #tpu.memory_space<hbm>>
    %dma_start3A_839 = tpu.memref_slice %arg10[%dma_start3A_832] : memref<2x!tpu.dma_semaphore, #tpu.memory_space<semaphore_mem>> -> memref<1x!tpu.dma_semaphore, #tpu.memory_space<semaphore_mem>>
    %dma_start3A_840 = tpu.memref_squeeze %dma_start3A_839 : memref<1x!tpu.dma_semaphore, #tpu.memory_space<semaphore_mem>> -> memref<!tpu.dma_semaphore, #tpu.memory_space<semaphore_mem>>
    %dma_start3A_841 = arith.constant 0 : i32
    %dma_start3A_842 = arith.constant 0 : i32
    %dma_start3A_843 = tpu.memref_slice %arg8[%dma_start3A_831, %dma_start3A_841, %dma_start3A_842] : memref<2x64x512xf32, #tpu.memory_space<vmem>> -> memref<1x64x512xf32, #tpu.memory_space<vmem>>
    %dma_start3A_844 = tpu.memref_squeeze %dma_start3A_843 : memref<1x64x512xf32, #tpu.memory_space<vmem>> -> memref<64x512xf32, #tpu.memory_space<vmem>>
    %dma_start3A_845 = arith.constant 0 : i32
    %dma_start3A_846 = tpu.memref_slice %arg2[%mul3A_37, %dma_start3A_845] : memref<65536x512xf32, #tpu.memory_space<hbm>> -> memref<64x512xf32, #tpu.memory_space<hbm>>
    tpu.enqueue_dma source(%dma_start3A_846 : memref<64x512xf32, #tpu.memory_space<hbm>>) target(%dma_start3A_844 : memref<64x512xf32, #tpu.memory_space<vmem>>) target_semaphore(%dma_start3A_840 : memref<!tpu.dma_semaphore, #tpu.memory_space<semaphore_mem>>)
    %dma_wait3A_847 = arith.constant 1 : i32
    %dma_wait3A_848 = arith.constant 1 : i32
    %dma_wait3A_849 = tpu.memref_slice %arg12[%dma_wait3A_848] : memref<2x!tpu.dma_semaphore, #tpu.memory_space<semaphore_mem>> -> memref<1x!tpu.dma_semaphore, #tpu.memory_space<semaphore_mem>>
    %dma_wait3A_850 = tpu.memref_squeeze %dma_wait3A_849 : memref<1x!tpu.dma_semaphore, #tpu.memory_space<semaphore_mem>> -> memref<!tpu.dma_semaphore, #tpu.memory_space<semaphore_mem>>
    %dma_wait3A_851 = arith.constant 0 : i32
    %dma_wait3A_852 = arith.constant 0 : i32
    %dma_wait3A_853 = arith.constant 0 : i32
    %dma_wait3A_854 = tpu.memref_slice %arg9[%arg1, %dma_wait3A_851, %dma_wait3A_852, %dma_wait3A_853] : memref<16x2x32x512xf32, #tpu.memory_space<vmem_shared>> -> memref<1x2x32x512xf32, #tpu.memory_space<vmem_shared>>
    %dma_wait3A_855 = tpu.memref_squeeze %dma_wait3A_854 : memref<1x2x32x512xf32, #tpu.memory_space<vmem_shared>> -> memref<2x32x512xf32, #tpu.memory_space<vmem_shared>>
    %dma_wait3A_856 = arith.constant 0 : i32
    %dma_wait3A_857 = arith.constant 0 : i32
    %dma_wait3A_858 = tpu.memref_slice %dma_wait3A_855[%dma_wait3A_847, %dma_wait3A_856, %dma_wait3A_857] : memref<2x32x512xf32, #tpu.memory_space<vmem_shared>> -> memref<1x32x512xf32, #tpu.memory_space<vmem_shared>>
    %dma_wait3A_859 = tpu.memref_squeeze %dma_wait3A_858 : memref<1x32x512xf32, #tpu.memory_space<vmem_shared>> -> memref<32x512xf32, #tpu.memory_space<vmem_shared>>
    %dma_wait3A_860 = arith.constant 0 : i32
    %dma_wait3A_861 = arith.constant 0 : i32
    %dma_wait3A_862 = tpu.memref_slice %arg2[%dma_wait3A_860, %dma_wait3A_861] : memref<65536x512xf32, #tpu.memory_space<hbm>> -> memref<32x512xf32, #tpu.memory_space<hbm>>
    tpu.wait_dma2 semaphore(%dma_wait3A_850 : memref<!tpu.dma_semaphore, #tpu.memory_space<semaphore_mem>>) src(%dma_wait3A_862 : memref<32x512xf32, #tpu.memory_space<hbm>>) dst(%dma_wait3A_859 : memref<32x512xf32, #tpu.memory_space<vmem_shared>>)
    %dma_start3A_863 = arith.constant 1 : i32
    %dma_start3A_864 = arith.constant 1 : i32
    %dma_start3A_865 = tpu.memref_slice %arg13[%dma_start3A_864] : memref<2x!tpu.dma_semaphore, #tpu.memory_space<semaphore_mem>> -> memref<1x!tpu.dma_semaphore, #tpu.memory_space<semaphore_mem>>
    %dma_start3A_866 = tpu.memref_squeeze %dma_start3A_865 : memref<1x!tpu.dma_semaphore, #tpu.memory_space<semaphore_mem>> -> memref<!tpu.dma_semaphore, #tpu.memory_space<semaphore_mem>>
    %dma_start3A_867 = arith.constant 0 : i32
    %dma_start3A_868 = tpu.memref_slice %arg5[%add3A_193, %dma_start3A_867] : memref<65536x512xf32, #tpu.memory_space<hbm>> -> memref<32x512xf32, #tpu.memory_space<hbm>>
    %dma_start3A_869 = arith.constant 0 : i32
    %dma_start3A_870 = arith.constant 0 : i32
    %dma_start3A_871 = arith.constant 0 : i32
    %dma_start3A_872 = tpu.memref_slice %arg9[%arg1, %dma_start3A_869, %dma_start3A_870, %dma_start3A_871] : memref<16x2x32x512xf32, #tpu.memory_space<vmem_shared>> -> memref<1x2x32x512xf32, #tpu.memory_space<vmem_shared>>
    %dma_start3A_873 = tpu.memref_squeeze %dma_start3A_872 : memref<1x2x32x512xf32, #tpu.memory_space<vmem_shared>> -> memref<2x32x512xf32, #tpu.memory_space<vmem_shared>>
    %dma_start3A_874 = arith.constant 0 : i32
    %dma_start3A_875 = arith.constant 0 : i32
    %dma_start3A_876 = tpu.memref_slice %dma_start3A_873[%dma_start3A_863, %dma_start3A_874, %dma_start3A_875] : memref<2x32x512xf32, #tpu.memory_space<vmem_shared>> -> memref<1x32x512xf32, #tpu.memory_space<vmem_shared>>
    %dma_start3A_877 = tpu.memref_squeeze %dma_start3A_876 : memref<1x32x512xf32, #tpu.memory_space<vmem_shared>> -> memref<32x512xf32, #tpu.memory_space<vmem_shared>>
    tpu.enqueue_dma source(%dma_start3A_877 : memref<32x512xf32, #tpu.memory_space<vmem_shared>>) target(%dma_start3A_868 : memref<32x512xf32, #tpu.memory_space<hbm>>) target_semaphore(%dma_start3A_866 : memref<!tpu.dma_semaphore, #tpu.memory_space<semaphore_mem>>)
    %dma_wait3A_878 = arith.constant 0 : i32
    %dma_wait3A_879 = arith.constant 0 : i32
    %dma_wait3A_880 = tpu.memref_slice %arg13[%dma_wait3A_879] : memref<2x!tpu.dma_semaphore, #tpu.memory_space<semaphore_mem>> -> memref<1x!tpu.dma_semaphore, #tpu.memory_space<semaphore_mem>>
    %dma_wait3A_881 = tpu.memref_squeeze %dma_wait3A_880 : memref<1x!tpu.dma_semaphore, #tpu.memory_space<semaphore_mem>> -> memref<!tpu.dma_semaphore, #tpu.memory_space<semaphore_mem>>
    %dma_wait3A_882 = arith.constant 0 : i32
    %dma_wait3A_883 = arith.constant 0 : i32
    %dma_wait3A_884 = tpu.memref_slice %arg5[%dma_wait3A_882, %dma_wait3A_883] : memref<65536x512xf32, #tpu.memory_space<hbm>> -> memref<32x512xf32, #tpu.memory_space<hbm>>
    %dma_wait3A_885 = arith.constant 0 : i32
    %dma_wait3A_886 = arith.constant 0 : i32
    %dma_wait3A_887 = arith.constant 0 : i32
    %dma_wait3A_888 = tpu.memref_slice %arg9[%arg1, %dma_wait3A_885, %dma_wait3A_886, %dma_wait3A_887] : memref<16x2x32x512xf32, #tpu.memory_space<vmem_shared>> -> memref<1x2x32x512xf32, #tpu.memory_space<vmem_shared>>
    %dma_wait3A_889 = tpu.memref_squeeze %dma_wait3A_888 : memref<1x2x32x512xf32, #tpu.memory_space<vmem_shared>> -> memref<2x32x512xf32, #tpu.memory_space<vmem_shared>>
    %dma_wait3A_890 = arith.constant 0 : i32
    %dma_wait3A_891 = arith.constant 0 : i32
    %dma_wait3A_892 = tpu.memref_slice %dma_wait3A_889[%dma_wait3A_878, %dma_wait3A_890, %dma_wait3A_891] : memref<2x32x512xf32, #tpu.memory_space<vmem_shared>> -> memref<1x32x512xf32, #tpu.memory_space<vmem_shared>>
    %dma_wait3A_893 = tpu.memref_squeeze %dma_wait3A_892 : memref<1x32x512xf32, #tpu.memory_space<vmem_shared>> -> memref<32x512xf32, #tpu.memory_space<vmem_shared>>
    tpu.wait_dma2 semaphore(%dma_wait3A_881 : memref<!tpu.dma_semaphore, #tpu.memory_space<semaphore_mem>>) src(%dma_wait3A_893 : memref<32x512xf32, #tpu.memory_space<vmem_shared>>) dst(%dma_wait3A_884 : memref<32x512xf32, #tpu.memory_space<hbm>>)
    %dma_start3A_894 = arith.constant 0 : i32
    %dma_start3A_895 = arith.constant 0 : i32
    %dma_start3A_896 = tpu.memref_slice %arg12[%dma_start3A_895] : memref<2x!tpu.dma_semaphore, #tpu.memory_space<semaphore_mem>> -> memref<1x!tpu.dma_semaphore, #tpu.memory_space<semaphore_mem>>
    %dma_start3A_897 = tpu.memref_squeeze %dma_start3A_896 : memref<1x!tpu.dma_semaphore, #tpu.memory_space<semaphore_mem>> -> memref<!tpu.dma_semaphore, #tpu.memory_space<semaphore_mem>>
    %dma_start3A_898 = arith.constant 0 : i32
    %dma_start3A_899 = arith.constant 0 : i32
    %dma_start3A_900 = arith.constant 0 : i32
    %dma_start3A_901 = tpu.memref_slice %arg9[%arg1, %dma_start3A_898, %dma_start3A_899, %dma_start3A_900] : memref<16x2x32x512xf32, #tpu.memory_space<vmem_shared>> -> memref<1x2x32x512xf32, #tpu.memory_space<vmem_shared>>
    %dma_start3A_902 = tpu.memref_squeeze %dma_start3A_901 : memref<1x2x32x512xf32, #tpu.memory_space<vmem_shared>> -> memref<2x32x512xf32, #tpu.memory_space<vmem_shared>>
    %dma_start3A_903 = arith.constant 0 : i32
    %dma_start3A_904 = arith.constant 0 : i32
    %dma_start3A_905 = tpu.memref_slice %dma_start3A_902[%dma_start3A_894, %dma_start3A_903, %dma_start3A_904] : memref<2x32x512xf32, #tpu.memory_space<vmem_shared>> -> memref<1x32x512xf32, #tpu.memory_space<vmem_shared>>
    %dma_start3A_906 = tpu.memref_squeeze %dma_start3A_905 : memref<1x32x512xf32, #tpu.memory_space<vmem_shared>> -> memref<32x512xf32, #tpu.memory_space<vmem_shared>>
    %dma_start3A_907 = arith.constant 0 : i32
    %dma_start3A_908 = tpu.memref_slice %arg2[%add3A_199, %dma_start3A_907] : memref<65536x512xf32, #tpu.memory_space<hbm>> -> memref<32x512xf32, #tpu.memory_space<hbm>>
    tpu.enqueue_dma source(%dma_start3A_908 : memref<32x512xf32, #tpu.memory_space<hbm>>) target(%dma_start3A_906 : memref<32x512xf32, #tpu.memory_space<vmem_shared>>) target_semaphore(%dma_start3A_897 : memref<!tpu.dma_semaphore, #tpu.memory_space<semaphore_mem>>)
    %dma_wait3A_909 = arith.constant 0 : i32
    %dma_wait3A_910 = arith.constant 0 : i32
    %dma_wait3A_911 = arith.constant 0 : i32
    %dma_wait3A_912 = arith.constant 0 : i32
    %dma_wait3A_913 = tpu.memref_slice %arg8[%dma_wait3A_909, %dma_wait3A_911, %dma_wait3A_912] : memref<2x64x512xf32, #tpu.memory_space<vmem>> -> memref<1x64x512xf32, #tpu.memory_space<vmem>>
    %dma_wait3A_914 = tpu.memref_squeeze %dma_wait3A_913 : memref<1x64x512xf32, #tpu.memory_space<vmem>> -> memref<64x512xf32, #tpu.memory_space<vmem>>
    %dma_wait3A_915 = arith.constant 0 : i32
    %dma_wait3A_916 = arith.constant 0 : i32
    %dma_wait3A_917 = tpu.memref_slice %arg2[%dma_wait3A_915, %dma_wait3A_916] : memref<65536x512xf32, #tpu.memory_space<hbm>> -> memref<64x512xf32, #tpu.memory_space<hbm>>
    %dma_wait3A_918 = tpu.memref_slice %arg10[%dma_wait3A_910] : memref<2x!tpu.dma_semaphore, #tpu.memory_space<semaphore_mem>> -> memref<1x!tpu.dma_semaphore, #tpu.memory_space<semaphore_mem>>
    %dma_wait3A_919 = tpu.memref_squeeze %dma_wait3A_918 : memref<1x!tpu.dma_semaphore, #tpu.memory_space<semaphore_mem>> -> memref<!tpu.dma_semaphore, #tpu.memory_space<semaphore_mem>>
    %dma_wait3A_920 = arith.constant 0 : i32
    %dma_wait3A_921 = arith.constant 0 : i32
    %dma_wait3A_922 = tpu.memref_slice %arg8[%dma_wait3A_909, %dma_wait3A_920, %dma_wait3A_921] : memref<2x64x512xf32, #tpu.memory_space<vmem>> -> memref<1x64x512xf32, #tpu.memory_space<vmem>>
    %dma_wait3A_923 = tpu.memref_squeeze %dma_wait3A_922 : memref<1x64x512xf32, #tpu.memory_space<vmem>> -> memref<64x512xf32, #tpu.memory_space<vmem>>
    %dma_wait3A_924 = arith.constant 0 : i32
    %dma_wait3A_925 = arith.constant 0 : i32
    %dma_wait3A_926 = tpu.memref_slice %arg2[%dma_wait3A_924, %dma_wait3A_925] : memref<65536x512xf32, #tpu.memory_space<hbm>> -> memref<64x512xf32, #tpu.memory_space<hbm>>
    tpu.wait_dma2 semaphore(%dma_wait3A_919 : memref<!tpu.dma_semaphore, #tpu.memory_space<semaphore_mem>>) src(%dma_wait3A_926 : memref<64x512xf32, #tpu.memory_space<hbm>>) dst(%dma_wait3A_923 : memref<64x512xf32, #tpu.memory_space<vmem>>)
    %dma_start3A_927 = arith.constant 0 : i32
    %dma_start3A_928 = arith.constant 0 : i32
    %dma_start3A_929 = arith.constant 0 : i32
    %dma_start3A_930 = arith.constant 0 : i32
    %dma_start3A_931 = tpu.memref_slice %arg8[%dma_start3A_927, %dma_start3A_929, %dma_start3A_930] : memref<2x64x512xf32, #tpu.memory_space<vmem>> -> memref<1x64x512xf32, #tpu.memory_space<vmem>>
    %dma_start3A_932 = tpu.memref_squeeze %dma_start3A_931 : memref<1x64x512xf32, #tpu.memory_space<vmem>> -> memref<64x512xf32, #tpu.memory_space<vmem>>
    %dma_start3A_933 = arith.constant 0 : i32
    %dma_start3A_934 = tpu.memref_slice %arg5[%mul3A_41, %dma_start3A_933] : memref<65536x512xf32, #tpu.memory_space<hbm>> -> memref<64x512xf32, #tpu.memory_space<hbm>>
    %dma_start3A_935 = tpu.memref_slice %arg11[%dma_start3A_928] : memref<2x!tpu.dma_semaphore, #tpu.memory_space<semaphore_mem>> -> memref<1x!tpu.dma_semaphore, #tpu.memory_space<semaphore_mem>>
    %dma_start3A_936 = tpu.memref_squeeze %dma_start3A_935 : memref<1x!tpu.dma_semaphore, #tpu.memory_space<semaphore_mem>> -> memref<!tpu.dma_semaphore, #tpu.memory_space<semaphore_mem>>
    %dma_start3A_937 = arith.constant 0 : i32
    %dma_start3A_938 = tpu.memref_slice %arg5[%mul3A_41, %dma_start3A_937] : memref<65536x512xf32, #tpu.memory_space<hbm>> -> memref<64x512xf32, #tpu.memory_space<hbm>>
    %dma_start3A_939 = arith.constant 0 : i32
    %dma_start3A_940 = arith.constant 0 : i32
    %dma_start3A_941 = tpu.memref_slice %arg8[%dma_start3A_927, %dma_start3A_939, %dma_start3A_940] : memref<2x64x512xf32, #tpu.memory_space<vmem>> -> memref<1x64x512xf32, #tpu.memory_space<vmem>>
    %dma_start3A_942 = tpu.memref_squeeze %dma_start3A_941 : memref<1x64x512xf32, #tpu.memory_space<vmem>> -> memref<64x512xf32, #tpu.memory_space<vmem>>
    tpu.enqueue_dma source(%dma_start3A_942 : memref<64x512xf32, #tpu.memory_space<vmem>>) target(%dma_start3A_938 : memref<64x512xf32, #tpu.memory_space<hbm>>) target_semaphore(%dma_start3A_936 : memref<!tpu.dma_semaphore, #tpu.memory_space<semaphore_mem>>)
    %dma_wait3A_943 = arith.constant 0 : i32
    %dma_wait3A_944 = arith.constant 0 : i32
    %dma_wait3A_945 = tpu.memref_slice %arg12[%dma_wait3A_944] : memref<2x!tpu.dma_semaphore, #tpu.memory_space<semaphore_mem>> -> memref<1x!tpu.dma_semaphore, #tpu.memory_space<semaphore_mem>>
    %dma_wait3A_946 = tpu.memref_squeeze %dma_wait3A_945 : memref<1x!tpu.dma_semaphore, #tpu.memory_space<semaphore_mem>> -> memref<!tpu.dma_semaphore, #tpu.memory_space<semaphore_mem>>
    %dma_wait3A_947 = arith.constant 0 : i32
    %dma_wait3A_948 = arith.constant 0 : i32
    %dma_wait3A_949 = arith.constant 0 : i32
    %dma_wait3A_950 = tpu.memref_slice %arg9[%arg1, %dma_wait3A_947, %dma_wait3A_948, %dma_wait3A_949] : memref<16x2x32x512xf32, #tpu.memory_space<vmem_shared>> -> memref<1x2x32x512xf32, #tpu.memory_space<vmem_shared>>
    %dma_wait3A_951 = tpu.memref_squeeze %dma_wait3A_950 : memref<1x2x32x512xf32, #tpu.memory_space<vmem_shared>> -> memref<2x32x512xf32, #tpu.memory_space<vmem_shared>>
    %dma_wait3A_952 = arith.constant 0 : i32
    %dma_wait3A_953 = arith.constant 0 : i32
    %dma_wait3A_954 = tpu.memref_slice %dma_wait3A_951[%dma_wait3A_943, %dma_wait3A_952, %dma_wait3A_953] : memref<2x32x512xf32, #tpu.memory_space<vmem_shared>> -> memref<1x32x512xf32, #tpu.memory_space<vmem_shared>>
    %dma_wait3A_955 = tpu.memref_squeeze %dma_wait3A_954 : memref<1x32x512xf32, #tpu.memory_space<vmem_shared>> -> memref<32x512xf32, #tpu.memory_space<vmem_shared>>
    %dma_wait3A_956 = arith.constant 0 : i32
    %dma_wait3A_957 = arith.constant 0 : i32
    %dma_wait3A_958 = tpu.memref_slice %arg2[%dma_wait3A_956, %dma_wait3A_957] : memref<65536x512xf32, #tpu.memory_space<hbm>> -> memref<32x512xf32, #tpu.memory_space<hbm>>
    tpu.wait_dma2 semaphore(%dma_wait3A_946 : memref<!tpu.dma_semaphore, #tpu.memory_space<semaphore_mem>>) src(%dma_wait3A_958 : memref<32x512xf32, #tpu.memory_space<hbm>>) dst(%dma_wait3A_955 : memref<32x512xf32, #tpu.memory_space<vmem_shared>>)
    %dma_start3A_959 = arith.constant 0 : i32
    %dma_start3A_960 = arith.constant 0 : i32
    %dma_start3A_961 = tpu.memref_slice %arg13[%dma_start3A_960] : memref<2x!tpu.dma_semaphore, #tpu.memory_space<semaphore_mem>> -> memref<1x!tpu.dma_semaphore, #tpu.memory_space<semaphore_mem>>
    %dma_start3A_962 = tpu.memref_squeeze %dma_start3A_961 : memref<1x!tpu.dma_semaphore, #tpu.memory_space<semaphore_mem>> -> memref<!tpu.dma_semaphore, #tpu.memory_space<semaphore_mem>>
    %dma_start3A_963 = arith.constant 0 : i32
    %dma_start3A_964 = tpu.memref_slice %arg5[%add3A_205, %dma_start3A_963] : memref<65536x512xf32, #tpu.memory_space<hbm>> -> memref<32x512xf32, #tpu.memory_space<hbm>>
    %dma_start3A_965 = arith.constant 0 : i32
    %dma_start3A_966 = arith.constant 0 : i32
    %dma_start3A_967 = arith.constant 0 : i32
    %dma_start3A_968 = tpu.memref_slice %arg9[%arg1, %dma_start3A_965, %dma_start3A_966, %dma_start3A_967] : memref<16x2x32x512xf32, #tpu.memory_space<vmem_shared>> -> memref<1x2x32x512xf32, #tpu.memory_space<vmem_shared>>
    %dma_start3A_969 = tpu.memref_squeeze %dma_start3A_968 : memref<1x2x32x512xf32, #tpu.memory_space<vmem_shared>> -> memref<2x32x512xf32, #tpu.memory_space<vmem_shared>>
    %dma_start3A_970 = arith.constant 0 : i32
    %dma_start3A_971 = arith.constant 0 : i32
    %dma_start3A_972 = tpu.memref_slice %dma_start3A_969[%dma_start3A_959, %dma_start3A_970, %dma_start3A_971] : memref<2x32x512xf32, #tpu.memory_space<vmem_shared>> -> memref<1x32x512xf32, #tpu.memory_space<vmem_shared>>
    %dma_start3A_973 = tpu.memref_squeeze %dma_start3A_972 : memref<1x32x512xf32, #tpu.memory_space<vmem_shared>> -> memref<32x512xf32, #tpu.memory_space<vmem_shared>>
    tpu.enqueue_dma source(%dma_start3A_973 : memref<32x512xf32, #tpu.memory_space<vmem_shared>>) target(%dma_start3A_964 : memref<32x512xf32, #tpu.memory_space<hbm>>) target_semaphore(%dma_start3A_962 : memref<!tpu.dma_semaphore, #tpu.memory_space<semaphore_mem>>)
    %dma_wait3A_974 = arith.constant 1 : i32
    %dma_wait3A_975 = arith.constant 1 : i32
    %dma_wait3A_976 = tpu.memref_slice %arg13[%dma_wait3A_975] : memref<2x!tpu.dma_semaphore, #tpu.memory_space<semaphore_mem>> -> memref<1x!tpu.dma_semaphore, #tpu.memory_space<semaphore_mem>>
    %dma_wait3A_977 = tpu.memref_squeeze %dma_wait3A_976 : memref<1x!tpu.dma_semaphore, #tpu.memory_space<semaphore_mem>> -> memref<!tpu.dma_semaphore, #tpu.memory_space<semaphore_mem>>
    %dma_wait3A_978 = arith.constant 0 : i32
    %dma_wait3A_979 = arith.constant 0 : i32
    %dma_wait3A_980 = tpu.memref_slice %arg5[%dma_wait3A_978, %dma_wait3A_979] : memref<65536x512xf32, #tpu.memory_space<hbm>> -> memref<32x512xf32, #tpu.memory_space<hbm>>
    %dma_wait3A_981 = arith.constant 0 : i32
    %dma_wait3A_982 = arith.constant 0 : i32
    %dma_wait3A_983 = arith.constant 0 : i32
    %dma_wait3A_984 = tpu.memref_slice %arg9[%arg1, %dma_wait3A_981, %dma_wait3A_982, %dma_wait3A_983] : memref<16x2x32x512xf32, #tpu.memory_space<vmem_shared>> -> memref<1x2x32x512xf32, #tpu.memory_space<vmem_shared>>
    %dma_wait3A_985 = tpu.memref_squeeze %dma_wait3A_984 : memref<1x2x32x512xf32, #tpu.memory_space<vmem_shared>> -> memref<2x32x512xf32, #tpu.memory_space<vmem_shared>>
    %dma_wait3A_986 = arith.constant 0 : i32
    %dma_wait3A_987 = arith.constant 0 : i32
    %dma_wait3A_988 = tpu.memref_slice %dma_wait3A_985[%dma_wait3A_974, %dma_wait3A_986, %dma_wait3A_987] : memref<2x32x512xf32, #tpu.memory_space<vmem_shared>> -> memref<1x32x512xf32, #tpu.memory_space<vmem_shared>>
    %dma_wait3A_989 = tpu.memref_squeeze %dma_wait3A_988 : memref<1x32x512xf32, #tpu.memory_space<vmem_shared>> -> memref<32x512xf32, #tpu.memory_space<vmem_shared>>
    tpu.wait_dma2 semaphore(%dma_wait3A_977 : memref<!tpu.dma_semaphore, #tpu.memory_space<semaphore_mem>>) src(%dma_wait3A_989 : memref<32x512xf32, #tpu.memory_space<vmem_shared>>) dst(%dma_wait3A_980 : memref<32x512xf32, #tpu.memory_space<hbm>>)
    %dma_start3A_990 = arith.constant 1 : i32
    %dma_start3A_991 = arith.constant 1 : i32
    %dma_start3A_992 = tpu.memref_slice %arg12[%dma_start3A_991] : memref<2x!tpu.dma_semaphore, #tpu.memory_space<semaphore_mem>> -> memref<1x!tpu.dma_semaphore, #tpu.memory_space<semaphore_mem>>
    %dma_start3A_993 = tpu.memref_squeeze %dma_start3A_992 : memref<1x!tpu.dma_semaphore, #tpu.memory_space<semaphore_mem>> -> memref<!tpu.dma_semaphore, #tpu.memory_space<semaphore_mem>>
    %dma_start3A_994 = arith.constant 0 : i32
    %dma_start3A_995 = arith.constant 0 : i32
    %dma_start3A_996 = arith.constant 0 : i32
    %dma_start3A_997 = tpu.memref_slice %arg9[%arg1, %dma_start3A_994, %dma_start3A_995, %dma_start3A_996] : memref<16x2x32x512xf32, #tpu.memory_space<vmem_shared>> -> memref<1x2x32x512xf32, #tpu.memory_space<vmem_shared>>
    %dma_start3A_998 = tpu.memref_squeeze %dma_start3A_997 : memref<1x2x32x512xf32, #tpu.memory_space<vmem_shared>> -> memref<2x32x512xf32, #tpu.memory_space<vmem_shared>>
    %dma_start3A_999 = arith.constant 0 : i32
    %dma_start3A_1000 = arith.constant 0 : i32
    %dma_start3A_1001 = tpu.memref_slice %dma_start3A_998[%dma_start3A_990, %dma_start3A_999, %dma_start3A_1000] : memref<2x32x512xf32, #tpu.memory_space<vmem_shared>> -> memref<1x32x512xf32, #tpu.memory_space<vmem_shared>>
    %dma_start3A_1002 = tpu.memref_squeeze %dma_start3A_1001 : memref<1x32x512xf32, #tpu.memory_space<vmem_shared>> -> memref<32x512xf32, #tpu.memory_space<vmem_shared>>
    %dma_start3A_1003 = arith.constant 0 : i32
    %dma_start3A_1004 = tpu.memref_slice %arg2[%add3A_211, %dma_start3A_1003] : memref<65536x512xf32, #tpu.memory_space<hbm>> -> memref<32x512xf32, #tpu.memory_space<hbm>>
    tpu.enqueue_dma source(%dma_start3A_1004 : memref<32x512xf32, #tpu.memory_space<hbm>>) target(%dma_start3A_1002 : memref<32x512xf32, #tpu.memory_space<vmem_shared>>) target_semaphore(%dma_start3A_993 : memref<!tpu.dma_semaphore, #tpu.memory_space<semaphore_mem>>)
    %dma_wait3A_1005 = arith.constant 1 : i32
    %dma_wait3A_1006 = arith.constant 1 : i32
    %dma_wait3A_1007 = arith.constant 0 : i32
    %dma_wait3A_1008 = arith.constant 0 : i32
    %dma_wait3A_1009 = tpu.memref_slice %arg8[%dma_wait3A_1005, %dma_wait3A_1007, %dma_wait3A_1008] : memref<2x64x512xf32, #tpu.memory_space<vmem>> -> memref<1x64x512xf32, #tpu.memory_space<vmem>>
    %dma_wait3A_1010 = tpu.memref_squeeze %dma_wait3A_1009 : memref<1x64x512xf32, #tpu.memory_space<vmem>> -> memref<64x512xf32, #tpu.memory_space<vmem>>
    %dma_wait3A_1011 = arith.constant 0 : i32
    %dma_wait3A_1012 = arith.constant 0 : i32
    %dma_wait3A_1013 = tpu.memref_slice %arg5[%dma_wait3A_1011, %dma_wait3A_1012] : memref<65536x512xf32, #tpu.memory_space<hbm>> -> memref<64x512xf32, #tpu.memory_space<hbm>>
    %dma_wait3A_1014 = tpu.memref_slice %arg11[%dma_wait3A_1006] : memref<2x!tpu.dma_semaphore, #tpu.memory_space<semaphore_mem>> -> memref<1x!tpu.dma_semaphore, #tpu.memory_space<semaphore_mem>>
    %dma_wait3A_1015 = tpu.memref_squeeze %dma_wait3A_1014 : memref<1x!tpu.dma_semaphore, #tpu.memory_space<semaphore_mem>> -> memref<!tpu.dma_semaphore, #tpu.memory_space<semaphore_mem>>
    %dma_wait3A_1016 = arith.constant 0 : i32
    %dma_wait3A_1017 = arith.constant 0 : i32
    %dma_wait3A_1018 = tpu.memref_slice %arg5[%dma_wait3A_1016, %dma_wait3A_1017] : memref<65536x512xf32, #tpu.memory_space<hbm>> -> memref<64x512xf32, #tpu.memory_space<hbm>>
    %dma_wait3A_1019 = arith.constant 0 : i32
    %dma_wait3A_1020 = arith.constant 0 : i32
    %dma_wait3A_1021 = tpu.memref_slice %arg8[%dma_wait3A_1005, %dma_wait3A_1019, %dma_wait3A_1020] : memref<2x64x512xf32, #tpu.memory_space<vmem>> -> memref<1x64x512xf32, #tpu.memory_space<vmem>>
    %dma_wait3A_1022 = tpu.memref_squeeze %dma_wait3A_1021 : memref<1x64x512xf32, #tpu.memory_space<vmem>> -> memref<64x512xf32, #tpu.memory_space<vmem>>
    tpu.wait_dma2 semaphore(%dma_wait3A_1015 : memref<!tpu.dma_semaphore, #tpu.memory_space<semaphore_mem>>) src(%dma_wait3A_1022 : memref<64x512xf32, #tpu.memory_space<vmem>>) dst(%dma_wait3A_1018 : memref<64x512xf32, #tpu.memory_space<hbm>>)
    %dma_start3A_1023 = arith.constant 1 : i32
    %dma_start3A_1024 = arith.constant 1 : i32
    %dma_start3A_1025 = arith.constant 0 : i32
    %dma_start3A_1026 = arith.constant 0 : i32
    %dma_start3A_1027 = tpu.memref_slice %arg8[%dma_start3A_1023, %dma_start3A_1025, %dma_start3A_1026] : memref<2x64x512xf32, #tpu.memory_space<vmem>> -> memref<1x64x512xf32, #tpu.memory_space<vmem>>
    %dma_start3A_1028 = tpu.memref_squeeze %dma_start3A_1027 : memref<1x64x512xf32, #tpu.memory_space<vmem>> -> memref<64x512xf32, #tpu.memory_space<vmem>>
    %dma_start3A_1029 = arith.constant 0 : i32
    %dma_start3A_1030 = tpu.memref_slice %arg2[%mul3A_45, %dma_start3A_1029] : memref<65536x512xf32, #tpu.memory_space<hbm>> -> memref<64x512xf32, #tpu.memory_space<hbm>>
    %dma_start3A_1031 = tpu.memref_slice %arg10[%dma_start3A_1024] : memref<2x!tpu.dma_semaphore, #tpu.memory_space<semaphore_mem>> -> memref<1x!tpu.dma_semaphore, #tpu.memory_space<semaphore_mem>>
    %dma_start3A_1032 = tpu.memref_squeeze %dma_start3A_1031 : memref<1x!tpu.dma_semaphore, #tpu.memory_space<semaphore_mem>> -> memref<!tpu.dma_semaphore, #tpu.memory_space<semaphore_mem>>
    %dma_start3A_1033 = arith.constant 0 : i32
    %dma_start3A_1034 = arith.constant 0 : i32
    %dma_start3A_1035 = tpu.memref_slice %arg8[%dma_start3A_1023, %dma_start3A_1033, %dma_start3A_1034] : memref<2x64x512xf32, #tpu.memory_space<vmem>> -> memref<1x64x512xf32, #tpu.memory_space<vmem>>
    %dma_start3A_1036 = tpu.memref_squeeze %dma_start3A_1035 : memref<1x64x512xf32, #tpu.memory_space<vmem>> -> memref<64x512xf32, #tpu.memory_space<vmem>>
    %dma_start3A_1037 = arith.constant 0 : i32
    %dma_start3A_1038 = tpu.memref_slice %arg2[%mul3A_45, %dma_start3A_1037] : memref<65536x512xf32, #tpu.memory_space<hbm>> -> memref<64x512xf32, #tpu.memory_space<hbm>>
    tpu.enqueue_dma source(%dma_start3A_1038 : memref<64x512xf32, #tpu.memory_space<hbm>>) target(%dma_start3A_1036 : memref<64x512xf32, #tpu.memory_space<vmem>>) target_semaphore(%dma_start3A_1032 : memref<!tpu.dma_semaphore, #tpu.memory_space<semaphore_mem>>)
    %dma_wait3A_1039 = arith.constant 1 : i32
    %dma_wait3A_1040 = arith.constant 1 : i32
    %dma_wait3A_1041 = tpu.memref_slice %arg12[%dma_wait3A_1040] : memref<2x!tpu.dma_semaphore, #tpu.memory_space<semaphore_mem>> -> memref<1x!tpu.dma_semaphore, #tpu.memory_space<semaphore_mem>>
    %dma_wait3A_1042 = tpu.memref_squeeze %dma_wait3A_1041 : memref<1x!tpu.dma_semaphore, #tpu.memory_space<semaphore_mem>> -> memref<!tpu.dma_semaphore, #tpu.memory_space<semaphore_mem>>
    %dma_wait3A_1043 = arith.constant 0 : i32
    %dma_wait3A_1044 = arith.constant 0 : i32
    %dma_wait3A_1045 = arith.constant 0 : i32
    %dma_wait3A_1046 = tpu.memref_slice %arg9[%arg1, %dma_wait3A_1043, %dma_wait3A_1044, %dma_wait3A_1045] : memref<16x2x32x512xf32, #tpu.memory_space<vmem_shared>> -> memref<1x2x32x512xf32, #tpu.memory_space<vmem_shared>>
    %dma_wait3A_1047 = tpu.memref_squeeze %dma_wait3A_1046 : memref<1x2x32x512xf32, #tpu.memory_space<vmem_shared>> -> memref<2x32x512xf32, #tpu.memory_space<vmem_shared>>
    %dma_wait3A_1048 = arith.constant 0 : i32
    %dma_wait3A_1049 = arith.constant 0 : i32
    %dma_wait3A_1050 = tpu.memref_slice %dma_wait3A_1047[%dma_wait3A_1039, %dma_wait3A_1048, %dma_wait3A_1049] : memref<2x32x512xf32, #tpu.memory_space<vmem_shared>> -> memref<1x32x512xf32, #tpu.memory_space<vmem_shared>>
    %dma_wait3A_1051 = tpu.memref_squeeze %dma_wait3A_1050 : memref<1x32x512xf32, #tpu.memory_space<vmem_shared>> -> memref<32x512xf32, #tpu.memory_space<vmem_shared>>
    %dma_wait3A_1052 = arith.constant 0 : i32
    %dma_wait3A_1053 = arith.constant 0 : i32
    %dma_wait3A_1054 = tpu.memref_slice %arg2[%dma_wait3A_1052, %dma_wait3A_1053] : memref<65536x512xf32, #tpu.memory_space<hbm>> -> memref<32x512xf32, #tpu.memory_space<hbm>>
    tpu.wait_dma2 semaphore(%dma_wait3A_1042 : memref<!tpu.dma_semaphore, #tpu.memory_space<semaphore_mem>>) src(%dma_wait3A_1054 : memref<32x512xf32, #tpu.memory_space<hbm>>) dst(%dma_wait3A_1051 : memref<32x512xf32, #tpu.memory_space<vmem_shared>>)
    %dma_start3A_1055 = arith.constant 1 : i32
    %dma_start3A_1056 = arith.constant 1 : i32
    %dma_start3A_1057 = tpu.memref_slice %arg13[%dma_start3A_1056] : memref<2x!tpu.dma_semaphore, #tpu.memory_space<semaphore_mem>> -> memref<1x!tpu.dma_semaphore, #tpu.memory_space<semaphore_mem>>
    %dma_start3A_1058 = tpu.memref_squeeze %dma_start3A_1057 : memref<1x!tpu.dma_semaphore, #tpu.memory_space<semaphore_mem>> -> memref<!tpu.dma_semaphore, #tpu.memory_space<semaphore_mem>>
    %dma_start3A_1059 = arith.constant 0 : i32
    %dma_start3A_1060 = tpu.memref_slice %arg5[%add3A_217, %dma_start3A_1059] : memref<65536x512xf32, #tpu.memory_space<hbm>> -> memref<32x512xf32, #tpu.memory_space<hbm>>
    %dma_start3A_1061 = arith.constant 0 : i32
    %dma_start3A_1062 = arith.constant 0 : i32
    %dma_start3A_1063 = arith.constant 0 : i32
    %dma_start3A_1064 = tpu.memref_slice %arg9[%arg1, %dma_start3A_1061, %dma_start3A_1062, %dma_start3A_1063] : memref<16x2x32x512xf32, #tpu.memory_space<vmem_shared>> -> memref<1x2x32x512xf32, #tpu.memory_space<vmem_shared>>
    %dma_start3A_1065 = tpu.memref_squeeze %dma_start3A_1064 : memref<1x2x32x512xf32, #tpu.memory_space<vmem_shared>> -> memref<2x32x512xf32, #tpu.memory_space<vmem_shared>>
    %dma_start3A_1066 = arith.constant 0 : i32
    %dma_start3A_1067 = arith.constant 0 : i32
    %dma_start3A_1068 = tpu.memref_slice %dma_start3A_1065[%dma_start3A_1055, %dma_start3A_1066, %dma_start3A_1067] : memref<2x32x512xf32, #tpu.memory_space<vmem_shared>> -> memref<1x32x512xf32, #tpu.memory_space<vmem_shared>>
    %dma_start3A_1069 = tpu.memref_squeeze %dma_start3A_1068 : memref<1x32x512xf32, #tpu.memory_space<vmem_shared>> -> memref<32x512xf32, #tpu.memory_space<vmem_shared>>
    tpu.enqueue_dma source(%dma_start3A_1069 : memref<32x512xf32, #tpu.memory_space<vmem_shared>>) target(%dma_start3A_1060 : memref<32x512xf32, #tpu.memory_space<hbm>>) target_semaphore(%dma_start3A_1058 : memref<!tpu.dma_semaphore, #tpu.memory_space<semaphore_mem>>)
    %dma_wait3A_1070 = arith.constant 0 : i32
    %dma_wait3A_1071 = arith.constant 0 : i32
    %dma_wait3A_1072 = tpu.memref_slice %arg13[%dma_wait3A_1071] : memref<2x!tpu.dma_semaphore, #tpu.memory_space<semaphore_mem>> -> memref<1x!tpu.dma_semaphore, #tpu.memory_space<semaphore_mem>>
    %dma_wait3A_1073 = tpu.memref_squeeze %dma_wait3A_1072 : memref<1x!tpu.dma_semaphore, #tpu.memory_space<semaphore_mem>> -> memref<!tpu.dma_semaphore, #tpu.memory_space<semaphore_mem>>
    %dma_wait3A_1074 = arith.constant 0 : i32
    %dma_wait3A_1075 = arith.constant 0 : i32
    %dma_wait3A_1076 = tpu.memref_slice %arg5[%dma_wait3A_1074, %dma_wait3A_1075] : memref<65536x512xf32, #tpu.memory_space<hbm>> -> memref<32x512xf32, #tpu.memory_space<hbm>>
    %dma_wait3A_1077 = arith.constant 0 : i32
    %dma_wait3A_1078 = arith.constant 0 : i32
    %dma_wait3A_1079 = arith.constant 0 : i32
    %dma_wait3A_1080 = tpu.memref_slice %arg9[%arg1, %dma_wait3A_1077, %dma_wait3A_1078, %dma_wait3A_1079] : memref<16x2x32x512xf32, #tpu.memory_space<vmem_shared>> -> memref<1x2x32x512xf32, #tpu.memory_space<vmem_shared>>
    %dma_wait3A_1081 = tpu.memref_squeeze %dma_wait3A_1080 : memref<1x2x32x512xf32, #tpu.memory_space<vmem_shared>> -> memref<2x32x512xf32, #tpu.memory_space<vmem_shared>>
    %dma_wait3A_1082 = arith.constant 0 : i32
    %dma_wait3A_1083 = arith.constant 0 : i32
    %dma_wait3A_1084 = tpu.memref_slice %dma_wait3A_1081[%dma_wait3A_1070, %dma_wait3A_1082, %dma_wait3A_1083] : memref<2x32x512xf32, #tpu.memory_space<vmem_shared>> -> memref<1x32x512xf32, #tpu.memory_space<vmem_shared>>
    %dma_wait3A_1085 = tpu.memref_squeeze %dma_wait3A_1084 : memref<1x32x512xf32, #tpu.memory_space<vmem_shared>> -> memref<32x512xf32, #tpu.memory_space<vmem_shared>>
    tpu.wait_dma2 semaphore(%dma_wait3A_1073 : memref<!tpu.dma_semaphore, #tpu.memory_space<semaphore_mem>>) src(%dma_wait3A_1085 : memref<32x512xf32, #tpu.memory_space<vmem_shared>>) dst(%dma_wait3A_1076 : memref<32x512xf32, #tpu.memory_space<hbm>>)
    %dma_start3A_1086 = arith.constant 0 : i32
    %dma_start3A_1087 = arith.constant 0 : i32
    %dma_start3A_1088 = tpu.memref_slice %arg12[%dma_start3A_1087] : memref<2x!tpu.dma_semaphore, #tpu.memory_space<semaphore_mem>> -> memref<1x!tpu.dma_semaphore, #tpu.memory_space<semaphore_mem>>
    %dma_start3A_1089 = tpu.memref_squeeze %dma_start3A_1088 : memref<1x!tpu.dma_semaphore, #tpu.memory_space<semaphore_mem>> -> memref<!tpu.dma_semaphore, #tpu.memory_space<semaphore_mem>>
    %dma_start3A_1090 = arith.constant 0 : i32
    %dma_start3A_1091 = arith.constant 0 : i32
    %dma_start3A_1092 = arith.constant 0 : i32
    %dma_start3A_1093 = tpu.memref_slice %arg9[%arg1, %dma_start3A_1090, %dma_start3A_1091, %dma_start3A_1092] : memref<16x2x32x512xf32, #tpu.memory_space<vmem_shared>> -> memref<1x2x32x512xf32, #tpu.memory_space<vmem_shared>>
    %dma_start3A_1094 = tpu.memref_squeeze %dma_start3A_1093 : memref<1x2x32x512xf32, #tpu.memory_space<vmem_shared>> -> memref<2x32x512xf32, #tpu.memory_space<vmem_shared>>
    %dma_start3A_1095 = arith.constant 0 : i32
    %dma_start3A_1096 = arith.constant 0 : i32
    %dma_start3A_1097 = tpu.memref_slice %dma_start3A_1094[%dma_start3A_1086, %dma_start3A_1095, %dma_start3A_1096] : memref<2x32x512xf32, #tpu.memory_space<vmem_shared>> -> memref<1x32x512xf32, #tpu.memory_space<vmem_shared>>
    %dma_start3A_1098 = tpu.memref_squeeze %dma_start3A_1097 : memref<1x32x512xf32, #tpu.memory_space<vmem_shared>> -> memref<32x512xf32, #tpu.memory_space<vmem_shared>>
    %dma_start3A_1099 = arith.constant 0 : i32
    %dma_start3A_1100 = tpu.memref_slice %arg2[%add3A_223, %dma_start3A_1099] : memref<65536x512xf32, #tpu.memory_space<hbm>> -> memref<32x512xf32, #tpu.memory_space<hbm>>
    tpu.enqueue_dma source(%dma_start3A_1100 : memref<32x512xf32, #tpu.memory_space<hbm>>) target(%dma_start3A_1098 : memref<32x512xf32, #tpu.memory_space<vmem_shared>>) target_semaphore(%dma_start3A_1089 : memref<!tpu.dma_semaphore, #tpu.memory_space<semaphore_mem>>)
    %dma_wait3A_1101 = arith.constant 1 : i32
    %dma_wait3A_1102 = arith.constant 1 : i32
    %dma_wait3A_1103 = arith.constant 0 : i32
    %dma_wait3A_1104 = arith.constant 0 : i32
    %dma_wait3A_1105 = tpu.memref_slice %arg8[%dma_wait3A_1101, %dma_wait3A_1103, %dma_wait3A_1104] : memref<2x64x512xf32, #tpu.memory_space<vmem>> -> memref<1x64x512xf32, #tpu.memory_space<vmem>>
    %dma_wait3A_1106 = tpu.memref_squeeze %dma_wait3A_1105 : memref<1x64x512xf32, #tpu.memory_space<vmem>> -> memref<64x512xf32, #tpu.memory_space<vmem>>
    %dma_wait3A_1107 = arith.constant 0 : i32
    %dma_wait3A_1108 = arith.constant 0 : i32
    %dma_wait3A_1109 = tpu.memref_slice %arg2[%dma_wait3A_1107, %dma_wait3A_1108] : memref<65536x512xf32, #tpu.memory_space<hbm>> -> memref<64x512xf32, #tpu.memory_space<hbm>>
    %dma_wait3A_1110 = tpu.memref_slice %arg10[%dma_wait3A_1102] : memref<2x!tpu.dma_semaphore, #tpu.memory_space<semaphore_mem>> -> memref<1x!tpu.dma_semaphore, #tpu.memory_space<semaphore_mem>>
    %dma_wait3A_1111 = tpu.memref_squeeze %dma_wait3A_1110 : memref<1x!tpu.dma_semaphore, #tpu.memory_space<semaphore_mem>> -> memref<!tpu.dma_semaphore, #tpu.memory_space<semaphore_mem>>
    %dma_wait3A_1112 = arith.constant 0 : i32
    %dma_wait3A_1113 = arith.constant 0 : i32
    %dma_wait3A_1114 = tpu.memref_slice %arg8[%dma_wait3A_1101, %dma_wait3A_1112, %dma_wait3A_1113] : memref<2x64x512xf32, #tpu.memory_space<vmem>> -> memref<1x64x512xf32, #tpu.memory_space<vmem>>
    %dma_wait3A_1115 = tpu.memref_squeeze %dma_wait3A_1114 : memref<1x64x512xf32, #tpu.memory_space<vmem>> -> memref<64x512xf32, #tpu.memory_space<vmem>>
    %dma_wait3A_1116 = arith.constant 0 : i32
    %dma_wait3A_1117 = arith.constant 0 : i32
    %dma_wait3A_1118 = tpu.memref_slice %arg2[%dma_wait3A_1116, %dma_wait3A_1117] : memref<65536x512xf32, #tpu.memory_space<hbm>> -> memref<64x512xf32, #tpu.memory_space<hbm>>
    tpu.wait_dma2 semaphore(%dma_wait3A_1111 : memref<!tpu.dma_semaphore, #tpu.memory_space<semaphore_mem>>) src(%dma_wait3A_1118 : memref<64x512xf32, #tpu.memory_space<hbm>>) dst(%dma_wait3A_1115 : memref<64x512xf32, #tpu.memory_space<vmem>>)
    %dma_start3A_1119 = arith.constant 1 : i32
    %dma_start3A_1120 = arith.constant 1 : i32
    %dma_start3A_1121 = arith.constant 0 : i32
    %dma_start3A_1122 = arith.constant 0 : i32
    %dma_start3A_1123 = tpu.memref_slice %arg8[%dma_start3A_1119, %dma_start3A_1121, %dma_start3A_1122] : memref<2x64x512xf32, #tpu.memory_space<vmem>> -> memref<1x64x512xf32, #tpu.memory_space<vmem>>
    %dma_start3A_1124 = tpu.memref_squeeze %dma_start3A_1123 : memref<1x64x512xf32, #tpu.memory_space<vmem>> -> memref<64x512xf32, #tpu.memory_space<vmem>>
    %dma_start3A_1125 = arith.constant 0 : i32
    %dma_start3A_1126 = tpu.memref_slice %arg5[%mul3A_49, %dma_start3A_1125] : memref<65536x512xf32, #tpu.memory_space<hbm>> -> memref<64x512xf32, #tpu.memory_space<hbm>>
    %dma_start3A_1127 = tpu.memref_slice %arg11[%dma_start3A_1120] : memref<2x!tpu.dma_semaphore, #tpu.memory_space<semaphore_mem>> -> memref<1x!tpu.dma_semaphore, #tpu.memory_space<semaphore_mem>>
    %dma_start3A_1128 = tpu.memref_squeeze %dma_start3A_1127 : memref<1x!tpu.dma_semaphore, #tpu.memory_space<semaphore_mem>> -> memref<!tpu.dma_semaphore, #tpu.memory_space<semaphore_mem>>
    %dma_start3A_1129 = arith.constant 0 : i32
    %dma_start3A_1130 = tpu.memref_slice %arg5[%mul3A_49, %dma_start3A_1129] : memref<65536x512xf32, #tpu.memory_space<hbm>> -> memref<64x512xf32, #tpu.memory_space<hbm>>
    %dma_start3A_1131 = arith.constant 0 : i32
    %dma_start3A_1132 = arith.constant 0 : i32
    %dma_start3A_1133 = tpu.memref_slice %arg8[%dma_start3A_1119, %dma_start3A_1131, %dma_start3A_1132] : memref<2x64x512xf32, #tpu.memory_space<vmem>> -> memref<1x64x512xf32, #tpu.memory_space<vmem>>
    %dma_start3A_1134 = tpu.memref_squeeze %dma_start3A_1133 : memref<1x64x512xf32, #tpu.memory_space<vmem>> -> memref<64x512xf32, #tpu.memory_space<vmem>>
    tpu.enqueue_dma source(%dma_start3A_1134 : memref<64x512xf32, #tpu.memory_space<vmem>>) target(%dma_start3A_1130 : memref<64x512xf32, #tpu.memory_space<hbm>>) target_semaphore(%dma_start3A_1128 : memref<!tpu.dma_semaphore, #tpu.memory_space<semaphore_mem>>)
    %dma_wait3A_1135 = arith.constant 0 : i32
    %dma_wait3A_1136 = arith.constant 0 : i32
    %dma_wait3A_1137 = tpu.memref_slice %arg12[%dma_wait3A_1136] : memref<2x!tpu.dma_semaphore, #tpu.memory_space<semaphore_mem>> -> memref<1x!tpu.dma_semaphore, #tpu.memory_space<semaphore_mem>>
    %dma_wait3A_1138 = tpu.memref_squeeze %dma_wait3A_1137 : memref<1x!tpu.dma_semaphore, #tpu.memory_space<semaphore_mem>> -> memref<!tpu.dma_semaphore, #tpu.memory_space<semaphore_mem>>
    %dma_wait3A_1139 = arith.constant 0 : i32
    %dma_wait3A_1140 = arith.constant 0 : i32
    %dma_wait3A_1141 = arith.constant 0 : i32
    %dma_wait3A_1142 = tpu.memref_slice %arg9[%arg1, %dma_wait3A_1139, %dma_wait3A_1140, %dma_wait3A_1141] : memref<16x2x32x512xf32, #tpu.memory_space<vmem_shared>> -> memref<1x2x32x512xf32, #tpu.memory_space<vmem_shared>>
    %dma_wait3A_1143 = tpu.memref_squeeze %dma_wait3A_1142 : memref<1x2x32x512xf32, #tpu.memory_space<vmem_shared>> -> memref<2x32x512xf32, #tpu.memory_space<vmem_shared>>
    %dma_wait3A_1144 = arith.constant 0 : i32
    %dma_wait3A_1145 = arith.constant 0 : i32
    %dma_wait3A_1146 = tpu.memref_slice %dma_wait3A_1143[%dma_wait3A_1135, %dma_wait3A_1144, %dma_wait3A_1145] : memref<2x32x512xf32, #tpu.memory_space<vmem_shared>> -> memref<1x32x512xf32, #tpu.memory_space<vmem_shared>>
    %dma_wait3A_1147 = tpu.memref_squeeze %dma_wait3A_1146 : memref<1x32x512xf32, #tpu.memory_space<vmem_shared>> -> memref<32x512xf32, #tpu.memory_space<vmem_shared>>
    %dma_wait3A_1148 = arith.constant 0 : i32
    %dma_wait3A_1149 = arith.constant 0 : i32
    %dma_wait3A_1150 = tpu.memref_slice %arg2[%dma_wait3A_1148, %dma_wait3A_1149] : memref<65536x512xf32, #tpu.memory_space<hbm>> -> memref<32x512xf32, #tpu.memory_space<hbm>>
    tpu.wait_dma2 semaphore(%dma_wait3A_1138 : memref<!tpu.dma_semaphore, #tpu.memory_space<semaphore_mem>>) src(%dma_wait3A_1150 : memref<32x512xf32, #tpu.memory_space<hbm>>) dst(%dma_wait3A_1147 : memref<32x512xf32, #tpu.memory_space<vmem_shared>>)
    %dma_start3A_1151 = arith.constant 0 : i32
    %dma_start3A_1152 = arith.constant 0 : i32
    %dma_start3A_1153 = tpu.memref_slice %arg13[%dma_start3A_1152] : memref<2x!tpu.dma_semaphore, #tpu.memory_space<semaphore_mem>> -> memref<1x!tpu.dma_semaphore, #tpu.memory_space<semaphore_mem>>
    %dma_start3A_1154 = tpu.memref_squeeze %dma_start3A_1153 : memref<1x!tpu.dma_semaphore, #tpu.memory_space<semaphore_mem>> -> memref<!tpu.dma_semaphore, #tpu.memory_space<semaphore_mem>>
    %dma_start3A_1155 = arith.constant 0 : i32
    %dma_start3A_1156 = tpu.memref_slice %arg5[%add3A_229, %dma_start3A_1155] : memref<65536x512xf32, #tpu.memory_space<hbm>> -> memref<32x512xf32, #tpu.memory_space<hbm>>
    %dma_start3A_1157 = arith.constant 0 : i32
    %dma_start3A_1158 = arith.constant 0 : i32
    %dma_start3A_1159 = arith.constant 0 : i32
    %dma_start3A_1160 = tpu.memref_slice %arg9[%arg1, %dma_start3A_1157, %dma_start3A_1158, %dma_start3A_1159] : memref<16x2x32x512xf32, #tpu.memory_space<vmem_shared>> -> memref<1x2x32x512xf32, #tpu.memory_space<vmem_shared>>
    %dma_start3A_1161 = tpu.memref_squeeze %dma_start3A_1160 : memref<1x2x32x512xf32, #tpu.memory_space<vmem_shared>> -> memref<2x32x512xf32, #tpu.memory_space<vmem_shared>>
    %dma_start3A_1162 = arith.constant 0 : i32
    %dma_start3A_1163 = arith.constant 0 : i32
    %dma_start3A_1164 = tpu.memref_slice %dma_start3A_1161[%dma_start3A_1151, %dma_start3A_1162, %dma_start3A_1163] : memref<2x32x512xf32, #tpu.memory_space<vmem_shared>> -> memref<1x32x512xf32, #tpu.memory_space<vmem_shared>>
    %dma_start3A_1165 = tpu.memref_squeeze %dma_start3A_1164 : memref<1x32x512xf32, #tpu.memory_space<vmem_shared>> -> memref<32x512xf32, #tpu.memory_space<vmem_shared>>
    tpu.enqueue_dma source(%dma_start3A_1165 : memref<32x512xf32, #tpu.memory_space<vmem_shared>>) target(%dma_start3A_1156 : memref<32x512xf32, #tpu.memory_space<hbm>>) target_semaphore(%dma_start3A_1154 : memref<!tpu.dma_semaphore, #tpu.memory_space<semaphore_mem>>)
    %dma_wait3A_1166 = arith.constant 1 : i32
    %dma_wait3A_1167 = arith.constant 1 : i32
    %dma_wait3A_1168 = tpu.memref_slice %arg13[%dma_wait3A_1167] : memref<2x!tpu.dma_semaphore, #tpu.memory_space<semaphore_mem>> -> memref<1x!tpu.dma_semaphore, #tpu.memory_space<semaphore_mem>>
    %dma_wait3A_1169 = tpu.memref_squeeze %dma_wait3A_1168 : memref<1x!tpu.dma_semaphore, #tpu.memory_space<semaphore_mem>> -> memref<!tpu.dma_semaphore, #tpu.memory_space<semaphore_mem>>
    %dma_wait3A_1170 = arith.constant 0 : i32
    %dma_wait3A_1171 = arith.constant 0 : i32
    %dma_wait3A_1172 = tpu.memref_slice %arg5[%dma_wait3A_1170, %dma_wait3A_1171] : memref<65536x512xf32, #tpu.memory_space<hbm>> -> memref<32x512xf32, #tpu.memory_space<hbm>>
    %dma_wait3A_1173 = arith.constant 0 : i32
    %dma_wait3A_1174 = arith.constant 0 : i32
    %dma_wait3A_1175 = arith.constant 0 : i32
    %dma_wait3A_1176 = tpu.memref_slice %arg9[%arg1, %dma_wait3A_1173, %dma_wait3A_1174, %dma_wait3A_1175] : memref<16x2x32x512xf32, #tpu.memory_space<vmem_shared>> -> memref<1x2x32x512xf32, #tpu.memory_space<vmem_shared>>
    %dma_wait3A_1177 = tpu.memref_squeeze %dma_wait3A_1176 : memref<1x2x32x512xf32, #tpu.memory_space<vmem_shared>> -> memref<2x32x512xf32, #tpu.memory_space<vmem_shared>>
    %dma_wait3A_1178 = arith.constant 0 : i32
    %dma_wait3A_1179 = arith.constant 0 : i32
    %dma_wait3A_1180 = tpu.memref_slice %dma_wait3A_1177[%dma_wait3A_1166, %dma_wait3A_1178, %dma_wait3A_1179] : memref<2x32x512xf32, #tpu.memory_space<vmem_shared>> -> memref<1x32x512xf32, #tpu.memory_space<vmem_shared>>
    %dma_wait3A_1181 = tpu.memref_squeeze %dma_wait3A_1180 : memref<1x32x512xf32, #tpu.memory_space<vmem_shared>> -> memref<32x512xf32, #tpu.memory_space<vmem_shared>>
    tpu.wait_dma2 semaphore(%dma_wait3A_1169 : memref<!tpu.dma_semaphore, #tpu.memory_space<semaphore_mem>>) src(%dma_wait3A_1181 : memref<32x512xf32, #tpu.memory_space<vmem_shared>>) dst(%dma_wait3A_1172 : memref<32x512xf32, #tpu.memory_space<hbm>>)
    %dma_start3A_1182 = arith.constant 1 : i32
    %dma_start3A_1183 = arith.constant 1 : i32
    %dma_start3A_1184 = tpu.memref_slice %arg12[%dma_start3A_1183] : memref<2x!tpu.dma_semaphore, #tpu.memory_space<semaphore_mem>> -> memref<1x!tpu.dma_semaphore, #tpu.memory_space<semaphore_mem>>
    %dma_start3A_1185 = tpu.memref_squeeze %dma_start3A_1184 : memref<1x!tpu.dma_semaphore, #tpu.memory_space<semaphore_mem>> -> memref<!tpu.dma_semaphore, #tpu.memory_space<semaphore_mem>>
    %dma_start3A_1186 = arith.constant 0 : i32
    %dma_start3A_1187 = arith.constant 0 : i32
    %dma_start3A_1188 = arith.constant 0 : i32
    %dma_start3A_1189 = tpu.memref_slice %arg9[%arg1, %dma_start3A_1186, %dma_start3A_1187, %dma_start3A_1188] : memref<16x2x32x512xf32, #tpu.memory_space<vmem_shared>> -> memref<1x2x32x512xf32, #tpu.memory_space<vmem_shared>>
    %dma_start3A_1190 = tpu.memref_squeeze %dma_start3A_1189 : memref<1x2x32x512xf32, #tpu.memory_space<vmem_shared>> -> memref<2x32x512xf32, #tpu.memory_space<vmem_shared>>
    %dma_start3A_1191 = arith.constant 0 : i32
    %dma_start3A_1192 = arith.constant 0 : i32
    %dma_start3A_1193 = tpu.memref_slice %dma_start3A_1190[%dma_start3A_1182, %dma_start3A_1191, %dma_start3A_1192] : memref<2x32x512xf32, #tpu.memory_space<vmem_shared>> -> memref<1x32x512xf32, #tpu.memory_space<vmem_shared>>
    %dma_start3A_1194 = tpu.memref_squeeze %dma_start3A_1193 : memref<1x32x512xf32, #tpu.memory_space<vmem_shared>> -> memref<32x512xf32, #tpu.memory_space<vmem_shared>>
    %dma_start3A_1195 = arith.constant 0 : i32
    %dma_start3A_1196 = tpu.memref_slice %arg2[%add3A_235, %dma_start3A_1195] : memref<65536x512xf32, #tpu.memory_space<hbm>> -> memref<32x512xf32, #tpu.memory_space<hbm>>
    tpu.enqueue_dma source(%dma_start3A_1196 : memref<32x512xf32, #tpu.memory_space<hbm>>) target(%dma_start3A_1194 : memref<32x512xf32, #tpu.memory_space<vmem_shared>>) target_semaphore(%dma_start3A_1185 : memref<!tpu.dma_semaphore, #tpu.memory_space<semaphore_mem>>)
    %dma_wait3A_1197 = arith.constant 0 : i32
    %dma_wait3A_1198 = arith.constant 0 : i32
    %dma_wait3A_1199 = arith.constant 0 : i32
    %dma_wait3A_1200 = arith.constant 0 : i32
    %dma_wait3A_1201 = tpu.memref_slice %arg8[%dma_wait3A_1197, %dma_wait3A_1199, %dma_wait3A_1200] : memref<2x64x512xf32, #tpu.memory_space<vmem>> -> memref<1x64x512xf32, #tpu.memory_space<vmem>>
    %dma_wait3A_1202 = tpu.memref_squeeze %dma_wait3A_1201 : memref<1x64x512xf32, #tpu.memory_space<vmem>> -> memref<64x512xf32, #tpu.memory_space<vmem>>
    %dma_wait3A_1203 = arith.constant 0 : i32
    %dma_wait3A_1204 = arith.constant 0 : i32
    %dma_wait3A_1205 = tpu.memref_slice %arg5[%dma_wait3A_1203, %dma_wait3A_1204] : memref<65536x512xf32, #tpu.memory_space<hbm>> -> memref<64x512xf32, #tpu.memory_space<hbm>>
    %dma_wait3A_1206 = tpu.memref_slice %arg11[%dma_wait3A_1198] : memref<2x!tpu.dma_semaphore, #tpu.memory_space<semaphore_mem>> -> memref<1x!tpu.dma_semaphore, #tpu.memory_space<semaphore_mem>>
    %dma_wait3A_1207 = tpu.memref_squeeze %dma_wait3A_1206 : memref<1x!tpu.dma_semaphore, #tpu.memory_space<semaphore_mem>> -> memref<!tpu.dma_semaphore, #tpu.memory_space<semaphore_mem>>
    %dma_wait3A_1208 = arith.constant 0 : i32
    %dma_wait3A_1209 = arith.constant 0 : i32
    %dma_wait3A_1210 = tpu.memref_slice %arg5[%dma_wait3A_1208, %dma_wait3A_1209] : memref<65536x512xf32, #tpu.memory_space<hbm>> -> memref<64x512xf32, #tpu.memory_space<hbm>>
    %dma_wait3A_1211 = arith.constant 0 : i32
    %dma_wait3A_1212 = arith.constant 0 : i32
    %dma_wait3A_1213 = tpu.memref_slice %arg8[%dma_wait3A_1197, %dma_wait3A_1211, %dma_wait3A_1212] : memref<2x64x512xf32, #tpu.memory_space<vmem>> -> memref<1x64x512xf32, #tpu.memory_space<vmem>>
    %dma_wait3A_1214 = tpu.memref_squeeze %dma_wait3A_1213 : memref<1x64x512xf32, #tpu.memory_space<vmem>> -> memref<64x512xf32, #tpu.memory_space<vmem>>
    tpu.wait_dma2 semaphore(%dma_wait3A_1207 : memref<!tpu.dma_semaphore, #tpu.memory_space<semaphore_mem>>) src(%dma_wait3A_1214 : memref<64x512xf32, #tpu.memory_space<vmem>>) dst(%dma_wait3A_1210 : memref<64x512xf32, #tpu.memory_space<hbm>>)
    %dma_start3A_1215 = arith.constant 0 : i32
    %dma_start3A_1216 = arith.constant 0 : i32
    %dma_start3A_1217 = arith.constant 0 : i32
    %dma_start3A_1218 = arith.constant 0 : i32
    %dma_start3A_1219 = tpu.memref_slice %arg8[%dma_start3A_1215, %dma_start3A_1217, %dma_start3A_1218] : memref<2x64x512xf32, #tpu.memory_space<vmem>> -> memref<1x64x512xf32, #tpu.memory_space<vmem>>
    %dma_start3A_1220 = tpu.memref_squeeze %dma_start3A_1219 : memref<1x64x512xf32, #tpu.memory_space<vmem>> -> memref<64x512xf32, #tpu.memory_space<vmem>>
    %dma_start3A_1221 = arith.constant 0 : i32
    %dma_start3A_1222 = tpu.memref_slice %arg2[%mul3A_53, %dma_start3A_1221] : memref<65536x512xf32, #tpu.memory_space<hbm>> -> memref<64x512xf32, #tpu.memory_space<hbm>>
    %dma_start3A_1223 = tpu.memref_slice %arg10[%dma_start3A_1216] : memref<2x!tpu.dma_semaphore, #tpu.memory_space<semaphore_mem>> -> memref<1x!tpu.dma_semaphore, #tpu.memory_space<semaphore_mem>>
    %dma_start3A_1224 = tpu.memref_squeeze %dma_start3A_1223 : memref<1x!tpu.dma_semaphore, #tpu.memory_space<semaphore_mem>> -> memref<!tpu.dma_semaphore, #tpu.memory_space<semaphore_mem>>
    %dma_start3A_1225 = arith.constant 0 : i32
    %dma_start3A_1226 = arith.constant 0 : i32
    %dma_start3A_1227 = tpu.memref_slice %arg8[%dma_start3A_1215, %dma_start3A_1225, %dma_start3A_1226] : memref<2x64x512xf32, #tpu.memory_space<vmem>> -> memref<1x64x512xf32, #tpu.memory_space<vmem>>
    %dma_start3A_1228 = tpu.memref_squeeze %dma_start3A_1227 : memref<1x64x512xf32, #tpu.memory_space<vmem>> -> memref<64x512xf32, #tpu.memory_space<vmem>>
    %dma_start3A_1229 = arith.constant 0 : i32
    %dma_start3A_1230 = tpu.memref_slice %arg2[%mul3A_53, %dma_start3A_1229] : memref<65536x512xf32, #tpu.memory_space<hbm>> -> memref<64x512xf32, #tpu.memory_space<hbm>>
    tpu.enqueue_dma source(%dma_start3A_1230 : memref<64x512xf32, #tpu.memory_space<hbm>>) target(%dma_start3A_1228 : memref<64x512xf32, #tpu.memory_space<vmem>>) target_semaphore(%dma_start3A_1224 : memref<!tpu.dma_semaphore, #tpu.memory_space<semaphore_mem>>)
    %dma_wait3A_1231 = arith.constant 1 : i32
    %dma_wait3A_1232 = arith.constant 1 : i32
    %dma_wait3A_1233 = tpu.memref_slice %arg12[%dma_wait3A_1232] : memref<2x!tpu.dma_semaphore, #tpu.memory_space<semaphore_mem>> -> memref<1x!tpu.dma_semaphore, #tpu.memory_space<semaphore_mem>>
    %dma_wait3A_1234 = tpu.memref_squeeze %dma_wait3A_1233 : memref<1x!tpu.dma_semaphore, #tpu.memory_space<semaphore_mem>> -> memref<!tpu.dma_semaphore, #tpu.memory_space<semaphore_mem>>
    %dma_wait3A_1235 = arith.constant 0 : i32
    %dma_wait3A_1236 = arith.constant 0 : i32
    %dma_wait3A_1237 = arith.constant 0 : i32
    %dma_wait3A_1238 = tpu.memref_slice %arg9[%arg1, %dma_wait3A_1235, %dma_wait3A_1236, %dma_wait3A_1237] : memref<16x2x32x512xf32, #tpu.memory_space<vmem_shared>> -> memref<1x2x32x512xf32, #tpu.memory_space<vmem_shared>>
    %dma_wait3A_1239 = tpu.memref_squeeze %dma_wait3A_1238 : memref<1x2x32x512xf32, #tpu.memory_space<vmem_shared>> -> memref<2x32x512xf32, #tpu.memory_space<vmem_shared>>
    %dma_wait3A_1240 = arith.constant 0 : i32
    %dma_wait3A_1241 = arith.constant 0 : i32
    %dma_wait3A_1242 = tpu.memref_slice %dma_wait3A_1239[%dma_wait3A_1231, %dma_wait3A_1240, %dma_wait3A_1241] : memref<2x32x512xf32, #tpu.memory_space<vmem_shared>> -> memref<1x32x512xf32, #tpu.memory_space<vmem_shared>>
    %dma_wait3A_1243 = tpu.memref_squeeze %dma_wait3A_1242 : memref<1x32x512xf32, #tpu.memory_space<vmem_shared>> -> memref<32x512xf32, #tpu.memory_space<vmem_shared>>
    %dma_wait3A_1244 = arith.constant 0 : i32
    %dma_wait3A_1245 = arith.constant 0 : i32
    %dma_wait3A_1246 = tpu.memref_slice %arg2[%dma_wait3A_1244, %dma_wait3A_1245] : memref<65536x512xf32, #tpu.memory_space<hbm>> -> memref<32x512xf32, #tpu.memory_space<hbm>>
    tpu.wait_dma2 semaphore(%dma_wait3A_1234 : memref<!tpu.dma_semaphore, #tpu.memory_space<semaphore_mem>>) src(%dma_wait3A_1246 : memref<32x512xf32, #tpu.memory_space<hbm>>) dst(%dma_wait3A_1243 : memref<32x512xf32, #tpu.memory_space<vmem_shared>>)
    %dma_start3A_1247 = arith.constant 1 : i32
    %dma_start3A_1248 = arith.constant 1 : i32
    %dma_start3A_1249 = tpu.memref_slice %arg13[%dma_start3A_1248] : memref<2x!tpu.dma_semaphore, #tpu.memory_space<semaphore_mem>> -> memref<1x!tpu.dma_semaphore, #tpu.memory_space<semaphore_mem>>
    %dma_start3A_1250 = tpu.memref_squeeze %dma_start3A_1249 : memref<1x!tpu.dma_semaphore, #tpu.memory_space<semaphore_mem>> -> memref<!tpu.dma_semaphore, #tpu.memory_space<semaphore_mem>>
    %dma_start3A_1251 = arith.constant 0 : i32
    %dma_start3A_1252 = tpu.memref_slice %arg5[%add3A_241, %dma_start3A_1251] : memref<65536x512xf32, #tpu.memory_space<hbm>> -> memref<32x512xf32, #tpu.memory_space<hbm>>
    %dma_start3A_1253 = arith.constant 0 : i32
    %dma_start3A_1254 = arith.constant 0 : i32
    %dma_start3A_1255 = arith.constant 0 : i32
    %dma_start3A_1256 = tpu.memref_slice %arg9[%arg1, %dma_start3A_1253, %dma_start3A_1254, %dma_start3A_1255] : memref<16x2x32x512xf32, #tpu.memory_space<vmem_shared>> -> memref<1x2x32x512xf32, #tpu.memory_space<vmem_shared>>
    %dma_start3A_1257 = tpu.memref_squeeze %dma_start3A_1256 : memref<1x2x32x512xf32, #tpu.memory_space<vmem_shared>> -> memref<2x32x512xf32, #tpu.memory_space<vmem_shared>>
    %dma_start3A_1258 = arith.constant 0 : i32
    %dma_start3A_1259 = arith.constant 0 : i32
    %dma_start3A_1260 = tpu.memref_slice %dma_start3A_1257[%dma_start3A_1247, %dma_start3A_1258, %dma_start3A_1259] : memref<2x32x512xf32, #tpu.memory_space<vmem_shared>> -> memref<1x32x512xf32, #tpu.memory_space<vmem_shared>>
    %dma_start3A_1261 = tpu.memref_squeeze %dma_start3A_1260 : memref<1x32x512xf32, #tpu.memory_space<vmem_shared>> -> memref<32x512xf32, #tpu.memory_space<vmem_shared>>
    tpu.enqueue_dma source(%dma_start3A_1261 : memref<32x512xf32, #tpu.memory_space<vmem_shared>>) target(%dma_start3A_1252 : memref<32x512xf32, #tpu.memory_space<hbm>>) target_semaphore(%dma_start3A_1250 : memref<!tpu.dma_semaphore, #tpu.memory_space<semaphore_mem>>)
    %dma_wait3A_1262 = arith.constant 0 : i32
    %dma_wait3A_1263 = arith.constant 0 : i32
    %dma_wait3A_1264 = tpu.memref_slice %arg13[%dma_wait3A_1263] : memref<2x!tpu.dma_semaphore, #tpu.memory_space<semaphore_mem>> -> memref<1x!tpu.dma_semaphore, #tpu.memory_space<semaphore_mem>>
    %dma_wait3A_1265 = tpu.memref_squeeze %dma_wait3A_1264 : memref<1x!tpu.dma_semaphore, #tpu.memory_space<semaphore_mem>> -> memref<!tpu.dma_semaphore, #tpu.memory_space<semaphore_mem>>
    %dma_wait3A_1266 = arith.constant 0 : i32
    %dma_wait3A_1267 = arith.constant 0 : i32
    %dma_wait3A_1268 = tpu.memref_slice %arg5[%dma_wait3A_1266, %dma_wait3A_1267] : memref<65536x512xf32, #tpu.memory_space<hbm>> -> memref<32x512xf32, #tpu.memory_space<hbm>>
    %dma_wait3A_1269 = arith.constant 0 : i32
    %dma_wait3A_1270 = arith.constant 0 : i32
    %dma_wait3A_1271 = arith.constant 0 : i32
    %dma_wait3A_1272 = tpu.memref_slice %arg9[%arg1, %dma_wait3A_1269, %dma_wait3A_1270, %dma_wait3A_1271] : memref<16x2x32x512xf32, #tpu.memory_space<vmem_shared>> -> memref<1x2x32x512xf32, #tpu.memory_space<vmem_shared>>
    %dma_wait3A_1273 = tpu.memref_squeeze %dma_wait3A_1272 : memref<1x2x32x512xf32, #tpu.memory_space<vmem_shared>> -> memref<2x32x512xf32, #tpu.memory_space<vmem_shared>>
    %dma_wait3A_1274 = arith.constant 0 : i32
    %dma_wait3A_1275 = arith.constant 0 : i32
    %dma_wait3A_1276 = tpu.memref_slice %dma_wait3A_1273[%dma_wait3A_1262, %dma_wait3A_1274, %dma_wait3A_1275] : memref<2x32x512xf32, #tpu.memory_space<vmem_shared>> -> memref<1x32x512xf32, #tpu.memory_space<vmem_shared>>
    %dma_wait3A_1277 = tpu.memref_squeeze %dma_wait3A_1276 : memref<1x32x512xf32, #tpu.memory_space<vmem_shared>> -> memref<32x512xf32, #tpu.memory_space<vmem_shared>>
    tpu.wait_dma2 semaphore(%dma_wait3A_1265 : memref<!tpu.dma_semaphore, #tpu.memory_space<semaphore_mem>>) src(%dma_wait3A_1277 : memref<32x512xf32, #tpu.memory_space<vmem_shared>>) dst(%dma_wait3A_1268 : memref<32x512xf32, #tpu.memory_space<hbm>>)
    %dma_start3A_1278 = arith.constant 0 : i32
    %dma_start3A_1279 = arith.constant 0 : i32
    %dma_start3A_1280 = tpu.memref_slice %arg12[%dma_start3A_1279] : memref<2x!tpu.dma_semaphore, #tpu.memory_space<semaphore_mem>> -> memref<1x!tpu.dma_semaphore, #tpu.memory_space<semaphore_mem>>
    %dma_start3A_1281 = tpu.memref_squeeze %dma_start3A_1280 : memref<1x!tpu.dma_semaphore, #tpu.memory_space<semaphore_mem>> -> memref<!tpu.dma_semaphore, #tpu.memory_space<semaphore_mem>>
    %dma_start3A_1282 = arith.constant 0 : i32
    %dma_start3A_1283 = arith.constant 0 : i32
    %dma_start3A_1284 = arith.constant 0 : i32
    %dma_start3A_1285 = tpu.memref_slice %arg9[%arg1, %dma_start3A_1282, %dma_start3A_1283, %dma_start3A_1284] : memref<16x2x32x512xf32, #tpu.memory_space<vmem_shared>> -> memref<1x2x32x512xf32, #tpu.memory_space<vmem_shared>>
    %dma_start3A_1286 = tpu.memref_squeeze %dma_start3A_1285 : memref<1x2x32x512xf32, #tpu.memory_space<vmem_shared>> -> memref<2x32x512xf32, #tpu.memory_space<vmem_shared>>
    %dma_start3A_1287 = arith.constant 0 : i32
    %dma_start3A_1288 = arith.constant 0 : i32
    %dma_start3A_1289 = tpu.memref_slice %dma_start3A_1286[%dma_start3A_1278, %dma_start3A_1287, %dma_start3A_1288] : memref<2x32x512xf32, #tpu.memory_space<vmem_shared>> -> memref<1x32x512xf32, #tpu.memory_space<vmem_shared>>
    %dma_start3A_1290 = tpu.memref_squeeze %dma_start3A_1289 : memref<1x32x512xf32, #tpu.memory_space<vmem_shared>> -> memref<32x512xf32, #tpu.memory_space<vmem_shared>>
    %dma_start3A_1291 = arith.constant 0 : i32
    %dma_start3A_1292 = tpu.memref_slice %arg2[%add3A_247, %dma_start3A_1291] : memref<65536x512xf32, #tpu.memory_space<hbm>> -> memref<32x512xf32, #tpu.memory_space<hbm>>
    tpu.enqueue_dma source(%dma_start3A_1292 : memref<32x512xf32, #tpu.memory_space<hbm>>) target(%dma_start3A_1290 : memref<32x512xf32, #tpu.memory_space<vmem_shared>>) target_semaphore(%dma_start3A_1281 : memref<!tpu.dma_semaphore, #tpu.memory_space<semaphore_mem>>)
    %dma_wait3A_1293 = arith.constant 0 : i32
    %dma_wait3A_1294 = arith.constant 0 : i32
    %dma_wait3A_1295 = arith.constant 0 : i32
    %dma_wait3A_1296 = arith.constant 0 : i32
    %dma_wait3A_1297 = tpu.memref_slice %arg8[%dma_wait3A_1293, %dma_wait3A_1295, %dma_wait3A_1296] : memref<2x64x512xf32, #tpu.memory_space<vmem>> -> memref<1x64x512xf32, #tpu.memory_space<vmem>>
    %dma_wait3A_1298 = tpu.memref_squeeze %dma_wait3A_1297 : memref<1x64x512xf32, #tpu.memory_space<vmem>> -> memref<64x512xf32, #tpu.memory_space<vmem>>
    %dma_wait3A_1299 = arith.constant 0 : i32
    %dma_wait3A_1300 = arith.constant 0 : i32
    %dma_wait3A_1301 = tpu.memref_slice %arg2[%dma_wait3A_1299, %dma_wait3A_1300] : memref<65536x512xf32, #tpu.memory_space<hbm>> -> memref<64x512xf32, #tpu.memory_space<hbm>>
    %dma_wait3A_1302 = tpu.memref_slice %arg10[%dma_wait3A_1294] : memref<2x!tpu.dma_semaphore, #tpu.memory_space<semaphore_mem>> -> memref<1x!tpu.dma_semaphore, #tpu.memory_space<semaphore_mem>>
    %dma_wait3A_1303 = tpu.memref_squeeze %dma_wait3A_1302 : memref<1x!tpu.dma_semaphore, #tpu.memory_space<semaphore_mem>> -> memref<!tpu.dma_semaphore, #tpu.memory_space<semaphore_mem>>
    %dma_wait3A_1304 = arith.constant 0 : i32
    %dma_wait3A_1305 = arith.constant 0 : i32
    %dma_wait3A_1306 = tpu.memref_slice %arg8[%dma_wait3A_1293, %dma_wait3A_1304, %dma_wait3A_1305] : memref<2x64x512xf32, #tpu.memory_space<vmem>> -> memref<1x64x512xf32, #tpu.memory_space<vmem>>
    %dma_wait3A_1307 = tpu.memref_squeeze %dma_wait3A_1306 : memref<1x64x512xf32, #tpu.memory_space<vmem>> -> memref<64x512xf32, #tpu.memory_space<vmem>>
    %dma_wait3A_1308 = arith.constant 0 : i32
    %dma_wait3A_1309 = arith.constant 0 : i32
    %dma_wait3A_1310 = tpu.memref_slice %arg2[%dma_wait3A_1308, %dma_wait3A_1309] : memref<65536x512xf32, #tpu.memory_space<hbm>> -> memref<64x512xf32, #tpu.memory_space<hbm>>
    tpu.wait_dma2 semaphore(%dma_wait3A_1303 : memref<!tpu.dma_semaphore, #tpu.memory_space<semaphore_mem>>) src(%dma_wait3A_1310 : memref<64x512xf32, #tpu.memory_space<hbm>>) dst(%dma_wait3A_1307 : memref<64x512xf32, #tpu.memory_space<vmem>>)
    %dma_start3A_1311 = arith.constant 0 : i32
    %dma_start3A_1312 = arith.constant 0 : i32
    %dma_start3A_1313 = arith.constant 0 : i32
    %dma_start3A_1314 = arith.constant 0 : i32
    %dma_start3A_1315 = tpu.memref_slice %arg8[%dma_start3A_1311, %dma_start3A_1313, %dma_start3A_1314] : memref<2x64x512xf32, #tpu.memory_space<vmem>> -> memref<1x64x512xf32, #tpu.memory_space<vmem>>
    %dma_start3A_1316 = tpu.memref_squeeze %dma_start3A_1315 : memref<1x64x512xf32, #tpu.memory_space<vmem>> -> memref<64x512xf32, #tpu.memory_space<vmem>>
    %dma_start3A_1317 = arith.constant 0 : i32
    %dma_start3A_1318 = tpu.memref_slice %arg5[%mul3A_57, %dma_start3A_1317] : memref<65536x512xf32, #tpu.memory_space<hbm>> -> memref<64x512xf32, #tpu.memory_space<hbm>>
    %dma_start3A_1319 = tpu.memref_slice %arg11[%dma_start3A_1312] : memref<2x!tpu.dma_semaphore, #tpu.memory_space<semaphore_mem>> -> memref<1x!tpu.dma_semaphore, #tpu.memory_space<semaphore_mem>>
    %dma_start3A_1320 = tpu.memref_squeeze %dma_start3A_1319 : memref<1x!tpu.dma_semaphore, #tpu.memory_space<semaphore_mem>> -> memref<!tpu.dma_semaphore, #tpu.memory_space<semaphore_mem>>
    %dma_start3A_1321 = arith.constant 0 : i32
    %dma_start3A_1322 = tpu.memref_slice %arg5[%mul3A_57, %dma_start3A_1321] : memref<65536x512xf32, #tpu.memory_space<hbm>> -> memref<64x512xf32, #tpu.memory_space<hbm>>
    %dma_start3A_1323 = arith.constant 0 : i32
    %dma_start3A_1324 = arith.constant 0 : i32
    %dma_start3A_1325 = tpu.memref_slice %arg8[%dma_start3A_1311, %dma_start3A_1323, %dma_start3A_1324] : memref<2x64x512xf32, #tpu.memory_space<vmem>> -> memref<1x64x512xf32, #tpu.memory_space<vmem>>
    %dma_start3A_1326 = tpu.memref_squeeze %dma_start3A_1325 : memref<1x64x512xf32, #tpu.memory_space<vmem>> -> memref<64x512xf32, #tpu.memory_space<vmem>>
    tpu.enqueue_dma source(%dma_start3A_1326 : memref<64x512xf32, #tpu.memory_space<vmem>>) target(%dma_start3A_1322 : memref<64x512xf32, #tpu.memory_space<hbm>>) target_semaphore(%dma_start3A_1320 : memref<!tpu.dma_semaphore, #tpu.memory_space<semaphore_mem>>)
    %dma_wait3A_1327 = arith.constant 0 : i32
    %dma_wait3A_1328 = arith.constant 0 : i32
    %dma_wait3A_1329 = tpu.memref_slice %arg12[%dma_wait3A_1328] : memref<2x!tpu.dma_semaphore, #tpu.memory_space<semaphore_mem>> -> memref<1x!tpu.dma_semaphore, #tpu.memory_space<semaphore_mem>>
    %dma_wait3A_1330 = tpu.memref_squeeze %dma_wait3A_1329 : memref<1x!tpu.dma_semaphore, #tpu.memory_space<semaphore_mem>> -> memref<!tpu.dma_semaphore, #tpu.memory_space<semaphore_mem>>
    %dma_wait3A_1331 = arith.constant 0 : i32
    %dma_wait3A_1332 = arith.constant 0 : i32
    %dma_wait3A_1333 = arith.constant 0 : i32
    %dma_wait3A_1334 = tpu.memref_slice %arg9[%arg1, %dma_wait3A_1331, %dma_wait3A_1332, %dma_wait3A_1333] : memref<16x2x32x512xf32, #tpu.memory_space<vmem_shared>> -> memref<1x2x32x512xf32, #tpu.memory_space<vmem_shared>>
    %dma_wait3A_1335 = tpu.memref_squeeze %dma_wait3A_1334 : memref<1x2x32x512xf32, #tpu.memory_space<vmem_shared>> -> memref<2x32x512xf32, #tpu.memory_space<vmem_shared>>
    %dma_wait3A_1336 = arith.constant 0 : i32
    %dma_wait3A_1337 = arith.constant 0 : i32
    %dma_wait3A_1338 = tpu.memref_slice %dma_wait3A_1335[%dma_wait3A_1327, %dma_wait3A_1336, %dma_wait3A_1337] : memref<2x32x512xf32, #tpu.memory_space<vmem_shared>> -> memref<1x32x512xf32, #tpu.memory_space<vmem_shared>>
    %dma_wait3A_1339 = tpu.memref_squeeze %dma_wait3A_1338 : memref<1x32x512xf32, #tpu.memory_space<vmem_shared>> -> memref<32x512xf32, #tpu.memory_space<vmem_shared>>
    %dma_wait3A_1340 = arith.constant 0 : i32
    %dma_wait3A_1341 = arith.constant 0 : i32
    %dma_wait3A_1342 = tpu.memref_slice %arg2[%dma_wait3A_1340, %dma_wait3A_1341] : memref<65536x512xf32, #tpu.memory_space<hbm>> -> memref<32x512xf32, #tpu.memory_space<hbm>>
    tpu.wait_dma2 semaphore(%dma_wait3A_1330 : memref<!tpu.dma_semaphore, #tpu.memory_space<semaphore_mem>>) src(%dma_wait3A_1342 : memref<32x512xf32, #tpu.memory_space<hbm>>) dst(%dma_wait3A_1339 : memref<32x512xf32, #tpu.memory_space<vmem_shared>>)
    %dma_start3A_1343 = arith.constant 0 : i32
    %dma_start3A_1344 = arith.constant 0 : i32
    %dma_start3A_1345 = tpu.memref_slice %arg13[%dma_start3A_1344] : memref<2x!tpu.dma_semaphore, #tpu.memory_space<semaphore_mem>> -> memref<1x!tpu.dma_semaphore, #tpu.memory_space<semaphore_mem>>
    %dma_start3A_1346 = tpu.memref_squeeze %dma_start3A_1345 : memref<1x!tpu.dma_semaphore, #tpu.memory_space<semaphore_mem>> -> memref<!tpu.dma_semaphore, #tpu.memory_space<semaphore_mem>>
    %dma_start3A_1347 = arith.constant 0 : i32
    %dma_start3A_1348 = tpu.memref_slice %arg5[%add3A_253, %dma_start3A_1347] : memref<65536x512xf32, #tpu.memory_space<hbm>> -> memref<32x512xf32, #tpu.memory_space<hbm>>
    %dma_start3A_1349 = arith.constant 0 : i32
    %dma_start3A_1350 = arith.constant 0 : i32
    %dma_start3A_1351 = arith.constant 0 : i32
    %dma_start3A_1352 = tpu.memref_slice %arg9[%arg1, %dma_start3A_1349, %dma_start3A_1350, %dma_start3A_1351] : memref<16x2x32x512xf32, #tpu.memory_space<vmem_shared>> -> memref<1x2x32x512xf32, #tpu.memory_space<vmem_shared>>
    %dma_start3A_1353 = tpu.memref_squeeze %dma_start3A_1352 : memref<1x2x32x512xf32, #tpu.memory_space<vmem_shared>> -> memref<2x32x512xf32, #tpu.memory_space<vmem_shared>>
    %dma_start3A_1354 = arith.constant 0 : i32
    %dma_start3A_1355 = arith.constant 0 : i32
    %dma_start3A_1356 = tpu.memref_slice %dma_start3A_1353[%dma_start3A_1343, %dma_start3A_1354, %dma_start3A_1355] : memref<2x32x512xf32, #tpu.memory_space<vmem_shared>> -> memref<1x32x512xf32, #tpu.memory_space<vmem_shared>>
    %dma_start3A_1357 = tpu.memref_squeeze %dma_start3A_1356 : memref<1x32x512xf32, #tpu.memory_space<vmem_shared>> -> memref<32x512xf32, #tpu.memory_space<vmem_shared>>
    tpu.enqueue_dma source(%dma_start3A_1357 : memref<32x512xf32, #tpu.memory_space<vmem_shared>>) target(%dma_start3A_1348 : memref<32x512xf32, #tpu.memory_space<hbm>>) target_semaphore(%dma_start3A_1346 : memref<!tpu.dma_semaphore, #tpu.memory_space<semaphore_mem>>)
    %dma_wait3A_1358 = arith.constant 1 : i32
    %dma_wait3A_1359 = arith.constant 1 : i32
    %dma_wait3A_1360 = tpu.memref_slice %arg13[%dma_wait3A_1359] : memref<2x!tpu.dma_semaphore, #tpu.memory_space<semaphore_mem>> -> memref<1x!tpu.dma_semaphore, #tpu.memory_space<semaphore_mem>>
    %dma_wait3A_1361 = tpu.memref_squeeze %dma_wait3A_1360 : memref<1x!tpu.dma_semaphore, #tpu.memory_space<semaphore_mem>> -> memref<!tpu.dma_semaphore, #tpu.memory_space<semaphore_mem>>
    %dma_wait3A_1362 = arith.constant 0 : i32
    %dma_wait3A_1363 = arith.constant 0 : i32
    %dma_wait3A_1364 = tpu.memref_slice %arg5[%dma_wait3A_1362, %dma_wait3A_1363] : memref<65536x512xf32, #tpu.memory_space<hbm>> -> memref<32x512xf32, #tpu.memory_space<hbm>>
    %dma_wait3A_1365 = arith.constant 0 : i32
    %dma_wait3A_1366 = arith.constant 0 : i32
    %dma_wait3A_1367 = arith.constant 0 : i32
    %dma_wait3A_1368 = tpu.memref_slice %arg9[%arg1, %dma_wait3A_1365, %dma_wait3A_1366, %dma_wait3A_1367] : memref<16x2x32x512xf32, #tpu.memory_space<vmem_shared>> -> memref<1x2x32x512xf32, #tpu.memory_space<vmem_shared>>
    %dma_wait3A_1369 = tpu.memref_squeeze %dma_wait3A_1368 : memref<1x2x32x512xf32, #tpu.memory_space<vmem_shared>> -> memref<2x32x512xf32, #tpu.memory_space<vmem_shared>>
    %dma_wait3A_1370 = arith.constant 0 : i32
    %dma_wait3A_1371 = arith.constant 0 : i32
    %dma_wait3A_1372 = tpu.memref_slice %dma_wait3A_1369[%dma_wait3A_1358, %dma_wait3A_1370, %dma_wait3A_1371] : memref<2x32x512xf32, #tpu.memory_space<vmem_shared>> -> memref<1x32x512xf32, #tpu.memory_space<vmem_shared>>
    %dma_wait3A_1373 = tpu.memref_squeeze %dma_wait3A_1372 : memref<1x32x512xf32, #tpu.memory_space<vmem_shared>> -> memref<32x512xf32, #tpu.memory_space<vmem_shared>>
    tpu.wait_dma2 semaphore(%dma_wait3A_1361 : memref<!tpu.dma_semaphore, #tpu.memory_space<semaphore_mem>>) src(%dma_wait3A_1373 : memref<32x512xf32, #tpu.memory_space<vmem_shared>>) dst(%dma_wait3A_1364 : memref<32x512xf32, #tpu.memory_space<hbm>>)
    %dma_start3A_1374 = arith.constant 1 : i32
    %dma_start3A_1375 = arith.constant 1 : i32
    %dma_start3A_1376 = tpu.memref_slice %arg12[%dma_start3A_1375] : memref<2x!tpu.dma_semaphore, #tpu.memory_space<semaphore_mem>> -> memref<1x!tpu.dma_semaphore, #tpu.memory_space<semaphore_mem>>
    %dma_start3A_1377 = tpu.memref_squeeze %dma_start3A_1376 : memref<1x!tpu.dma_semaphore, #tpu.memory_space<semaphore_mem>> -> memref<!tpu.dma_semaphore, #tpu.memory_space<semaphore_mem>>
    %dma_start3A_1378 = arith.constant 0 : i32
    %dma_start3A_1379 = arith.constant 0 : i32
    %dma_start3A_1380 = arith.constant 0 : i32
    %dma_start3A_1381 = tpu.memref_slice %arg9[%arg1, %dma_start3A_1378, %dma_start3A_1379, %dma_start3A_1380] : memref<16x2x32x512xf32, #tpu.memory_space<vmem_shared>> -> memref<1x2x32x512xf32, #tpu.memory_space<vmem_shared>>
    %dma_start3A_1382 = tpu.memref_squeeze %dma_start3A_1381 : memref<1x2x32x512xf32, #tpu.memory_space<vmem_shared>> -> memref<2x32x512xf32, #tpu.memory_space<vmem_shared>>
    %dma_start3A_1383 = arith.constant 0 : i32
    %dma_start3A_1384 = arith.constant 0 : i32
    %dma_start3A_1385 = tpu.memref_slice %dma_start3A_1382[%dma_start3A_1374, %dma_start3A_1383, %dma_start3A_1384] : memref<2x32x512xf32, #tpu.memory_space<vmem_shared>> -> memref<1x32x512xf32, #tpu.memory_space<vmem_shared>>
    %dma_start3A_1386 = tpu.memref_squeeze %dma_start3A_1385 : memref<1x32x512xf32, #tpu.memory_space<vmem_shared>> -> memref<32x512xf32, #tpu.memory_space<vmem_shared>>
    %dma_start3A_1387 = arith.constant 0 : i32
    %dma_start3A_1388 = tpu.memref_slice %arg2[%add3A_259, %dma_start3A_1387] : memref<65536x512xf32, #tpu.memory_space<hbm>> -> memref<32x512xf32, #tpu.memory_space<hbm>>
    tpu.enqueue_dma source(%dma_start3A_1388 : memref<32x512xf32, #tpu.memory_space<hbm>>) target(%dma_start3A_1386 : memref<32x512xf32, #tpu.memory_space<vmem_shared>>) target_semaphore(%dma_start3A_1377 : memref<!tpu.dma_semaphore, #tpu.memory_space<semaphore_mem>>)
    %dma_wait3A_1389 = arith.constant 1 : i32
    %dma_wait3A_1390 = arith.constant 1 : i32
    %dma_wait3A_1391 = arith.constant 0 : i32
    %dma_wait3A_1392 = arith.constant 0 : i32
    %dma_wait3A_1393 = tpu.memref_slice %arg8[%dma_wait3A_1389, %dma_wait3A_1391, %dma_wait3A_1392] : memref<2x64x512xf32, #tpu.memory_space<vmem>> -> memref<1x64x512xf32, #tpu.memory_space<vmem>>
    %dma_wait3A_1394 = tpu.memref_squeeze %dma_wait3A_1393 : memref<1x64x512xf32, #tpu.memory_space<vmem>> -> memref<64x512xf32, #tpu.memory_space<vmem>>
    %dma_wait3A_1395 = arith.constant 0 : i32
    %dma_wait3A_1396 = arith.constant 0 : i32
    %dma_wait3A_1397 = tpu.memref_slice %arg5[%dma_wait3A_1395, %dma_wait3A_1396] : memref<65536x512xf32, #tpu.memory_space<hbm>> -> memref<64x512xf32, #tpu.memory_space<hbm>>
    %dma_wait3A_1398 = tpu.memref_slice %arg11[%dma_wait3A_1390] : memref<2x!tpu.dma_semaphore, #tpu.memory_space<semaphore_mem>> -> memref<1x!tpu.dma_semaphore, #tpu.memory_space<semaphore_mem>>
    %dma_wait3A_1399 = tpu.memref_squeeze %dma_wait3A_1398 : memref<1x!tpu.dma_semaphore, #tpu.memory_space<semaphore_mem>> -> memref<!tpu.dma_semaphore, #tpu.memory_space<semaphore_mem>>
    %dma_wait3A_1400 = arith.constant 0 : i32
    %dma_wait3A_1401 = arith.constant 0 : i32
    %dma_wait3A_1402 = tpu.memref_slice %arg5[%dma_wait3A_1400, %dma_wait3A_1401] : memref<65536x512xf32, #tpu.memory_space<hbm>> -> memref<64x512xf32, #tpu.memory_space<hbm>>
    %dma_wait3A_1403 = arith.constant 0 : i32
    %dma_wait3A_1404 = arith.constant 0 : i32
    %dma_wait3A_1405 = tpu.memref_slice %arg8[%dma_wait3A_1389, %dma_wait3A_1403, %dma_wait3A_1404] : memref<2x64x512xf32, #tpu.memory_space<vmem>> -> memref<1x64x512xf32, #tpu.memory_space<vmem>>
    %dma_wait3A_1406 = tpu.memref_squeeze %dma_wait3A_1405 : memref<1x64x512xf32, #tpu.memory_space<vmem>> -> memref<64x512xf32, #tpu.memory_space<vmem>>
    tpu.wait_dma2 semaphore(%dma_wait3A_1399 : memref<!tpu.dma_semaphore, #tpu.memory_space<semaphore_mem>>) src(%dma_wait3A_1406 : memref<64x512xf32, #tpu.memory_space<vmem>>) dst(%dma_wait3A_1402 : memref<64x512xf32, #tpu.memory_space<hbm>>)
    %dma_start3A_1407 = arith.constant 1 : i32
    %dma_start3A_1408 = arith.constant 1 : i32
    %dma_start3A_1409 = arith.constant 0 : i32
    %dma_start3A_1410 = arith.constant 0 : i32
    %dma_start3A_1411 = tpu.memref_slice %arg8[%dma_start3A_1407, %dma_start3A_1409, %dma_start3A_1410] : memref<2x64x512xf32, #tpu.memory_space<vmem>> -> memref<1x64x512xf32, #tpu.memory_space<vmem>>
    %dma_start3A_1412 = tpu.memref_squeeze %dma_start3A_1411 : memref<1x64x512xf32, #tpu.memory_space<vmem>> -> memref<64x512xf32, #tpu.memory_space<vmem>>
    %dma_start3A_1413 = arith.constant 0 : i32
    %dma_start3A_1414 = tpu.memref_slice %arg2[%mul3A_61, %dma_start3A_1413] : memref<65536x512xf32, #tpu.memory_space<hbm>> -> memref<64x512xf32, #tpu.memory_space<hbm>>
    %dma_start3A_1415 = tpu.memref_slice %arg10[%dma_start3A_1408] : memref<2x!tpu.dma_semaphore, #tpu.memory_space<semaphore_mem>> -> memref<1x!tpu.dma_semaphore, #tpu.memory_space<semaphore_mem>>
    %dma_start3A_1416 = tpu.memref_squeeze %dma_start3A_1415 : memref<1x!tpu.dma_semaphore, #tpu.memory_space<semaphore_mem>> -> memref<!tpu.dma_semaphore, #tpu.memory_space<semaphore_mem>>
    %dma_start3A_1417 = arith.constant 0 : i32
    %dma_start3A_1418 = arith.constant 0 : i32
    %dma_start3A_1419 = tpu.memref_slice %arg8[%dma_start3A_1407, %dma_start3A_1417, %dma_start3A_1418] : memref<2x64x512xf32, #tpu.memory_space<vmem>> -> memref<1x64x512xf32, #tpu.memory_space<vmem>>
    %dma_start3A_1420 = tpu.memref_squeeze %dma_start3A_1419 : memref<1x64x512xf32, #tpu.memory_space<vmem>> -> memref<64x512xf32, #tpu.memory_space<vmem>>
    %dma_start3A_1421 = arith.constant 0 : i32
    %dma_start3A_1422 = tpu.memref_slice %arg2[%mul3A_61, %dma_start3A_1421] : memref<65536x512xf32, #tpu.memory_space<hbm>> -> memref<64x512xf32, #tpu.memory_space<hbm>>
    tpu.enqueue_dma source(%dma_start3A_1422 : memref<64x512xf32, #tpu.memory_space<hbm>>) target(%dma_start3A_1420 : memref<64x512xf32, #tpu.memory_space<vmem>>) target_semaphore(%dma_start3A_1416 : memref<!tpu.dma_semaphore, #tpu.memory_space<semaphore_mem>>)
    %dma_wait3A_1423 = arith.constant 1 : i32
    %dma_wait3A_1424 = arith.constant 1 : i32
    %dma_wait3A_1425 = tpu.memref_slice %arg12[%dma_wait3A_1424] : memref<2x!tpu.dma_semaphore, #tpu.memory_space<semaphore_mem>> -> memref<1x!tpu.dma_semaphore, #tpu.memory_space<semaphore_mem>>
    %dma_wait3A_1426 = tpu.memref_squeeze %dma_wait3A_1425 : memref<1x!tpu.dma_semaphore, #tpu.memory_space<semaphore_mem>> -> memref<!tpu.dma_semaphore, #tpu.memory_space<semaphore_mem>>
    %dma_wait3A_1427 = arith.constant 0 : i32
    %dma_wait3A_1428 = arith.constant 0 : i32
    %dma_wait3A_1429 = arith.constant 0 : i32
    %dma_wait3A_1430 = tpu.memref_slice %arg9[%arg1, %dma_wait3A_1427, %dma_wait3A_1428, %dma_wait3A_1429] : memref<16x2x32x512xf32, #tpu.memory_space<vmem_shared>> -> memref<1x2x32x512xf32, #tpu.memory_space<vmem_shared>>
    %dma_wait3A_1431 = tpu.memref_squeeze %dma_wait3A_1430 : memref<1x2x32x512xf32, #tpu.memory_space<vmem_shared>> -> memref<2x32x512xf32, #tpu.memory_space<vmem_shared>>
    %dma_wait3A_1432 = arith.constant 0 : i32
    %dma_wait3A_1433 = arith.constant 0 : i32
    %dma_wait3A_1434 = tpu.memref_slice %dma_wait3A_1431[%dma_wait3A_1423, %dma_wait3A_1432, %dma_wait3A_1433] : memref<2x32x512xf32, #tpu.memory_space<vmem_shared>> -> memref<1x32x512xf32, #tpu.memory_space<vmem_shared>>
    %dma_wait3A_1435 = tpu.memref_squeeze %dma_wait3A_1434 : memref<1x32x512xf32, #tpu.memory_space<vmem_shared>> -> memref<32x512xf32, #tpu.memory_space<vmem_shared>>
    %dma_wait3A_1436 = arith.constant 0 : i32
    %dma_wait3A_1437 = arith.constant 0 : i32
    %dma_wait3A_1438 = tpu.memref_slice %arg2[%dma_wait3A_1436, %dma_wait3A_1437] : memref<65536x512xf32, #tpu.memory_space<hbm>> -> memref<32x512xf32, #tpu.memory_space<hbm>>
    tpu.wait_dma2 semaphore(%dma_wait3A_1426 : memref<!tpu.dma_semaphore, #tpu.memory_space<semaphore_mem>>) src(%dma_wait3A_1438 : memref<32x512xf32, #tpu.memory_space<hbm>>) dst(%dma_wait3A_1435 : memref<32x512xf32, #tpu.memory_space<vmem_shared>>)
    %dma_start3A_1439 = arith.constant 1 : i32
    %dma_start3A_1440 = arith.constant 1 : i32
    %dma_start3A_1441 = tpu.memref_slice %arg13[%dma_start3A_1440] : memref<2x!tpu.dma_semaphore, #tpu.memory_space<semaphore_mem>> -> memref<1x!tpu.dma_semaphore, #tpu.memory_space<semaphore_mem>>
    %dma_start3A_1442 = tpu.memref_squeeze %dma_start3A_1441 : memref<1x!tpu.dma_semaphore, #tpu.memory_space<semaphore_mem>> -> memref<!tpu.dma_semaphore, #tpu.memory_space<semaphore_mem>>
    %dma_start3A_1443 = arith.constant 0 : i32
    %dma_start3A_1444 = tpu.memref_slice %arg5[%add3A_265, %dma_start3A_1443] : memref<65536x512xf32, #tpu.memory_space<hbm>> -> memref<32x512xf32, #tpu.memory_space<hbm>>
    %dma_start3A_1445 = arith.constant 0 : i32
    %dma_start3A_1446 = arith.constant 0 : i32
    %dma_start3A_1447 = arith.constant 0 : i32
    %dma_start3A_1448 = tpu.memref_slice %arg9[%arg1, %dma_start3A_1445, %dma_start3A_1446, %dma_start3A_1447] : memref<16x2x32x512xf32, #tpu.memory_space<vmem_shared>> -> memref<1x2x32x512xf32, #tpu.memory_space<vmem_shared>>
    %dma_start3A_1449 = tpu.memref_squeeze %dma_start3A_1448 : memref<1x2x32x512xf32, #tpu.memory_space<vmem_shared>> -> memref<2x32x512xf32, #tpu.memory_space<vmem_shared>>
    %dma_start3A_1450 = arith.constant 0 : i32
    %dma_start3A_1451 = arith.constant 0 : i32
    %dma_start3A_1452 = tpu.memref_slice %dma_start3A_1449[%dma_start3A_1439, %dma_start3A_1450, %dma_start3A_1451] : memref<2x32x512xf32, #tpu.memory_space<vmem_shared>> -> memref<1x32x512xf32, #tpu.memory_space<vmem_shared>>
    %dma_start3A_1453 = tpu.memref_squeeze %dma_start3A_1452 : memref<1x32x512xf32, #tpu.memory_space<vmem_shared>> -> memref<32x512xf32, #tpu.memory_space<vmem_shared>>
    tpu.enqueue_dma source(%dma_start3A_1453 : memref<32x512xf32, #tpu.memory_space<vmem_shared>>) target(%dma_start3A_1444 : memref<32x512xf32, #tpu.memory_space<hbm>>) target_semaphore(%dma_start3A_1442 : memref<!tpu.dma_semaphore, #tpu.memory_space<semaphore_mem>>)
    %dma_wait3A_1454 = arith.constant 0 : i32
    %dma_wait3A_1455 = arith.constant 0 : i32
    %dma_wait3A_1456 = tpu.memref_slice %arg13[%dma_wait3A_1455] : memref<2x!tpu.dma_semaphore, #tpu.memory_space<semaphore_mem>> -> memref<1x!tpu.dma_semaphore, #tpu.memory_space<semaphore_mem>>
    %dma_wait3A_1457 = tpu.memref_squeeze %dma_wait3A_1456 : memref<1x!tpu.dma_semaphore, #tpu.memory_space<semaphore_mem>> -> memref<!tpu.dma_semaphore, #tpu.memory_space<semaphore_mem>>
    %dma_wait3A_1458 = arith.constant 0 : i32
    %dma_wait3A_1459 = arith.constant 0 : i32
    %dma_wait3A_1460 = tpu.memref_slice %arg5[%dma_wait3A_1458, %dma_wait3A_1459] : memref<65536x512xf32, #tpu.memory_space<hbm>> -> memref<32x512xf32, #tpu.memory_space<hbm>>
    %dma_wait3A_1461 = arith.constant 0 : i32
    %dma_wait3A_1462 = arith.constant 0 : i32
    %dma_wait3A_1463 = arith.constant 0 : i32
    %dma_wait3A_1464 = tpu.memref_slice %arg9[%arg1, %dma_wait3A_1461, %dma_wait3A_1462, %dma_wait3A_1463] : memref<16x2x32x512xf32, #tpu.memory_space<vmem_shared>> -> memref<1x2x32x512xf32, #tpu.memory_space<vmem_shared>>
    %dma_wait3A_1465 = tpu.memref_squeeze %dma_wait3A_1464 : memref<1x2x32x512xf32, #tpu.memory_space<vmem_shared>> -> memref<2x32x512xf32, #tpu.memory_space<vmem_shared>>
    %dma_wait3A_1466 = arith.constant 0 : i32
    %dma_wait3A_1467 = arith.constant 0 : i32
    %dma_wait3A_1468 = tpu.memref_slice %dma_wait3A_1465[%dma_wait3A_1454, %dma_wait3A_1466, %dma_wait3A_1467] : memref<2x32x512xf32, #tpu.memory_space<vmem_shared>> -> memref<1x32x512xf32, #tpu.memory_space<vmem_shared>>
    %dma_wait3A_1469 = tpu.memref_squeeze %dma_wait3A_1468 : memref<1x32x512xf32, #tpu.memory_space<vmem_shared>> -> memref<32x512xf32, #tpu.memory_space<vmem_shared>>
    tpu.wait_dma2 semaphore(%dma_wait3A_1457 : memref<!tpu.dma_semaphore, #tpu.memory_space<semaphore_mem>>) src(%dma_wait3A_1469 : memref<32x512xf32, #tpu.memory_space<vmem_shared>>) dst(%dma_wait3A_1460 : memref<32x512xf32, #tpu.memory_space<hbm>>)
    %dma_start3A_1470 = arith.constant 0 : i32
    %dma_start3A_1471 = arith.constant 0 : i32
    %dma_start3A_1472 = tpu.memref_slice %arg12[%dma_start3A_1471] : memref<2x!tpu.dma_semaphore, #tpu.memory_space<semaphore_mem>> -> memref<1x!tpu.dma_semaphore, #tpu.memory_space<semaphore_mem>>
    %dma_start3A_1473 = tpu.memref_squeeze %dma_start3A_1472 : memref<1x!tpu.dma_semaphore, #tpu.memory_space<semaphore_mem>> -> memref<!tpu.dma_semaphore, #tpu.memory_space<semaphore_mem>>
    %dma_start3A_1474 = arith.constant 0 : i32
    %dma_start3A_1475 = arith.constant 0 : i32
    %dma_start3A_1476 = arith.constant 0 : i32
    %dma_start3A_1477 = tpu.memref_slice %arg9[%arg1, %dma_start3A_1474, %dma_start3A_1475, %dma_start3A_1476] : memref<16x2x32x512xf32, #tpu.memory_space<vmem_shared>> -> memref<1x2x32x512xf32, #tpu.memory_space<vmem_shared>>
    %dma_start3A_1478 = tpu.memref_squeeze %dma_start3A_1477 : memref<1x2x32x512xf32, #tpu.memory_space<vmem_shared>> -> memref<2x32x512xf32, #tpu.memory_space<vmem_shared>>
    %dma_start3A_1479 = arith.constant 0 : i32
    %dma_start3A_1480 = arith.constant 0 : i32
    %dma_start3A_1481 = tpu.memref_slice %dma_start3A_1478[%dma_start3A_1470, %dma_start3A_1479, %dma_start3A_1480] : memref<2x32x512xf32, #tpu.memory_space<vmem_shared>> -> memref<1x32x512xf32, #tpu.memory_space<vmem_shared>>
    %dma_start3A_1482 = tpu.memref_squeeze %dma_start3A_1481 : memref<1x32x512xf32, #tpu.memory_space<vmem_shared>> -> memref<32x512xf32, #tpu.memory_space<vmem_shared>>
    %dma_start3A_1483 = arith.constant 0 : i32
    %dma_start3A_1484 = tpu.memref_slice %arg2[%add3A_271, %dma_start3A_1483] : memref<65536x512xf32, #tpu.memory_space<hbm>> -> memref<32x512xf32, #tpu.memory_space<hbm>>
    tpu.enqueue_dma source(%dma_start3A_1484 : memref<32x512xf32, #tpu.memory_space<hbm>>) target(%dma_start3A_1482 : memref<32x512xf32, #tpu.memory_space<vmem_shared>>) target_semaphore(%dma_start3A_1473 : memref<!tpu.dma_semaphore, #tpu.memory_space<semaphore_mem>>)
    %dma_wait3A_1485 = arith.constant 1 : i32
    %dma_wait3A_1486 = arith.constant 1 : i32
    %dma_wait3A_1487 = arith.constant 0 : i32
    %dma_wait3A_1488 = arith.constant 0 : i32
    %dma_wait3A_1489 = tpu.memref_slice %arg8[%dma_wait3A_1485, %dma_wait3A_1487, %dma_wait3A_1488] : memref<2x64x512xf32, #tpu.memory_space<vmem>> -> memref<1x64x512xf32, #tpu.memory_space<vmem>>
    %dma_wait3A_1490 = tpu.memref_squeeze %dma_wait3A_1489 : memref<1x64x512xf32, #tpu.memory_space<vmem>> -> memref<64x512xf32, #tpu.memory_space<vmem>>
    %dma_wait3A_1491 = arith.constant 0 : i32
    %dma_wait3A_1492 = arith.constant 0 : i32
    %dma_wait3A_1493 = tpu.memref_slice %arg2[%dma_wait3A_1491, %dma_wait3A_1492] : memref<65536x512xf32, #tpu.memory_space<hbm>> -> memref<64x512xf32, #tpu.memory_space<hbm>>
    %dma_wait3A_1494 = tpu.memref_slice %arg10[%dma_wait3A_1486] : memref<2x!tpu.dma_semaphore, #tpu.memory_space<semaphore_mem>> -> memref<1x!tpu.dma_semaphore, #tpu.memory_space<semaphore_mem>>
    %dma_wait3A_1495 = tpu.memref_squeeze %dma_wait3A_1494 : memref<1x!tpu.dma_semaphore, #tpu.memory_space<semaphore_mem>> -> memref<!tpu.dma_semaphore, #tpu.memory_space<semaphore_mem>>
    %dma_wait3A_1496 = arith.constant 0 : i32
    %dma_wait3A_1497 = arith.constant 0 : i32
    %dma_wait3A_1498 = tpu.memref_slice %arg8[%dma_wait3A_1485, %dma_wait3A_1496, %dma_wait3A_1497] : memref<2x64x512xf32, #tpu.memory_space<vmem>> -> memref<1x64x512xf32, #tpu.memory_space<vmem>>
    %dma_wait3A_1499 = tpu.memref_squeeze %dma_wait3A_1498 : memref<1x64x512xf32, #tpu.memory_space<vmem>> -> memref<64x512xf32, #tpu.memory_space<vmem>>
    %dma_wait3A_1500 = arith.constant 0 : i32
    %dma_wait3A_1501 = arith.constant 0 : i32
    %dma_wait3A_1502 = tpu.memref_slice %arg2[%dma_wait3A_1500, %dma_wait3A_1501] : memref<65536x512xf32, #tpu.memory_space<hbm>> -> memref<64x512xf32, #tpu.memory_space<hbm>>
    tpu.wait_dma2 semaphore(%dma_wait3A_1495 : memref<!tpu.dma_semaphore, #tpu.memory_space<semaphore_mem>>) src(%dma_wait3A_1502 : memref<64x512xf32, #tpu.memory_space<hbm>>) dst(%dma_wait3A_1499 : memref<64x512xf32, #tpu.memory_space<vmem>>)
    %dma_start3A_1503 = arith.constant 1 : i32
    %dma_start3A_1504 = arith.constant 1 : i32
    %dma_start3A_1505 = arith.constant 0 : i32
    %dma_start3A_1506 = arith.constant 0 : i32
    %dma_start3A_1507 = tpu.memref_slice %arg8[%dma_start3A_1503, %dma_start3A_1505, %dma_start3A_1506] : memref<2x64x512xf32, #tpu.memory_space<vmem>> -> memref<1x64x512xf32, #tpu.memory_space<vmem>>
    %dma_start3A_1508 = tpu.memref_squeeze %dma_start3A_1507 : memref<1x64x512xf32, #tpu.memory_space<vmem>> -> memref<64x512xf32, #tpu.memory_space<vmem>>
    %dma_start3A_1509 = arith.constant 0 : i32
    %dma_start3A_1510 = tpu.memref_slice %arg5[%mul3A_65, %dma_start3A_1509] : memref<65536x512xf32, #tpu.memory_space<hbm>> -> memref<64x512xf32, #tpu.memory_space<hbm>>
    %dma_start3A_1511 = tpu.memref_slice %arg11[%dma_start3A_1504] : memref<2x!tpu.dma_semaphore, #tpu.memory_space<semaphore_mem>> -> memref<1x!tpu.dma_semaphore, #tpu.memory_space<semaphore_mem>>
    %dma_start3A_1512 = tpu.memref_squeeze %dma_start3A_1511 : memref<1x!tpu.dma_semaphore, #tpu.memory_space<semaphore_mem>> -> memref<!tpu.dma_semaphore, #tpu.memory_space<semaphore_mem>>
    %dma_start3A_1513 = arith.constant 0 : i32
    %dma_start3A_1514 = tpu.memref_slice %arg5[%mul3A_65, %dma_start3A_1513] : memref<65536x512xf32, #tpu.memory_space<hbm>> -> memref<64x512xf32, #tpu.memory_space<hbm>>
    %dma_start3A_1515 = arith.constant 0 : i32
    %dma_start3A_1516 = arith.constant 0 : i32
    %dma_start3A_1517 = tpu.memref_slice %arg8[%dma_start3A_1503, %dma_start3A_1515, %dma_start3A_1516] : memref<2x64x512xf32, #tpu.memory_space<vmem>> -> memref<1x64x512xf32, #tpu.memory_space<vmem>>
    %dma_start3A_1518 = tpu.memref_squeeze %dma_start3A_1517 : memref<1x64x512xf32, #tpu.memory_space<vmem>> -> memref<64x512xf32, #tpu.memory_space<vmem>>
    tpu.enqueue_dma source(%dma_start3A_1518 : memref<64x512xf32, #tpu.memory_space<vmem>>) target(%dma_start3A_1514 : memref<64x512xf32, #tpu.memory_space<hbm>>) target_semaphore(%dma_start3A_1512 : memref<!tpu.dma_semaphore, #tpu.memory_space<semaphore_mem>>)
    %dma_wait3A_1519 = arith.constant 0 : i32
    %dma_wait3A_1520 = arith.constant 0 : i32
    %dma_wait3A_1521 = tpu.memref_slice %arg12[%dma_wait3A_1520] : memref<2x!tpu.dma_semaphore, #tpu.memory_space<semaphore_mem>> -> memref<1x!tpu.dma_semaphore, #tpu.memory_space<semaphore_mem>>
    %dma_wait3A_1522 = tpu.memref_squeeze %dma_wait3A_1521 : memref<1x!tpu.dma_semaphore, #tpu.memory_space<semaphore_mem>> -> memref<!tpu.dma_semaphore, #tpu.memory_space<semaphore_mem>>
    %dma_wait3A_1523 = arith.constant 0 : i32
    %dma_wait3A_1524 = arith.constant 0 : i32
    %dma_wait3A_1525 = arith.constant 0 : i32
    %dma_wait3A_1526 = tpu.memref_slice %arg9[%arg1, %dma_wait3A_1523, %dma_wait3A_1524, %dma_wait3A_1525] : memref<16x2x32x512xf32, #tpu.memory_space<vmem_shared>> -> memref<1x2x32x512xf32, #tpu.memory_space<vmem_shared>>
    %dma_wait3A_1527 = tpu.memref_squeeze %dma_wait3A_1526 : memref<1x2x32x512xf32, #tpu.memory_space<vmem_shared>> -> memref<2x32x512xf32, #tpu.memory_space<vmem_shared>>
    %dma_wait3A_1528 = arith.constant 0 : i32
    %dma_wait3A_1529 = arith.constant 0 : i32
    %dma_wait3A_1530 = tpu.memref_slice %dma_wait3A_1527[%dma_wait3A_1519, %dma_wait3A_1528, %dma_wait3A_1529] : memref<2x32x512xf32, #tpu.memory_space<vmem_shared>> -> memref<1x32x512xf32, #tpu.memory_space<vmem_shared>>
    %dma_wait3A_1531 = tpu.memref_squeeze %dma_wait3A_1530 : memref<1x32x512xf32, #tpu.memory_space<vmem_shared>> -> memref<32x512xf32, #tpu.memory_space<vmem_shared>>
    %dma_wait3A_1532 = arith.constant 0 : i32
    %dma_wait3A_1533 = arith.constant 0 : i32
    %dma_wait3A_1534 = tpu.memref_slice %arg2[%dma_wait3A_1532, %dma_wait3A_1533] : memref<65536x512xf32, #tpu.memory_space<hbm>> -> memref<32x512xf32, #tpu.memory_space<hbm>>
    tpu.wait_dma2 semaphore(%dma_wait3A_1522 : memref<!tpu.dma_semaphore, #tpu.memory_space<semaphore_mem>>) src(%dma_wait3A_1534 : memref<32x512xf32, #tpu.memory_space<hbm>>) dst(%dma_wait3A_1531 : memref<32x512xf32, #tpu.memory_space<vmem_shared>>)
    %dma_start3A_1535 = arith.constant 0 : i32
    %dma_start3A_1536 = arith.constant 0 : i32
    %dma_start3A_1537 = tpu.memref_slice %arg13[%dma_start3A_1536] : memref<2x!tpu.dma_semaphore, #tpu.memory_space<semaphore_mem>> -> memref<1x!tpu.dma_semaphore, #tpu.memory_space<semaphore_mem>>
    %dma_start3A_1538 = tpu.memref_squeeze %dma_start3A_1537 : memref<1x!tpu.dma_semaphore, #tpu.memory_space<semaphore_mem>> -> memref<!tpu.dma_semaphore, #tpu.memory_space<semaphore_mem>>
    %dma_start3A_1539 = arith.constant 0 : i32
    %dma_start3A_1540 = tpu.memref_slice %arg5[%add3A_277, %dma_start3A_1539] : memref<65536x512xf32, #tpu.memory_space<hbm>> -> memref<32x512xf32, #tpu.memory_space<hbm>>
    %dma_start3A_1541 = arith.constant 0 : i32
    %dma_start3A_1542 = arith.constant 0 : i32
    %dma_start3A_1543 = arith.constant 0 : i32
    %dma_start3A_1544 = tpu.memref_slice %arg9[%arg1, %dma_start3A_1541, %dma_start3A_1542, %dma_start3A_1543] : memref<16x2x32x512xf32, #tpu.memory_space<vmem_shared>> -> memref<1x2x32x512xf32, #tpu.memory_space<vmem_shared>>
    %dma_start3A_1545 = tpu.memref_squeeze %dma_start3A_1544 : memref<1x2x32x512xf32, #tpu.memory_space<vmem_shared>> -> memref<2x32x512xf32, #tpu.memory_space<vmem_shared>>
    %dma_start3A_1546 = arith.constant 0 : i32
    %dma_start3A_1547 = arith.constant 0 : i32
    %dma_start3A_1548 = tpu.memref_slice %dma_start3A_1545[%dma_start3A_1535, %dma_start3A_1546, %dma_start3A_1547] : memref<2x32x512xf32, #tpu.memory_space<vmem_shared>> -> memref<1x32x512xf32, #tpu.memory_space<vmem_shared>>
    %dma_start3A_1549 = tpu.memref_squeeze %dma_start3A_1548 : memref<1x32x512xf32, #tpu.memory_space<vmem_shared>> -> memref<32x512xf32, #tpu.memory_space<vmem_shared>>
    tpu.enqueue_dma source(%dma_start3A_1549 : memref<32x512xf32, #tpu.memory_space<vmem_shared>>) target(%dma_start3A_1540 : memref<32x512xf32, #tpu.memory_space<hbm>>) target_semaphore(%dma_start3A_1538 : memref<!tpu.dma_semaphore, #tpu.memory_space<semaphore_mem>>)
    %dma_wait3A_1550 = arith.constant 1 : i32
    %dma_wait3A_1551 = arith.constant 1 : i32
    %dma_wait3A_1552 = tpu.memref_slice %arg13[%dma_wait3A_1551] : memref<2x!tpu.dma_semaphore, #tpu.memory_space<semaphore_mem>> -> memref<1x!tpu.dma_semaphore, #tpu.memory_space<semaphore_mem>>
    %dma_wait3A_1553 = tpu.memref_squeeze %dma_wait3A_1552 : memref<1x!tpu.dma_semaphore, #tpu.memory_space<semaphore_mem>> -> memref<!tpu.dma_semaphore, #tpu.memory_space<semaphore_mem>>
    %dma_wait3A_1554 = arith.constant 0 : i32
    %dma_wait3A_1555 = arith.constant 0 : i32
    %dma_wait3A_1556 = tpu.memref_slice %arg5[%dma_wait3A_1554, %dma_wait3A_1555] : memref<65536x512xf32, #tpu.memory_space<hbm>> -> memref<32x512xf32, #tpu.memory_space<hbm>>
    %dma_wait3A_1557 = arith.constant 0 : i32
    %dma_wait3A_1558 = arith.constant 0 : i32
    %dma_wait3A_1559 = arith.constant 0 : i32
    %dma_wait3A_1560 = tpu.memref_slice %arg9[%arg1, %dma_wait3A_1557, %dma_wait3A_1558, %dma_wait3A_1559] : memref<16x2x32x512xf32, #tpu.memory_space<vmem_shared>> -> memref<1x2x32x512xf32, #tpu.memory_space<vmem_shared>>
    %dma_wait3A_1561 = tpu.memref_squeeze %dma_wait3A_1560 : memref<1x2x32x512xf32, #tpu.memory_space<vmem_shared>> -> memref<2x32x512xf32, #tpu.memory_space<vmem_shared>>
    %dma_wait3A_1562 = arith.constant 0 : i32
    %dma_wait3A_1563 = arith.constant 0 : i32
    %dma_wait3A_1564 = tpu.memref_slice %dma_wait3A_1561[%dma_wait3A_1550, %dma_wait3A_1562, %dma_wait3A_1563] : memref<2x32x512xf32, #tpu.memory_space<vmem_shared>> -> memref<1x32x512xf32, #tpu.memory_space<vmem_shared>>
    %dma_wait3A_1565 = tpu.memref_squeeze %dma_wait3A_1564 : memref<1x32x512xf32, #tpu.memory_space<vmem_shared>> -> memref<32x512xf32, #tpu.memory_space<vmem_shared>>
    tpu.wait_dma2 semaphore(%dma_wait3A_1553 : memref<!tpu.dma_semaphore, #tpu.memory_space<semaphore_mem>>) src(%dma_wait3A_1565 : memref<32x512xf32, #tpu.memory_space<vmem_shared>>) dst(%dma_wait3A_1556 : memref<32x512xf32, #tpu.memory_space<hbm>>)
    %dma_start3A_1566 = arith.constant 1 : i32
    %dma_start3A_1567 = arith.constant 1 : i32
    %dma_start3A_1568 = tpu.memref_slice %arg12[%dma_start3A_1567] : memref<2x!tpu.dma_semaphore, #tpu.memory_space<semaphore_mem>> -> memref<1x!tpu.dma_semaphore, #tpu.memory_space<semaphore_mem>>
    %dma_start3A_1569 = tpu.memref_squeeze %dma_start3A_1568 : memref<1x!tpu.dma_semaphore, #tpu.memory_space<semaphore_mem>> -> memref<!tpu.dma_semaphore, #tpu.memory_space<semaphore_mem>>
    %dma_start3A_1570 = arith.constant 0 : i32
    %dma_start3A_1571 = arith.constant 0 : i32
    %dma_start3A_1572 = arith.constant 0 : i32
    %dma_start3A_1573 = tpu.memref_slice %arg9[%arg1, %dma_start3A_1570, %dma_start3A_1571, %dma_start3A_1572] : memref<16x2x32x512xf32, #tpu.memory_space<vmem_shared>> -> memref<1x2x32x512xf32, #tpu.memory_space<vmem_shared>>
    %dma_start3A_1574 = tpu.memref_squeeze %dma_start3A_1573 : memref<1x2x32x512xf32, #tpu.memory_space<vmem_shared>> -> memref<2x32x512xf32, #tpu.memory_space<vmem_shared>>
    %dma_start3A_1575 = arith.constant 0 : i32
    %dma_start3A_1576 = arith.constant 0 : i32
    %dma_start3A_1577 = tpu.memref_slice %dma_start3A_1574[%dma_start3A_1566, %dma_start3A_1575, %dma_start3A_1576] : memref<2x32x512xf32, #tpu.memory_space<vmem_shared>> -> memref<1x32x512xf32, #tpu.memory_space<vmem_shared>>
    %dma_start3A_1578 = tpu.memref_squeeze %dma_start3A_1577 : memref<1x32x512xf32, #tpu.memory_space<vmem_shared>> -> memref<32x512xf32, #tpu.memory_space<vmem_shared>>
    %dma_start3A_1579 = arith.constant 0 : i32
    %dma_start3A_1580 = tpu.memref_slice %arg2[%add3A_283, %dma_start3A_1579] : memref<65536x512xf32, #tpu.memory_space<hbm>> -> memref<32x512xf32, #tpu.memory_space<hbm>>
    tpu.enqueue_dma source(%dma_start3A_1580 : memref<32x512xf32, #tpu.memory_space<hbm>>) target(%dma_start3A_1578 : memref<32x512xf32, #tpu.memory_space<vmem_shared>>) target_semaphore(%dma_start3A_1569 : memref<!tpu.dma_semaphore, #tpu.memory_space<semaphore_mem>>)
    %dma_wait3A_1581 = arith.constant 0 : i32
    %dma_wait3A_1582 = arith.constant 0 : i32
    %dma_wait3A_1583 = arith.constant 0 : i32
    %dma_wait3A_1584 = arith.constant 0 : i32
    %dma_wait3A_1585 = tpu.memref_slice %arg8[%dma_wait3A_1581, %dma_wait3A_1583, %dma_wait3A_1584] : memref<2x64x512xf32, #tpu.memory_space<vmem>> -> memref<1x64x512xf32, #tpu.memory_space<vmem>>
    %dma_wait3A_1586 = tpu.memref_squeeze %dma_wait3A_1585 : memref<1x64x512xf32, #tpu.memory_space<vmem>> -> memref<64x512xf32, #tpu.memory_space<vmem>>
    %dma_wait3A_1587 = arith.constant 0 : i32
    %dma_wait3A_1588 = arith.constant 0 : i32
    %dma_wait3A_1589 = tpu.memref_slice %arg5[%dma_wait3A_1587, %dma_wait3A_1588] : memref<65536x512xf32, #tpu.memory_space<hbm>> -> memref<64x512xf32, #tpu.memory_space<hbm>>
    %dma_wait3A_1590 = tpu.memref_slice %arg11[%dma_wait3A_1582] : memref<2x!tpu.dma_semaphore, #tpu.memory_space<semaphore_mem>> -> memref<1x!tpu.dma_semaphore, #tpu.memory_space<semaphore_mem>>
    %dma_wait3A_1591 = tpu.memref_squeeze %dma_wait3A_1590 : memref<1x!tpu.dma_semaphore, #tpu.memory_space<semaphore_mem>> -> memref<!tpu.dma_semaphore, #tpu.memory_space<semaphore_mem>>
    %dma_wait3A_1592 = arith.constant 0 : i32
    %dma_wait3A_1593 = arith.constant 0 : i32
    %dma_wait3A_1594 = tpu.memref_slice %arg5[%dma_wait3A_1592, %dma_wait3A_1593] : memref<65536x512xf32, #tpu.memory_space<hbm>> -> memref<64x512xf32, #tpu.memory_space<hbm>>
    %dma_wait3A_1595 = arith.constant 0 : i32
    %dma_wait3A_1596 = arith.constant 0 : i32
    %dma_wait3A_1597 = tpu.memref_slice %arg8[%dma_wait3A_1581, %dma_wait3A_1595, %dma_wait3A_1596] : memref<2x64x512xf32, #tpu.memory_space<vmem>> -> memref<1x64x512xf32, #tpu.memory_space<vmem>>
    %dma_wait3A_1598 = tpu.memref_squeeze %dma_wait3A_1597 : memref<1x64x512xf32, #tpu.memory_space<vmem>> -> memref<64x512xf32, #tpu.memory_space<vmem>>
    tpu.wait_dma2 semaphore(%dma_wait3A_1591 : memref<!tpu.dma_semaphore, #tpu.memory_space<semaphore_mem>>) src(%dma_wait3A_1598 : memref<64x512xf32, #tpu.memory_space<vmem>>) dst(%dma_wait3A_1594 : memref<64x512xf32, #tpu.memory_space<hbm>>)
    %dma_start3A_1599 = arith.constant 0 : i32
    %dma_start3A_1600 = arith.constant 0 : i32
    %dma_start3A_1601 = arith.constant 0 : i32
    %dma_start3A_1602 = arith.constant 0 : i32
    %dma_start3A_1603 = tpu.memref_slice %arg8[%dma_start3A_1599, %dma_start3A_1601, %dma_start3A_1602] : memref<2x64x512xf32, #tpu.memory_space<vmem>> -> memref<1x64x512xf32, #tpu.memory_space<vmem>>
    %dma_start3A_1604 = tpu.memref_squeeze %dma_start3A_1603 : memref<1x64x512xf32, #tpu.memory_space<vmem>> -> memref<64x512xf32, #tpu.memory_space<vmem>>
    %dma_start3A_1605 = arith.constant 0 : i32
    %dma_start3A_1606 = tpu.memref_slice %arg2[%mul3A_69, %dma_start3A_1605] : memref<65536x512xf32, #tpu.memory_space<hbm>> -> memref<64x512xf32, #tpu.memory_space<hbm>>
    %dma_start3A_1607 = tpu.memref_slice %arg10[%dma_start3A_1600] : memref<2x!tpu.dma_semaphore, #tpu.memory_space<semaphore_mem>> -> memref<1x!tpu.dma_semaphore, #tpu.memory_space<semaphore_mem>>
    %dma_start3A_1608 = tpu.memref_squeeze %dma_start3A_1607 : memref<1x!tpu.dma_semaphore, #tpu.memory_space<semaphore_mem>> -> memref<!tpu.dma_semaphore, #tpu.memory_space<semaphore_mem>>
    %dma_start3A_1609 = arith.constant 0 : i32
    %dma_start3A_1610 = arith.constant 0 : i32
    %dma_start3A_1611 = tpu.memref_slice %arg8[%dma_start3A_1599, %dma_start3A_1609, %dma_start3A_1610] : memref<2x64x512xf32, #tpu.memory_space<vmem>> -> memref<1x64x512xf32, #tpu.memory_space<vmem>>
    %dma_start3A_1612 = tpu.memref_squeeze %dma_start3A_1611 : memref<1x64x512xf32, #tpu.memory_space<vmem>> -> memref<64x512xf32, #tpu.memory_space<vmem>>
    %dma_start3A_1613 = arith.constant 0 : i32
    %dma_start3A_1614 = tpu.memref_slice %arg2[%mul3A_69, %dma_start3A_1613] : memref<65536x512xf32, #tpu.memory_space<hbm>> -> memref<64x512xf32, #tpu.memory_space<hbm>>
    tpu.enqueue_dma source(%dma_start3A_1614 : memref<64x512xf32, #tpu.memory_space<hbm>>) target(%dma_start3A_1612 : memref<64x512xf32, #tpu.memory_space<vmem>>) target_semaphore(%dma_start3A_1608 : memref<!tpu.dma_semaphore, #tpu.memory_space<semaphore_mem>>)
    %dma_wait3A_1615 = arith.constant 1 : i32
    %dma_wait3A_1616 = arith.constant 1 : i32
    %dma_wait3A_1617 = tpu.memref_slice %arg12[%dma_wait3A_1616] : memref<2x!tpu.dma_semaphore, #tpu.memory_space<semaphore_mem>> -> memref<1x!tpu.dma_semaphore, #tpu.memory_space<semaphore_mem>>
    %dma_wait3A_1618 = tpu.memref_squeeze %dma_wait3A_1617 : memref<1x!tpu.dma_semaphore, #tpu.memory_space<semaphore_mem>> -> memref<!tpu.dma_semaphore, #tpu.memory_space<semaphore_mem>>
    %dma_wait3A_1619 = arith.constant 0 : i32
    %dma_wait3A_1620 = arith.constant 0 : i32
    %dma_wait3A_1621 = arith.constant 0 : i32
    %dma_wait3A_1622 = tpu.memref_slice %arg9[%arg1, %dma_wait3A_1619, %dma_wait3A_1620, %dma_wait3A_1621] : memref<16x2x32x512xf32, #tpu.memory_space<vmem_shared>> -> memref<1x2x32x512xf32, #tpu.memory_space<vmem_shared>>
    %dma_wait3A_1623 = tpu.memref_squeeze %dma_wait3A_1622 : memref<1x2x32x512xf32, #tpu.memory_space<vmem_shared>> -> memref<2x32x512xf32, #tpu.memory_space<vmem_shared>>
    %dma_wait3A_1624 = arith.constant 0 : i32
    %dma_wait3A_1625 = arith.constant 0 : i32
    %dma_wait3A_1626 = tpu.memref_slice %dma_wait3A_1623[%dma_wait3A_1615, %dma_wait3A_1624, %dma_wait3A_1625] : memref<2x32x512xf32, #tpu.memory_space<vmem_shared>> -> memref<1x32x512xf32, #tpu.memory_space<vmem_shared>>
    %dma_wait3A_1627 = tpu.memref_squeeze %dma_wait3A_1626 : memref<1x32x512xf32, #tpu.memory_space<vmem_shared>> -> memref<32x512xf32, #tpu.memory_space<vmem_shared>>
    %dma_wait3A_1628 = arith.constant 0 : i32
    %dma_wait3A_1629 = arith.constant 0 : i32
    %dma_wait3A_1630 = tpu.memref_slice %arg2[%dma_wait3A_1628, %dma_wait3A_1629] : memref<65536x512xf32, #tpu.memory_space<hbm>> -> memref<32x512xf32, #tpu.memory_space<hbm>>
    tpu.wait_dma2 semaphore(%dma_wait3A_1618 : memref<!tpu.dma_semaphore, #tpu.memory_space<semaphore_mem>>) src(%dma_wait3A_1630 : memref<32x512xf32, #tpu.memory_space<hbm>>) dst(%dma_wait3A_1627 : memref<32x512xf32, #tpu.memory_space<vmem_shared>>)
    %dma_start3A_1631 = arith.constant 1 : i32
    %dma_start3A_1632 = arith.constant 1 : i32
    %dma_start3A_1633 = tpu.memref_slice %arg13[%dma_start3A_1632] : memref<2x!tpu.dma_semaphore, #tpu.memory_space<semaphore_mem>> -> memref<1x!tpu.dma_semaphore, #tpu.memory_space<semaphore_mem>>
    %dma_start3A_1634 = tpu.memref_squeeze %dma_start3A_1633 : memref<1x!tpu.dma_semaphore, #tpu.memory_space<semaphore_mem>> -> memref<!tpu.dma_semaphore, #tpu.memory_space<semaphore_mem>>
    %dma_start3A_1635 = arith.constant 0 : i32
    %dma_start3A_1636 = tpu.memref_slice %arg5[%add3A_289, %dma_start3A_1635] : memref<65536x512xf32, #tpu.memory_space<hbm>> -> memref<32x512xf32, #tpu.memory_space<hbm>>
    %dma_start3A_1637 = arith.constant 0 : i32
    %dma_start3A_1638 = arith.constant 0 : i32
    %dma_start3A_1639 = arith.constant 0 : i32
    %dma_start3A_1640 = tpu.memref_slice %arg9[%arg1, %dma_start3A_1637, %dma_start3A_1638, %dma_start3A_1639] : memref<16x2x32x512xf32, #tpu.memory_space<vmem_shared>> -> memref<1x2x32x512xf32, #tpu.memory_space<vmem_shared>>
    %dma_start3A_1641 = tpu.memref_squeeze %dma_start3A_1640 : memref<1x2x32x512xf32, #tpu.memory_space<vmem_shared>> -> memref<2x32x512xf32, #tpu.memory_space<vmem_shared>>
    %dma_start3A_1642 = arith.constant 0 : i32
    %dma_start3A_1643 = arith.constant 0 : i32
    %dma_start3A_1644 = tpu.memref_slice %dma_start3A_1641[%dma_start3A_1631, %dma_start3A_1642, %dma_start3A_1643] : memref<2x32x512xf32, #tpu.memory_space<vmem_shared>> -> memref<1x32x512xf32, #tpu.memory_space<vmem_shared>>
    %dma_start3A_1645 = tpu.memref_squeeze %dma_start3A_1644 : memref<1x32x512xf32, #tpu.memory_space<vmem_shared>> -> memref<32x512xf32, #tpu.memory_space<vmem_shared>>
    tpu.enqueue_dma source(%dma_start3A_1645 : memref<32x512xf32, #tpu.memory_space<vmem_shared>>) target(%dma_start3A_1636 : memref<32x512xf32, #tpu.memory_space<hbm>>) target_semaphore(%dma_start3A_1634 : memref<!tpu.dma_semaphore, #tpu.memory_space<semaphore_mem>>)
    %dma_wait3A_1646 = arith.constant 0 : i32
    %dma_wait3A_1647 = arith.constant 0 : i32
    %dma_wait3A_1648 = tpu.memref_slice %arg13[%dma_wait3A_1647] : memref<2x!tpu.dma_semaphore, #tpu.memory_space<semaphore_mem>> -> memref<1x!tpu.dma_semaphore, #tpu.memory_space<semaphore_mem>>
    %dma_wait3A_1649 = tpu.memref_squeeze %dma_wait3A_1648 : memref<1x!tpu.dma_semaphore, #tpu.memory_space<semaphore_mem>> -> memref<!tpu.dma_semaphore, #tpu.memory_space<semaphore_mem>>
    %dma_wait3A_1650 = arith.constant 0 : i32
    %dma_wait3A_1651 = arith.constant 0 : i32
    %dma_wait3A_1652 = tpu.memref_slice %arg5[%dma_wait3A_1650, %dma_wait3A_1651] : memref<65536x512xf32, #tpu.memory_space<hbm>> -> memref<32x512xf32, #tpu.memory_space<hbm>>
    %dma_wait3A_1653 = arith.constant 0 : i32
    %dma_wait3A_1654 = arith.constant 0 : i32
    %dma_wait3A_1655 = arith.constant 0 : i32
    %dma_wait3A_1656 = tpu.memref_slice %arg9[%arg1, %dma_wait3A_1653, %dma_wait3A_1654, %dma_wait3A_1655] : memref<16x2x32x512xf32, #tpu.memory_space<vmem_shared>> -> memref<1x2x32x512xf32, #tpu.memory_space<vmem_shared>>
    %dma_wait3A_1657 = tpu.memref_squeeze %dma_wait3A_1656 : memref<1x2x32x512xf32, #tpu.memory_space<vmem_shared>> -> memref<2x32x512xf32, #tpu.memory_space<vmem_shared>>
    %dma_wait3A_1658 = arith.constant 0 : i32
    %dma_wait3A_1659 = arith.constant 0 : i32
    %dma_wait3A_1660 = tpu.memref_slice %dma_wait3A_1657[%dma_wait3A_1646, %dma_wait3A_1658, %dma_wait3A_1659] : memref<2x32x512xf32, #tpu.memory_space<vmem_shared>> -> memref<1x32x512xf32, #tpu.memory_space<vmem_shared>>
    %dma_wait3A_1661 = tpu.memref_squeeze %dma_wait3A_1660 : memref<1x32x512xf32, #tpu.memory_space<vmem_shared>> -> memref<32x512xf32, #tpu.memory_space<vmem_shared>>
    tpu.wait_dma2 semaphore(%dma_wait3A_1649 : memref<!tpu.dma_semaphore, #tpu.memory_space<semaphore_mem>>) src(%dma_wait3A_1661 : memref<32x512xf32, #tpu.memory_space<vmem_shared>>) dst(%dma_wait3A_1652 : memref<32x512xf32, #tpu.memory_space<hbm>>)
    %dma_start3A_1662 = arith.constant 0 : i32
    %dma_start3A_1663 = arith.constant 0 : i32
    %dma_start3A_1664 = tpu.memref_slice %arg12[%dma_start3A_1663] : memref<2x!tpu.dma_semaphore, #tpu.memory_space<semaphore_mem>> -> memref<1x!tpu.dma_semaphore, #tpu.memory_space<semaphore_mem>>
    %dma_start3A_1665 = tpu.memref_squeeze %dma_start3A_1664 : memref<1x!tpu.dma_semaphore, #tpu.memory_space<semaphore_mem>> -> memref<!tpu.dma_semaphore, #tpu.memory_space<semaphore_mem>>
    %dma_start3A_1666 = arith.constant 0 : i32
    %dma_start3A_1667 = arith.constant 0 : i32
    %dma_start3A_1668 = arith.constant 0 : i32
    %dma_start3A_1669 = tpu.memref_slice %arg9[%arg1, %dma_start3A_1666, %dma_start3A_1667, %dma_start3A_1668] : memref<16x2x32x512xf32, #tpu.memory_space<vmem_shared>> -> memref<1x2x32x512xf32, #tpu.memory_space<vmem_shared>>
    %dma_start3A_1670 = tpu.memref_squeeze %dma_start3A_1669 : memref<1x2x32x512xf32, #tpu.memory_space<vmem_shared>> -> memref<2x32x512xf32, #tpu.memory_space<vmem_shared>>
    %dma_start3A_1671 = arith.constant 0 : i32
    %dma_start3A_1672 = arith.constant 0 : i32
    %dma_start3A_1673 = tpu.memref_slice %dma_start3A_1670[%dma_start3A_1662, %dma_start3A_1671, %dma_start3A_1672] : memref<2x32x512xf32, #tpu.memory_space<vmem_shared>> -> memref<1x32x512xf32, #tpu.memory_space<vmem_shared>>
    %dma_start3A_1674 = tpu.memref_squeeze %dma_start3A_1673 : memref<1x32x512xf32, #tpu.memory_space<vmem_shared>> -> memref<32x512xf32, #tpu.memory_space<vmem_shared>>
    %dma_start3A_1675 = arith.constant 0 : i32
    %dma_start3A_1676 = tpu.memref_slice %arg2[%add3A_295, %dma_start3A_1675] : memref<65536x512xf32, #tpu.memory_space<hbm>> -> memref<32x512xf32, #tpu.memory_space<hbm>>
    tpu.enqueue_dma source(%dma_start3A_1676 : memref<32x512xf32, #tpu.memory_space<hbm>>) target(%dma_start3A_1674 : memref<32x512xf32, #tpu.memory_space<vmem_shared>>) target_semaphore(%dma_start3A_1665 : memref<!tpu.dma_semaphore, #tpu.memory_space<semaphore_mem>>)
    %dma_wait3A_1677 = arith.constant 0 : i32
    %dma_wait3A_1678 = arith.constant 0 : i32
    %dma_wait3A_1679 = arith.constant 0 : i32
    %dma_wait3A_1680 = arith.constant 0 : i32
    %dma_wait3A_1681 = tpu.memref_slice %arg8[%dma_wait3A_1677, %dma_wait3A_1679, %dma_wait3A_1680] : memref<2x64x512xf32, #tpu.memory_space<vmem>> -> memref<1x64x512xf32, #tpu.memory_space<vmem>>
    %dma_wait3A_1682 = tpu.memref_squeeze %dma_wait3A_1681 : memref<1x64x512xf32, #tpu.memory_space<vmem>> -> memref<64x512xf32, #tpu.memory_space<vmem>>
    %dma_wait3A_1683 = arith.constant 0 : i32
    %dma_wait3A_1684 = arith.constant 0 : i32
    %dma_wait3A_1685 = tpu.memref_slice %arg2[%dma_wait3A_1683, %dma_wait3A_1684] : memref<65536x512xf32, #tpu.memory_space<hbm>> -> memref<64x512xf32, #tpu.memory_space<hbm>>
    %dma_wait3A_1686 = tpu.memref_slice %arg10[%dma_wait3A_1678] : memref<2x!tpu.dma_semaphore, #tpu.memory_space<semaphore_mem>> -> memref<1x!tpu.dma_semaphore, #tpu.memory_space<semaphore_mem>>
    %dma_wait3A_1687 = tpu.memref_squeeze %dma_wait3A_1686 : memref<1x!tpu.dma_semaphore, #tpu.memory_space<semaphore_mem>> -> memref<!tpu.dma_semaphore, #tpu.memory_space<semaphore_mem>>
    %dma_wait3A_1688 = arith.constant 0 : i32
    %dma_wait3A_1689 = arith.constant 0 : i32
    %dma_wait3A_1690 = tpu.memref_slice %arg8[%dma_wait3A_1677, %dma_wait3A_1688, %dma_wait3A_1689] : memref<2x64x512xf32, #tpu.memory_space<vmem>> -> memref<1x64x512xf32, #tpu.memory_space<vmem>>
    %dma_wait3A_1691 = tpu.memref_squeeze %dma_wait3A_1690 : memref<1x64x512xf32, #tpu.memory_space<vmem>> -> memref<64x512xf32, #tpu.memory_space<vmem>>
    %dma_wait3A_1692 = arith.constant 0 : i32
    %dma_wait3A_1693 = arith.constant 0 : i32
    %dma_wait3A_1694 = tpu.memref_slice %arg2[%dma_wait3A_1692, %dma_wait3A_1693] : memref<65536x512xf32, #tpu.memory_space<hbm>> -> memref<64x512xf32, #tpu.memory_space<hbm>>
    tpu.wait_dma2 semaphore(%dma_wait3A_1687 : memref<!tpu.dma_semaphore, #tpu.memory_space<semaphore_mem>>) src(%dma_wait3A_1694 : memref<64x512xf32, #tpu.memory_space<hbm>>) dst(%dma_wait3A_1691 : memref<64x512xf32, #tpu.memory_space<vmem>>)
    %dma_start3A_1695 = arith.constant 0 : i32
    %dma_start3A_1696 = arith.constant 0 : i32
    %dma_start3A_1697 = arith.constant 0 : i32
    %dma_start3A_1698 = arith.constant 0 : i32
    %dma_start3A_1699 = tpu.memref_slice %arg8[%dma_start3A_1695, %dma_start3A_1697, %dma_start3A_1698] : memref<2x64x512xf32, #tpu.memory_space<vmem>> -> memref<1x64x512xf32, #tpu.memory_space<vmem>>
    %dma_start3A_1700 = tpu.memref_squeeze %dma_start3A_1699 : memref<1x64x512xf32, #tpu.memory_space<vmem>> -> memref<64x512xf32, #tpu.memory_space<vmem>>
    %dma_start3A_1701 = arith.constant 0 : i32
    %dma_start3A_1702 = tpu.memref_slice %arg5[%mul3A_73, %dma_start3A_1701] : memref<65536x512xf32, #tpu.memory_space<hbm>> -> memref<64x512xf32, #tpu.memory_space<hbm>>
    %dma_start3A_1703 = tpu.memref_slice %arg11[%dma_start3A_1696] : memref<2x!tpu.dma_semaphore, #tpu.memory_space<semaphore_mem>> -> memref<1x!tpu.dma_semaphore, #tpu.memory_space<semaphore_mem>>
    %dma_start3A_1704 = tpu.memref_squeeze %dma_start3A_1703 : memref<1x!tpu.dma_semaphore, #tpu.memory_space<semaphore_mem>> -> memref<!tpu.dma_semaphore, #tpu.memory_space<semaphore_mem>>
    %dma_start3A_1705 = arith.constant 0 : i32
    %dma_start3A_1706 = tpu.memref_slice %arg5[%mul3A_73, %dma_start3A_1705] : memref<65536x512xf32, #tpu.memory_space<hbm>> -> memref<64x512xf32, #tpu.memory_space<hbm>>
    %dma_start3A_1707 = arith.constant 0 : i32
    %dma_start3A_1708 = arith.constant 0 : i32
    %dma_start3A_1709 = tpu.memref_slice %arg8[%dma_start3A_1695, %dma_start3A_1707, %dma_start3A_1708] : memref<2x64x512xf32, #tpu.memory_space<vmem>> -> memref<1x64x512xf32, #tpu.memory_space<vmem>>
    %dma_start3A_1710 = tpu.memref_squeeze %dma_start3A_1709 : memref<1x64x512xf32, #tpu.memory_space<vmem>> -> memref<64x512xf32, #tpu.memory_space<vmem>>
    tpu.enqueue_dma source(%dma_start3A_1710 : memref<64x512xf32, #tpu.memory_space<vmem>>) target(%dma_start3A_1706 : memref<64x512xf32, #tpu.memory_space<hbm>>) target_semaphore(%dma_start3A_1704 : memref<!tpu.dma_semaphore, #tpu.memory_space<semaphore_mem>>)
    %dma_wait3A_1711 = arith.constant 0 : i32
    %dma_wait3A_1712 = arith.constant 0 : i32
    %dma_wait3A_1713 = tpu.memref_slice %arg12[%dma_wait3A_1712] : memref<2x!tpu.dma_semaphore, #tpu.memory_space<semaphore_mem>> -> memref<1x!tpu.dma_semaphore, #tpu.memory_space<semaphore_mem>>
    %dma_wait3A_1714 = tpu.memref_squeeze %dma_wait3A_1713 : memref<1x!tpu.dma_semaphore, #tpu.memory_space<semaphore_mem>> -> memref<!tpu.dma_semaphore, #tpu.memory_space<semaphore_mem>>
    %dma_wait3A_1715 = arith.constant 0 : i32
    %dma_wait3A_1716 = arith.constant 0 : i32
    %dma_wait3A_1717 = arith.constant 0 : i32
    %dma_wait3A_1718 = tpu.memref_slice %arg9[%arg1, %dma_wait3A_1715, %dma_wait3A_1716, %dma_wait3A_1717] : memref<16x2x32x512xf32, #tpu.memory_space<vmem_shared>> -> memref<1x2x32x512xf32, #tpu.memory_space<vmem_shared>>
    %dma_wait3A_1719 = tpu.memref_squeeze %dma_wait3A_1718 : memref<1x2x32x512xf32, #tpu.memory_space<vmem_shared>> -> memref<2x32x512xf32, #tpu.memory_space<vmem_shared>>
    %dma_wait3A_1720 = arith.constant 0 : i32
    %dma_wait3A_1721 = arith.constant 0 : i32
    %dma_wait3A_1722 = tpu.memref_slice %dma_wait3A_1719[%dma_wait3A_1711, %dma_wait3A_1720, %dma_wait3A_1721] : memref<2x32x512xf32, #tpu.memory_space<vmem_shared>> -> memref<1x32x512xf32, #tpu.memory_space<vmem_shared>>
    %dma_wait3A_1723 = tpu.memref_squeeze %dma_wait3A_1722 : memref<1x32x512xf32, #tpu.memory_space<vmem_shared>> -> memref<32x512xf32, #tpu.memory_space<vmem_shared>>
    %dma_wait3A_1724 = arith.constant 0 : i32
    %dma_wait3A_1725 = arith.constant 0 : i32
    %dma_wait3A_1726 = tpu.memref_slice %arg2[%dma_wait3A_1724, %dma_wait3A_1725] : memref<65536x512xf32, #tpu.memory_space<hbm>> -> memref<32x512xf32, #tpu.memory_space<hbm>>
    tpu.wait_dma2 semaphore(%dma_wait3A_1714 : memref<!tpu.dma_semaphore, #tpu.memory_space<semaphore_mem>>) src(%dma_wait3A_1726 : memref<32x512xf32, #tpu.memory_space<hbm>>) dst(%dma_wait3A_1723 : memref<32x512xf32, #tpu.memory_space<vmem_shared>>)
    %dma_start3A_1727 = arith.constant 0 : i32
    %dma_start3A_1728 = arith.constant 0 : i32
    %dma_start3A_1729 = tpu.memref_slice %arg13[%dma_start3A_1728] : memref<2x!tpu.dma_semaphore, #tpu.memory_space<semaphore_mem>> -> memref<1x!tpu.dma_semaphore, #tpu.memory_space<semaphore_mem>>
    %dma_start3A_1730 = tpu.memref_squeeze %dma_start3A_1729 : memref<1x!tpu.dma_semaphore, #tpu.memory_space<semaphore_mem>> -> memref<!tpu.dma_semaphore, #tpu.memory_space<semaphore_mem>>
    %dma_start3A_1731 = arith.constant 0 : i32
    %dma_start3A_1732 = tpu.memref_slice %arg5[%add3A_301, %dma_start3A_1731] : memref<65536x512xf32, #tpu.memory_space<hbm>> -> memref<32x512xf32, #tpu.memory_space<hbm>>
    %dma_start3A_1733 = arith.constant 0 : i32
    %dma_start3A_1734 = arith.constant 0 : i32
    %dma_start3A_1735 = arith.constant 0 : i32
    %dma_start3A_1736 = tpu.memref_slice %arg9[%arg1, %dma_start3A_1733, %dma_start3A_1734, %dma_start3A_1735] : memref<16x2x32x512xf32, #tpu.memory_space<vmem_shared>> -> memref<1x2x32x512xf32, #tpu.memory_space<vmem_shared>>
    %dma_start3A_1737 = tpu.memref_squeeze %dma_start3A_1736 : memref<1x2x32x512xf32, #tpu.memory_space<vmem_shared>> -> memref<2x32x512xf32, #tpu.memory_space<vmem_shared>>
    %dma_start3A_1738 = arith.constant 0 : i32
    %dma_start3A_1739 = arith.constant 0 : i32
    %dma_start3A_1740 = tpu.memref_slice %dma_start3A_1737[%dma_start3A_1727, %dma_start3A_1738, %dma_start3A_1739] : memref<2x32x512xf32, #tpu.memory_space<vmem_shared>> -> memref<1x32x512xf32, #tpu.memory_space<vmem_shared>>
    %dma_start3A_1741 = tpu.memref_squeeze %dma_start3A_1740 : memref<1x32x512xf32, #tpu.memory_space<vmem_shared>> -> memref<32x512xf32, #tpu.memory_space<vmem_shared>>
    tpu.enqueue_dma source(%dma_start3A_1741 : memref<32x512xf32, #tpu.memory_space<vmem_shared>>) target(%dma_start3A_1732 : memref<32x512xf32, #tpu.memory_space<hbm>>) target_semaphore(%dma_start3A_1730 : memref<!tpu.dma_semaphore, #tpu.memory_space<semaphore_mem>>)
    %dma_wait3A_1742 = arith.constant 1 : i32
    %dma_wait3A_1743 = arith.constant 1 : i32
    %dma_wait3A_1744 = tpu.memref_slice %arg13[%dma_wait3A_1743] : memref<2x!tpu.dma_semaphore, #tpu.memory_space<semaphore_mem>> -> memref<1x!tpu.dma_semaphore, #tpu.memory_space<semaphore_mem>>
    %dma_wait3A_1745 = tpu.memref_squeeze %dma_wait3A_1744 : memref<1x!tpu.dma_semaphore, #tpu.memory_space<semaphore_mem>> -> memref<!tpu.dma_semaphore, #tpu.memory_space<semaphore_mem>>
    %dma_wait3A_1746 = arith.constant 0 : i32
    %dma_wait3A_1747 = arith.constant 0 : i32
    %dma_wait3A_1748 = tpu.memref_slice %arg5[%dma_wait3A_1746, %dma_wait3A_1747] : memref<65536x512xf32, #tpu.memory_space<hbm>> -> memref<32x512xf32, #tpu.memory_space<hbm>>
    %dma_wait3A_1749 = arith.constant 0 : i32
    %dma_wait3A_1750 = arith.constant 0 : i32
    %dma_wait3A_1751 = arith.constant 0 : i32
    %dma_wait3A_1752 = tpu.memref_slice %arg9[%arg1, %dma_wait3A_1749, %dma_wait3A_1750, %dma_wait3A_1751] : memref<16x2x32x512xf32, #tpu.memory_space<vmem_shared>> -> memref<1x2x32x512xf32, #tpu.memory_space<vmem_shared>>
    %dma_wait3A_1753 = tpu.memref_squeeze %dma_wait3A_1752 : memref<1x2x32x512xf32, #tpu.memory_space<vmem_shared>> -> memref<2x32x512xf32, #tpu.memory_space<vmem_shared>>
    %dma_wait3A_1754 = arith.constant 0 : i32
    %dma_wait3A_1755 = arith.constant 0 : i32
    %dma_wait3A_1756 = tpu.memref_slice %dma_wait3A_1753[%dma_wait3A_1742, %dma_wait3A_1754, %dma_wait3A_1755] : memref<2x32x512xf32, #tpu.memory_space<vmem_shared>> -> memref<1x32x512xf32, #tpu.memory_space<vmem_shared>>
    %dma_wait3A_1757 = tpu.memref_squeeze %dma_wait3A_1756 : memref<1x32x512xf32, #tpu.memory_space<vmem_shared>> -> memref<32x512xf32, #tpu.memory_space<vmem_shared>>
    tpu.wait_dma2 semaphore(%dma_wait3A_1745 : memref<!tpu.dma_semaphore, #tpu.memory_space<semaphore_mem>>) src(%dma_wait3A_1757 : memref<32x512xf32, #tpu.memory_space<vmem_shared>>) dst(%dma_wait3A_1748 : memref<32x512xf32, #tpu.memory_space<hbm>>)
    %dma_start3A_1758 = arith.constant 1 : i32
    %dma_start3A_1759 = arith.constant 1 : i32
    %dma_start3A_1760 = tpu.memref_slice %arg12[%dma_start3A_1759] : memref<2x!tpu.dma_semaphore, #tpu.memory_space<semaphore_mem>> -> memref<1x!tpu.dma_semaphore, #tpu.memory_space<semaphore_mem>>
    %dma_start3A_1761 = tpu.memref_squeeze %dma_start3A_1760 : memref<1x!tpu.dma_semaphore, #tpu.memory_space<semaphore_mem>> -> memref<!tpu.dma_semaphore, #tpu.memory_space<semaphore_mem>>
    %dma_start3A_1762 = arith.constant 0 : i32
    %dma_start3A_1763 = arith.constant 0 : i32
    %dma_start3A_1764 = arith.constant 0 : i32
    %dma_start3A_1765 = tpu.memref_slice %arg9[%arg1, %dma_start3A_1762, %dma_start3A_1763, %dma_start3A_1764] : memref<16x2x32x512xf32, #tpu.memory_space<vmem_shared>> -> memref<1x2x32x512xf32, #tpu.memory_space<vmem_shared>>
    %dma_start3A_1766 = tpu.memref_squeeze %dma_start3A_1765 : memref<1x2x32x512xf32, #tpu.memory_space<vmem_shared>> -> memref<2x32x512xf32, #tpu.memory_space<vmem_shared>>
    %dma_start3A_1767 = arith.constant 0 : i32
    %dma_start3A_1768 = arith.constant 0 : i32
    %dma_start3A_1769 = tpu.memref_slice %dma_start3A_1766[%dma_start3A_1758, %dma_start3A_1767, %dma_start3A_1768] : memref<2x32x512xf32, #tpu.memory_space<vmem_shared>> -> memref<1x32x512xf32, #tpu.memory_space<vmem_shared>>
    %dma_start3A_1770 = tpu.memref_squeeze %dma_start3A_1769 : memref<1x32x512xf32, #tpu.memory_space<vmem_shared>> -> memref<32x512xf32, #tpu.memory_space<vmem_shared>>
    %dma_start3A_1771 = arith.constant 0 : i32
    %dma_start3A_1772 = tpu.memref_slice %arg2[%add3A_307, %dma_start3A_1771] : memref<65536x512xf32, #tpu.memory_space<hbm>> -> memref<32x512xf32, #tpu.memory_space<hbm>>
    tpu.enqueue_dma source(%dma_start3A_1772 : memref<32x512xf32, #tpu.memory_space<hbm>>) target(%dma_start3A_1770 : memref<32x512xf32, #tpu.memory_space<vmem_shared>>) target_semaphore(%dma_start3A_1761 : memref<!tpu.dma_semaphore, #tpu.memory_space<semaphore_mem>>)
    %dma_wait3A_1773 = arith.constant 1 : i32
    %dma_wait3A_1774 = arith.constant 1 : i32
    %dma_wait3A_1775 = arith.constant 0 : i32
    %dma_wait3A_1776 = arith.constant 0 : i32
    %dma_wait3A_1777 = tpu.memref_slice %arg8[%dma_wait3A_1773, %dma_wait3A_1775, %dma_wait3A_1776] : memref<2x64x512xf32, #tpu.memory_space<vmem>> -> memref<1x64x512xf32, #tpu.memory_space<vmem>>
    %dma_wait3A_1778 = tpu.memref_squeeze %dma_wait3A_1777 : memref<1x64x512xf32, #tpu.memory_space<vmem>> -> memref<64x512xf32, #tpu.memory_space<vmem>>
    %dma_wait3A_1779 = arith.constant 0 : i32
    %dma_wait3A_1780 = arith.constant 0 : i32
    %dma_wait3A_1781 = tpu.memref_slice %arg5[%dma_wait3A_1779, %dma_wait3A_1780] : memref<65536x512xf32, #tpu.memory_space<hbm>> -> memref<64x512xf32, #tpu.memory_space<hbm>>
    %dma_wait3A_1782 = tpu.memref_slice %arg11[%dma_wait3A_1774] : memref<2x!tpu.dma_semaphore, #tpu.memory_space<semaphore_mem>> -> memref<1x!tpu.dma_semaphore, #tpu.memory_space<semaphore_mem>>
    %dma_wait3A_1783 = tpu.memref_squeeze %dma_wait3A_1782 : memref<1x!tpu.dma_semaphore, #tpu.memory_space<semaphore_mem>> -> memref<!tpu.dma_semaphore, #tpu.memory_space<semaphore_mem>>
    %dma_wait3A_1784 = arith.constant 0 : i32
    %dma_wait3A_1785 = arith.constant 0 : i32
    %dma_wait3A_1786 = tpu.memref_slice %arg5[%dma_wait3A_1784, %dma_wait3A_1785] : memref<65536x512xf32, #tpu.memory_space<hbm>> -> memref<64x512xf32, #tpu.memory_space<hbm>>
    %dma_wait3A_1787 = arith.constant 0 : i32
    %dma_wait3A_1788 = arith.constant 0 : i32
    %dma_wait3A_1789 = tpu.memref_slice %arg8[%dma_wait3A_1773, %dma_wait3A_1787, %dma_wait3A_1788] : memref<2x64x512xf32, #tpu.memory_space<vmem>> -> memref<1x64x512xf32, #tpu.memory_space<vmem>>
    %dma_wait3A_1790 = tpu.memref_squeeze %dma_wait3A_1789 : memref<1x64x512xf32, #tpu.memory_space<vmem>> -> memref<64x512xf32, #tpu.memory_space<vmem>>
    tpu.wait_dma2 semaphore(%dma_wait3A_1783 : memref<!tpu.dma_semaphore, #tpu.memory_space<semaphore_mem>>) src(%dma_wait3A_1790 : memref<64x512xf32, #tpu.memory_space<vmem>>) dst(%dma_wait3A_1786 : memref<64x512xf32, #tpu.memory_space<hbm>>)
    %dma_start3A_1791 = arith.constant 1 : i32
    %dma_start3A_1792 = arith.constant 1 : i32
    %dma_start3A_1793 = arith.constant 0 : i32
    %dma_start3A_1794 = arith.constant 0 : i32
    %dma_start3A_1795 = tpu.memref_slice %arg8[%dma_start3A_1791, %dma_start3A_1793, %dma_start3A_1794] : memref<2x64x512xf32, #tpu.memory_space<vmem>> -> memref<1x64x512xf32, #tpu.memory_space<vmem>>
    %dma_start3A_1796 = tpu.memref_squeeze %dma_start3A_1795 : memref<1x64x512xf32, #tpu.memory_space<vmem>> -> memref<64x512xf32, #tpu.memory_space<vmem>>
    %dma_start3A_1797 = arith.constant 0 : i32
    %dma_start3A_1798 = tpu.memref_slice %arg2[%mul3A_77, %dma_start3A_1797] : memref<65536x512xf32, #tpu.memory_space<hbm>> -> memref<64x512xf32, #tpu.memory_space<hbm>>
    %dma_start3A_1799 = tpu.memref_slice %arg10[%dma_start3A_1792] : memref<2x!tpu.dma_semaphore, #tpu.memory_space<semaphore_mem>> -> memref<1x!tpu.dma_semaphore, #tpu.memory_space<semaphore_mem>>
    %dma_start3A_1800 = tpu.memref_squeeze %dma_start3A_1799 : memref<1x!tpu.dma_semaphore, #tpu.memory_space<semaphore_mem>> -> memref<!tpu.dma_semaphore, #tpu.memory_space<semaphore_mem>>
    %dma_start3A_1801 = arith.constant 0 : i32
    %dma_start3A_1802 = arith.constant 0 : i32
    %dma_start3A_1803 = tpu.memref_slice %arg8[%dma_start3A_1791, %dma_start3A_1801, %dma_start3A_1802] : memref<2x64x512xf32, #tpu.memory_space<vmem>> -> memref<1x64x512xf32, #tpu.memory_space<vmem>>
    %dma_start3A_1804 = tpu.memref_squeeze %dma_start3A_1803 : memref<1x64x512xf32, #tpu.memory_space<vmem>> -> memref<64x512xf32, #tpu.memory_space<vmem>>
    %dma_start3A_1805 = arith.constant 0 : i32
    %dma_start3A_1806 = tpu.memref_slice %arg2[%mul3A_77, %dma_start3A_1805] : memref<65536x512xf32, #tpu.memory_space<hbm>> -> memref<64x512xf32, #tpu.memory_space<hbm>>
    tpu.enqueue_dma source(%dma_start3A_1806 : memref<64x512xf32, #tpu.memory_space<hbm>>) target(%dma_start3A_1804 : memref<64x512xf32, #tpu.memory_space<vmem>>) target_semaphore(%dma_start3A_1800 : memref<!tpu.dma_semaphore, #tpu.memory_space<semaphore_mem>>)
    %dma_wait3A_1807 = arith.constant 1 : i32
    %dma_wait3A_1808 = arith.constant 1 : i32
    %dma_wait3A_1809 = tpu.memref_slice %arg12[%dma_wait3A_1808] : memref<2x!tpu.dma_semaphore, #tpu.memory_space<semaphore_mem>> -> memref<1x!tpu.dma_semaphore, #tpu.memory_space<semaphore_mem>>
    %dma_wait3A_1810 = tpu.memref_squeeze %dma_wait3A_1809 : memref<1x!tpu.dma_semaphore, #tpu.memory_space<semaphore_mem>> -> memref<!tpu.dma_semaphore, #tpu.memory_space<semaphore_mem>>
    %dma_wait3A_1811 = arith.constant 0 : i32
    %dma_wait3A_1812 = arith.constant 0 : i32
    %dma_wait3A_1813 = arith.constant 0 : i32
    %dma_wait3A_1814 = tpu.memref_slice %arg9[%arg1, %dma_wait3A_1811, %dma_wait3A_1812, %dma_wait3A_1813] : memref<16x2x32x512xf32, #tpu.memory_space<vmem_shared>> -> memref<1x2x32x512xf32, #tpu.memory_space<vmem_shared>>
    %dma_wait3A_1815 = tpu.memref_squeeze %dma_wait3A_1814 : memref<1x2x32x512xf32, #tpu.memory_space<vmem_shared>> -> memref<2x32x512xf32, #tpu.memory_space<vmem_shared>>
    %dma_wait3A_1816 = arith.constant 0 : i32
    %dma_wait3A_1817 = arith.constant 0 : i32
    %dma_wait3A_1818 = tpu.memref_slice %dma_wait3A_1815[%dma_wait3A_1807, %dma_wait3A_1816, %dma_wait3A_1817] : memref<2x32x512xf32, #tpu.memory_space<vmem_shared>> -> memref<1x32x512xf32, #tpu.memory_space<vmem_shared>>
    %dma_wait3A_1819 = tpu.memref_squeeze %dma_wait3A_1818 : memref<1x32x512xf32, #tpu.memory_space<vmem_shared>> -> memref<32x512xf32, #tpu.memory_space<vmem_shared>>
    %dma_wait3A_1820 = arith.constant 0 : i32
    %dma_wait3A_1821 = arith.constant 0 : i32
    %dma_wait3A_1822 = tpu.memref_slice %arg2[%dma_wait3A_1820, %dma_wait3A_1821] : memref<65536x512xf32, #tpu.memory_space<hbm>> -> memref<32x512xf32, #tpu.memory_space<hbm>>
    tpu.wait_dma2 semaphore(%dma_wait3A_1810 : memref<!tpu.dma_semaphore, #tpu.memory_space<semaphore_mem>>) src(%dma_wait3A_1822 : memref<32x512xf32, #tpu.memory_space<hbm>>) dst(%dma_wait3A_1819 : memref<32x512xf32, #tpu.memory_space<vmem_shared>>)
    %dma_start3A_1823 = arith.constant 1 : i32
    %dma_start3A_1824 = arith.constant 1 : i32
    %dma_start3A_1825 = tpu.memref_slice %arg13[%dma_start3A_1824] : memref<2x!tpu.dma_semaphore, #tpu.memory_space<semaphore_mem>> -> memref<1x!tpu.dma_semaphore, #tpu.memory_space<semaphore_mem>>
    %dma_start3A_1826 = tpu.memref_squeeze %dma_start3A_1825 : memref<1x!tpu.dma_semaphore, #tpu.memory_space<semaphore_mem>> -> memref<!tpu.dma_semaphore, #tpu.memory_space<semaphore_mem>>
    %dma_start3A_1827 = arith.constant 0 : i32
    %dma_start3A_1828 = tpu.memref_slice %arg5[%add3A_313, %dma_start3A_1827] : memref<65536x512xf32, #tpu.memory_space<hbm>> -> memref<32x512xf32, #tpu.memory_space<hbm>>
    %dma_start3A_1829 = arith.constant 0 : i32
    %dma_start3A_1830 = arith.constant 0 : i32
    %dma_start3A_1831 = arith.constant 0 : i32
    %dma_start3A_1832 = tpu.memref_slice %arg9[%arg1, %dma_start3A_1829, %dma_start3A_1830, %dma_start3A_1831] : memref<16x2x32x512xf32, #tpu.memory_space<vmem_shared>> -> memref<1x2x32x512xf32, #tpu.memory_space<vmem_shared>>
    %dma_start3A_1833 = tpu.memref_squeeze %dma_start3A_1832 : memref<1x2x32x512xf32, #tpu.memory_space<vmem_shared>> -> memref<2x32x512xf32, #tpu.memory_space<vmem_shared>>
    %dma_start3A_1834 = arith.constant 0 : i32
    %dma_start3A_1835 = arith.constant 0 : i32
    %dma_start3A_1836 = tpu.memref_slice %dma_start3A_1833[%dma_start3A_1823, %dma_start3A_1834, %dma_start3A_1835] : memref<2x32x512xf32, #tpu.memory_space<vmem_shared>> -> memref<1x32x512xf32, #tpu.memory_space<vmem_shared>>
    %dma_start3A_1837 = tpu.memref_squeeze %dma_start3A_1836 : memref<1x32x512xf32, #tpu.memory_space<vmem_shared>> -> memref<32x512xf32, #tpu.memory_space<vmem_shared>>
    tpu.enqueue_dma source(%dma_start3A_1837 : memref<32x512xf32, #tpu.memory_space<vmem_shared>>) target(%dma_start3A_1828 : memref<32x512xf32, #tpu.memory_space<hbm>>) target_semaphore(%dma_start3A_1826 : memref<!tpu.dma_semaphore, #tpu.memory_space<semaphore_mem>>)
    %dma_wait3A_1838 = arith.constant 0 : i32
    %dma_wait3A_1839 = arith.constant 0 : i32
    %dma_wait3A_1840 = tpu.memref_slice %arg13[%dma_wait3A_1839] : memref<2x!tpu.dma_semaphore, #tpu.memory_space<semaphore_mem>> -> memref<1x!tpu.dma_semaphore, #tpu.memory_space<semaphore_mem>>
    %dma_wait3A_1841 = tpu.memref_squeeze %dma_wait3A_1840 : memref<1x!tpu.dma_semaphore, #tpu.memory_space<semaphore_mem>> -> memref<!tpu.dma_semaphore, #tpu.memory_space<semaphore_mem>>
    %dma_wait3A_1842 = arith.constant 0 : i32
    %dma_wait3A_1843 = arith.constant 0 : i32
    %dma_wait3A_1844 = tpu.memref_slice %arg5[%dma_wait3A_1842, %dma_wait3A_1843] : memref<65536x512xf32, #tpu.memory_space<hbm>> -> memref<32x512xf32, #tpu.memory_space<hbm>>
    %dma_wait3A_1845 = arith.constant 0 : i32
    %dma_wait3A_1846 = arith.constant 0 : i32
    %dma_wait3A_1847 = arith.constant 0 : i32
    %dma_wait3A_1848 = tpu.memref_slice %arg9[%arg1, %dma_wait3A_1845, %dma_wait3A_1846, %dma_wait3A_1847] : memref<16x2x32x512xf32, #tpu.memory_space<vmem_shared>> -> memref<1x2x32x512xf32, #tpu.memory_space<vmem_shared>>
    %dma_wait3A_1849 = tpu.memref_squeeze %dma_wait3A_1848 : memref<1x2x32x512xf32, #tpu.memory_space<vmem_shared>> -> memref<2x32x512xf32, #tpu.memory_space<vmem_shared>>
    %dma_wait3A_1850 = arith.constant 0 : i32
    %dma_wait3A_1851 = arith.constant 0 : i32
    %dma_wait3A_1852 = tpu.memref_slice %dma_wait3A_1849[%dma_wait3A_1838, %dma_wait3A_1850, %dma_wait3A_1851] : memref<2x32x512xf32, #tpu.memory_space<vmem_shared>> -> memref<1x32x512xf32, #tpu.memory_space<vmem_shared>>
    %dma_wait3A_1853 = tpu.memref_squeeze %dma_wait3A_1852 : memref<1x32x512xf32, #tpu.memory_space<vmem_shared>> -> memref<32x512xf32, #tpu.memory_space<vmem_shared>>
    tpu.wait_dma2 semaphore(%dma_wait3A_1841 : memref<!tpu.dma_semaphore, #tpu.memory_space<semaphore_mem>>) src(%dma_wait3A_1853 : memref<32x512xf32, #tpu.memory_space<vmem_shared>>) dst(%dma_wait3A_1844 : memref<32x512xf32, #tpu.memory_space<hbm>>)
    %dma_start3A_1854 = arith.constant 0 : i32
    %dma_start3A_1855 = arith.constant 0 : i32
    %dma_start3A_1856 = tpu.memref_slice %arg12[%dma_start3A_1855] : memref<2x!tpu.dma_semaphore, #tpu.memory_space<semaphore_mem>> -> memref<1x!tpu.dma_semaphore, #tpu.memory_space<semaphore_mem>>
    %dma_start3A_1857 = tpu.memref_squeeze %dma_start3A_1856 : memref<1x!tpu.dma_semaphore, #tpu.memory_space<semaphore_mem>> -> memref<!tpu.dma_semaphore, #tpu.memory_space<semaphore_mem>>
    %dma_start3A_1858 = arith.constant 0 : i32
    %dma_start3A_1859 = arith.constant 0 : i32
    %dma_start3A_1860 = arith.constant 0 : i32
    %dma_start3A_1861 = tpu.memref_slice %arg9[%arg1, %dma_start3A_1858, %dma_start3A_1859, %dma_start3A_1860] : memref<16x2x32x512xf32, #tpu.memory_space<vmem_shared>> -> memref<1x2x32x512xf32, #tpu.memory_space<vmem_shared>>
    %dma_start3A_1862 = tpu.memref_squeeze %dma_start3A_1861 : memref<1x2x32x512xf32, #tpu.memory_space<vmem_shared>> -> memref<2x32x512xf32, #tpu.memory_space<vmem_shared>>
    %dma_start3A_1863 = arith.constant 0 : i32
    %dma_start3A_1864 = arith.constant 0 : i32
    %dma_start3A_1865 = tpu.memref_slice %dma_start3A_1862[%dma_start3A_1854, %dma_start3A_1863, %dma_start3A_1864] : memref<2x32x512xf32, #tpu.memory_space<vmem_shared>> -> memref<1x32x512xf32, #tpu.memory_space<vmem_shared>>
    %dma_start3A_1866 = tpu.memref_squeeze %dma_start3A_1865 : memref<1x32x512xf32, #tpu.memory_space<vmem_shared>> -> memref<32x512xf32, #tpu.memory_space<vmem_shared>>
    %dma_start3A_1867 = arith.constant 0 : i32
    %dma_start3A_1868 = tpu.memref_slice %arg2[%add3A_319, %dma_start3A_1867] : memref<65536x512xf32, #tpu.memory_space<hbm>> -> memref<32x512xf32, #tpu.memory_space<hbm>>
    tpu.enqueue_dma source(%dma_start3A_1868 : memref<32x512xf32, #tpu.memory_space<hbm>>) target(%dma_start3A_1866 : memref<32x512xf32, #tpu.memory_space<vmem_shared>>) target_semaphore(%dma_start3A_1857 : memref<!tpu.dma_semaphore, #tpu.memory_space<semaphore_mem>>)
    %dma_wait3A_1869 = arith.constant 1 : i32
    %dma_wait3A_1870 = arith.constant 1 : i32
    %dma_wait3A_1871 = arith.constant 0 : i32
    %dma_wait3A_1872 = arith.constant 0 : i32
    %dma_wait3A_1873 = tpu.memref_slice %arg8[%dma_wait3A_1869, %dma_wait3A_1871, %dma_wait3A_1872] : memref<2x64x512xf32, #tpu.memory_space<vmem>> -> memref<1x64x512xf32, #tpu.memory_space<vmem>>
    %dma_wait3A_1874 = tpu.memref_squeeze %dma_wait3A_1873 : memref<1x64x512xf32, #tpu.memory_space<vmem>> -> memref<64x512xf32, #tpu.memory_space<vmem>>
    %dma_wait3A_1875 = arith.constant 0 : i32
    %dma_wait3A_1876 = arith.constant 0 : i32
    %dma_wait3A_1877 = tpu.memref_slice %arg2[%dma_wait3A_1875, %dma_wait3A_1876] : memref<65536x512xf32, #tpu.memory_space<hbm>> -> memref<64x512xf32, #tpu.memory_space<hbm>>
    %dma_wait3A_1878 = tpu.memref_slice %arg10[%dma_wait3A_1870] : memref<2x!tpu.dma_semaphore, #tpu.memory_space<semaphore_mem>> -> memref<1x!tpu.dma_semaphore, #tpu.memory_space<semaphore_mem>>
    %dma_wait3A_1879 = tpu.memref_squeeze %dma_wait3A_1878 : memref<1x!tpu.dma_semaphore, #tpu.memory_space<semaphore_mem>> -> memref<!tpu.dma_semaphore, #tpu.memory_space<semaphore_mem>>
    %dma_wait3A_1880 = arith.constant 0 : i32
    %dma_wait3A_1881 = arith.constant 0 : i32
    %dma_wait3A_1882 = tpu.memref_slice %arg8[%dma_wait3A_1869, %dma_wait3A_1880, %dma_wait3A_1881] : memref<2x64x512xf32, #tpu.memory_space<vmem>> -> memref<1x64x512xf32, #tpu.memory_space<vmem>>
    %dma_wait3A_1883 = tpu.memref_squeeze %dma_wait3A_1882 : memref<1x64x512xf32, #tpu.memory_space<vmem>> -> memref<64x512xf32, #tpu.memory_space<vmem>>
    %dma_wait3A_1884 = arith.constant 0 : i32
    %dma_wait3A_1885 = arith.constant 0 : i32
    %dma_wait3A_1886 = tpu.memref_slice %arg2[%dma_wait3A_1884, %dma_wait3A_1885] : memref<65536x512xf32, #tpu.memory_space<hbm>> -> memref<64x512xf32, #tpu.memory_space<hbm>>
    tpu.wait_dma2 semaphore(%dma_wait3A_1879 : memref<!tpu.dma_semaphore, #tpu.memory_space<semaphore_mem>>) src(%dma_wait3A_1886 : memref<64x512xf32, #tpu.memory_space<hbm>>) dst(%dma_wait3A_1883 : memref<64x512xf32, #tpu.memory_space<vmem>>)
    %dma_start3A_1887 = arith.constant 1 : i32
    %dma_start3A_1888 = arith.constant 1 : i32
    %dma_start3A_1889 = arith.constant 0 : i32
    %dma_start3A_1890 = arith.constant 0 : i32
    %dma_start3A_1891 = tpu.memref_slice %arg8[%dma_start3A_1887, %dma_start3A_1889, %dma_start3A_1890] : memref<2x64x512xf32, #tpu.memory_space<vmem>> -> memref<1x64x512xf32, #tpu.memory_space<vmem>>
    %dma_start3A_1892 = tpu.memref_squeeze %dma_start3A_1891 : memref<1x64x512xf32, #tpu.memory_space<vmem>> -> memref<64x512xf32, #tpu.memory_space<vmem>>
    %dma_start3A_1893 = arith.constant 0 : i32
    %dma_start3A_1894 = tpu.memref_slice %arg5[%mul3A_81, %dma_start3A_1893] : memref<65536x512xf32, #tpu.memory_space<hbm>> -> memref<64x512xf32, #tpu.memory_space<hbm>>
    %dma_start3A_1895 = tpu.memref_slice %arg11[%dma_start3A_1888] : memref<2x!tpu.dma_semaphore, #tpu.memory_space<semaphore_mem>> -> memref<1x!tpu.dma_semaphore, #tpu.memory_space<semaphore_mem>>
    %dma_start3A_1896 = tpu.memref_squeeze %dma_start3A_1895 : memref<1x!tpu.dma_semaphore, #tpu.memory_space<semaphore_mem>> -> memref<!tpu.dma_semaphore, #tpu.memory_space<semaphore_mem>>
    %dma_start3A_1897 = arith.constant 0 : i32
    %dma_start3A_1898 = tpu.memref_slice %arg5[%mul3A_81, %dma_start3A_1897] : memref<65536x512xf32, #tpu.memory_space<hbm>> -> memref<64x512xf32, #tpu.memory_space<hbm>>
    %dma_start3A_1899 = arith.constant 0 : i32
    %dma_start3A_1900 = arith.constant 0 : i32
    %dma_start3A_1901 = tpu.memref_slice %arg8[%dma_start3A_1887, %dma_start3A_1899, %dma_start3A_1900] : memref<2x64x512xf32, #tpu.memory_space<vmem>> -> memref<1x64x512xf32, #tpu.memory_space<vmem>>
    %dma_start3A_1902 = tpu.memref_squeeze %dma_start3A_1901 : memref<1x64x512xf32, #tpu.memory_space<vmem>> -> memref<64x512xf32, #tpu.memory_space<vmem>>
    tpu.enqueue_dma source(%dma_start3A_1902 : memref<64x512xf32, #tpu.memory_space<vmem>>) target(%dma_start3A_1898 : memref<64x512xf32, #tpu.memory_space<hbm>>) target_semaphore(%dma_start3A_1896 : memref<!tpu.dma_semaphore, #tpu.memory_space<semaphore_mem>>)
    %dma_wait3A_1903 = arith.constant 0 : i32
    %dma_wait3A_1904 = arith.constant 0 : i32
    %dma_wait3A_1905 = tpu.memref_slice %arg12[%dma_wait3A_1904] : memref<2x!tpu.dma_semaphore, #tpu.memory_space<semaphore_mem>> -> memref<1x!tpu.dma_semaphore, #tpu.memory_space<semaphore_mem>>
    %dma_wait3A_1906 = tpu.memref_squeeze %dma_wait3A_1905 : memref<1x!tpu.dma_semaphore, #tpu.memory_space<semaphore_mem>> -> memref<!tpu.dma_semaphore, #tpu.memory_space<semaphore_mem>>
    %dma_wait3A_1907 = arith.constant 0 : i32
    %dma_wait3A_1908 = arith.constant 0 : i32
    %dma_wait3A_1909 = arith.constant 0 : i32
    %dma_wait3A_1910 = tpu.memref_slice %arg9[%arg1, %dma_wait3A_1907, %dma_wait3A_1908, %dma_wait3A_1909] : memref<16x2x32x512xf32, #tpu.memory_space<vmem_shared>> -> memref<1x2x32x512xf32, #tpu.memory_space<vmem_shared>>
    %dma_wait3A_1911 = tpu.memref_squeeze %dma_wait3A_1910 : memref<1x2x32x512xf32, #tpu.memory_space<vmem_shared>> -> memref<2x32x512xf32, #tpu.memory_space<vmem_shared>>
    %dma_wait3A_1912 = arith.constant 0 : i32
    %dma_wait3A_1913 = arith.constant 0 : i32
    %dma_wait3A_1914 = tpu.memref_slice %dma_wait3A_1911[%dma_wait3A_1903, %dma_wait3A_1912, %dma_wait3A_1913] : memref<2x32x512xf32, #tpu.memory_space<vmem_shared>> -> memref<1x32x512xf32, #tpu.memory_space<vmem_shared>>
    %dma_wait3A_1915 = tpu.memref_squeeze %dma_wait3A_1914 : memref<1x32x512xf32, #tpu.memory_space<vmem_shared>> -> memref<32x512xf32, #tpu.memory_space<vmem_shared>>
    %dma_wait3A_1916 = arith.constant 0 : i32
    %dma_wait3A_1917 = arith.constant 0 : i32
    %dma_wait3A_1918 = tpu.memref_slice %arg2[%dma_wait3A_1916, %dma_wait3A_1917] : memref<65536x512xf32, #tpu.memory_space<hbm>> -> memref<32x512xf32, #tpu.memory_space<hbm>>
    tpu.wait_dma2 semaphore(%dma_wait3A_1906 : memref<!tpu.dma_semaphore, #tpu.memory_space<semaphore_mem>>) src(%dma_wait3A_1918 : memref<32x512xf32, #tpu.memory_space<hbm>>) dst(%dma_wait3A_1915 : memref<32x512xf32, #tpu.memory_space<vmem_shared>>)
    %dma_start3A_1919 = arith.constant 0 : i32
    %dma_start3A_1920 = arith.constant 0 : i32
    %dma_start3A_1921 = tpu.memref_slice %arg13[%dma_start3A_1920] : memref<2x!tpu.dma_semaphore, #tpu.memory_space<semaphore_mem>> -> memref<1x!tpu.dma_semaphore, #tpu.memory_space<semaphore_mem>>
    %dma_start3A_1922 = tpu.memref_squeeze %dma_start3A_1921 : memref<1x!tpu.dma_semaphore, #tpu.memory_space<semaphore_mem>> -> memref<!tpu.dma_semaphore, #tpu.memory_space<semaphore_mem>>
    %dma_start3A_1923 = arith.constant 0 : i32
    %dma_start3A_1924 = tpu.memref_slice %arg5[%add3A_325, %dma_start3A_1923] : memref<65536x512xf32, #tpu.memory_space<hbm>> -> memref<32x512xf32, #tpu.memory_space<hbm>>
    %dma_start3A_1925 = arith.constant 0 : i32
    %dma_start3A_1926 = arith.constant 0 : i32
    %dma_start3A_1927 = arith.constant 0 : i32
    %dma_start3A_1928 = tpu.memref_slice %arg9[%arg1, %dma_start3A_1925, %dma_start3A_1926, %dma_start3A_1927] : memref<16x2x32x512xf32, #tpu.memory_space<vmem_shared>> -> memref<1x2x32x512xf32, #tpu.memory_space<vmem_shared>>
    %dma_start3A_1929 = tpu.memref_squeeze %dma_start3A_1928 : memref<1x2x32x512xf32, #tpu.memory_space<vmem_shared>> -> memref<2x32x512xf32, #tpu.memory_space<vmem_shared>>
    %dma_start3A_1930 = arith.constant 0 : i32
    %dma_start3A_1931 = arith.constant 0 : i32
    %dma_start3A_1932 = tpu.memref_slice %dma_start3A_1929[%dma_start3A_1919, %dma_start3A_1930, %dma_start3A_1931] : memref<2x32x512xf32, #tpu.memory_space<vmem_shared>> -> memref<1x32x512xf32, #tpu.memory_space<vmem_shared>>
    %dma_start3A_1933 = tpu.memref_squeeze %dma_start3A_1932 : memref<1x32x512xf32, #tpu.memory_space<vmem_shared>> -> memref<32x512xf32, #tpu.memory_space<vmem_shared>>
    tpu.enqueue_dma source(%dma_start3A_1933 : memref<32x512xf32, #tpu.memory_space<vmem_shared>>) target(%dma_start3A_1924 : memref<32x512xf32, #tpu.memory_space<hbm>>) target_semaphore(%dma_start3A_1922 : memref<!tpu.dma_semaphore, #tpu.memory_space<semaphore_mem>>)
    %dma_wait3A_1934 = arith.constant 1 : i32
    %dma_wait3A_1935 = arith.constant 1 : i32
    %dma_wait3A_1936 = tpu.memref_slice %arg13[%dma_wait3A_1935] : memref<2x!tpu.dma_semaphore, #tpu.memory_space<semaphore_mem>> -> memref<1x!tpu.dma_semaphore, #tpu.memory_space<semaphore_mem>>
    %dma_wait3A_1937 = tpu.memref_squeeze %dma_wait3A_1936 : memref<1x!tpu.dma_semaphore, #tpu.memory_space<semaphore_mem>> -> memref<!tpu.dma_semaphore, #tpu.memory_space<semaphore_mem>>
    %dma_wait3A_1938 = arith.constant 0 : i32
    %dma_wait3A_1939 = arith.constant 0 : i32
    %dma_wait3A_1940 = tpu.memref_slice %arg5[%dma_wait3A_1938, %dma_wait3A_1939] : memref<65536x512xf32, #tpu.memory_space<hbm>> -> memref<32x512xf32, #tpu.memory_space<hbm>>
    %dma_wait3A_1941 = arith.constant 0 : i32
    %dma_wait3A_1942 = arith.constant 0 : i32
    %dma_wait3A_1943 = arith.constant 0 : i32
    %dma_wait3A_1944 = tpu.memref_slice %arg9[%arg1, %dma_wait3A_1941, %dma_wait3A_1942, %dma_wait3A_1943] : memref<16x2x32x512xf32, #tpu.memory_space<vmem_shared>> -> memref<1x2x32x512xf32, #tpu.memory_space<vmem_shared>>
    %dma_wait3A_1945 = tpu.memref_squeeze %dma_wait3A_1944 : memref<1x2x32x512xf32, #tpu.memory_space<vmem_shared>> -> memref<2x32x512xf32, #tpu.memory_space<vmem_shared>>
    %dma_wait3A_1946 = arith.constant 0 : i32
    %dma_wait3A_1947 = arith.constant 0 : i32
    %dma_wait3A_1948 = tpu.memref_slice %dma_wait3A_1945[%dma_wait3A_1934, %dma_wait3A_1946, %dma_wait3A_1947] : memref<2x32x512xf32, #tpu.memory_space<vmem_shared>> -> memref<1x32x512xf32, #tpu.memory_space<vmem_shared>>
    %dma_wait3A_1949 = tpu.memref_squeeze %dma_wait3A_1948 : memref<1x32x512xf32, #tpu.memory_space<vmem_shared>> -> memref<32x512xf32, #tpu.memory_space<vmem_shared>>
    tpu.wait_dma2 semaphore(%dma_wait3A_1937 : memref<!tpu.dma_semaphore, #tpu.memory_space<semaphore_mem>>) src(%dma_wait3A_1949 : memref<32x512xf32, #tpu.memory_space<vmem_shared>>) dst(%dma_wait3A_1940 : memref<32x512xf32, #tpu.memory_space<hbm>>)
    %dma_start3A_1950 = arith.constant 1 : i32
    %dma_start3A_1951 = arith.constant 1 : i32
    %dma_start3A_1952 = tpu.memref_slice %arg12[%dma_start3A_1951] : memref<2x!tpu.dma_semaphore, #tpu.memory_space<semaphore_mem>> -> memref<1x!tpu.dma_semaphore, #tpu.memory_space<semaphore_mem>>
    %dma_start3A_1953 = tpu.memref_squeeze %dma_start3A_1952 : memref<1x!tpu.dma_semaphore, #tpu.memory_space<semaphore_mem>> -> memref<!tpu.dma_semaphore, #tpu.memory_space<semaphore_mem>>
    %dma_start3A_1954 = arith.constant 0 : i32
    %dma_start3A_1955 = arith.constant 0 : i32
    %dma_start3A_1956 = arith.constant 0 : i32
    %dma_start3A_1957 = tpu.memref_slice %arg9[%arg1, %dma_start3A_1954, %dma_start3A_1955, %dma_start3A_1956] : memref<16x2x32x512xf32, #tpu.memory_space<vmem_shared>> -> memref<1x2x32x512xf32, #tpu.memory_space<vmem_shared>>
    %dma_start3A_1958 = tpu.memref_squeeze %dma_start3A_1957 : memref<1x2x32x512xf32, #tpu.memory_space<vmem_shared>> -> memref<2x32x512xf32, #tpu.memory_space<vmem_shared>>
    %dma_start3A_1959 = arith.constant 0 : i32
    %dma_start3A_1960 = arith.constant 0 : i32
    %dma_start3A_1961 = tpu.memref_slice %dma_start3A_1958[%dma_start3A_1950, %dma_start3A_1959, %dma_start3A_1960] : memref<2x32x512xf32, #tpu.memory_space<vmem_shared>> -> memref<1x32x512xf32, #tpu.memory_space<vmem_shared>>
    %dma_start3A_1962 = tpu.memref_squeeze %dma_start3A_1961 : memref<1x32x512xf32, #tpu.memory_space<vmem_shared>> -> memref<32x512xf32, #tpu.memory_space<vmem_shared>>
    %dma_start3A_1963 = arith.constant 0 : i32
    %dma_start3A_1964 = tpu.memref_slice %arg2[%add3A_331, %dma_start3A_1963] : memref<65536x512xf32, #tpu.memory_space<hbm>> -> memref<32x512xf32, #tpu.memory_space<hbm>>
    tpu.enqueue_dma source(%dma_start3A_1964 : memref<32x512xf32, #tpu.memory_space<hbm>>) target(%dma_start3A_1962 : memref<32x512xf32, #tpu.memory_space<vmem_shared>>) target_semaphore(%dma_start3A_1953 : memref<!tpu.dma_semaphore, #tpu.memory_space<semaphore_mem>>)
    %dma_wait3A_1965 = arith.constant 0 : i32
    %dma_wait3A_1966 = arith.constant 0 : i32
    %dma_wait3A_1967 = arith.constant 0 : i32
    %dma_wait3A_1968 = arith.constant 0 : i32
    %dma_wait3A_1969 = tpu.memref_slice %arg8[%dma_wait3A_1965, %dma_wait3A_1967, %dma_wait3A_1968] : memref<2x64x512xf32, #tpu.memory_space<vmem>> -> memref<1x64x512xf32, #tpu.memory_space<vmem>>
    %dma_wait3A_1970 = tpu.memref_squeeze %dma_wait3A_1969 : memref<1x64x512xf32, #tpu.memory_space<vmem>> -> memref<64x512xf32, #tpu.memory_space<vmem>>
    %dma_wait3A_1971 = arith.constant 0 : i32
    %dma_wait3A_1972 = arith.constant 0 : i32
    %dma_wait3A_1973 = tpu.memref_slice %arg5[%dma_wait3A_1971, %dma_wait3A_1972] : memref<65536x512xf32, #tpu.memory_space<hbm>> -> memref<64x512xf32, #tpu.memory_space<hbm>>
    %dma_wait3A_1974 = tpu.memref_slice %arg11[%dma_wait3A_1966] : memref<2x!tpu.dma_semaphore, #tpu.memory_space<semaphore_mem>> -> memref<1x!tpu.dma_semaphore, #tpu.memory_space<semaphore_mem>>
    %dma_wait3A_1975 = tpu.memref_squeeze %dma_wait3A_1974 : memref<1x!tpu.dma_semaphore, #tpu.memory_space<semaphore_mem>> -> memref<!tpu.dma_semaphore, #tpu.memory_space<semaphore_mem>>
    %dma_wait3A_1976 = arith.constant 0 : i32
    %dma_wait3A_1977 = arith.constant 0 : i32
    %dma_wait3A_1978 = tpu.memref_slice %arg5[%dma_wait3A_1976, %dma_wait3A_1977] : memref<65536x512xf32, #tpu.memory_space<hbm>> -> memref<64x512xf32, #tpu.memory_space<hbm>>
    %dma_wait3A_1979 = arith.constant 0 : i32
    %dma_wait3A_1980 = arith.constant 0 : i32
    %dma_wait3A_1981 = tpu.memref_slice %arg8[%dma_wait3A_1965, %dma_wait3A_1979, %dma_wait3A_1980] : memref<2x64x512xf32, #tpu.memory_space<vmem>> -> memref<1x64x512xf32, #tpu.memory_space<vmem>>
    %dma_wait3A_1982 = tpu.memref_squeeze %dma_wait3A_1981 : memref<1x64x512xf32, #tpu.memory_space<vmem>> -> memref<64x512xf32, #tpu.memory_space<vmem>>
    tpu.wait_dma2 semaphore(%dma_wait3A_1975 : memref<!tpu.dma_semaphore, #tpu.memory_space<semaphore_mem>>) src(%dma_wait3A_1982 : memref<64x512xf32, #tpu.memory_space<vmem>>) dst(%dma_wait3A_1978 : memref<64x512xf32, #tpu.memory_space<hbm>>)
    %dma_start3A_1983 = arith.constant 0 : i32
    %dma_start3A_1984 = arith.constant 0 : i32
    %dma_start3A_1985 = arith.constant 0 : i32
    %dma_start3A_1986 = arith.constant 0 : i32
    %dma_start3A_1987 = tpu.memref_slice %arg8[%dma_start3A_1983, %dma_start3A_1985, %dma_start3A_1986] : memref<2x64x512xf32, #tpu.memory_space<vmem>> -> memref<1x64x512xf32, #tpu.memory_space<vmem>>
    %dma_start3A_1988 = tpu.memref_squeeze %dma_start3A_1987 : memref<1x64x512xf32, #tpu.memory_space<vmem>> -> memref<64x512xf32, #tpu.memory_space<vmem>>
    %dma_start3A_1989 = arith.constant 0 : i32
    %dma_start3A_1990 = tpu.memref_slice %arg2[%mul3A_85, %dma_start3A_1989] : memref<65536x512xf32, #tpu.memory_space<hbm>> -> memref<64x512xf32, #tpu.memory_space<hbm>>
    %dma_start3A_1991 = tpu.memref_slice %arg10[%dma_start3A_1984] : memref<2x!tpu.dma_semaphore, #tpu.memory_space<semaphore_mem>> -> memref<1x!tpu.dma_semaphore, #tpu.memory_space<semaphore_mem>>
    %dma_start3A_1992 = tpu.memref_squeeze %dma_start3A_1991 : memref<1x!tpu.dma_semaphore, #tpu.memory_space<semaphore_mem>> -> memref<!tpu.dma_semaphore, #tpu.memory_space<semaphore_mem>>
    %dma_start3A_1993 = arith.constant 0 : i32
    %dma_start3A_1994 = arith.constant 0 : i32
    %dma_start3A_1995 = tpu.memref_slice %arg8[%dma_start3A_1983, %dma_start3A_1993, %dma_start3A_1994] : memref<2x64x512xf32, #tpu.memory_space<vmem>> -> memref<1x64x512xf32, #tpu.memory_space<vmem>>
    %dma_start3A_1996 = tpu.memref_squeeze %dma_start3A_1995 : memref<1x64x512xf32, #tpu.memory_space<vmem>> -> memref<64x512xf32, #tpu.memory_space<vmem>>
    %dma_start3A_1997 = arith.constant 0 : i32
    %dma_start3A_1998 = tpu.memref_slice %arg2[%mul3A_85, %dma_start3A_1997] : memref<65536x512xf32, #tpu.memory_space<hbm>> -> memref<64x512xf32, #tpu.memory_space<hbm>>
    tpu.enqueue_dma source(%dma_start3A_1998 : memref<64x512xf32, #tpu.memory_space<hbm>>) target(%dma_start3A_1996 : memref<64x512xf32, #tpu.memory_space<vmem>>) target_semaphore(%dma_start3A_1992 : memref<!tpu.dma_semaphore, #tpu.memory_space<semaphore_mem>>)
    %dma_wait3A_1999 = arith.constant 1 : i32
    %dma_wait3A_2000 = arith.constant 1 : i32
    %dma_wait3A_2001 = tpu.memref_slice %arg12[%dma_wait3A_2000] : memref<2x!tpu.dma_semaphore, #tpu.memory_space<semaphore_mem>> -> memref<1x!tpu.dma_semaphore, #tpu.memory_space<semaphore_mem>>
    %dma_wait3A_2002 = tpu.memref_squeeze %dma_wait3A_2001 : memref<1x!tpu.dma_semaphore, #tpu.memory_space<semaphore_mem>> -> memref<!tpu.dma_semaphore, #tpu.memory_space<semaphore_mem>>
    %dma_wait3A_2003 = arith.constant 0 : i32
    %dma_wait3A_2004 = arith.constant 0 : i32
    %dma_wait3A_2005 = arith.constant 0 : i32
    %dma_wait3A_2006 = tpu.memref_slice %arg9[%arg1, %dma_wait3A_2003, %dma_wait3A_2004, %dma_wait3A_2005] : memref<16x2x32x512xf32, #tpu.memory_space<vmem_shared>> -> memref<1x2x32x512xf32, #tpu.memory_space<vmem_shared>>
    %dma_wait3A_2007 = tpu.memref_squeeze %dma_wait3A_2006 : memref<1x2x32x512xf32, #tpu.memory_space<vmem_shared>> -> memref<2x32x512xf32, #tpu.memory_space<vmem_shared>>
    %dma_wait3A_2008 = arith.constant 0 : i32
    %dma_wait3A_2009 = arith.constant 0 : i32
    %dma_wait3A_2010 = tpu.memref_slice %dma_wait3A_2007[%dma_wait3A_1999, %dma_wait3A_2008, %dma_wait3A_2009] : memref<2x32x512xf32, #tpu.memory_space<vmem_shared>> -> memref<1x32x512xf32, #tpu.memory_space<vmem_shared>>
    %dma_wait3A_2011 = tpu.memref_squeeze %dma_wait3A_2010 : memref<1x32x512xf32, #tpu.memory_space<vmem_shared>> -> memref<32x512xf32, #tpu.memory_space<vmem_shared>>
    %dma_wait3A_2012 = arith.constant 0 : i32
    %dma_wait3A_2013 = arith.constant 0 : i32
    %dma_wait3A_2014 = tpu.memref_slice %arg2[%dma_wait3A_2012, %dma_wait3A_2013] : memref<65536x512xf32, #tpu.memory_space<hbm>> -> memref<32x512xf32, #tpu.memory_space<hbm>>
    tpu.wait_dma2 semaphore(%dma_wait3A_2002 : memref<!tpu.dma_semaphore, #tpu.memory_space<semaphore_mem>>) src(%dma_wait3A_2014 : memref<32x512xf32, #tpu.memory_space<hbm>>) dst(%dma_wait3A_2011 : memref<32x512xf32, #tpu.memory_space<vmem_shared>>)
    %dma_start3A_2015 = arith.constant 1 : i32
    %dma_start3A_2016 = arith.constant 1 : i32
    %dma_start3A_2017 = tpu.memref_slice %arg13[%dma_start3A_2016] : memref<2x!tpu.dma_semaphore, #tpu.memory_space<semaphore_mem>> -> memref<1x!tpu.dma_semaphore, #tpu.memory_space<semaphore_mem>>
    %dma_start3A_2018 = tpu.memref_squeeze %dma_start3A_2017 : memref<1x!tpu.dma_semaphore, #tpu.memory_space<semaphore_mem>> -> memref<!tpu.dma_semaphore, #tpu.memory_space<semaphore_mem>>
    %dma_start3A_2019 = arith.constant 0 : i32
    %dma_start3A_2020 = tpu.memref_slice %arg5[%add3A_337, %dma_start3A_2019] : memref<65536x512xf32, #tpu.memory_space<hbm>> -> memref<32x512xf32, #tpu.memory_space<hbm>>
    %dma_start3A_2021 = arith.constant 0 : i32
    %dma_start3A_2022 = arith.constant 0 : i32
    %dma_start3A_2023 = arith.constant 0 : i32
    %dma_start3A_2024 = tpu.memref_slice %arg9[%arg1, %dma_start3A_2021, %dma_start3A_2022, %dma_start3A_2023] : memref<16x2x32x512xf32, #tpu.memory_space<vmem_shared>> -> memref<1x2x32x512xf32, #tpu.memory_space<vmem_shared>>
    %dma_start3A_2025 = tpu.memref_squeeze %dma_start3A_2024 : memref<1x2x32x512xf32, #tpu.memory_space<vmem_shared>> -> memref<2x32x512xf32, #tpu.memory_space<vmem_shared>>
    %dma_start3A_2026 = arith.constant 0 : i32
    %dma_start3A_2027 = arith.constant 0 : i32
    %dma_start3A_2028 = tpu.memref_slice %dma_start3A_2025[%dma_start3A_2015, %dma_start3A_2026, %dma_start3A_2027] : memref<2x32x512xf32, #tpu.memory_space<vmem_shared>> -> memref<1x32x512xf32, #tpu.memory_space<vmem_shared>>
    %dma_start3A_2029 = tpu.memref_squeeze %dma_start3A_2028 : memref<1x32x512xf32, #tpu.memory_space<vmem_shared>> -> memref<32x512xf32, #tpu.memory_space<vmem_shared>>
    tpu.enqueue_dma source(%dma_start3A_2029 : memref<32x512xf32, #tpu.memory_space<vmem_shared>>) target(%dma_start3A_2020 : memref<32x512xf32, #tpu.memory_space<hbm>>) target_semaphore(%dma_start3A_2018 : memref<!tpu.dma_semaphore, #tpu.memory_space<semaphore_mem>>)
    %dma_wait3A_2030 = arith.constant 0 : i32
    %dma_wait3A_2031 = arith.constant 0 : i32
    %dma_wait3A_2032 = tpu.memref_slice %arg13[%dma_wait3A_2031] : memref<2x!tpu.dma_semaphore, #tpu.memory_space<semaphore_mem>> -> memref<1x!tpu.dma_semaphore, #tpu.memory_space<semaphore_mem>>
    %dma_wait3A_2033 = tpu.memref_squeeze %dma_wait3A_2032 : memref<1x!tpu.dma_semaphore, #tpu.memory_space<semaphore_mem>> -> memref<!tpu.dma_semaphore, #tpu.memory_space<semaphore_mem>>
    %dma_wait3A_2034 = arith.constant 0 : i32
    %dma_wait3A_2035 = arith.constant 0 : i32
    %dma_wait3A_2036 = tpu.memref_slice %arg5[%dma_wait3A_2034, %dma_wait3A_2035] : memref<65536x512xf32, #tpu.memory_space<hbm>> -> memref<32x512xf32, #tpu.memory_space<hbm>>
    %dma_wait3A_2037 = arith.constant 0 : i32
    %dma_wait3A_2038 = arith.constant 0 : i32
    %dma_wait3A_2039 = arith.constant 0 : i32
    %dma_wait3A_2040 = tpu.memref_slice %arg9[%arg1, %dma_wait3A_2037, %dma_wait3A_2038, %dma_wait3A_2039] : memref<16x2x32x512xf32, #tpu.memory_space<vmem_shared>> -> memref<1x2x32x512xf32, #tpu.memory_space<vmem_shared>>
    %dma_wait3A_2041 = tpu.memref_squeeze %dma_wait3A_2040 : memref<1x2x32x512xf32, #tpu.memory_space<vmem_shared>> -> memref<2x32x512xf32, #tpu.memory_space<vmem_shared>>
    %dma_wait3A_2042 = arith.constant 0 : i32
    %dma_wait3A_2043 = arith.constant 0 : i32
    %dma_wait3A_2044 = tpu.memref_slice %dma_wait3A_2041[%dma_wait3A_2030, %dma_wait3A_2042, %dma_wait3A_2043] : memref<2x32x512xf32, #tpu.memory_space<vmem_shared>> -> memref<1x32x512xf32, #tpu.memory_space<vmem_shared>>
    %dma_wait3A_2045 = tpu.memref_squeeze %dma_wait3A_2044 : memref<1x32x512xf32, #tpu.memory_space<vmem_shared>> -> memref<32x512xf32, #tpu.memory_space<vmem_shared>>
    tpu.wait_dma2 semaphore(%dma_wait3A_2033 : memref<!tpu.dma_semaphore, #tpu.memory_space<semaphore_mem>>) src(%dma_wait3A_2045 : memref<32x512xf32, #tpu.memory_space<vmem_shared>>) dst(%dma_wait3A_2036 : memref<32x512xf32, #tpu.memory_space<hbm>>)
    %dma_start3A_2046 = arith.constant 0 : i32
    %dma_start3A_2047 = arith.constant 0 : i32
    %dma_start3A_2048 = tpu.memref_slice %arg12[%dma_start3A_2047] : memref<2x!tpu.dma_semaphore, #tpu.memory_space<semaphore_mem>> -> memref<1x!tpu.dma_semaphore, #tpu.memory_space<semaphore_mem>>
    %dma_start3A_2049 = tpu.memref_squeeze %dma_start3A_2048 : memref<1x!tpu.dma_semaphore, #tpu.memory_space<semaphore_mem>> -> memref<!tpu.dma_semaphore, #tpu.memory_space<semaphore_mem>>
    %dma_start3A_2050 = arith.constant 0 : i32
    %dma_start3A_2051 = arith.constant 0 : i32
    %dma_start3A_2052 = arith.constant 0 : i32
    %dma_start3A_2053 = tpu.memref_slice %arg9[%arg1, %dma_start3A_2050, %dma_start3A_2051, %dma_start3A_2052] : memref<16x2x32x512xf32, #tpu.memory_space<vmem_shared>> -> memref<1x2x32x512xf32, #tpu.memory_space<vmem_shared>>
    %dma_start3A_2054 = tpu.memref_squeeze %dma_start3A_2053 : memref<1x2x32x512xf32, #tpu.memory_space<vmem_shared>> -> memref<2x32x512xf32, #tpu.memory_space<vmem_shared>>
    %dma_start3A_2055 = arith.constant 0 : i32
    %dma_start3A_2056 = arith.constant 0 : i32
    %dma_start3A_2057 = tpu.memref_slice %dma_start3A_2054[%dma_start3A_2046, %dma_start3A_2055, %dma_start3A_2056] : memref<2x32x512xf32, #tpu.memory_space<vmem_shared>> -> memref<1x32x512xf32, #tpu.memory_space<vmem_shared>>
    %dma_start3A_2058 = tpu.memref_squeeze %dma_start3A_2057 : memref<1x32x512xf32, #tpu.memory_space<vmem_shared>> -> memref<32x512xf32, #tpu.memory_space<vmem_shared>>
    %dma_start3A_2059 = arith.constant 0 : i32
    %dma_start3A_2060 = tpu.memref_slice %arg2[%add3A_343, %dma_start3A_2059] : memref<65536x512xf32, #tpu.memory_space<hbm>> -> memref<32x512xf32, #tpu.memory_space<hbm>>
    tpu.enqueue_dma source(%dma_start3A_2060 : memref<32x512xf32, #tpu.memory_space<hbm>>) target(%dma_start3A_2058 : memref<32x512xf32, #tpu.memory_space<vmem_shared>>) target_semaphore(%dma_start3A_2049 : memref<!tpu.dma_semaphore, #tpu.memory_space<semaphore_mem>>)
    %dma_wait3A_2061 = arith.constant 0 : i32
    %dma_wait3A_2062 = arith.constant 0 : i32
    %dma_wait3A_2063 = arith.constant 0 : i32
    %dma_wait3A_2064 = arith.constant 0 : i32
    %dma_wait3A_2065 = tpu.memref_slice %arg8[%dma_wait3A_2061, %dma_wait3A_2063, %dma_wait3A_2064] : memref<2x64x512xf32, #tpu.memory_space<vmem>> -> memref<1x64x512xf32, #tpu.memory_space<vmem>>
    %dma_wait3A_2066 = tpu.memref_squeeze %dma_wait3A_2065 : memref<1x64x512xf32, #tpu.memory_space<vmem>> -> memref<64x512xf32, #tpu.memory_space<vmem>>
    %dma_wait3A_2067 = arith.constant 0 : i32
    %dma_wait3A_2068 = arith.constant 0 : i32
    %dma_wait3A_2069 = tpu.memref_slice %arg2[%dma_wait3A_2067, %dma_wait3A_2068] : memref<65536x512xf32, #tpu.memory_space<hbm>> -> memref<64x512xf32, #tpu.memory_space<hbm>>
    %dma_wait3A_2070 = tpu.memref_slice %arg10[%dma_wait3A_2062] : memref<2x!tpu.dma_semaphore, #tpu.memory_space<semaphore_mem>> -> memref<1x!tpu.dma_semaphore, #tpu.memory_space<semaphore_mem>>
    %dma_wait3A_2071 = tpu.memref_squeeze %dma_wait3A_2070 : memref<1x!tpu.dma_semaphore, #tpu.memory_space<semaphore_mem>> -> memref<!tpu.dma_semaphore, #tpu.memory_space<semaphore_mem>>
    %dma_wait3A_2072 = arith.constant 0 : i32
    %dma_wait3A_2073 = arith.constant 0 : i32
    %dma_wait3A_2074 = tpu.memref_slice %arg8[%dma_wait3A_2061, %dma_wait3A_2072, %dma_wait3A_2073] : memref<2x64x512xf32, #tpu.memory_space<vmem>> -> memref<1x64x512xf32, #tpu.memory_space<vmem>>
    %dma_wait3A_2075 = tpu.memref_squeeze %dma_wait3A_2074 : memref<1x64x512xf32, #tpu.memory_space<vmem>> -> memref<64x512xf32, #tpu.memory_space<vmem>>
    %dma_wait3A_2076 = arith.constant 0 : i32
    %dma_wait3A_2077 = arith.constant 0 : i32
    %dma_wait3A_2078 = tpu.memref_slice %arg2[%dma_wait3A_2076, %dma_wait3A_2077] : memref<65536x512xf32, #tpu.memory_space<hbm>> -> memref<64x512xf32, #tpu.memory_space<hbm>>
    tpu.wait_dma2 semaphore(%dma_wait3A_2071 : memref<!tpu.dma_semaphore, #tpu.memory_space<semaphore_mem>>) src(%dma_wait3A_2078 : memref<64x512xf32, #tpu.memory_space<hbm>>) dst(%dma_wait3A_2075 : memref<64x512xf32, #tpu.memory_space<vmem>>)
    %dma_start3A_2079 = arith.constant 0 : i32
    %dma_start3A_2080 = arith.constant 0 : i32
    %dma_start3A_2081 = arith.constant 0 : i32
    %dma_start3A_2082 = arith.constant 0 : i32
    %dma_start3A_2083 = tpu.memref_slice %arg8[%dma_start3A_2079, %dma_start3A_2081, %dma_start3A_2082] : memref<2x64x512xf32, #tpu.memory_space<vmem>> -> memref<1x64x512xf32, #tpu.memory_space<vmem>>
    %dma_start3A_2084 = tpu.memref_squeeze %dma_start3A_2083 : memref<1x64x512xf32, #tpu.memory_space<vmem>> -> memref<64x512xf32, #tpu.memory_space<vmem>>
    %dma_start3A_2085 = arith.constant 0 : i32
    %dma_start3A_2086 = tpu.memref_slice %arg5[%mul3A_89, %dma_start3A_2085] : memref<65536x512xf32, #tpu.memory_space<hbm>> -> memref<64x512xf32, #tpu.memory_space<hbm>>
    %dma_start3A_2087 = tpu.memref_slice %arg11[%dma_start3A_2080] : memref<2x!tpu.dma_semaphore, #tpu.memory_space<semaphore_mem>> -> memref<1x!tpu.dma_semaphore, #tpu.memory_space<semaphore_mem>>
    %dma_start3A_2088 = tpu.memref_squeeze %dma_start3A_2087 : memref<1x!tpu.dma_semaphore, #tpu.memory_space<semaphore_mem>> -> memref<!tpu.dma_semaphore, #tpu.memory_space<semaphore_mem>>
    %dma_start3A_2089 = arith.constant 0 : i32
    %dma_start3A_2090 = tpu.memref_slice %arg5[%mul3A_89, %dma_start3A_2089] : memref<65536x512xf32, #tpu.memory_space<hbm>> -> memref<64x512xf32, #tpu.memory_space<hbm>>
    %dma_start3A_2091 = arith.constant 0 : i32
    %dma_start3A_2092 = arith.constant 0 : i32
    %dma_start3A_2093 = tpu.memref_slice %arg8[%dma_start3A_2079, %dma_start3A_2091, %dma_start3A_2092] : memref<2x64x512xf32, #tpu.memory_space<vmem>> -> memref<1x64x512xf32, #tpu.memory_space<vmem>>
    %dma_start3A_2094 = tpu.memref_squeeze %dma_start3A_2093 : memref<1x64x512xf32, #tpu.memory_space<vmem>> -> memref<64x512xf32, #tpu.memory_space<vmem>>
    tpu.enqueue_dma source(%dma_start3A_2094 : memref<64x512xf32, #tpu.memory_space<vmem>>) target(%dma_start3A_2090 : memref<64x512xf32, #tpu.memory_space<hbm>>) target_semaphore(%dma_start3A_2088 : memref<!tpu.dma_semaphore, #tpu.memory_space<semaphore_mem>>)
    %dma_wait3A_2095 = arith.constant 0 : i32
    %dma_wait3A_2096 = arith.constant 0 : i32
    %dma_wait3A_2097 = tpu.memref_slice %arg12[%dma_wait3A_2096] : memref<2x!tpu.dma_semaphore, #tpu.memory_space<semaphore_mem>> -> memref<1x!tpu.dma_semaphore, #tpu.memory_space<semaphore_mem>>
    %dma_wait3A_2098 = tpu.memref_squeeze %dma_wait3A_2097 : memref<1x!tpu.dma_semaphore, #tpu.memory_space<semaphore_mem>> -> memref<!tpu.dma_semaphore, #tpu.memory_space<semaphore_mem>>
    %dma_wait3A_2099 = arith.constant 0 : i32
    %dma_wait3A_2100 = arith.constant 0 : i32
    %dma_wait3A_2101 = arith.constant 0 : i32
    %dma_wait3A_2102 = tpu.memref_slice %arg9[%arg1, %dma_wait3A_2099, %dma_wait3A_2100, %dma_wait3A_2101] : memref<16x2x32x512xf32, #tpu.memory_space<vmem_shared>> -> memref<1x2x32x512xf32, #tpu.memory_space<vmem_shared>>
    %dma_wait3A_2103 = tpu.memref_squeeze %dma_wait3A_2102 : memref<1x2x32x512xf32, #tpu.memory_space<vmem_shared>> -> memref<2x32x512xf32, #tpu.memory_space<vmem_shared>>
    %dma_wait3A_2104 = arith.constant 0 : i32
    %dma_wait3A_2105 = arith.constant 0 : i32
    %dma_wait3A_2106 = tpu.memref_slice %dma_wait3A_2103[%dma_wait3A_2095, %dma_wait3A_2104, %dma_wait3A_2105] : memref<2x32x512xf32, #tpu.memory_space<vmem_shared>> -> memref<1x32x512xf32, #tpu.memory_space<vmem_shared>>
    %dma_wait3A_2107 = tpu.memref_squeeze %dma_wait3A_2106 : memref<1x32x512xf32, #tpu.memory_space<vmem_shared>> -> memref<32x512xf32, #tpu.memory_space<vmem_shared>>
    %dma_wait3A_2108 = arith.constant 0 : i32
    %dma_wait3A_2109 = arith.constant 0 : i32
    %dma_wait3A_2110 = tpu.memref_slice %arg2[%dma_wait3A_2108, %dma_wait3A_2109] : memref<65536x512xf32, #tpu.memory_space<hbm>> -> memref<32x512xf32, #tpu.memory_space<hbm>>
    tpu.wait_dma2 semaphore(%dma_wait3A_2098 : memref<!tpu.dma_semaphore, #tpu.memory_space<semaphore_mem>>) src(%dma_wait3A_2110 : memref<32x512xf32, #tpu.memory_space<hbm>>) dst(%dma_wait3A_2107 : memref<32x512xf32, #tpu.memory_space<vmem_shared>>)
    %dma_start3A_2111 = arith.constant 0 : i32
    %dma_start3A_2112 = arith.constant 0 : i32
    %dma_start3A_2113 = tpu.memref_slice %arg13[%dma_start3A_2112] : memref<2x!tpu.dma_semaphore, #tpu.memory_space<semaphore_mem>> -> memref<1x!tpu.dma_semaphore, #tpu.memory_space<semaphore_mem>>
    %dma_start3A_2114 = tpu.memref_squeeze %dma_start3A_2113 : memref<1x!tpu.dma_semaphore, #tpu.memory_space<semaphore_mem>> -> memref<!tpu.dma_semaphore, #tpu.memory_space<semaphore_mem>>
    %dma_start3A_2115 = arith.constant 0 : i32
    %dma_start3A_2116 = tpu.memref_slice %arg5[%add3A_349, %dma_start3A_2115] : memref<65536x512xf32, #tpu.memory_space<hbm>> -> memref<32x512xf32, #tpu.memory_space<hbm>>
    %dma_start3A_2117 = arith.constant 0 : i32
    %dma_start3A_2118 = arith.constant 0 : i32
    %dma_start3A_2119 = arith.constant 0 : i32
    %dma_start3A_2120 = tpu.memref_slice %arg9[%arg1, %dma_start3A_2117, %dma_start3A_2118, %dma_start3A_2119] : memref<16x2x32x512xf32, #tpu.memory_space<vmem_shared>> -> memref<1x2x32x512xf32, #tpu.memory_space<vmem_shared>>
    %dma_start3A_2121 = tpu.memref_squeeze %dma_start3A_2120 : memref<1x2x32x512xf32, #tpu.memory_space<vmem_shared>> -> memref<2x32x512xf32, #tpu.memory_space<vmem_shared>>
    %dma_start3A_2122 = arith.constant 0 : i32
    %dma_start3A_2123 = arith.constant 0 : i32
    %dma_start3A_2124 = tpu.memref_slice %dma_start3A_2121[%dma_start3A_2111, %dma_start3A_2122, %dma_start3A_2123] : memref<2x32x512xf32, #tpu.memory_space<vmem_shared>> -> memref<1x32x512xf32, #tpu.memory_space<vmem_shared>>
    %dma_start3A_2125 = tpu.memref_squeeze %dma_start3A_2124 : memref<1x32x512xf32, #tpu.memory_space<vmem_shared>> -> memref<32x512xf32, #tpu.memory_space<vmem_shared>>
    tpu.enqueue_dma source(%dma_start3A_2125 : memref<32x512xf32, #tpu.memory_space<vmem_shared>>) target(%dma_start3A_2116 : memref<32x512xf32, #tpu.memory_space<hbm>>) target_semaphore(%dma_start3A_2114 : memref<!tpu.dma_semaphore, #tpu.memory_space<semaphore_mem>>)
    %dma_wait3A_2126 = arith.constant 1 : i32
    %dma_wait3A_2127 = arith.constant 1 : i32
    %dma_wait3A_2128 = tpu.memref_slice %arg13[%dma_wait3A_2127] : memref<2x!tpu.dma_semaphore, #tpu.memory_space<semaphore_mem>> -> memref<1x!tpu.dma_semaphore, #tpu.memory_space<semaphore_mem>>
    %dma_wait3A_2129 = tpu.memref_squeeze %dma_wait3A_2128 : memref<1x!tpu.dma_semaphore, #tpu.memory_space<semaphore_mem>> -> memref<!tpu.dma_semaphore, #tpu.memory_space<semaphore_mem>>
    %dma_wait3A_2130 = arith.constant 0 : i32
    %dma_wait3A_2131 = arith.constant 0 : i32
    %dma_wait3A_2132 = tpu.memref_slice %arg5[%dma_wait3A_2130, %dma_wait3A_2131] : memref<65536x512xf32, #tpu.memory_space<hbm>> -> memref<32x512xf32, #tpu.memory_space<hbm>>
    %dma_wait3A_2133 = arith.constant 0 : i32
    %dma_wait3A_2134 = arith.constant 0 : i32
    %dma_wait3A_2135 = arith.constant 0 : i32
    %dma_wait3A_2136 = tpu.memref_slice %arg9[%arg1, %dma_wait3A_2133, %dma_wait3A_2134, %dma_wait3A_2135] : memref<16x2x32x512xf32, #tpu.memory_space<vmem_shared>> -> memref<1x2x32x512xf32, #tpu.memory_space<vmem_shared>>
    %dma_wait3A_2137 = tpu.memref_squeeze %dma_wait3A_2136 : memref<1x2x32x512xf32, #tpu.memory_space<vmem_shared>> -> memref<2x32x512xf32, #tpu.memory_space<vmem_shared>>
    %dma_wait3A_2138 = arith.constant 0 : i32
    %dma_wait3A_2139 = arith.constant 0 : i32
    %dma_wait3A_2140 = tpu.memref_slice %dma_wait3A_2137[%dma_wait3A_2126, %dma_wait3A_2138, %dma_wait3A_2139] : memref<2x32x512xf32, #tpu.memory_space<vmem_shared>> -> memref<1x32x512xf32, #tpu.memory_space<vmem_shared>>
    %dma_wait3A_2141 = tpu.memref_squeeze %dma_wait3A_2140 : memref<1x32x512xf32, #tpu.memory_space<vmem_shared>> -> memref<32x512xf32, #tpu.memory_space<vmem_shared>>
    tpu.wait_dma2 semaphore(%dma_wait3A_2129 : memref<!tpu.dma_semaphore, #tpu.memory_space<semaphore_mem>>) src(%dma_wait3A_2141 : memref<32x512xf32, #tpu.memory_space<vmem_shared>>) dst(%dma_wait3A_2132 : memref<32x512xf32, #tpu.memory_space<hbm>>)
    %dma_start3A_2142 = arith.constant 1 : i32
    %dma_start3A_2143 = arith.constant 1 : i32
    %dma_start3A_2144 = tpu.memref_slice %arg12[%dma_start3A_2143] : memref<2x!tpu.dma_semaphore, #tpu.memory_space<semaphore_mem>> -> memref<1x!tpu.dma_semaphore, #tpu.memory_space<semaphore_mem>>
    %dma_start3A_2145 = tpu.memref_squeeze %dma_start3A_2144 : memref<1x!tpu.dma_semaphore, #tpu.memory_space<semaphore_mem>> -> memref<!tpu.dma_semaphore, #tpu.memory_space<semaphore_mem>>
    %dma_start3A_2146 = arith.constant 0 : i32
    %dma_start3A_2147 = arith.constant 0 : i32
    %dma_start3A_2148 = arith.constant 0 : i32
    %dma_start3A_2149 = tpu.memref_slice %arg9[%arg1, %dma_start3A_2146, %dma_start3A_2147, %dma_start3A_2148] : memref<16x2x32x512xf32, #tpu.memory_space<vmem_shared>> -> memref<1x2x32x512xf32, #tpu.memory_space<vmem_shared>>
    %dma_start3A_2150 = tpu.memref_squeeze %dma_start3A_2149 : memref<1x2x32x512xf32, #tpu.memory_space<vmem_shared>> -> memref<2x32x512xf32, #tpu.memory_space<vmem_shared>>
    %dma_start3A_2151 = arith.constant 0 : i32
    %dma_start3A_2152 = arith.constant 0 : i32
    %dma_start3A_2153 = tpu.memref_slice %dma_start3A_2150[%dma_start3A_2142, %dma_start3A_2151, %dma_start3A_2152] : memref<2x32x512xf32, #tpu.memory_space<vmem_shared>> -> memref<1x32x512xf32, #tpu.memory_space<vmem_shared>>
    %dma_start3A_2154 = tpu.memref_squeeze %dma_start3A_2153 : memref<1x32x512xf32, #tpu.memory_space<vmem_shared>> -> memref<32x512xf32, #tpu.memory_space<vmem_shared>>
    %dma_start3A_2155 = arith.constant 0 : i32
    %dma_start3A_2156 = tpu.memref_slice %arg2[%add3A_355, %dma_start3A_2155] : memref<65536x512xf32, #tpu.memory_space<hbm>> -> memref<32x512xf32, #tpu.memory_space<hbm>>
    tpu.enqueue_dma source(%dma_start3A_2156 : memref<32x512xf32, #tpu.memory_space<hbm>>) target(%dma_start3A_2154 : memref<32x512xf32, #tpu.memory_space<vmem_shared>>) target_semaphore(%dma_start3A_2145 : memref<!tpu.dma_semaphore, #tpu.memory_space<semaphore_mem>>)
    %dma_wait3A_2157 = arith.constant 1 : i32
    %dma_wait3A_2158 = arith.constant 1 : i32
    %dma_wait3A_2159 = arith.constant 0 : i32
    %dma_wait3A_2160 = arith.constant 0 : i32
    %dma_wait3A_2161 = tpu.memref_slice %arg8[%dma_wait3A_2157, %dma_wait3A_2159, %dma_wait3A_2160] : memref<2x64x512xf32, #tpu.memory_space<vmem>> -> memref<1x64x512xf32, #tpu.memory_space<vmem>>
    %dma_wait3A_2162 = tpu.memref_squeeze %dma_wait3A_2161 : memref<1x64x512xf32, #tpu.memory_space<vmem>> -> memref<64x512xf32, #tpu.memory_space<vmem>>
    %dma_wait3A_2163 = arith.constant 0 : i32
    %dma_wait3A_2164 = arith.constant 0 : i32
    %dma_wait3A_2165 = tpu.memref_slice %arg5[%dma_wait3A_2163, %dma_wait3A_2164] : memref<65536x512xf32, #tpu.memory_space<hbm>> -> memref<64x512xf32, #tpu.memory_space<hbm>>
    %dma_wait3A_2166 = tpu.memref_slice %arg11[%dma_wait3A_2158] : memref<2x!tpu.dma_semaphore, #tpu.memory_space<semaphore_mem>> -> memref<1x!tpu.dma_semaphore, #tpu.memory_space<semaphore_mem>>
    %dma_wait3A_2167 = tpu.memref_squeeze %dma_wait3A_2166 : memref<1x!tpu.dma_semaphore, #tpu.memory_space<semaphore_mem>> -> memref<!tpu.dma_semaphore, #tpu.memory_space<semaphore_mem>>
    %dma_wait3A_2168 = arith.constant 0 : i32
    %dma_wait3A_2169 = arith.constant 0 : i32
    %dma_wait3A_2170 = tpu.memref_slice %arg5[%dma_wait3A_2168, %dma_wait3A_2169] : memref<65536x512xf32, #tpu.memory_space<hbm>> -> memref<64x512xf32, #tpu.memory_space<hbm>>
    %dma_wait3A_2171 = arith.constant 0 : i32
    %dma_wait3A_2172 = arith.constant 0 : i32
    %dma_wait3A_2173 = tpu.memref_slice %arg8[%dma_wait3A_2157, %dma_wait3A_2171, %dma_wait3A_2172] : memref<2x64x512xf32, #tpu.memory_space<vmem>> -> memref<1x64x512xf32, #tpu.memory_space<vmem>>
    %dma_wait3A_2174 = tpu.memref_squeeze %dma_wait3A_2173 : memref<1x64x512xf32, #tpu.memory_space<vmem>> -> memref<64x512xf32, #tpu.memory_space<vmem>>
    tpu.wait_dma2 semaphore(%dma_wait3A_2167 : memref<!tpu.dma_semaphore, #tpu.memory_space<semaphore_mem>>) src(%dma_wait3A_2174 : memref<64x512xf32, #tpu.memory_space<vmem>>) dst(%dma_wait3A_2170 : memref<64x512xf32, #tpu.memory_space<hbm>>)
    %dma_start3A_2175 = arith.constant 1 : i32
    %dma_start3A_2176 = arith.constant 1 : i32
    %dma_start3A_2177 = arith.constant 0 : i32
    %dma_start3A_2178 = arith.constant 0 : i32
    %dma_start3A_2179 = tpu.memref_slice %arg8[%dma_start3A_2175, %dma_start3A_2177, %dma_start3A_2178] : memref<2x64x512xf32, #tpu.memory_space<vmem>> -> memref<1x64x512xf32, #tpu.memory_space<vmem>>
    %dma_start3A_2180 = tpu.memref_squeeze %dma_start3A_2179 : memref<1x64x512xf32, #tpu.memory_space<vmem>> -> memref<64x512xf32, #tpu.memory_space<vmem>>
    %dma_start3A_2181 = arith.constant 0 : i32
    %dma_start3A_2182 = tpu.memref_slice %arg2[%mul3A_93, %dma_start3A_2181] : memref<65536x512xf32, #tpu.memory_space<hbm>> -> memref<64x512xf32, #tpu.memory_space<hbm>>
    %dma_start3A_2183 = tpu.memref_slice %arg10[%dma_start3A_2176] : memref<2x!tpu.dma_semaphore, #tpu.memory_space<semaphore_mem>> -> memref<1x!tpu.dma_semaphore, #tpu.memory_space<semaphore_mem>>
    %dma_start3A_2184 = tpu.memref_squeeze %dma_start3A_2183 : memref<1x!tpu.dma_semaphore, #tpu.memory_space<semaphore_mem>> -> memref<!tpu.dma_semaphore, #tpu.memory_space<semaphore_mem>>
    %dma_start3A_2185 = arith.constant 0 : i32
    %dma_start3A_2186 = arith.constant 0 : i32
    %dma_start3A_2187 = tpu.memref_slice %arg8[%dma_start3A_2175, %dma_start3A_2185, %dma_start3A_2186] : memref<2x64x512xf32, #tpu.memory_space<vmem>> -> memref<1x64x512xf32, #tpu.memory_space<vmem>>
    %dma_start3A_2188 = tpu.memref_squeeze %dma_start3A_2187 : memref<1x64x512xf32, #tpu.memory_space<vmem>> -> memref<64x512xf32, #tpu.memory_space<vmem>>
    %dma_start3A_2189 = arith.constant 0 : i32
    %dma_start3A_2190 = tpu.memref_slice %arg2[%mul3A_93, %dma_start3A_2189] : memref<65536x512xf32, #tpu.memory_space<hbm>> -> memref<64x512xf32, #tpu.memory_space<hbm>>
    tpu.enqueue_dma source(%dma_start3A_2190 : memref<64x512xf32, #tpu.memory_space<hbm>>) target(%dma_start3A_2188 : memref<64x512xf32, #tpu.memory_space<vmem>>) target_semaphore(%dma_start3A_2184 : memref<!tpu.dma_semaphore, #tpu.memory_space<semaphore_mem>>)
    %dma_wait3A_2191 = arith.constant 1 : i32
    %dma_wait3A_2192 = arith.constant 1 : i32
    %dma_wait3A_2193 = tpu.memref_slice %arg12[%dma_wait3A_2192] : memref<2x!tpu.dma_semaphore, #tpu.memory_space<semaphore_mem>> -> memref<1x!tpu.dma_semaphore, #tpu.memory_space<semaphore_mem>>
    %dma_wait3A_2194 = tpu.memref_squeeze %dma_wait3A_2193 : memref<1x!tpu.dma_semaphore, #tpu.memory_space<semaphore_mem>> -> memref<!tpu.dma_semaphore, #tpu.memory_space<semaphore_mem>>
    %dma_wait3A_2195 = arith.constant 0 : i32
    %dma_wait3A_2196 = arith.constant 0 : i32
    %dma_wait3A_2197 = arith.constant 0 : i32
    %dma_wait3A_2198 = tpu.memref_slice %arg9[%arg1, %dma_wait3A_2195, %dma_wait3A_2196, %dma_wait3A_2197] : memref<16x2x32x512xf32, #tpu.memory_space<vmem_shared>> -> memref<1x2x32x512xf32, #tpu.memory_space<vmem_shared>>
    %dma_wait3A_2199 = tpu.memref_squeeze %dma_wait3A_2198 : memref<1x2x32x512xf32, #tpu.memory_space<vmem_shared>> -> memref<2x32x512xf32, #tpu.memory_space<vmem_shared>>
    %dma_wait3A_2200 = arith.constant 0 : i32
    %dma_wait3A_2201 = arith.constant 0 : i32
    %dma_wait3A_2202 = tpu.memref_slice %dma_wait3A_2199[%dma_wait3A_2191, %dma_wait3A_2200, %dma_wait3A_2201] : memref<2x32x512xf32, #tpu.memory_space<vmem_shared>> -> memref<1x32x512xf32, #tpu.memory_space<vmem_shared>>
    %dma_wait3A_2203 = tpu.memref_squeeze %dma_wait3A_2202 : memref<1x32x512xf32, #tpu.memory_space<vmem_shared>> -> memref<32x512xf32, #tpu.memory_space<vmem_shared>>
    %dma_wait3A_2204 = arith.constant 0 : i32
    %dma_wait3A_2205 = arith.constant 0 : i32
    %dma_wait3A_2206 = tpu.memref_slice %arg2[%dma_wait3A_2204, %dma_wait3A_2205] : memref<65536x512xf32, #tpu.memory_space<hbm>> -> memref<32x512xf32, #tpu.memory_space<hbm>>
    tpu.wait_dma2 semaphore(%dma_wait3A_2194 : memref<!tpu.dma_semaphore, #tpu.memory_space<semaphore_mem>>) src(%dma_wait3A_2206 : memref<32x512xf32, #tpu.memory_space<hbm>>) dst(%dma_wait3A_2203 : memref<32x512xf32, #tpu.memory_space<vmem_shared>>)
    %dma_start3A_2207 = arith.constant 1 : i32
    %dma_start3A_2208 = arith.constant 1 : i32
    %dma_start3A_2209 = tpu.memref_slice %arg13[%dma_start3A_2208] : memref<2x!tpu.dma_semaphore, #tpu.memory_space<semaphore_mem>> -> memref<1x!tpu.dma_semaphore, #tpu.memory_space<semaphore_mem>>
    %dma_start3A_2210 = tpu.memref_squeeze %dma_start3A_2209 : memref<1x!tpu.dma_semaphore, #tpu.memory_space<semaphore_mem>> -> memref<!tpu.dma_semaphore, #tpu.memory_space<semaphore_mem>>
    %dma_start3A_2211 = arith.constant 0 : i32
    %dma_start3A_2212 = tpu.memref_slice %arg5[%add3A_361, %dma_start3A_2211] : memref<65536x512xf32, #tpu.memory_space<hbm>> -> memref<32x512xf32, #tpu.memory_space<hbm>>
    %dma_start3A_2213 = arith.constant 0 : i32
    %dma_start3A_2214 = arith.constant 0 : i32
    %dma_start3A_2215 = arith.constant 0 : i32
    %dma_start3A_2216 = tpu.memref_slice %arg9[%arg1, %dma_start3A_2213, %dma_start3A_2214, %dma_start3A_2215] : memref<16x2x32x512xf32, #tpu.memory_space<vmem_shared>> -> memref<1x2x32x512xf32, #tpu.memory_space<vmem_shared>>
    %dma_start3A_2217 = tpu.memref_squeeze %dma_start3A_2216 : memref<1x2x32x512xf32, #tpu.memory_space<vmem_shared>> -> memref<2x32x512xf32, #tpu.memory_space<vmem_shared>>
    %dma_start3A_2218 = arith.constant 0 : i32
    %dma_start3A_2219 = arith.constant 0 : i32
    %dma_start3A_2220 = tpu.memref_slice %dma_start3A_2217[%dma_start3A_2207, %dma_start3A_2218, %dma_start3A_2219] : memref<2x32x512xf32, #tpu.memory_space<vmem_shared>> -> memref<1x32x512xf32, #tpu.memory_space<vmem_shared>>
    %dma_start3A_2221 = tpu.memref_squeeze %dma_start3A_2220 : memref<1x32x512xf32, #tpu.memory_space<vmem_shared>> -> memref<32x512xf32, #tpu.memory_space<vmem_shared>>
    tpu.enqueue_dma source(%dma_start3A_2221 : memref<32x512xf32, #tpu.memory_space<vmem_shared>>) target(%dma_start3A_2212 : memref<32x512xf32, #tpu.memory_space<hbm>>) target_semaphore(%dma_start3A_2210 : memref<!tpu.dma_semaphore, #tpu.memory_space<semaphore_mem>>)
    %dma_wait3A_2222 = arith.constant 0 : i32
    %dma_wait3A_2223 = arith.constant 0 : i32
    %dma_wait3A_2224 = tpu.memref_slice %arg13[%dma_wait3A_2223] : memref<2x!tpu.dma_semaphore, #tpu.memory_space<semaphore_mem>> -> memref<1x!tpu.dma_semaphore, #tpu.memory_space<semaphore_mem>>
    %dma_wait3A_2225 = tpu.memref_squeeze %dma_wait3A_2224 : memref<1x!tpu.dma_semaphore, #tpu.memory_space<semaphore_mem>> -> memref<!tpu.dma_semaphore, #tpu.memory_space<semaphore_mem>>
    %dma_wait3A_2226 = arith.constant 0 : i32
    %dma_wait3A_2227 = arith.constant 0 : i32
    %dma_wait3A_2228 = tpu.memref_slice %arg5[%dma_wait3A_2226, %dma_wait3A_2227] : memref<65536x512xf32, #tpu.memory_space<hbm>> -> memref<32x512xf32, #tpu.memory_space<hbm>>
    %dma_wait3A_2229 = arith.constant 0 : i32
    %dma_wait3A_2230 = arith.constant 0 : i32
    %dma_wait3A_2231 = arith.constant 0 : i32
    %dma_wait3A_2232 = tpu.memref_slice %arg9[%arg1, %dma_wait3A_2229, %dma_wait3A_2230, %dma_wait3A_2231] : memref<16x2x32x512xf32, #tpu.memory_space<vmem_shared>> -> memref<1x2x32x512xf32, #tpu.memory_space<vmem_shared>>
    %dma_wait3A_2233 = tpu.memref_squeeze %dma_wait3A_2232 : memref<1x2x32x512xf32, #tpu.memory_space<vmem_shared>> -> memref<2x32x512xf32, #tpu.memory_space<vmem_shared>>
    %dma_wait3A_2234 = arith.constant 0 : i32
    %dma_wait3A_2235 = arith.constant 0 : i32
    %dma_wait3A_2236 = tpu.memref_slice %dma_wait3A_2233[%dma_wait3A_2222, %dma_wait3A_2234, %dma_wait3A_2235] : memref<2x32x512xf32, #tpu.memory_space<vmem_shared>> -> memref<1x32x512xf32, #tpu.memory_space<vmem_shared>>
    %dma_wait3A_2237 = tpu.memref_squeeze %dma_wait3A_2236 : memref<1x32x512xf32, #tpu.memory_space<vmem_shared>> -> memref<32x512xf32, #tpu.memory_space<vmem_shared>>
    tpu.wait_dma2 semaphore(%dma_wait3A_2225 : memref<!tpu.dma_semaphore, #tpu.memory_space<semaphore_mem>>) src(%dma_wait3A_2237 : memref<32x512xf32, #tpu.memory_space<vmem_shared>>) dst(%dma_wait3A_2228 : memref<32x512xf32, #tpu.memory_space<hbm>>)
    %dma_start3A_2238 = arith.constant 0 : i32
    %dma_start3A_2239 = arith.constant 0 : i32
    %dma_start3A_2240 = tpu.memref_slice %arg12[%dma_start3A_2239] : memref<2x!tpu.dma_semaphore, #tpu.memory_space<semaphore_mem>> -> memref<1x!tpu.dma_semaphore, #tpu.memory_space<semaphore_mem>>
    %dma_start3A_2241 = tpu.memref_squeeze %dma_start3A_2240 : memref<1x!tpu.dma_semaphore, #tpu.memory_space<semaphore_mem>> -> memref<!tpu.dma_semaphore, #tpu.memory_space<semaphore_mem>>
    %dma_start3A_2242 = arith.constant 0 : i32
    %dma_start3A_2243 = arith.constant 0 : i32
    %dma_start3A_2244 = arith.constant 0 : i32
    %dma_start3A_2245 = tpu.memref_slice %arg9[%arg1, %dma_start3A_2242, %dma_start3A_2243, %dma_start3A_2244] : memref<16x2x32x512xf32, #tpu.memory_space<vmem_shared>> -> memref<1x2x32x512xf32, #tpu.memory_space<vmem_shared>>
    %dma_start3A_2246 = tpu.memref_squeeze %dma_start3A_2245 : memref<1x2x32x512xf32, #tpu.memory_space<vmem_shared>> -> memref<2x32x512xf32, #tpu.memory_space<vmem_shared>>
    %dma_start3A_2247 = arith.constant 0 : i32
    %dma_start3A_2248 = arith.constant 0 : i32
    %dma_start3A_2249 = tpu.memref_slice %dma_start3A_2246[%dma_start3A_2238, %dma_start3A_2247, %dma_start3A_2248] : memref<2x32x512xf32, #tpu.memory_space<vmem_shared>> -> memref<1x32x512xf32, #tpu.memory_space<vmem_shared>>
    %dma_start3A_2250 = tpu.memref_squeeze %dma_start3A_2249 : memref<1x32x512xf32, #tpu.memory_space<vmem_shared>> -> memref<32x512xf32, #tpu.memory_space<vmem_shared>>
    %dma_start3A_2251 = arith.constant 0 : i32
    %dma_start3A_2252 = tpu.memref_slice %arg2[%add3A_367, %dma_start3A_2251] : memref<65536x512xf32, #tpu.memory_space<hbm>> -> memref<32x512xf32, #tpu.memory_space<hbm>>
    tpu.enqueue_dma source(%dma_start3A_2252 : memref<32x512xf32, #tpu.memory_space<hbm>>) target(%dma_start3A_2250 : memref<32x512xf32, #tpu.memory_space<vmem_shared>>) target_semaphore(%dma_start3A_2241 : memref<!tpu.dma_semaphore, #tpu.memory_space<semaphore_mem>>)
    %dma_wait3A_2253 = arith.constant 1 : i32
    %dma_wait3A_2254 = arith.constant 1 : i32
    %dma_wait3A_2255 = arith.constant 0 : i32
    %dma_wait3A_2256 = arith.constant 0 : i32
    %dma_wait3A_2257 = tpu.memref_slice %arg8[%dma_wait3A_2253, %dma_wait3A_2255, %dma_wait3A_2256] : memref<2x64x512xf32, #tpu.memory_space<vmem>> -> memref<1x64x512xf32, #tpu.memory_space<vmem>>
    %dma_wait3A_2258 = tpu.memref_squeeze %dma_wait3A_2257 : memref<1x64x512xf32, #tpu.memory_space<vmem>> -> memref<64x512xf32, #tpu.memory_space<vmem>>
    %dma_wait3A_2259 = arith.constant 0 : i32
    %dma_wait3A_2260 = arith.constant 0 : i32
    %dma_wait3A_2261 = tpu.memref_slice %arg2[%dma_wait3A_2259, %dma_wait3A_2260] : memref<65536x512xf32, #tpu.memory_space<hbm>> -> memref<64x512xf32, #tpu.memory_space<hbm>>
    %dma_wait3A_2262 = tpu.memref_slice %arg10[%dma_wait3A_2254] : memref<2x!tpu.dma_semaphore, #tpu.memory_space<semaphore_mem>> -> memref<1x!tpu.dma_semaphore, #tpu.memory_space<semaphore_mem>>
    %dma_wait3A_2263 = tpu.memref_squeeze %dma_wait3A_2262 : memref<1x!tpu.dma_semaphore, #tpu.memory_space<semaphore_mem>> -> memref<!tpu.dma_semaphore, #tpu.memory_space<semaphore_mem>>
    %dma_wait3A_2264 = arith.constant 0 : i32
    %dma_wait3A_2265 = arith.constant 0 : i32
    %dma_wait3A_2266 = tpu.memref_slice %arg8[%dma_wait3A_2253, %dma_wait3A_2264, %dma_wait3A_2265] : memref<2x64x512xf32, #tpu.memory_space<vmem>> -> memref<1x64x512xf32, #tpu.memory_space<vmem>>
    %dma_wait3A_2267 = tpu.memref_squeeze %dma_wait3A_2266 : memref<1x64x512xf32, #tpu.memory_space<vmem>> -> memref<64x512xf32, #tpu.memory_space<vmem>>
    %dma_wait3A_2268 = arith.constant 0 : i32
    %dma_wait3A_2269 = arith.constant 0 : i32
    %dma_wait3A_2270 = tpu.memref_slice %arg2[%dma_wait3A_2268, %dma_wait3A_2269] : memref<65536x512xf32, #tpu.memory_space<hbm>> -> memref<64x512xf32, #tpu.memory_space<hbm>>
    tpu.wait_dma2 semaphore(%dma_wait3A_2263 : memref<!tpu.dma_semaphore, #tpu.memory_space<semaphore_mem>>) src(%dma_wait3A_2270 : memref<64x512xf32, #tpu.memory_space<hbm>>) dst(%dma_wait3A_2267 : memref<64x512xf32, #tpu.memory_space<vmem>>)
    %dma_start3A_2271 = arith.constant 1 : i32
    %dma_start3A_2272 = arith.constant 1 : i32
    %dma_start3A_2273 = arith.constant 0 : i32
    %dma_start3A_2274 = arith.constant 0 : i32
    %dma_start3A_2275 = tpu.memref_slice %arg8[%dma_start3A_2271, %dma_start3A_2273, %dma_start3A_2274] : memref<2x64x512xf32, #tpu.memory_space<vmem>> -> memref<1x64x512xf32, #tpu.memory_space<vmem>>
    %dma_start3A_2276 = tpu.memref_squeeze %dma_start3A_2275 : memref<1x64x512xf32, #tpu.memory_space<vmem>> -> memref<64x512xf32, #tpu.memory_space<vmem>>
    %dma_start3A_2277 = arith.constant 0 : i32
    %dma_start3A_2278 = tpu.memref_slice %arg5[%mul3A_97, %dma_start3A_2277] : memref<65536x512xf32, #tpu.memory_space<hbm>> -> memref<64x512xf32, #tpu.memory_space<hbm>>
    %dma_start3A_2279 = tpu.memref_slice %arg11[%dma_start3A_2272] : memref<2x!tpu.dma_semaphore, #tpu.memory_space<semaphore_mem>> -> memref<1x!tpu.dma_semaphore, #tpu.memory_space<semaphore_mem>>
    %dma_start3A_2280 = tpu.memref_squeeze %dma_start3A_2279 : memref<1x!tpu.dma_semaphore, #tpu.memory_space<semaphore_mem>> -> memref<!tpu.dma_semaphore, #tpu.memory_space<semaphore_mem>>
    %dma_start3A_2281 = arith.constant 0 : i32
    %dma_start3A_2282 = tpu.memref_slice %arg5[%mul3A_97, %dma_start3A_2281] : memref<65536x512xf32, #tpu.memory_space<hbm>> -> memref<64x512xf32, #tpu.memory_space<hbm>>
    %dma_start3A_2283 = arith.constant 0 : i32
    %dma_start3A_2284 = arith.constant 0 : i32
    %dma_start3A_2285 = tpu.memref_slice %arg8[%dma_start3A_2271, %dma_start3A_2283, %dma_start3A_2284] : memref<2x64x512xf32, #tpu.memory_space<vmem>> -> memref<1x64x512xf32, #tpu.memory_space<vmem>>
    %dma_start3A_2286 = tpu.memref_squeeze %dma_start3A_2285 : memref<1x64x512xf32, #tpu.memory_space<vmem>> -> memref<64x512xf32, #tpu.memory_space<vmem>>
    tpu.enqueue_dma source(%dma_start3A_2286 : memref<64x512xf32, #tpu.memory_space<vmem>>) target(%dma_start3A_2282 : memref<64x512xf32, #tpu.memory_space<hbm>>) target_semaphore(%dma_start3A_2280 : memref<!tpu.dma_semaphore, #tpu.memory_space<semaphore_mem>>)
    %dma_wait3A_2287 = arith.constant 0 : i32
    %dma_wait3A_2288 = arith.constant 0 : i32
    %dma_wait3A_2289 = tpu.memref_slice %arg12[%dma_wait3A_2288] : memref<2x!tpu.dma_semaphore, #tpu.memory_space<semaphore_mem>> -> memref<1x!tpu.dma_semaphore, #tpu.memory_space<semaphore_mem>>
    %dma_wait3A_2290 = tpu.memref_squeeze %dma_wait3A_2289 : memref<1x!tpu.dma_semaphore, #tpu.memory_space<semaphore_mem>> -> memref<!tpu.dma_semaphore, #tpu.memory_space<semaphore_mem>>
    %dma_wait3A_2291 = arith.constant 0 : i32
    %dma_wait3A_2292 = arith.constant 0 : i32
    %dma_wait3A_2293 = arith.constant 0 : i32
    %dma_wait3A_2294 = tpu.memref_slice %arg9[%arg1, %dma_wait3A_2291, %dma_wait3A_2292, %dma_wait3A_2293] : memref<16x2x32x512xf32, #tpu.memory_space<vmem_shared>> -> memref<1x2x32x512xf32, #tpu.memory_space<vmem_shared>>
    %dma_wait3A_2295 = tpu.memref_squeeze %dma_wait3A_2294 : memref<1x2x32x512xf32, #tpu.memory_space<vmem_shared>> -> memref<2x32x512xf32, #tpu.memory_space<vmem_shared>>
    %dma_wait3A_2296 = arith.constant 0 : i32
    %dma_wait3A_2297 = arith.constant 0 : i32
    %dma_wait3A_2298 = tpu.memref_slice %dma_wait3A_2295[%dma_wait3A_2287, %dma_wait3A_2296, %dma_wait3A_2297] : memref<2x32x512xf32, #tpu.memory_space<vmem_shared>> -> memref<1x32x512xf32, #tpu.memory_space<vmem_shared>>
    %dma_wait3A_2299 = tpu.memref_squeeze %dma_wait3A_2298 : memref<1x32x512xf32, #tpu.memory_space<vmem_shared>> -> memref<32x512xf32, #tpu.memory_space<vmem_shared>>
    %dma_wait3A_2300 = arith.constant 0 : i32
    %dma_wait3A_2301 = arith.constant 0 : i32
    %dma_wait3A_2302 = tpu.memref_slice %arg2[%dma_wait3A_2300, %dma_wait3A_2301] : memref<65536x512xf32, #tpu.memory_space<hbm>> -> memref<32x512xf32, #tpu.memory_space<hbm>>
    tpu.wait_dma2 semaphore(%dma_wait3A_2290 : memref<!tpu.dma_semaphore, #tpu.memory_space<semaphore_mem>>) src(%dma_wait3A_2302 : memref<32x512xf32, #tpu.memory_space<hbm>>) dst(%dma_wait3A_2299 : memref<32x512xf32, #tpu.memory_space<vmem_shared>>)
    %dma_start3A_2303 = arith.constant 0 : i32
    %dma_start3A_2304 = arith.constant 0 : i32
    %dma_start3A_2305 = tpu.memref_slice %arg13[%dma_start3A_2304] : memref<2x!tpu.dma_semaphore, #tpu.memory_space<semaphore_mem>> -> memref<1x!tpu.dma_semaphore, #tpu.memory_space<semaphore_mem>>
    %dma_start3A_2306 = tpu.memref_squeeze %dma_start3A_2305 : memref<1x!tpu.dma_semaphore, #tpu.memory_space<semaphore_mem>> -> memref<!tpu.dma_semaphore, #tpu.memory_space<semaphore_mem>>
    %dma_start3A_2307 = arith.constant 0 : i32
    %dma_start3A_2308 = tpu.memref_slice %arg5[%add3A_373, %dma_start3A_2307] : memref<65536x512xf32, #tpu.memory_space<hbm>> -> memref<32x512xf32, #tpu.memory_space<hbm>>
    %dma_start3A_2309 = arith.constant 0 : i32
    %dma_start3A_2310 = arith.constant 0 : i32
    %dma_start3A_2311 = arith.constant 0 : i32
    %dma_start3A_2312 = tpu.memref_slice %arg9[%arg1, %dma_start3A_2309, %dma_start3A_2310, %dma_start3A_2311] : memref<16x2x32x512xf32, #tpu.memory_space<vmem_shared>> -> memref<1x2x32x512xf32, #tpu.memory_space<vmem_shared>>
    %dma_start3A_2313 = tpu.memref_squeeze %dma_start3A_2312 : memref<1x2x32x512xf32, #tpu.memory_space<vmem_shared>> -> memref<2x32x512xf32, #tpu.memory_space<vmem_shared>>
    %dma_start3A_2314 = arith.constant 0 : i32
    %dma_start3A_2315 = arith.constant 0 : i32
    %dma_start3A_2316 = tpu.memref_slice %dma_start3A_2313[%dma_start3A_2303, %dma_start3A_2314, %dma_start3A_2315] : memref<2x32x512xf32, #tpu.memory_space<vmem_shared>> -> memref<1x32x512xf32, #tpu.memory_space<vmem_shared>>
    %dma_start3A_2317 = tpu.memref_squeeze %dma_start3A_2316 : memref<1x32x512xf32, #tpu.memory_space<vmem_shared>> -> memref<32x512xf32, #tpu.memory_space<vmem_shared>>
    tpu.enqueue_dma source(%dma_start3A_2317 : memref<32x512xf32, #tpu.memory_space<vmem_shared>>) target(%dma_start3A_2308 : memref<32x512xf32, #tpu.memory_space<hbm>>) target_semaphore(%dma_start3A_2306 : memref<!tpu.dma_semaphore, #tpu.memory_space<semaphore_mem>>)
    %dma_wait3A_2318 = arith.constant 1 : i32
    %dma_wait3A_2319 = arith.constant 1 : i32
    %dma_wait3A_2320 = tpu.memref_slice %arg13[%dma_wait3A_2319] : memref<2x!tpu.dma_semaphore, #tpu.memory_space<semaphore_mem>> -> memref<1x!tpu.dma_semaphore, #tpu.memory_space<semaphore_mem>>
    %dma_wait3A_2321 = tpu.memref_squeeze %dma_wait3A_2320 : memref<1x!tpu.dma_semaphore, #tpu.memory_space<semaphore_mem>> -> memref<!tpu.dma_semaphore, #tpu.memory_space<semaphore_mem>>
    %dma_wait3A_2322 = arith.constant 0 : i32
    %dma_wait3A_2323 = arith.constant 0 : i32
    %dma_wait3A_2324 = tpu.memref_slice %arg5[%dma_wait3A_2322, %dma_wait3A_2323] : memref<65536x512xf32, #tpu.memory_space<hbm>> -> memref<32x512xf32, #tpu.memory_space<hbm>>
    %dma_wait3A_2325 = arith.constant 0 : i32
    %dma_wait3A_2326 = arith.constant 0 : i32
    %dma_wait3A_2327 = arith.constant 0 : i32
    %dma_wait3A_2328 = tpu.memref_slice %arg9[%arg1, %dma_wait3A_2325, %dma_wait3A_2326, %dma_wait3A_2327] : memref<16x2x32x512xf32, #tpu.memory_space<vmem_shared>> -> memref<1x2x32x512xf32, #tpu.memory_space<vmem_shared>>
    %dma_wait3A_2329 = tpu.memref_squeeze %dma_wait3A_2328 : memref<1x2x32x512xf32, #tpu.memory_space<vmem_shared>> -> memref<2x32x512xf32, #tpu.memory_space<vmem_shared>>
    %dma_wait3A_2330 = arith.constant 0 : i32
    %dma_wait3A_2331 = arith.constant 0 : i32
    %dma_wait3A_2332 = tpu.memref_slice %dma_wait3A_2329[%dma_wait3A_2318, %dma_wait3A_2330, %dma_wait3A_2331] : memref<2x32x512xf32, #tpu.memory_space<vmem_shared>> -> memref<1x32x512xf32, #tpu.memory_space<vmem_shared>>
    %dma_wait3A_2333 = tpu.memref_squeeze %dma_wait3A_2332 : memref<1x32x512xf32, #tpu.memory_space<vmem_shared>> -> memref<32x512xf32, #tpu.memory_space<vmem_shared>>
    tpu.wait_dma2 semaphore(%dma_wait3A_2321 : memref<!tpu.dma_semaphore, #tpu.memory_space<semaphore_mem>>) src(%dma_wait3A_2333 : memref<32x512xf32, #tpu.memory_space<vmem_shared>>) dst(%dma_wait3A_2324 : memref<32x512xf32, #tpu.memory_space<hbm>>)
    %dma_start3A_2334 = arith.constant 1 : i32
    %dma_start3A_2335 = arith.constant 1 : i32
    %dma_start3A_2336 = tpu.memref_slice %arg12[%dma_start3A_2335] : memref<2x!tpu.dma_semaphore, #tpu.memory_space<semaphore_mem>> -> memref<1x!tpu.dma_semaphore, #tpu.memory_space<semaphore_mem>>
    %dma_start3A_2337 = tpu.memref_squeeze %dma_start3A_2336 : memref<1x!tpu.dma_semaphore, #tpu.memory_space<semaphore_mem>> -> memref<!tpu.dma_semaphore, #tpu.memory_space<semaphore_mem>>
    %dma_start3A_2338 = arith.constant 0 : i32
    %dma_start3A_2339 = arith.constant 0 : i32
    %dma_start3A_2340 = arith.constant 0 : i32
    %dma_start3A_2341 = tpu.memref_slice %arg9[%arg1, %dma_start3A_2338, %dma_start3A_2339, %dma_start3A_2340] : memref<16x2x32x512xf32, #tpu.memory_space<vmem_shared>> -> memref<1x2x32x512xf32, #tpu.memory_space<vmem_shared>>
    %dma_start3A_2342 = tpu.memref_squeeze %dma_start3A_2341 : memref<1x2x32x512xf32, #tpu.memory_space<vmem_shared>> -> memref<2x32x512xf32, #tpu.memory_space<vmem_shared>>
    %dma_start3A_2343 = arith.constant 0 : i32
    %dma_start3A_2344 = arith.constant 0 : i32
    %dma_start3A_2345 = tpu.memref_slice %dma_start3A_2342[%dma_start3A_2334, %dma_start3A_2343, %dma_start3A_2344] : memref<2x32x512xf32, #tpu.memory_space<vmem_shared>> -> memref<1x32x512xf32, #tpu.memory_space<vmem_shared>>
    %dma_start3A_2346 = tpu.memref_squeeze %dma_start3A_2345 : memref<1x32x512xf32, #tpu.memory_space<vmem_shared>> -> memref<32x512xf32, #tpu.memory_space<vmem_shared>>
    %dma_start3A_2347 = arith.constant 0 : i32
    %dma_start3A_2348 = tpu.memref_slice %arg2[%add3A_379, %dma_start3A_2347] : memref<65536x512xf32, #tpu.memory_space<hbm>> -> memref<32x512xf32, #tpu.memory_space<hbm>>
    tpu.enqueue_dma source(%dma_start3A_2348 : memref<32x512xf32, #tpu.memory_space<hbm>>) target(%dma_start3A_2346 : memref<32x512xf32, #tpu.memory_space<vmem_shared>>) target_semaphore(%dma_start3A_2337 : memref<!tpu.dma_semaphore, #tpu.memory_space<semaphore_mem>>)
    %dma_wait3A_2349 = arith.constant 0 : i32
    %dma_wait3A_2350 = arith.constant 0 : i32
    %dma_wait3A_2351 = arith.constant 0 : i32
    %dma_wait3A_2352 = arith.constant 0 : i32
    %dma_wait3A_2353 = tpu.memref_slice %arg8[%dma_wait3A_2349, %dma_wait3A_2351, %dma_wait3A_2352] : memref<2x64x512xf32, #tpu.memory_space<vmem>> -> memref<1x64x512xf32, #tpu.memory_space<vmem>>
    %dma_wait3A_2354 = tpu.memref_squeeze %dma_wait3A_2353 : memref<1x64x512xf32, #tpu.memory_space<vmem>> -> memref<64x512xf32, #tpu.memory_space<vmem>>
    %dma_wait3A_2355 = arith.constant 0 : i32
    %dma_wait3A_2356 = arith.constant 0 : i32
    %dma_wait3A_2357 = tpu.memref_slice %arg5[%dma_wait3A_2355, %dma_wait3A_2356] : memref<65536x512xf32, #tpu.memory_space<hbm>> -> memref<64x512xf32, #tpu.memory_space<hbm>>
    %dma_wait3A_2358 = tpu.memref_slice %arg11[%dma_wait3A_2350] : memref<2x!tpu.dma_semaphore, #tpu.memory_space<semaphore_mem>> -> memref<1x!tpu.dma_semaphore, #tpu.memory_space<semaphore_mem>>
    %dma_wait3A_2359 = tpu.memref_squeeze %dma_wait3A_2358 : memref<1x!tpu.dma_semaphore, #tpu.memory_space<semaphore_mem>> -> memref<!tpu.dma_semaphore, #tpu.memory_space<semaphore_mem>>
    %dma_wait3A_2360 = arith.constant 0 : i32
    %dma_wait3A_2361 = arith.constant 0 : i32
    %dma_wait3A_2362 = tpu.memref_slice %arg5[%dma_wait3A_2360, %dma_wait3A_2361] : memref<65536x512xf32, #tpu.memory_space<hbm>> -> memref<64x512xf32, #tpu.memory_space<hbm>>
    %dma_wait3A_2363 = arith.constant 0 : i32
    %dma_wait3A_2364 = arith.constant 0 : i32
    %dma_wait3A_2365 = tpu.memref_slice %arg8[%dma_wait3A_2349, %dma_wait3A_2363, %dma_wait3A_2364] : memref<2x64x512xf32, #tpu.memory_space<vmem>> -> memref<1x64x512xf32, #tpu.memory_space<vmem>>
    %dma_wait3A_2366 = tpu.memref_squeeze %dma_wait3A_2365 : memref<1x64x512xf32, #tpu.memory_space<vmem>> -> memref<64x512xf32, #tpu.memory_space<vmem>>
    tpu.wait_dma2 semaphore(%dma_wait3A_2359 : memref<!tpu.dma_semaphore, #tpu.memory_space<semaphore_mem>>) src(%dma_wait3A_2366 : memref<64x512xf32, #tpu.memory_space<vmem>>) dst(%dma_wait3A_2362 : memref<64x512xf32, #tpu.memory_space<hbm>>)
    %dma_start3A_2367 = arith.constant 0 : i32
    %dma_start3A_2368 = arith.constant 0 : i32
    %dma_start3A_2369 = arith.constant 0 : i32
    %dma_start3A_2370 = arith.constant 0 : i32
    %dma_start3A_2371 = tpu.memref_slice %arg8[%dma_start3A_2367, %dma_start3A_2369, %dma_start3A_2370] : memref<2x64x512xf32, #tpu.memory_space<vmem>> -> memref<1x64x512xf32, #tpu.memory_space<vmem>>
    %dma_start3A_2372 = tpu.memref_squeeze %dma_start3A_2371 : memref<1x64x512xf32, #tpu.memory_space<vmem>> -> memref<64x512xf32, #tpu.memory_space<vmem>>
    %dma_start3A_2373 = arith.constant 0 : i32
    %dma_start3A_2374 = tpu.memref_slice %arg2[%mul3A_101, %dma_start3A_2373] : memref<65536x512xf32, #tpu.memory_space<hbm>> -> memref<64x512xf32, #tpu.memory_space<hbm>>
    %dma_start3A_2375 = tpu.memref_slice %arg10[%dma_start3A_2368] : memref<2x!tpu.dma_semaphore, #tpu.memory_space<semaphore_mem>> -> memref<1x!tpu.dma_semaphore, #tpu.memory_space<semaphore_mem>>
    %dma_start3A_2376 = tpu.memref_squeeze %dma_start3A_2375 : memref<1x!tpu.dma_semaphore, #tpu.memory_space<semaphore_mem>> -> memref<!tpu.dma_semaphore, #tpu.memory_space<semaphore_mem>>
    %dma_start3A_2377 = arith.constant 0 : i32
    %dma_start3A_2378 = arith.constant 0 : i32
    %dma_start3A_2379 = tpu.memref_slice %arg8[%dma_start3A_2367, %dma_start3A_2377, %dma_start3A_2378] : memref<2x64x512xf32, #tpu.memory_space<vmem>> -> memref<1x64x512xf32, #tpu.memory_space<vmem>>
    %dma_start3A_2380 = tpu.memref_squeeze %dma_start3A_2379 : memref<1x64x512xf32, #tpu.memory_space<vmem>> -> memref<64x512xf32, #tpu.memory_space<vmem>>
    %dma_start3A_2381 = arith.constant 0 : i32
    %dma_start3A_2382 = tpu.memref_slice %arg2[%mul3A_101, %dma_start3A_2381] : memref<65536x512xf32, #tpu.memory_space<hbm>> -> memref<64x512xf32, #tpu.memory_space<hbm>>
    tpu.enqueue_dma source(%dma_start3A_2382 : memref<64x512xf32, #tpu.memory_space<hbm>>) target(%dma_start3A_2380 : memref<64x512xf32, #tpu.memory_space<vmem>>) target_semaphore(%dma_start3A_2376 : memref<!tpu.dma_semaphore, #tpu.memory_space<semaphore_mem>>)
    %dma_wait3A_2383 = arith.constant 1 : i32
    %dma_wait3A_2384 = arith.constant 1 : i32
    %dma_wait3A_2385 = tpu.memref_slice %arg12[%dma_wait3A_2384] : memref<2x!tpu.dma_semaphore, #tpu.memory_space<semaphore_mem>> -> memref<1x!tpu.dma_semaphore, #tpu.memory_space<semaphore_mem>>
    %dma_wait3A_2386 = tpu.memref_squeeze %dma_wait3A_2385 : memref<1x!tpu.dma_semaphore, #tpu.memory_space<semaphore_mem>> -> memref<!tpu.dma_semaphore, #tpu.memory_space<semaphore_mem>>
    %dma_wait3A_2387 = arith.constant 0 : i32
    %dma_wait3A_2388 = arith.constant 0 : i32
    %dma_wait3A_2389 = arith.constant 0 : i32
    %dma_wait3A_2390 = tpu.memref_slice %arg9[%arg1, %dma_wait3A_2387, %dma_wait3A_2388, %dma_wait3A_2389] : memref<16x2x32x512xf32, #tpu.memory_space<vmem_shared>> -> memref<1x2x32x512xf32, #tpu.memory_space<vmem_shared>>
    %dma_wait3A_2391 = tpu.memref_squeeze %dma_wait3A_2390 : memref<1x2x32x512xf32, #tpu.memory_space<vmem_shared>> -> memref<2x32x512xf32, #tpu.memory_space<vmem_shared>>
    %dma_wait3A_2392 = arith.constant 0 : i32
    %dma_wait3A_2393 = arith.constant 0 : i32
    %dma_wait3A_2394 = tpu.memref_slice %dma_wait3A_2391[%dma_wait3A_2383, %dma_wait3A_2392, %dma_wait3A_2393] : memref<2x32x512xf32, #tpu.memory_space<vmem_shared>> -> memref<1x32x512xf32, #tpu.memory_space<vmem_shared>>
    %dma_wait3A_2395 = tpu.memref_squeeze %dma_wait3A_2394 : memref<1x32x512xf32, #tpu.memory_space<vmem_shared>> -> memref<32x512xf32, #tpu.memory_space<vmem_shared>>
    %dma_wait3A_2396 = arith.constant 0 : i32
    %dma_wait3A_2397 = arith.constant 0 : i32
    %dma_wait3A_2398 = tpu.memref_slice %arg2[%dma_wait3A_2396, %dma_wait3A_2397] : memref<65536x512xf32, #tpu.memory_space<hbm>> -> memref<32x512xf32, #tpu.memory_space<hbm>>
    tpu.wait_dma2 semaphore(%dma_wait3A_2386 : memref<!tpu.dma_semaphore, #tpu.memory_space<semaphore_mem>>) src(%dma_wait3A_2398 : memref<32x512xf32, #tpu.memory_space<hbm>>) dst(%dma_wait3A_2395 : memref<32x512xf32, #tpu.memory_space<vmem_shared>>)
    %dma_start3A_2399 = arith.constant 1 : i32
    %dma_start3A_2400 = arith.constant 1 : i32
    %dma_start3A_2401 = tpu.memref_slice %arg13[%dma_start3A_2400] : memref<2x!tpu.dma_semaphore, #tpu.memory_space<semaphore_mem>> -> memref<1x!tpu.dma_semaphore, #tpu.memory_space<semaphore_mem>>
    %dma_start3A_2402 = tpu.memref_squeeze %dma_start3A_2401 : memref<1x!tpu.dma_semaphore, #tpu.memory_space<semaphore_mem>> -> memref<!tpu.dma_semaphore, #tpu.memory_space<semaphore_mem>>
    %dma_start3A_2403 = arith.constant 0 : i32
    %dma_start3A_2404 = tpu.memref_slice %arg5[%add3A_385, %dma_start3A_2403] : memref<65536x512xf32, #tpu.memory_space<hbm>> -> memref<32x512xf32, #tpu.memory_space<hbm>>
    %dma_start3A_2405 = arith.constant 0 : i32
    %dma_start3A_2406 = arith.constant 0 : i32
    %dma_start3A_2407 = arith.constant 0 : i32
    %dma_start3A_2408 = tpu.memref_slice %arg9[%arg1, %dma_start3A_2405, %dma_start3A_2406, %dma_start3A_2407] : memref<16x2x32x512xf32, #tpu.memory_space<vmem_shared>> -> memref<1x2x32x512xf32, #tpu.memory_space<vmem_shared>>
    %dma_start3A_2409 = tpu.memref_squeeze %dma_start3A_2408 : memref<1x2x32x512xf32, #tpu.memory_space<vmem_shared>> -> memref<2x32x512xf32, #tpu.memory_space<vmem_shared>>
    %dma_start3A_2410 = arith.constant 0 : i32
    %dma_start3A_2411 = arith.constant 0 : i32
    %dma_start3A_2412 = tpu.memref_slice %dma_start3A_2409[%dma_start3A_2399, %dma_start3A_2410, %dma_start3A_2411] : memref<2x32x512xf32, #tpu.memory_space<vmem_shared>> -> memref<1x32x512xf32, #tpu.memory_space<vmem_shared>>
    %dma_start3A_2413 = tpu.memref_squeeze %dma_start3A_2412 : memref<1x32x512xf32, #tpu.memory_space<vmem_shared>> -> memref<32x512xf32, #tpu.memory_space<vmem_shared>>
    tpu.enqueue_dma source(%dma_start3A_2413 : memref<32x512xf32, #tpu.memory_space<vmem_shared>>) target(%dma_start3A_2404 : memref<32x512xf32, #tpu.memory_space<hbm>>) target_semaphore(%dma_start3A_2402 : memref<!tpu.dma_semaphore, #tpu.memory_space<semaphore_mem>>)
    %dma_wait3A_2414 = arith.constant 0 : i32
    %dma_wait3A_2415 = arith.constant 0 : i32
    %dma_wait3A_2416 = tpu.memref_slice %arg13[%dma_wait3A_2415] : memref<2x!tpu.dma_semaphore, #tpu.memory_space<semaphore_mem>> -> memref<1x!tpu.dma_semaphore, #tpu.memory_space<semaphore_mem>>
    %dma_wait3A_2417 = tpu.memref_squeeze %dma_wait3A_2416 : memref<1x!tpu.dma_semaphore, #tpu.memory_space<semaphore_mem>> -> memref<!tpu.dma_semaphore, #tpu.memory_space<semaphore_mem>>
    %dma_wait3A_2418 = arith.constant 0 : i32
    %dma_wait3A_2419 = arith.constant 0 : i32
    %dma_wait3A_2420 = tpu.memref_slice %arg5[%dma_wait3A_2418, %dma_wait3A_2419] : memref<65536x512xf32, #tpu.memory_space<hbm>> -> memref<32x512xf32, #tpu.memory_space<hbm>>
    %dma_wait3A_2421 = arith.constant 0 : i32
    %dma_wait3A_2422 = arith.constant 0 : i32
    %dma_wait3A_2423 = arith.constant 0 : i32
    %dma_wait3A_2424 = tpu.memref_slice %arg9[%arg1, %dma_wait3A_2421, %dma_wait3A_2422, %dma_wait3A_2423] : memref<16x2x32x512xf32, #tpu.memory_space<vmem_shared>> -> memref<1x2x32x512xf32, #tpu.memory_space<vmem_shared>>
    %dma_wait3A_2425 = tpu.memref_squeeze %dma_wait3A_2424 : memref<1x2x32x512xf32, #tpu.memory_space<vmem_shared>> -> memref<2x32x512xf32, #tpu.memory_space<vmem_shared>>
    %dma_wait3A_2426 = arith.constant 0 : i32
    %dma_wait3A_2427 = arith.constant 0 : i32
    %dma_wait3A_2428 = tpu.memref_slice %dma_wait3A_2425[%dma_wait3A_2414, %dma_wait3A_2426, %dma_wait3A_2427] : memref<2x32x512xf32, #tpu.memory_space<vmem_shared>> -> memref<1x32x512xf32, #tpu.memory_space<vmem_shared>>
    %dma_wait3A_2429 = tpu.memref_squeeze %dma_wait3A_2428 : memref<1x32x512xf32, #tpu.memory_space<vmem_shared>> -> memref<32x512xf32, #tpu.memory_space<vmem_shared>>
    tpu.wait_dma2 semaphore(%dma_wait3A_2417 : memref<!tpu.dma_semaphore, #tpu.memory_space<semaphore_mem>>) src(%dma_wait3A_2429 : memref<32x512xf32, #tpu.memory_space<vmem_shared>>) dst(%dma_wait3A_2420 : memref<32x512xf32, #tpu.memory_space<hbm>>)
    %dma_start3A_2430 = arith.constant 0 : i32
    %dma_start3A_2431 = arith.constant 0 : i32
    %dma_start3A_2432 = tpu.memref_slice %arg12[%dma_start3A_2431] : memref<2x!tpu.dma_semaphore, #tpu.memory_space<semaphore_mem>> -> memref<1x!tpu.dma_semaphore, #tpu.memory_space<semaphore_mem>>
    %dma_start3A_2433 = tpu.memref_squeeze %dma_start3A_2432 : memref<1x!tpu.dma_semaphore, #tpu.memory_space<semaphore_mem>> -> memref<!tpu.dma_semaphore, #tpu.memory_space<semaphore_mem>>
    %dma_start3A_2434 = arith.constant 0 : i32
    %dma_start3A_2435 = arith.constant 0 : i32
    %dma_start3A_2436 = arith.constant 0 : i32
    %dma_start3A_2437 = tpu.memref_slice %arg9[%arg1, %dma_start3A_2434, %dma_start3A_2435, %dma_start3A_2436] : memref<16x2x32x512xf32, #tpu.memory_space<vmem_shared>> -> memref<1x2x32x512xf32, #tpu.memory_space<vmem_shared>>
    %dma_start3A_2438 = tpu.memref_squeeze %dma_start3A_2437 : memref<1x2x32x512xf32, #tpu.memory_space<vmem_shared>> -> memref<2x32x512xf32, #tpu.memory_space<vmem_shared>>
    %dma_start3A_2439 = arith.constant 0 : i32
    %dma_start3A_2440 = arith.constant 0 : i32
    %dma_start3A_2441 = tpu.memref_slice %dma_start3A_2438[%dma_start3A_2430, %dma_start3A_2439, %dma_start3A_2440] : memref<2x32x512xf32, #tpu.memory_space<vmem_shared>> -> memref<1x32x512xf32, #tpu.memory_space<vmem_shared>>
    %dma_start3A_2442 = tpu.memref_squeeze %dma_start3A_2441 : memref<1x32x512xf32, #tpu.memory_space<vmem_shared>> -> memref<32x512xf32, #tpu.memory_space<vmem_shared>>
    %dma_start3A_2443 = arith.constant 0 : i32
    %dma_start3A_2444 = tpu.memref_slice %arg2[%add3A_391, %dma_start3A_2443] : memref<65536x512xf32, #tpu.memory_space<hbm>> -> memref<32x512xf32, #tpu.memory_space<hbm>>
    tpu.enqueue_dma source(%dma_start3A_2444 : memref<32x512xf32, #tpu.memory_space<hbm>>) target(%dma_start3A_2442 : memref<32x512xf32, #tpu.memory_space<vmem_shared>>) target_semaphore(%dma_start3A_2433 : memref<!tpu.dma_semaphore, #tpu.memory_space<semaphore_mem>>)
    %dma_wait3A_2445 = arith.constant 0 : i32
    %dma_wait3A_2446 = arith.constant 0 : i32
    %dma_wait3A_2447 = arith.constant 0 : i32
    %dma_wait3A_2448 = arith.constant 0 : i32
    %dma_wait3A_2449 = tpu.memref_slice %arg8[%dma_wait3A_2445, %dma_wait3A_2447, %dma_wait3A_2448] : memref<2x64x512xf32, #tpu.memory_space<vmem>> -> memref<1x64x512xf32, #tpu.memory_space<vmem>>
    %dma_wait3A_2450 = tpu.memref_squeeze %dma_wait3A_2449 : memref<1x64x512xf32, #tpu.memory_space<vmem>> -> memref<64x512xf32, #tpu.memory_space<vmem>>
    %dma_wait3A_2451 = arith.constant 0 : i32
    %dma_wait3A_2452 = arith.constant 0 : i32
    %dma_wait3A_2453 = tpu.memref_slice %arg2[%dma_wait3A_2451, %dma_wait3A_2452] : memref<65536x512xf32, #tpu.memory_space<hbm>> -> memref<64x512xf32, #tpu.memory_space<hbm>>
    %dma_wait3A_2454 = tpu.memref_slice %arg10[%dma_wait3A_2446] : memref<2x!tpu.dma_semaphore, #tpu.memory_space<semaphore_mem>> -> memref<1x!tpu.dma_semaphore, #tpu.memory_space<semaphore_mem>>
    %dma_wait3A_2455 = tpu.memref_squeeze %dma_wait3A_2454 : memref<1x!tpu.dma_semaphore, #tpu.memory_space<semaphore_mem>> -> memref<!tpu.dma_semaphore, #tpu.memory_space<semaphore_mem>>
    %dma_wait3A_2456 = arith.constant 0 : i32
    %dma_wait3A_2457 = arith.constant 0 : i32
    %dma_wait3A_2458 = tpu.memref_slice %arg8[%dma_wait3A_2445, %dma_wait3A_2456, %dma_wait3A_2457] : memref<2x64x512xf32, #tpu.memory_space<vmem>> -> memref<1x64x512xf32, #tpu.memory_space<vmem>>
    %dma_wait3A_2459 = tpu.memref_squeeze %dma_wait3A_2458 : memref<1x64x512xf32, #tpu.memory_space<vmem>> -> memref<64x512xf32, #tpu.memory_space<vmem>>
    %dma_wait3A_2460 = arith.constant 0 : i32
    %dma_wait3A_2461 = arith.constant 0 : i32
    %dma_wait3A_2462 = tpu.memref_slice %arg2[%dma_wait3A_2460, %dma_wait3A_2461] : memref<65536x512xf32, #tpu.memory_space<hbm>> -> memref<64x512xf32, #tpu.memory_space<hbm>>
    tpu.wait_dma2 semaphore(%dma_wait3A_2455 : memref<!tpu.dma_semaphore, #tpu.memory_space<semaphore_mem>>) src(%dma_wait3A_2462 : memref<64x512xf32, #tpu.memory_space<hbm>>) dst(%dma_wait3A_2459 : memref<64x512xf32, #tpu.memory_space<vmem>>)
    %dma_start3A_2463 = arith.constant 0 : i32
    %dma_start3A_2464 = arith.constant 0 : i32
    %dma_start3A_2465 = arith.constant 0 : i32
    %dma_start3A_2466 = arith.constant 0 : i32
    %dma_start3A_2467 = tpu.memref_slice %arg8[%dma_start3A_2463, %dma_start3A_2465, %dma_start3A_2466] : memref<2x64x512xf32, #tpu.memory_space<vmem>> -> memref<1x64x512xf32, #tpu.memory_space<vmem>>
    %dma_start3A_2468 = tpu.memref_squeeze %dma_start3A_2467 : memref<1x64x512xf32, #tpu.memory_space<vmem>> -> memref<64x512xf32, #tpu.memory_space<vmem>>
    %dma_start3A_2469 = arith.constant 0 : i32
    %dma_start3A_2470 = tpu.memref_slice %arg5[%mul3A_105, %dma_start3A_2469] : memref<65536x512xf32, #tpu.memory_space<hbm>> -> memref<64x512xf32, #tpu.memory_space<hbm>>
    %dma_start3A_2471 = tpu.memref_slice %arg11[%dma_start3A_2464] : memref<2x!tpu.dma_semaphore, #tpu.memory_space<semaphore_mem>> -> memref<1x!tpu.dma_semaphore, #tpu.memory_space<semaphore_mem>>
    %dma_start3A_2472 = tpu.memref_squeeze %dma_start3A_2471 : memref<1x!tpu.dma_semaphore, #tpu.memory_space<semaphore_mem>> -> memref<!tpu.dma_semaphore, #tpu.memory_space<semaphore_mem>>
    %dma_start3A_2473 = arith.constant 0 : i32
    %dma_start3A_2474 = tpu.memref_slice %arg5[%mul3A_105, %dma_start3A_2473] : memref<65536x512xf32, #tpu.memory_space<hbm>> -> memref<64x512xf32, #tpu.memory_space<hbm>>
    %dma_start3A_2475 = arith.constant 0 : i32
    %dma_start3A_2476 = arith.constant 0 : i32
    %dma_start3A_2477 = tpu.memref_slice %arg8[%dma_start3A_2463, %dma_start3A_2475, %dma_start3A_2476] : memref<2x64x512xf32, #tpu.memory_space<vmem>> -> memref<1x64x512xf32, #tpu.memory_space<vmem>>
    %dma_start3A_2478 = tpu.memref_squeeze %dma_start3A_2477 : memref<1x64x512xf32, #tpu.memory_space<vmem>> -> memref<64x512xf32, #tpu.memory_space<vmem>>
    tpu.enqueue_dma source(%dma_start3A_2478 : memref<64x512xf32, #tpu.memory_space<vmem>>) target(%dma_start3A_2474 : memref<64x512xf32, #tpu.memory_space<hbm>>) target_semaphore(%dma_start3A_2472 : memref<!tpu.dma_semaphore, #tpu.memory_space<semaphore_mem>>)
    %dma_wait3A_2479 = arith.constant 0 : i32
    %dma_wait3A_2480 = arith.constant 0 : i32
    %dma_wait3A_2481 = tpu.memref_slice %arg12[%dma_wait3A_2480] : memref<2x!tpu.dma_semaphore, #tpu.memory_space<semaphore_mem>> -> memref<1x!tpu.dma_semaphore, #tpu.memory_space<semaphore_mem>>
    %dma_wait3A_2482 = tpu.memref_squeeze %dma_wait3A_2481 : memref<1x!tpu.dma_semaphore, #tpu.memory_space<semaphore_mem>> -> memref<!tpu.dma_semaphore, #tpu.memory_space<semaphore_mem>>
    %dma_wait3A_2483 = arith.constant 0 : i32
    %dma_wait3A_2484 = arith.constant 0 : i32
    %dma_wait3A_2485 = arith.constant 0 : i32
    %dma_wait3A_2486 = tpu.memref_slice %arg9[%arg1, %dma_wait3A_2483, %dma_wait3A_2484, %dma_wait3A_2485] : memref<16x2x32x512xf32, #tpu.memory_space<vmem_shared>> -> memref<1x2x32x512xf32, #tpu.memory_space<vmem_shared>>
    %dma_wait3A_2487 = tpu.memref_squeeze %dma_wait3A_2486 : memref<1x2x32x512xf32, #tpu.memory_space<vmem_shared>> -> memref<2x32x512xf32, #tpu.memory_space<vmem_shared>>
    %dma_wait3A_2488 = arith.constant 0 : i32
    %dma_wait3A_2489 = arith.constant 0 : i32
    %dma_wait3A_2490 = tpu.memref_slice %dma_wait3A_2487[%dma_wait3A_2479, %dma_wait3A_2488, %dma_wait3A_2489] : memref<2x32x512xf32, #tpu.memory_space<vmem_shared>> -> memref<1x32x512xf32, #tpu.memory_space<vmem_shared>>
    %dma_wait3A_2491 = tpu.memref_squeeze %dma_wait3A_2490 : memref<1x32x512xf32, #tpu.memory_space<vmem_shared>> -> memref<32x512xf32, #tpu.memory_space<vmem_shared>>
    %dma_wait3A_2492 = arith.constant 0 : i32
    %dma_wait3A_2493 = arith.constant 0 : i32
    %dma_wait3A_2494 = tpu.memref_slice %arg2[%dma_wait3A_2492, %dma_wait3A_2493] : memref<65536x512xf32, #tpu.memory_space<hbm>> -> memref<32x512xf32, #tpu.memory_space<hbm>>
    tpu.wait_dma2 semaphore(%dma_wait3A_2482 : memref<!tpu.dma_semaphore, #tpu.memory_space<semaphore_mem>>) src(%dma_wait3A_2494 : memref<32x512xf32, #tpu.memory_space<hbm>>) dst(%dma_wait3A_2491 : memref<32x512xf32, #tpu.memory_space<vmem_shared>>)
    %dma_start3A_2495 = arith.constant 0 : i32
    %dma_start3A_2496 = arith.constant 0 : i32
    %dma_start3A_2497 = tpu.memref_slice %arg13[%dma_start3A_2496] : memref<2x!tpu.dma_semaphore, #tpu.memory_space<semaphore_mem>> -> memref<1x!tpu.dma_semaphore, #tpu.memory_space<semaphore_mem>>
    %dma_start3A_2498 = tpu.memref_squeeze %dma_start3A_2497 : memref<1x!tpu.dma_semaphore, #tpu.memory_space<semaphore_mem>> -> memref<!tpu.dma_semaphore, #tpu.memory_space<semaphore_mem>>
    %dma_start3A_2499 = arith.constant 0 : i32
    %dma_start3A_2500 = tpu.memref_slice %arg5[%add3A_397, %dma_start3A_2499] : memref<65536x512xf32, #tpu.memory_space<hbm>> -> memref<32x512xf32, #tpu.memory_space<hbm>>
    %dma_start3A_2501 = arith.constant 0 : i32
    %dma_start3A_2502 = arith.constant 0 : i32
    %dma_start3A_2503 = arith.constant 0 : i32
    %dma_start3A_2504 = tpu.memref_slice %arg9[%arg1, %dma_start3A_2501, %dma_start3A_2502, %dma_start3A_2503] : memref<16x2x32x512xf32, #tpu.memory_space<vmem_shared>> -> memref<1x2x32x512xf32, #tpu.memory_space<vmem_shared>>
    %dma_start3A_2505 = tpu.memref_squeeze %dma_start3A_2504 : memref<1x2x32x512xf32, #tpu.memory_space<vmem_shared>> -> memref<2x32x512xf32, #tpu.memory_space<vmem_shared>>
    %dma_start3A_2506 = arith.constant 0 : i32
    %dma_start3A_2507 = arith.constant 0 : i32
    %dma_start3A_2508 = tpu.memref_slice %dma_start3A_2505[%dma_start3A_2495, %dma_start3A_2506, %dma_start3A_2507] : memref<2x32x512xf32, #tpu.memory_space<vmem_shared>> -> memref<1x32x512xf32, #tpu.memory_space<vmem_shared>>
    %dma_start3A_2509 = tpu.memref_squeeze %dma_start3A_2508 : memref<1x32x512xf32, #tpu.memory_space<vmem_shared>> -> memref<32x512xf32, #tpu.memory_space<vmem_shared>>
    tpu.enqueue_dma source(%dma_start3A_2509 : memref<32x512xf32, #tpu.memory_space<vmem_shared>>) target(%dma_start3A_2500 : memref<32x512xf32, #tpu.memory_space<hbm>>) target_semaphore(%dma_start3A_2498 : memref<!tpu.dma_semaphore, #tpu.memory_space<semaphore_mem>>)
    %dma_wait3A_2510 = arith.constant 1 : i32
    %dma_wait3A_2511 = arith.constant 1 : i32
    %dma_wait3A_2512 = tpu.memref_slice %arg13[%dma_wait3A_2511] : memref<2x!tpu.dma_semaphore, #tpu.memory_space<semaphore_mem>> -> memref<1x!tpu.dma_semaphore, #tpu.memory_space<semaphore_mem>>
    %dma_wait3A_2513 = tpu.memref_squeeze %dma_wait3A_2512 : memref<1x!tpu.dma_semaphore, #tpu.memory_space<semaphore_mem>> -> memref<!tpu.dma_semaphore, #tpu.memory_space<semaphore_mem>>
    %dma_wait3A_2514 = arith.constant 0 : i32
    %dma_wait3A_2515 = arith.constant 0 : i32
    %dma_wait3A_2516 = tpu.memref_slice %arg5[%dma_wait3A_2514, %dma_wait3A_2515] : memref<65536x512xf32, #tpu.memory_space<hbm>> -> memref<32x512xf32, #tpu.memory_space<hbm>>
    %dma_wait3A_2517 = arith.constant 0 : i32
    %dma_wait3A_2518 = arith.constant 0 : i32
    %dma_wait3A_2519 = arith.constant 0 : i32
    %dma_wait3A_2520 = tpu.memref_slice %arg9[%arg1, %dma_wait3A_2517, %dma_wait3A_2518, %dma_wait3A_2519] : memref<16x2x32x512xf32, #tpu.memory_space<vmem_shared>> -> memref<1x2x32x512xf32, #tpu.memory_space<vmem_shared>>
    %dma_wait3A_2521 = tpu.memref_squeeze %dma_wait3A_2520 : memref<1x2x32x512xf32, #tpu.memory_space<vmem_shared>> -> memref<2x32x512xf32, #tpu.memory_space<vmem_shared>>
    %dma_wait3A_2522 = arith.constant 0 : i32
    %dma_wait3A_2523 = arith.constant 0 : i32
    %dma_wait3A_2524 = tpu.memref_slice %dma_wait3A_2521[%dma_wait3A_2510, %dma_wait3A_2522, %dma_wait3A_2523] : memref<2x32x512xf32, #tpu.memory_space<vmem_shared>> -> memref<1x32x512xf32, #tpu.memory_space<vmem_shared>>
    %dma_wait3A_2525 = tpu.memref_squeeze %dma_wait3A_2524 : memref<1x32x512xf32, #tpu.memory_space<vmem_shared>> -> memref<32x512xf32, #tpu.memory_space<vmem_shared>>
    tpu.wait_dma2 semaphore(%dma_wait3A_2513 : memref<!tpu.dma_semaphore, #tpu.memory_space<semaphore_mem>>) src(%dma_wait3A_2525 : memref<32x512xf32, #tpu.memory_space<vmem_shared>>) dst(%dma_wait3A_2516 : memref<32x512xf32, #tpu.memory_space<hbm>>)
    %dma_start3A_2526 = arith.constant 1 : i32
    %dma_start3A_2527 = arith.constant 1 : i32
    %dma_start3A_2528 = tpu.memref_slice %arg12[%dma_start3A_2527] : memref<2x!tpu.dma_semaphore, #tpu.memory_space<semaphore_mem>> -> memref<1x!tpu.dma_semaphore, #tpu.memory_space<semaphore_mem>>
    %dma_start3A_2529 = tpu.memref_squeeze %dma_start3A_2528 : memref<1x!tpu.dma_semaphore, #tpu.memory_space<semaphore_mem>> -> memref<!tpu.dma_semaphore, #tpu.memory_space<semaphore_mem>>
    %dma_start3A_2530 = arith.constant 0 : i32
    %dma_start3A_2531 = arith.constant 0 : i32
    %dma_start3A_2532 = arith.constant 0 : i32
    %dma_start3A_2533 = tpu.memref_slice %arg9[%arg1, %dma_start3A_2530, %dma_start3A_2531, %dma_start3A_2532] : memref<16x2x32x512xf32, #tpu.memory_space<vmem_shared>> -> memref<1x2x32x512xf32, #tpu.memory_space<vmem_shared>>
    %dma_start3A_2534 = tpu.memref_squeeze %dma_start3A_2533 : memref<1x2x32x512xf32, #tpu.memory_space<vmem_shared>> -> memref<2x32x512xf32, #tpu.memory_space<vmem_shared>>
    %dma_start3A_2535 = arith.constant 0 : i32
    %dma_start3A_2536 = arith.constant 0 : i32
    %dma_start3A_2537 = tpu.memref_slice %dma_start3A_2534[%dma_start3A_2526, %dma_start3A_2535, %dma_start3A_2536] : memref<2x32x512xf32, #tpu.memory_space<vmem_shared>> -> memref<1x32x512xf32, #tpu.memory_space<vmem_shared>>
    %dma_start3A_2538 = tpu.memref_squeeze %dma_start3A_2537 : memref<1x32x512xf32, #tpu.memory_space<vmem_shared>> -> memref<32x512xf32, #tpu.memory_space<vmem_shared>>
    %dma_start3A_2539 = arith.constant 0 : i32
    %dma_start3A_2540 = tpu.memref_slice %arg2[%add3A_403, %dma_start3A_2539] : memref<65536x512xf32, #tpu.memory_space<hbm>> -> memref<32x512xf32, #tpu.memory_space<hbm>>
    tpu.enqueue_dma source(%dma_start3A_2540 : memref<32x512xf32, #tpu.memory_space<hbm>>) target(%dma_start3A_2538 : memref<32x512xf32, #tpu.memory_space<vmem_shared>>) target_semaphore(%dma_start3A_2529 : memref<!tpu.dma_semaphore, #tpu.memory_space<semaphore_mem>>)
    %dma_wait3A_2541 = arith.constant 1 : i32
    %dma_wait3A_2542 = arith.constant 1 : i32
    %dma_wait3A_2543 = arith.constant 0 : i32
    %dma_wait3A_2544 = arith.constant 0 : i32
    %dma_wait3A_2545 = tpu.memref_slice %arg8[%dma_wait3A_2541, %dma_wait3A_2543, %dma_wait3A_2544] : memref<2x64x512xf32, #tpu.memory_space<vmem>> -> memref<1x64x512xf32, #tpu.memory_space<vmem>>
    %dma_wait3A_2546 = tpu.memref_squeeze %dma_wait3A_2545 : memref<1x64x512xf32, #tpu.memory_space<vmem>> -> memref<64x512xf32, #tpu.memory_space<vmem>>
    %dma_wait3A_2547 = arith.constant 0 : i32
    %dma_wait3A_2548 = arith.constant 0 : i32
    %dma_wait3A_2549 = tpu.memref_slice %arg5[%dma_wait3A_2547, %dma_wait3A_2548] : memref<65536x512xf32, #tpu.memory_space<hbm>> -> memref<64x512xf32, #tpu.memory_space<hbm>>
    %dma_wait3A_2550 = tpu.memref_slice %arg11[%dma_wait3A_2542] : memref<2x!tpu.dma_semaphore, #tpu.memory_space<semaphore_mem>> -> memref<1x!tpu.dma_semaphore, #tpu.memory_space<semaphore_mem>>
    %dma_wait3A_2551 = tpu.memref_squeeze %dma_wait3A_2550 : memref<1x!tpu.dma_semaphore, #tpu.memory_space<semaphore_mem>> -> memref<!tpu.dma_semaphore, #tpu.memory_space<semaphore_mem>>
    %dma_wait3A_2552 = arith.constant 0 : i32
    %dma_wait3A_2553 = arith.constant 0 : i32
    %dma_wait3A_2554 = tpu.memref_slice %arg5[%dma_wait3A_2552, %dma_wait3A_2553] : memref<65536x512xf32, #tpu.memory_space<hbm>> -> memref<64x512xf32, #tpu.memory_space<hbm>>
    %dma_wait3A_2555 = arith.constant 0 : i32
    %dma_wait3A_2556 = arith.constant 0 : i32
    %dma_wait3A_2557 = tpu.memref_slice %arg8[%dma_wait3A_2541, %dma_wait3A_2555, %dma_wait3A_2556] : memref<2x64x512xf32, #tpu.memory_space<vmem>> -> memref<1x64x512xf32, #tpu.memory_space<vmem>>
    %dma_wait3A_2558 = tpu.memref_squeeze %dma_wait3A_2557 : memref<1x64x512xf32, #tpu.memory_space<vmem>> -> memref<64x512xf32, #tpu.memory_space<vmem>>
    tpu.wait_dma2 semaphore(%dma_wait3A_2551 : memref<!tpu.dma_semaphore, #tpu.memory_space<semaphore_mem>>) src(%dma_wait3A_2558 : memref<64x512xf32, #tpu.memory_space<vmem>>) dst(%dma_wait3A_2554 : memref<64x512xf32, #tpu.memory_space<hbm>>)
    %dma_start3A_2559 = arith.constant 1 : i32
    %dma_start3A_2560 = arith.constant 1 : i32
    %dma_start3A_2561 = arith.constant 0 : i32
    %dma_start3A_2562 = arith.constant 0 : i32
    %dma_start3A_2563 = tpu.memref_slice %arg8[%dma_start3A_2559, %dma_start3A_2561, %dma_start3A_2562] : memref<2x64x512xf32, #tpu.memory_space<vmem>> -> memref<1x64x512xf32, #tpu.memory_space<vmem>>
    %dma_start3A_2564 = tpu.memref_squeeze %dma_start3A_2563 : memref<1x64x512xf32, #tpu.memory_space<vmem>> -> memref<64x512xf32, #tpu.memory_space<vmem>>
    %dma_start3A_2565 = arith.constant 0 : i32
    %dma_start3A_2566 = tpu.memref_slice %arg2[%mul3A_109, %dma_start3A_2565] : memref<65536x512xf32, #tpu.memory_space<hbm>> -> memref<64x512xf32, #tpu.memory_space<hbm>>
    %dma_start3A_2567 = tpu.memref_slice %arg10[%dma_start3A_2560] : memref<2x!tpu.dma_semaphore, #tpu.memory_space<semaphore_mem>> -> memref<1x!tpu.dma_semaphore, #tpu.memory_space<semaphore_mem>>
    %dma_start3A_2568 = tpu.memref_squeeze %dma_start3A_2567 : memref<1x!tpu.dma_semaphore, #tpu.memory_space<semaphore_mem>> -> memref<!tpu.dma_semaphore, #tpu.memory_space<semaphore_mem>>
    %dma_start3A_2569 = arith.constant 0 : i32
    %dma_start3A_2570 = arith.constant 0 : i32
    %dma_start3A_2571 = tpu.memref_slice %arg8[%dma_start3A_2559, %dma_start3A_2569, %dma_start3A_2570] : memref<2x64x512xf32, #tpu.memory_space<vmem>> -> memref<1x64x512xf32, #tpu.memory_space<vmem>>
    %dma_start3A_2572 = tpu.memref_squeeze %dma_start3A_2571 : memref<1x64x512xf32, #tpu.memory_space<vmem>> -> memref<64x512xf32, #tpu.memory_space<vmem>>
    %dma_start3A_2573 = arith.constant 0 : i32
    %dma_start3A_2574 = tpu.memref_slice %arg2[%mul3A_109, %dma_start3A_2573] : memref<65536x512xf32, #tpu.memory_space<hbm>> -> memref<64x512xf32, #tpu.memory_space<hbm>>
    tpu.enqueue_dma source(%dma_start3A_2574 : memref<64x512xf32, #tpu.memory_space<hbm>>) target(%dma_start3A_2572 : memref<64x512xf32, #tpu.memory_space<vmem>>) target_semaphore(%dma_start3A_2568 : memref<!tpu.dma_semaphore, #tpu.memory_space<semaphore_mem>>)
    %dma_wait3A_2575 = arith.constant 1 : i32
    %dma_wait3A_2576 = arith.constant 1 : i32
    %dma_wait3A_2577 = tpu.memref_slice %arg12[%dma_wait3A_2576] : memref<2x!tpu.dma_semaphore, #tpu.memory_space<semaphore_mem>> -> memref<1x!tpu.dma_semaphore, #tpu.memory_space<semaphore_mem>>
    %dma_wait3A_2578 = tpu.memref_squeeze %dma_wait3A_2577 : memref<1x!tpu.dma_semaphore, #tpu.memory_space<semaphore_mem>> -> memref<!tpu.dma_semaphore, #tpu.memory_space<semaphore_mem>>
    %dma_wait3A_2579 = arith.constant 0 : i32
    %dma_wait3A_2580 = arith.constant 0 : i32
    %dma_wait3A_2581 = arith.constant 0 : i32
    %dma_wait3A_2582 = tpu.memref_slice %arg9[%arg1, %dma_wait3A_2579, %dma_wait3A_2580, %dma_wait3A_2581] : memref<16x2x32x512xf32, #tpu.memory_space<vmem_shared>> -> memref<1x2x32x512xf32, #tpu.memory_space<vmem_shared>>
    %dma_wait3A_2583 = tpu.memref_squeeze %dma_wait3A_2582 : memref<1x2x32x512xf32, #tpu.memory_space<vmem_shared>> -> memref<2x32x512xf32, #tpu.memory_space<vmem_shared>>
    %dma_wait3A_2584 = arith.constant 0 : i32
    %dma_wait3A_2585 = arith.constant 0 : i32
    %dma_wait3A_2586 = tpu.memref_slice %dma_wait3A_2583[%dma_wait3A_2575, %dma_wait3A_2584, %dma_wait3A_2585] : memref<2x32x512xf32, #tpu.memory_space<vmem_shared>> -> memref<1x32x512xf32, #tpu.memory_space<vmem_shared>>
    %dma_wait3A_2587 = tpu.memref_squeeze %dma_wait3A_2586 : memref<1x32x512xf32, #tpu.memory_space<vmem_shared>> -> memref<32x512xf32, #tpu.memory_space<vmem_shared>>
    %dma_wait3A_2588 = arith.constant 0 : i32
    %dma_wait3A_2589 = arith.constant 0 : i32
    %dma_wait3A_2590 = tpu.memref_slice %arg2[%dma_wait3A_2588, %dma_wait3A_2589] : memref<65536x512xf32, #tpu.memory_space<hbm>> -> memref<32x512xf32, #tpu.memory_space<hbm>>
    tpu.wait_dma2 semaphore(%dma_wait3A_2578 : memref<!tpu.dma_semaphore, #tpu.memory_space<semaphore_mem>>) src(%dma_wait3A_2590 : memref<32x512xf32, #tpu.memory_space<hbm>>) dst(%dma_wait3A_2587 : memref<32x512xf32, #tpu.memory_space<vmem_shared>>)
    %dma_start3A_2591 = arith.constant 1 : i32
    %dma_start3A_2592 = arith.constant 1 : i32
    %dma_start3A_2593 = tpu.memref_slice %arg13[%dma_start3A_2592] : memref<2x!tpu.dma_semaphore, #tpu.memory_space<semaphore_mem>> -> memref<1x!tpu.dma_semaphore, #tpu.memory_space<semaphore_mem>>
    %dma_start3A_2594 = tpu.memref_squeeze %dma_start3A_2593 : memref<1x!tpu.dma_semaphore, #tpu.memory_space<semaphore_mem>> -> memref<!tpu.dma_semaphore, #tpu.memory_space<semaphore_mem>>
    %dma_start3A_2595 = arith.constant 0 : i32
    %dma_start3A_2596 = tpu.memref_slice %arg5[%add3A_409, %dma_start3A_2595] : memref<65536x512xf32, #tpu.memory_space<hbm>> -> memref<32x512xf32, #tpu.memory_space<hbm>>
    %dma_start3A_2597 = arith.constant 0 : i32
    %dma_start3A_2598 = arith.constant 0 : i32
    %dma_start3A_2599 = arith.constant 0 : i32
    %dma_start3A_2600 = tpu.memref_slice %arg9[%arg1, %dma_start3A_2597, %dma_start3A_2598, %dma_start3A_2599] : memref<16x2x32x512xf32, #tpu.memory_space<vmem_shared>> -> memref<1x2x32x512xf32, #tpu.memory_space<vmem_shared>>
    %dma_start3A_2601 = tpu.memref_squeeze %dma_start3A_2600 : memref<1x2x32x512xf32, #tpu.memory_space<vmem_shared>> -> memref<2x32x512xf32, #tpu.memory_space<vmem_shared>>
    %dma_start3A_2602 = arith.constant 0 : i32
    %dma_start3A_2603 = arith.constant 0 : i32
    %dma_start3A_2604 = tpu.memref_slice %dma_start3A_2601[%dma_start3A_2591, %dma_start3A_2602, %dma_start3A_2603] : memref<2x32x512xf32, #tpu.memory_space<vmem_shared>> -> memref<1x32x512xf32, #tpu.memory_space<vmem_shared>>
    %dma_start3A_2605 = tpu.memref_squeeze %dma_start3A_2604 : memref<1x32x512xf32, #tpu.memory_space<vmem_shared>> -> memref<32x512xf32, #tpu.memory_space<vmem_shared>>
    tpu.enqueue_dma source(%dma_start3A_2605 : memref<32x512xf32, #tpu.memory_space<vmem_shared>>) target(%dma_start3A_2596 : memref<32x512xf32, #tpu.memory_space<hbm>>) target_semaphore(%dma_start3A_2594 : memref<!tpu.dma_semaphore, #tpu.memory_space<semaphore_mem>>)
    %dma_wait3A_2606 = arith.constant 0 : i32
    %dma_wait3A_2607 = arith.constant 0 : i32
    %dma_wait3A_2608 = tpu.memref_slice %arg13[%dma_wait3A_2607] : memref<2x!tpu.dma_semaphore, #tpu.memory_space<semaphore_mem>> -> memref<1x!tpu.dma_semaphore, #tpu.memory_space<semaphore_mem>>
    %dma_wait3A_2609 = tpu.memref_squeeze %dma_wait3A_2608 : memref<1x!tpu.dma_semaphore, #tpu.memory_space<semaphore_mem>> -> memref<!tpu.dma_semaphore, #tpu.memory_space<semaphore_mem>>
    %dma_wait3A_2610 = arith.constant 0 : i32
    %dma_wait3A_2611 = arith.constant 0 : i32
    %dma_wait3A_2612 = tpu.memref_slice %arg5[%dma_wait3A_2610, %dma_wait3A_2611] : memref<65536x512xf32, #tpu.memory_space<hbm>> -> memref<32x512xf32, #tpu.memory_space<hbm>>
    %dma_wait3A_2613 = arith.constant 0 : i32
    %dma_wait3A_2614 = arith.constant 0 : i32
    %dma_wait3A_2615 = arith.constant 0 : i32
    %dma_wait3A_2616 = tpu.memref_slice %arg9[%arg1, %dma_wait3A_2613, %dma_wait3A_2614, %dma_wait3A_2615] : memref<16x2x32x512xf32, #tpu.memory_space<vmem_shared>> -> memref<1x2x32x512xf32, #tpu.memory_space<vmem_shared>>
    %dma_wait3A_2617 = tpu.memref_squeeze %dma_wait3A_2616 : memref<1x2x32x512xf32, #tpu.memory_space<vmem_shared>> -> memref<2x32x512xf32, #tpu.memory_space<vmem_shared>>
    %dma_wait3A_2618 = arith.constant 0 : i32
    %dma_wait3A_2619 = arith.constant 0 : i32
    %dma_wait3A_2620 = tpu.memref_slice %dma_wait3A_2617[%dma_wait3A_2606, %dma_wait3A_2618, %dma_wait3A_2619] : memref<2x32x512xf32, #tpu.memory_space<vmem_shared>> -> memref<1x32x512xf32, #tpu.memory_space<vmem_shared>>
    %dma_wait3A_2621 = tpu.memref_squeeze %dma_wait3A_2620 : memref<1x32x512xf32, #tpu.memory_space<vmem_shared>> -> memref<32x512xf32, #tpu.memory_space<vmem_shared>>
    tpu.wait_dma2 semaphore(%dma_wait3A_2609 : memref<!tpu.dma_semaphore, #tpu.memory_space<semaphore_mem>>) src(%dma_wait3A_2621 : memref<32x512xf32, #tpu.memory_space<vmem_shared>>) dst(%dma_wait3A_2612 : memref<32x512xf32, #tpu.memory_space<hbm>>)
    %dma_start3A_2622 = arith.constant 0 : i32
    %dma_start3A_2623 = arith.constant 0 : i32
    %dma_start3A_2624 = tpu.memref_slice %arg12[%dma_start3A_2623] : memref<2x!tpu.dma_semaphore, #tpu.memory_space<semaphore_mem>> -> memref<1x!tpu.dma_semaphore, #tpu.memory_space<semaphore_mem>>
    %dma_start3A_2625 = tpu.memref_squeeze %dma_start3A_2624 : memref<1x!tpu.dma_semaphore, #tpu.memory_space<semaphore_mem>> -> memref<!tpu.dma_semaphore, #tpu.memory_space<semaphore_mem>>
    %dma_start3A_2626 = arith.constant 0 : i32
    %dma_start3A_2627 = arith.constant 0 : i32
    %dma_start3A_2628 = arith.constant 0 : i32
    %dma_start3A_2629 = tpu.memref_slice %arg9[%arg1, %dma_start3A_2626, %dma_start3A_2627, %dma_start3A_2628] : memref<16x2x32x512xf32, #tpu.memory_space<vmem_shared>> -> memref<1x2x32x512xf32, #tpu.memory_space<vmem_shared>>
    %dma_start3A_2630 = tpu.memref_squeeze %dma_start3A_2629 : memref<1x2x32x512xf32, #tpu.memory_space<vmem_shared>> -> memref<2x32x512xf32, #tpu.memory_space<vmem_shared>>
    %dma_start3A_2631 = arith.constant 0 : i32
    %dma_start3A_2632 = arith.constant 0 : i32
    %dma_start3A_2633 = tpu.memref_slice %dma_start3A_2630[%dma_start3A_2622, %dma_start3A_2631, %dma_start3A_2632] : memref<2x32x512xf32, #tpu.memory_space<vmem_shared>> -> memref<1x32x512xf32, #tpu.memory_space<vmem_shared>>
    %dma_start3A_2634 = tpu.memref_squeeze %dma_start3A_2633 : memref<1x32x512xf32, #tpu.memory_space<vmem_shared>> -> memref<32x512xf32, #tpu.memory_space<vmem_shared>>
    %dma_start3A_2635 = arith.constant 0 : i32
    %dma_start3A_2636 = tpu.memref_slice %arg2[%add3A_415, %dma_start3A_2635] : memref<65536x512xf32, #tpu.memory_space<hbm>> -> memref<32x512xf32, #tpu.memory_space<hbm>>
    tpu.enqueue_dma source(%dma_start3A_2636 : memref<32x512xf32, #tpu.memory_space<hbm>>) target(%dma_start3A_2634 : memref<32x512xf32, #tpu.memory_space<vmem_shared>>) target_semaphore(%dma_start3A_2625 : memref<!tpu.dma_semaphore, #tpu.memory_space<semaphore_mem>>)
    %dma_wait3A_2637 = arith.constant 1 : i32
    %dma_wait3A_2638 = arith.constant 1 : i32
    %dma_wait3A_2639 = arith.constant 0 : i32
    %dma_wait3A_2640 = arith.constant 0 : i32
    %dma_wait3A_2641 = tpu.memref_slice %arg8[%dma_wait3A_2637, %dma_wait3A_2639, %dma_wait3A_2640] : memref<2x64x512xf32, #tpu.memory_space<vmem>> -> memref<1x64x512xf32, #tpu.memory_space<vmem>>
    %dma_wait3A_2642 = tpu.memref_squeeze %dma_wait3A_2641 : memref<1x64x512xf32, #tpu.memory_space<vmem>> -> memref<64x512xf32, #tpu.memory_space<vmem>>
    %dma_wait3A_2643 = arith.constant 0 : i32
    %dma_wait3A_2644 = arith.constant 0 : i32
    %dma_wait3A_2645 = tpu.memref_slice %arg2[%dma_wait3A_2643, %dma_wait3A_2644] : memref<65536x512xf32, #tpu.memory_space<hbm>> -> memref<64x512xf32, #tpu.memory_space<hbm>>
    %dma_wait3A_2646 = tpu.memref_slice %arg10[%dma_wait3A_2638] : memref<2x!tpu.dma_semaphore, #tpu.memory_space<semaphore_mem>> -> memref<1x!tpu.dma_semaphore, #tpu.memory_space<semaphore_mem>>
    %dma_wait3A_2647 = tpu.memref_squeeze %dma_wait3A_2646 : memref<1x!tpu.dma_semaphore, #tpu.memory_space<semaphore_mem>> -> memref<!tpu.dma_semaphore, #tpu.memory_space<semaphore_mem>>
    %dma_wait3A_2648 = arith.constant 0 : i32
    %dma_wait3A_2649 = arith.constant 0 : i32
    %dma_wait3A_2650 = tpu.memref_slice %arg8[%dma_wait3A_2637, %dma_wait3A_2648, %dma_wait3A_2649] : memref<2x64x512xf32, #tpu.memory_space<vmem>> -> memref<1x64x512xf32, #tpu.memory_space<vmem>>
    %dma_wait3A_2651 = tpu.memref_squeeze %dma_wait3A_2650 : memref<1x64x512xf32, #tpu.memory_space<vmem>> -> memref<64x512xf32, #tpu.memory_space<vmem>>
    %dma_wait3A_2652 = arith.constant 0 : i32
    %dma_wait3A_2653 = arith.constant 0 : i32
    %dma_wait3A_2654 = tpu.memref_slice %arg2[%dma_wait3A_2652, %dma_wait3A_2653] : memref<65536x512xf32, #tpu.memory_space<hbm>> -> memref<64x512xf32, #tpu.memory_space<hbm>>
    tpu.wait_dma2 semaphore(%dma_wait3A_2647 : memref<!tpu.dma_semaphore, #tpu.memory_space<semaphore_mem>>) src(%dma_wait3A_2654 : memref<64x512xf32, #tpu.memory_space<hbm>>) dst(%dma_wait3A_2651 : memref<64x512xf32, #tpu.memory_space<vmem>>)
    %dma_start3A_2655 = arith.constant 1 : i32
    %dma_start3A_2656 = arith.constant 1 : i32
    %dma_start3A_2657 = arith.constant 0 : i32
    %dma_start3A_2658 = arith.constant 0 : i32
    %dma_start3A_2659 = tpu.memref_slice %arg8[%dma_start3A_2655, %dma_start3A_2657, %dma_start3A_2658] : memref<2x64x512xf32, #tpu.memory_space<vmem>> -> memref<1x64x512xf32, #tpu.memory_space<vmem>>
    %dma_start3A_2660 = tpu.memref_squeeze %dma_start3A_2659 : memref<1x64x512xf32, #tpu.memory_space<vmem>> -> memref<64x512xf32, #tpu.memory_space<vmem>>
    %dma_start3A_2661 = arith.constant 0 : i32
    %dma_start3A_2662 = tpu.memref_slice %arg5[%mul3A_113, %dma_start3A_2661] : memref<65536x512xf32, #tpu.memory_space<hbm>> -> memref<64x512xf32, #tpu.memory_space<hbm>>
    %dma_start3A_2663 = tpu.memref_slice %arg11[%dma_start3A_2656] : memref<2x!tpu.dma_semaphore, #tpu.memory_space<semaphore_mem>> -> memref<1x!tpu.dma_semaphore, #tpu.memory_space<semaphore_mem>>
    %dma_start3A_2664 = tpu.memref_squeeze %dma_start3A_2663 : memref<1x!tpu.dma_semaphore, #tpu.memory_space<semaphore_mem>> -> memref<!tpu.dma_semaphore, #tpu.memory_space<semaphore_mem>>
    %dma_start3A_2665 = arith.constant 0 : i32
    %dma_start3A_2666 = tpu.memref_slice %arg5[%mul3A_113, %dma_start3A_2665] : memref<65536x512xf32, #tpu.memory_space<hbm>> -> memref<64x512xf32, #tpu.memory_space<hbm>>
    %dma_start3A_2667 = arith.constant 0 : i32
    %dma_start3A_2668 = arith.constant 0 : i32
    %dma_start3A_2669 = tpu.memref_slice %arg8[%dma_start3A_2655, %dma_start3A_2667, %dma_start3A_2668] : memref<2x64x512xf32, #tpu.memory_space<vmem>> -> memref<1x64x512xf32, #tpu.memory_space<vmem>>
    %dma_start3A_2670 = tpu.memref_squeeze %dma_start3A_2669 : memref<1x64x512xf32, #tpu.memory_space<vmem>> -> memref<64x512xf32, #tpu.memory_space<vmem>>
    tpu.enqueue_dma source(%dma_start3A_2670 : memref<64x512xf32, #tpu.memory_space<vmem>>) target(%dma_start3A_2666 : memref<64x512xf32, #tpu.memory_space<hbm>>) target_semaphore(%dma_start3A_2664 : memref<!tpu.dma_semaphore, #tpu.memory_space<semaphore_mem>>)
    %dma_wait3A_2671 = arith.constant 0 : i32
    %dma_wait3A_2672 = arith.constant 0 : i32
    %dma_wait3A_2673 = tpu.memref_slice %arg12[%dma_wait3A_2672] : memref<2x!tpu.dma_semaphore, #tpu.memory_space<semaphore_mem>> -> memref<1x!tpu.dma_semaphore, #tpu.memory_space<semaphore_mem>>
    %dma_wait3A_2674 = tpu.memref_squeeze %dma_wait3A_2673 : memref<1x!tpu.dma_semaphore, #tpu.memory_space<semaphore_mem>> -> memref<!tpu.dma_semaphore, #tpu.memory_space<semaphore_mem>>
    %dma_wait3A_2675 = arith.constant 0 : i32
    %dma_wait3A_2676 = arith.constant 0 : i32
    %dma_wait3A_2677 = arith.constant 0 : i32
    %dma_wait3A_2678 = tpu.memref_slice %arg9[%arg1, %dma_wait3A_2675, %dma_wait3A_2676, %dma_wait3A_2677] : memref<16x2x32x512xf32, #tpu.memory_space<vmem_shared>> -> memref<1x2x32x512xf32, #tpu.memory_space<vmem_shared>>
    %dma_wait3A_2679 = tpu.memref_squeeze %dma_wait3A_2678 : memref<1x2x32x512xf32, #tpu.memory_space<vmem_shared>> -> memref<2x32x512xf32, #tpu.memory_space<vmem_shared>>
    %dma_wait3A_2680 = arith.constant 0 : i32
    %dma_wait3A_2681 = arith.constant 0 : i32
    %dma_wait3A_2682 = tpu.memref_slice %dma_wait3A_2679[%dma_wait3A_2671, %dma_wait3A_2680, %dma_wait3A_2681] : memref<2x32x512xf32, #tpu.memory_space<vmem_shared>> -> memref<1x32x512xf32, #tpu.memory_space<vmem_shared>>
    %dma_wait3A_2683 = tpu.memref_squeeze %dma_wait3A_2682 : memref<1x32x512xf32, #tpu.memory_space<vmem_shared>> -> memref<32x512xf32, #tpu.memory_space<vmem_shared>>
    %dma_wait3A_2684 = arith.constant 0 : i32
    %dma_wait3A_2685 = arith.constant 0 : i32
    %dma_wait3A_2686 = tpu.memref_slice %arg2[%dma_wait3A_2684, %dma_wait3A_2685] : memref<65536x512xf32, #tpu.memory_space<hbm>> -> memref<32x512xf32, #tpu.memory_space<hbm>>
    tpu.wait_dma2 semaphore(%dma_wait3A_2674 : memref<!tpu.dma_semaphore, #tpu.memory_space<semaphore_mem>>) src(%dma_wait3A_2686 : memref<32x512xf32, #tpu.memory_space<hbm>>) dst(%dma_wait3A_2683 : memref<32x512xf32, #tpu.memory_space<vmem_shared>>)
    %dma_start3A_2687 = arith.constant 0 : i32
    %dma_start3A_2688 = arith.constant 0 : i32
    %dma_start3A_2689 = tpu.memref_slice %arg13[%dma_start3A_2688] : memref<2x!tpu.dma_semaphore, #tpu.memory_space<semaphore_mem>> -> memref<1x!tpu.dma_semaphore, #tpu.memory_space<semaphore_mem>>
    %dma_start3A_2690 = tpu.memref_squeeze %dma_start3A_2689 : memref<1x!tpu.dma_semaphore, #tpu.memory_space<semaphore_mem>> -> memref<!tpu.dma_semaphore, #tpu.memory_space<semaphore_mem>>
    %dma_start3A_2691 = arith.constant 0 : i32
    %dma_start3A_2692 = tpu.memref_slice %arg5[%add3A_421, %dma_start3A_2691] : memref<65536x512xf32, #tpu.memory_space<hbm>> -> memref<32x512xf32, #tpu.memory_space<hbm>>
    %dma_start3A_2693 = arith.constant 0 : i32
    %dma_start3A_2694 = arith.constant 0 : i32
    %dma_start3A_2695 = arith.constant 0 : i32
    %dma_start3A_2696 = tpu.memref_slice %arg9[%arg1, %dma_start3A_2693, %dma_start3A_2694, %dma_start3A_2695] : memref<16x2x32x512xf32, #tpu.memory_space<vmem_shared>> -> memref<1x2x32x512xf32, #tpu.memory_space<vmem_shared>>
    %dma_start3A_2697 = tpu.memref_squeeze %dma_start3A_2696 : memref<1x2x32x512xf32, #tpu.memory_space<vmem_shared>> -> memref<2x32x512xf32, #tpu.memory_space<vmem_shared>>
    %dma_start3A_2698 = arith.constant 0 : i32
    %dma_start3A_2699 = arith.constant 0 : i32
    %dma_start3A_2700 = tpu.memref_slice %dma_start3A_2697[%dma_start3A_2687, %dma_start3A_2698, %dma_start3A_2699] : memref<2x32x512xf32, #tpu.memory_space<vmem_shared>> -> memref<1x32x512xf32, #tpu.memory_space<vmem_shared>>
    %dma_start3A_2701 = tpu.memref_squeeze %dma_start3A_2700 : memref<1x32x512xf32, #tpu.memory_space<vmem_shared>> -> memref<32x512xf32, #tpu.memory_space<vmem_shared>>
    tpu.enqueue_dma source(%dma_start3A_2701 : memref<32x512xf32, #tpu.memory_space<vmem_shared>>) target(%dma_start3A_2692 : memref<32x512xf32, #tpu.memory_space<hbm>>) target_semaphore(%dma_start3A_2690 : memref<!tpu.dma_semaphore, #tpu.memory_space<semaphore_mem>>)
    %dma_wait3A_2702 = arith.constant 1 : i32
    %dma_wait3A_2703 = arith.constant 1 : i32
    %dma_wait3A_2704 = tpu.memref_slice %arg13[%dma_wait3A_2703] : memref<2x!tpu.dma_semaphore, #tpu.memory_space<semaphore_mem>> -> memref<1x!tpu.dma_semaphore, #tpu.memory_space<semaphore_mem>>
    %dma_wait3A_2705 = tpu.memref_squeeze %dma_wait3A_2704 : memref<1x!tpu.dma_semaphore, #tpu.memory_space<semaphore_mem>> -> memref<!tpu.dma_semaphore, #tpu.memory_space<semaphore_mem>>
    %dma_wait3A_2706 = arith.constant 0 : i32
    %dma_wait3A_2707 = arith.constant 0 : i32
    %dma_wait3A_2708 = tpu.memref_slice %arg5[%dma_wait3A_2706, %dma_wait3A_2707] : memref<65536x512xf32, #tpu.memory_space<hbm>> -> memref<32x512xf32, #tpu.memory_space<hbm>>
    %dma_wait3A_2709 = arith.constant 0 : i32
    %dma_wait3A_2710 = arith.constant 0 : i32
    %dma_wait3A_2711 = arith.constant 0 : i32
    %dma_wait3A_2712 = tpu.memref_slice %arg9[%arg1, %dma_wait3A_2709, %dma_wait3A_2710, %dma_wait3A_2711] : memref<16x2x32x512xf32, #tpu.memory_space<vmem_shared>> -> memref<1x2x32x512xf32, #tpu.memory_space<vmem_shared>>
    %dma_wait3A_2713 = tpu.memref_squeeze %dma_wait3A_2712 : memref<1x2x32x512xf32, #tpu.memory_space<vmem_shared>> -> memref<2x32x512xf32, #tpu.memory_space<vmem_shared>>
    %dma_wait3A_2714 = arith.constant 0 : i32
    %dma_wait3A_2715 = arith.constant 0 : i32
    %dma_wait3A_2716 = tpu.memref_slice %dma_wait3A_2713[%dma_wait3A_2702, %dma_wait3A_2714, %dma_wait3A_2715] : memref<2x32x512xf32, #tpu.memory_space<vmem_shared>> -> memref<1x32x512xf32, #tpu.memory_space<vmem_shared>>
    %dma_wait3A_2717 = tpu.memref_squeeze %dma_wait3A_2716 : memref<1x32x512xf32, #tpu.memory_space<vmem_shared>> -> memref<32x512xf32, #tpu.memory_space<vmem_shared>>
    tpu.wait_dma2 semaphore(%dma_wait3A_2705 : memref<!tpu.dma_semaphore, #tpu.memory_space<semaphore_mem>>) src(%dma_wait3A_2717 : memref<32x512xf32, #tpu.memory_space<vmem_shared>>) dst(%dma_wait3A_2708 : memref<32x512xf32, #tpu.memory_space<hbm>>)
    %dma_start3A_2718 = arith.constant 1 : i32
    %dma_start3A_2719 = arith.constant 1 : i32
    %dma_start3A_2720 = tpu.memref_slice %arg12[%dma_start3A_2719] : memref<2x!tpu.dma_semaphore, #tpu.memory_space<semaphore_mem>> -> memref<1x!tpu.dma_semaphore, #tpu.memory_space<semaphore_mem>>
    %dma_start3A_2721 = tpu.memref_squeeze %dma_start3A_2720 : memref<1x!tpu.dma_semaphore, #tpu.memory_space<semaphore_mem>> -> memref<!tpu.dma_semaphore, #tpu.memory_space<semaphore_mem>>
    %dma_start3A_2722 = arith.constant 0 : i32
    %dma_start3A_2723 = arith.constant 0 : i32
    %dma_start3A_2724 = arith.constant 0 : i32
    %dma_start3A_2725 = tpu.memref_slice %arg9[%arg1, %dma_start3A_2722, %dma_start3A_2723, %dma_start3A_2724] : memref<16x2x32x512xf32, #tpu.memory_space<vmem_shared>> -> memref<1x2x32x512xf32, #tpu.memory_space<vmem_shared>>
    %dma_start3A_2726 = tpu.memref_squeeze %dma_start3A_2725 : memref<1x2x32x512xf32, #tpu.memory_space<vmem_shared>> -> memref<2x32x512xf32, #tpu.memory_space<vmem_shared>>
    %dma_start3A_2727 = arith.constant 0 : i32
    %dma_start3A_2728 = arith.constant 0 : i32
    %dma_start3A_2729 = tpu.memref_slice %dma_start3A_2726[%dma_start3A_2718, %dma_start3A_2727, %dma_start3A_2728] : memref<2x32x512xf32, #tpu.memory_space<vmem_shared>> -> memref<1x32x512xf32, #tpu.memory_space<vmem_shared>>
    %dma_start3A_2730 = tpu.memref_squeeze %dma_start3A_2729 : memref<1x32x512xf32, #tpu.memory_space<vmem_shared>> -> memref<32x512xf32, #tpu.memory_space<vmem_shared>>
    %dma_start3A_2731 = arith.constant 0 : i32
    %dma_start3A_2732 = tpu.memref_slice %arg2[%add3A_427, %dma_start3A_2731] : memref<65536x512xf32, #tpu.memory_space<hbm>> -> memref<32x512xf32, #tpu.memory_space<hbm>>
    tpu.enqueue_dma source(%dma_start3A_2732 : memref<32x512xf32, #tpu.memory_space<hbm>>) target(%dma_start3A_2730 : memref<32x512xf32, #tpu.memory_space<vmem_shared>>) target_semaphore(%dma_start3A_2721 : memref<!tpu.dma_semaphore, #tpu.memory_space<semaphore_mem>>)
    %dma_wait3A_2733 = arith.constant 0 : i32
    %dma_wait3A_2734 = arith.constant 0 : i32
    %dma_wait3A_2735 = arith.constant 0 : i32
    %dma_wait3A_2736 = arith.constant 0 : i32
    %dma_wait3A_2737 = tpu.memref_slice %arg8[%dma_wait3A_2733, %dma_wait3A_2735, %dma_wait3A_2736] : memref<2x64x512xf32, #tpu.memory_space<vmem>> -> memref<1x64x512xf32, #tpu.memory_space<vmem>>
    %dma_wait3A_2738 = tpu.memref_squeeze %dma_wait3A_2737 : memref<1x64x512xf32, #tpu.memory_space<vmem>> -> memref<64x512xf32, #tpu.memory_space<vmem>>
    %dma_wait3A_2739 = arith.constant 0 : i32
    %dma_wait3A_2740 = arith.constant 0 : i32
    %dma_wait3A_2741 = tpu.memref_slice %arg5[%dma_wait3A_2739, %dma_wait3A_2740] : memref<65536x512xf32, #tpu.memory_space<hbm>> -> memref<64x512xf32, #tpu.memory_space<hbm>>
    %dma_wait3A_2742 = tpu.memref_slice %arg11[%dma_wait3A_2734] : memref<2x!tpu.dma_semaphore, #tpu.memory_space<semaphore_mem>> -> memref<1x!tpu.dma_semaphore, #tpu.memory_space<semaphore_mem>>
    %dma_wait3A_2743 = tpu.memref_squeeze %dma_wait3A_2742 : memref<1x!tpu.dma_semaphore, #tpu.memory_space<semaphore_mem>> -> memref<!tpu.dma_semaphore, #tpu.memory_space<semaphore_mem>>
    %dma_wait3A_2744 = arith.constant 0 : i32
    %dma_wait3A_2745 = arith.constant 0 : i32
    %dma_wait3A_2746 = tpu.memref_slice %arg5[%dma_wait3A_2744, %dma_wait3A_2745] : memref<65536x512xf32, #tpu.memory_space<hbm>> -> memref<64x512xf32, #tpu.memory_space<hbm>>
    %dma_wait3A_2747 = arith.constant 0 : i32
    %dma_wait3A_2748 = arith.constant 0 : i32
    %dma_wait3A_2749 = tpu.memref_slice %arg8[%dma_wait3A_2733, %dma_wait3A_2747, %dma_wait3A_2748] : memref<2x64x512xf32, #tpu.memory_space<vmem>> -> memref<1x64x512xf32, #tpu.memory_space<vmem>>
    %dma_wait3A_2750 = tpu.memref_squeeze %dma_wait3A_2749 : memref<1x64x512xf32, #tpu.memory_space<vmem>> -> memref<64x512xf32, #tpu.memory_space<vmem>>
    tpu.wait_dma2 semaphore(%dma_wait3A_2743 : memref<!tpu.dma_semaphore, #tpu.memory_space<semaphore_mem>>) src(%dma_wait3A_2750 : memref<64x512xf32, #tpu.memory_space<vmem>>) dst(%dma_wait3A_2746 : memref<64x512xf32, #tpu.memory_space<hbm>>)
    %dma_start3A_2751 = arith.constant 0 : i32
    %dma_start3A_2752 = arith.constant 0 : i32
    %dma_start3A_2753 = arith.constant 0 : i32
    %dma_start3A_2754 = arith.constant 0 : i32
    %dma_start3A_2755 = tpu.memref_slice %arg8[%dma_start3A_2751, %dma_start3A_2753, %dma_start3A_2754] : memref<2x64x512xf32, #tpu.memory_space<vmem>> -> memref<1x64x512xf32, #tpu.memory_space<vmem>>
    %dma_start3A_2756 = tpu.memref_squeeze %dma_start3A_2755 : memref<1x64x512xf32, #tpu.memory_space<vmem>> -> memref<64x512xf32, #tpu.memory_space<vmem>>
    %dma_start3A_2757 = arith.constant 0 : i32
    %dma_start3A_2758 = tpu.memref_slice %arg2[%mul3A_117, %dma_start3A_2757] : memref<65536x512xf32, #tpu.memory_space<hbm>> -> memref<64x512xf32, #tpu.memory_space<hbm>>
    %dma_start3A_2759 = tpu.memref_slice %arg10[%dma_start3A_2752] : memref<2x!tpu.dma_semaphore, #tpu.memory_space<semaphore_mem>> -> memref<1x!tpu.dma_semaphore, #tpu.memory_space<semaphore_mem>>
    %dma_start3A_2760 = tpu.memref_squeeze %dma_start3A_2759 : memref<1x!tpu.dma_semaphore, #tpu.memory_space<semaphore_mem>> -> memref<!tpu.dma_semaphore, #tpu.memory_space<semaphore_mem>>
    %dma_start3A_2761 = arith.constant 0 : i32
    %dma_start3A_2762 = arith.constant 0 : i32
    %dma_start3A_2763 = tpu.memref_slice %arg8[%dma_start3A_2751, %dma_start3A_2761, %dma_start3A_2762] : memref<2x64x512xf32, #tpu.memory_space<vmem>> -> memref<1x64x512xf32, #tpu.memory_space<vmem>>
    %dma_start3A_2764 = tpu.memref_squeeze %dma_start3A_2763 : memref<1x64x512xf32, #tpu.memory_space<vmem>> -> memref<64x512xf32, #tpu.memory_space<vmem>>
    %dma_start3A_2765 = arith.constant 0 : i32
    %dma_start3A_2766 = tpu.memref_slice %arg2[%mul3A_117, %dma_start3A_2765] : memref<65536x512xf32, #tpu.memory_space<hbm>> -> memref<64x512xf32, #tpu.memory_space<hbm>>
    tpu.enqueue_dma source(%dma_start3A_2766 : memref<64x512xf32, #tpu.memory_space<hbm>>) target(%dma_start3A_2764 : memref<64x512xf32, #tpu.memory_space<vmem>>) target_semaphore(%dma_start3A_2760 : memref<!tpu.dma_semaphore, #tpu.memory_space<semaphore_mem>>)
    %dma_wait3A_2767 = arith.constant 1 : i32
    %dma_wait3A_2768 = arith.constant 1 : i32
    %dma_wait3A_2769 = tpu.memref_slice %arg12[%dma_wait3A_2768] : memref<2x!tpu.dma_semaphore, #tpu.memory_space<semaphore_mem>> -> memref<1x!tpu.dma_semaphore, #tpu.memory_space<semaphore_mem>>
    %dma_wait3A_2770 = tpu.memref_squeeze %dma_wait3A_2769 : memref<1x!tpu.dma_semaphore, #tpu.memory_space<semaphore_mem>> -> memref<!tpu.dma_semaphore, #tpu.memory_space<semaphore_mem>>
    %dma_wait3A_2771 = arith.constant 0 : i32
    %dma_wait3A_2772 = arith.constant 0 : i32
    %dma_wait3A_2773 = arith.constant 0 : i32
    %dma_wait3A_2774 = tpu.memref_slice %arg9[%arg1, %dma_wait3A_2771, %dma_wait3A_2772, %dma_wait3A_2773] : memref<16x2x32x512xf32, #tpu.memory_space<vmem_shared>> -> memref<1x2x32x512xf32, #tpu.memory_space<vmem_shared>>
    %dma_wait3A_2775 = tpu.memref_squeeze %dma_wait3A_2774 : memref<1x2x32x512xf32, #tpu.memory_space<vmem_shared>> -> memref<2x32x512xf32, #tpu.memory_space<vmem_shared>>
    %dma_wait3A_2776 = arith.constant 0 : i32
    %dma_wait3A_2777 = arith.constant 0 : i32
    %dma_wait3A_2778 = tpu.memref_slice %dma_wait3A_2775[%dma_wait3A_2767, %dma_wait3A_2776, %dma_wait3A_2777] : memref<2x32x512xf32, #tpu.memory_space<vmem_shared>> -> memref<1x32x512xf32, #tpu.memory_space<vmem_shared>>
    %dma_wait3A_2779 = tpu.memref_squeeze %dma_wait3A_2778 : memref<1x32x512xf32, #tpu.memory_space<vmem_shared>> -> memref<32x512xf32, #tpu.memory_space<vmem_shared>>
    %dma_wait3A_2780 = arith.constant 0 : i32
    %dma_wait3A_2781 = arith.constant 0 : i32
    %dma_wait3A_2782 = tpu.memref_slice %arg2[%dma_wait3A_2780, %dma_wait3A_2781] : memref<65536x512xf32, #tpu.memory_space<hbm>> -> memref<32x512xf32, #tpu.memory_space<hbm>>
    tpu.wait_dma2 semaphore(%dma_wait3A_2770 : memref<!tpu.dma_semaphore, #tpu.memory_space<semaphore_mem>>) src(%dma_wait3A_2782 : memref<32x512xf32, #tpu.memory_space<hbm>>) dst(%dma_wait3A_2779 : memref<32x512xf32, #tpu.memory_space<vmem_shared>>)
    %dma_start3A_2783 = arith.constant 1 : i32
    %dma_start3A_2784 = arith.constant 1 : i32
    %dma_start3A_2785 = tpu.memref_slice %arg13[%dma_start3A_2784] : memref<2x!tpu.dma_semaphore, #tpu.memory_space<semaphore_mem>> -> memref<1x!tpu.dma_semaphore, #tpu.memory_space<semaphore_mem>>
    %dma_start3A_2786 = tpu.memref_squeeze %dma_start3A_2785 : memref<1x!tpu.dma_semaphore, #tpu.memory_space<semaphore_mem>> -> memref<!tpu.dma_semaphore, #tpu.memory_space<semaphore_mem>>
    %dma_start3A_2787 = arith.constant 0 : i32
    %dma_start3A_2788 = tpu.memref_slice %arg5[%add3A_433, %dma_start3A_2787] : memref<65536x512xf32, #tpu.memory_space<hbm>> -> memref<32x512xf32, #tpu.memory_space<hbm>>
    %dma_start3A_2789 = arith.constant 0 : i32
    %dma_start3A_2790 = arith.constant 0 : i32
    %dma_start3A_2791 = arith.constant 0 : i32
    %dma_start3A_2792 = tpu.memref_slice %arg9[%arg1, %dma_start3A_2789, %dma_start3A_2790, %dma_start3A_2791] : memref<16x2x32x512xf32, #tpu.memory_space<vmem_shared>> -> memref<1x2x32x512xf32, #tpu.memory_space<vmem_shared>>
    %dma_start3A_2793 = tpu.memref_squeeze %dma_start3A_2792 : memref<1x2x32x512xf32, #tpu.memory_space<vmem_shared>> -> memref<2x32x512xf32, #tpu.memory_space<vmem_shared>>
    %dma_start3A_2794 = arith.constant 0 : i32
    %dma_start3A_2795 = arith.constant 0 : i32
    %dma_start3A_2796 = tpu.memref_slice %dma_start3A_2793[%dma_start3A_2783, %dma_start3A_2794, %dma_start3A_2795] : memref<2x32x512xf32, #tpu.memory_space<vmem_shared>> -> memref<1x32x512xf32, #tpu.memory_space<vmem_shared>>
    %dma_start3A_2797 = tpu.memref_squeeze %dma_start3A_2796 : memref<1x32x512xf32, #tpu.memory_space<vmem_shared>> -> memref<32x512xf32, #tpu.memory_space<vmem_shared>>
    tpu.enqueue_dma source(%dma_start3A_2797 : memref<32x512xf32, #tpu.memory_space<vmem_shared>>) target(%dma_start3A_2788 : memref<32x512xf32, #tpu.memory_space<hbm>>) target_semaphore(%dma_start3A_2786 : memref<!tpu.dma_semaphore, #tpu.memory_space<semaphore_mem>>)
    %dma_wait3A_2798 = arith.constant 0 : i32
    %dma_wait3A_2799 = arith.constant 0 : i32
    %dma_wait3A_2800 = tpu.memref_slice %arg13[%dma_wait3A_2799] : memref<2x!tpu.dma_semaphore, #tpu.memory_space<semaphore_mem>> -> memref<1x!tpu.dma_semaphore, #tpu.memory_space<semaphore_mem>>
    %dma_wait3A_2801 = tpu.memref_squeeze %dma_wait3A_2800 : memref<1x!tpu.dma_semaphore, #tpu.memory_space<semaphore_mem>> -> memref<!tpu.dma_semaphore, #tpu.memory_space<semaphore_mem>>
    %dma_wait3A_2802 = arith.constant 0 : i32
    %dma_wait3A_2803 = arith.constant 0 : i32
    %dma_wait3A_2804 = tpu.memref_slice %arg5[%dma_wait3A_2802, %dma_wait3A_2803] : memref<65536x512xf32, #tpu.memory_space<hbm>> -> memref<32x512xf32, #tpu.memory_space<hbm>>
    %dma_wait3A_2805 = arith.constant 0 : i32
    %dma_wait3A_2806 = arith.constant 0 : i32
    %dma_wait3A_2807 = arith.constant 0 : i32
    %dma_wait3A_2808 = tpu.memref_slice %arg9[%arg1, %dma_wait3A_2805, %dma_wait3A_2806, %dma_wait3A_2807] : memref<16x2x32x512xf32, #tpu.memory_space<vmem_shared>> -> memref<1x2x32x512xf32, #tpu.memory_space<vmem_shared>>
    %dma_wait3A_2809 = tpu.memref_squeeze %dma_wait3A_2808 : memref<1x2x32x512xf32, #tpu.memory_space<vmem_shared>> -> memref<2x32x512xf32, #tpu.memory_space<vmem_shared>>
    %dma_wait3A_2810 = arith.constant 0 : i32
    %dma_wait3A_2811 = arith.constant 0 : i32
    %dma_wait3A_2812 = tpu.memref_slice %dma_wait3A_2809[%dma_wait3A_2798, %dma_wait3A_2810, %dma_wait3A_2811] : memref<2x32x512xf32, #tpu.memory_space<vmem_shared>> -> memref<1x32x512xf32, #tpu.memory_space<vmem_shared>>
    %dma_wait3A_2813 = tpu.memref_squeeze %dma_wait3A_2812 : memref<1x32x512xf32, #tpu.memory_space<vmem_shared>> -> memref<32x512xf32, #tpu.memory_space<vmem_shared>>
    tpu.wait_dma2 semaphore(%dma_wait3A_2801 : memref<!tpu.dma_semaphore, #tpu.memory_space<semaphore_mem>>) src(%dma_wait3A_2813 : memref<32x512xf32, #tpu.memory_space<vmem_shared>>) dst(%dma_wait3A_2804 : memref<32x512xf32, #tpu.memory_space<hbm>>)
    %dma_start3A_2814 = arith.constant 0 : i32
    %dma_start3A_2815 = arith.constant 0 : i32
    %dma_start3A_2816 = tpu.memref_slice %arg12[%dma_start3A_2815] : memref<2x!tpu.dma_semaphore, #tpu.memory_space<semaphore_mem>> -> memref<1x!tpu.dma_semaphore, #tpu.memory_space<semaphore_mem>>
    %dma_start3A_2817 = tpu.memref_squeeze %dma_start3A_2816 : memref<1x!tpu.dma_semaphore, #tpu.memory_space<semaphore_mem>> -> memref<!tpu.dma_semaphore, #tpu.memory_space<semaphore_mem>>
    %dma_start3A_2818 = arith.constant 0 : i32
    %dma_start3A_2819 = arith.constant 0 : i32
    %dma_start3A_2820 = arith.constant 0 : i32
    %dma_start3A_2821 = tpu.memref_slice %arg9[%arg1, %dma_start3A_2818, %dma_start3A_2819, %dma_start3A_2820] : memref<16x2x32x512xf32, #tpu.memory_space<vmem_shared>> -> memref<1x2x32x512xf32, #tpu.memory_space<vmem_shared>>
    %dma_start3A_2822 = tpu.memref_squeeze %dma_start3A_2821 : memref<1x2x32x512xf32, #tpu.memory_space<vmem_shared>> -> memref<2x32x512xf32, #tpu.memory_space<vmem_shared>>
    %dma_start3A_2823 = arith.constant 0 : i32
    %dma_start3A_2824 = arith.constant 0 : i32
    %dma_start3A_2825 = tpu.memref_slice %dma_start3A_2822[%dma_start3A_2814, %dma_start3A_2823, %dma_start3A_2824] : memref<2x32x512xf32, #tpu.memory_space<vmem_shared>> -> memref<1x32x512xf32, #tpu.memory_space<vmem_shared>>
    %dma_start3A_2826 = tpu.memref_squeeze %dma_start3A_2825 : memref<1x32x512xf32, #tpu.memory_space<vmem_shared>> -> memref<32x512xf32, #tpu.memory_space<vmem_shared>>
    %dma_start3A_2827 = arith.constant 0 : i32
    %dma_start3A_2828 = tpu.memref_slice %arg2[%add3A_439, %dma_start3A_2827] : memref<65536x512xf32, #tpu.memory_space<hbm>> -> memref<32x512xf32, #tpu.memory_space<hbm>>
    tpu.enqueue_dma source(%dma_start3A_2828 : memref<32x512xf32, #tpu.memory_space<hbm>>) target(%dma_start3A_2826 : memref<32x512xf32, #tpu.memory_space<vmem_shared>>) target_semaphore(%dma_start3A_2817 : memref<!tpu.dma_semaphore, #tpu.memory_space<semaphore_mem>>)
    %dma_wait3A_2829 = arith.constant 0 : i32
    %dma_wait3A_2830 = arith.constant 0 : i32
    %dma_wait3A_2831 = arith.constant 0 : i32
    %dma_wait3A_2832 = arith.constant 0 : i32
    %dma_wait3A_2833 = tpu.memref_slice %arg8[%dma_wait3A_2829, %dma_wait3A_2831, %dma_wait3A_2832] : memref<2x64x512xf32, #tpu.memory_space<vmem>> -> memref<1x64x512xf32, #tpu.memory_space<vmem>>
    %dma_wait3A_2834 = tpu.memref_squeeze %dma_wait3A_2833 : memref<1x64x512xf32, #tpu.memory_space<vmem>> -> memref<64x512xf32, #tpu.memory_space<vmem>>
    %dma_wait3A_2835 = arith.constant 0 : i32
    %dma_wait3A_2836 = arith.constant 0 : i32
    %dma_wait3A_2837 = tpu.memref_slice %arg2[%dma_wait3A_2835, %dma_wait3A_2836] : memref<65536x512xf32, #tpu.memory_space<hbm>> -> memref<64x512xf32, #tpu.memory_space<hbm>>
    %dma_wait3A_2838 = tpu.memref_slice %arg10[%dma_wait3A_2830] : memref<2x!tpu.dma_semaphore, #tpu.memory_space<semaphore_mem>> -> memref<1x!tpu.dma_semaphore, #tpu.memory_space<semaphore_mem>>
    %dma_wait3A_2839 = tpu.memref_squeeze %dma_wait3A_2838 : memref<1x!tpu.dma_semaphore, #tpu.memory_space<semaphore_mem>> -> memref<!tpu.dma_semaphore, #tpu.memory_space<semaphore_mem>>
    %dma_wait3A_2840 = arith.constant 0 : i32
    %dma_wait3A_2841 = arith.constant 0 : i32
    %dma_wait3A_2842 = tpu.memref_slice %arg8[%dma_wait3A_2829, %dma_wait3A_2840, %dma_wait3A_2841] : memref<2x64x512xf32, #tpu.memory_space<vmem>> -> memref<1x64x512xf32, #tpu.memory_space<vmem>>
    %dma_wait3A_2843 = tpu.memref_squeeze %dma_wait3A_2842 : memref<1x64x512xf32, #tpu.memory_space<vmem>> -> memref<64x512xf32, #tpu.memory_space<vmem>>
    %dma_wait3A_2844 = arith.constant 0 : i32
    %dma_wait3A_2845 = arith.constant 0 : i32
    %dma_wait3A_2846 = tpu.memref_slice %arg2[%dma_wait3A_2844, %dma_wait3A_2845] : memref<65536x512xf32, #tpu.memory_space<hbm>> -> memref<64x512xf32, #tpu.memory_space<hbm>>
    tpu.wait_dma2 semaphore(%dma_wait3A_2839 : memref<!tpu.dma_semaphore, #tpu.memory_space<semaphore_mem>>) src(%dma_wait3A_2846 : memref<64x512xf32, #tpu.memory_space<hbm>>) dst(%dma_wait3A_2843 : memref<64x512xf32, #tpu.memory_space<vmem>>)
    %dma_start3A_2847 = arith.constant 0 : i32
    %dma_start3A_2848 = arith.constant 0 : i32
    %dma_start3A_2849 = arith.constant 0 : i32
    %dma_start3A_2850 = arith.constant 0 : i32
    %dma_start3A_2851 = tpu.memref_slice %arg8[%dma_start3A_2847, %dma_start3A_2849, %dma_start3A_2850] : memref<2x64x512xf32, #tpu.memory_space<vmem>> -> memref<1x64x512xf32, #tpu.memory_space<vmem>>
    %dma_start3A_2852 = tpu.memref_squeeze %dma_start3A_2851 : memref<1x64x512xf32, #tpu.memory_space<vmem>> -> memref<64x512xf32, #tpu.memory_space<vmem>>
    %dma_start3A_2853 = arith.constant 0 : i32
    %dma_start3A_2854 = tpu.memref_slice %arg5[%mul3A_121, %dma_start3A_2853] : memref<65536x512xf32, #tpu.memory_space<hbm>> -> memref<64x512xf32, #tpu.memory_space<hbm>>
    %dma_start3A_2855 = tpu.memref_slice %arg11[%dma_start3A_2848] : memref<2x!tpu.dma_semaphore, #tpu.memory_space<semaphore_mem>> -> memref<1x!tpu.dma_semaphore, #tpu.memory_space<semaphore_mem>>
    %dma_start3A_2856 = tpu.memref_squeeze %dma_start3A_2855 : memref<1x!tpu.dma_semaphore, #tpu.memory_space<semaphore_mem>> -> memref<!tpu.dma_semaphore, #tpu.memory_space<semaphore_mem>>
    %dma_start3A_2857 = arith.constant 0 : i32
    %dma_start3A_2858 = tpu.memref_slice %arg5[%mul3A_121, %dma_start3A_2857] : memref<65536x512xf32, #tpu.memory_space<hbm>> -> memref<64x512xf32, #tpu.memory_space<hbm>>
    %dma_start3A_2859 = arith.constant 0 : i32
    %dma_start3A_2860 = arith.constant 0 : i32
    %dma_start3A_2861 = tpu.memref_slice %arg8[%dma_start3A_2847, %dma_start3A_2859, %dma_start3A_2860] : memref<2x64x512xf32, #tpu.memory_space<vmem>> -> memref<1x64x512xf32, #tpu.memory_space<vmem>>
    %dma_start3A_2862 = tpu.memref_squeeze %dma_start3A_2861 : memref<1x64x512xf32, #tpu.memory_space<vmem>> -> memref<64x512xf32, #tpu.memory_space<vmem>>
    tpu.enqueue_dma source(%dma_start3A_2862 : memref<64x512xf32, #tpu.memory_space<vmem>>) target(%dma_start3A_2858 : memref<64x512xf32, #tpu.memory_space<hbm>>) target_semaphore(%dma_start3A_2856 : memref<!tpu.dma_semaphore, #tpu.memory_space<semaphore_mem>>)
    %dma_wait3A_2863 = arith.constant 0 : i32
    %dma_wait3A_2864 = arith.constant 0 : i32
    %dma_wait3A_2865 = tpu.memref_slice %arg12[%dma_wait3A_2864] : memref<2x!tpu.dma_semaphore, #tpu.memory_space<semaphore_mem>> -> memref<1x!tpu.dma_semaphore, #tpu.memory_space<semaphore_mem>>
    %dma_wait3A_2866 = tpu.memref_squeeze %dma_wait3A_2865 : memref<1x!tpu.dma_semaphore, #tpu.memory_space<semaphore_mem>> -> memref<!tpu.dma_semaphore, #tpu.memory_space<semaphore_mem>>
    %dma_wait3A_2867 = arith.constant 0 : i32
    %dma_wait3A_2868 = arith.constant 0 : i32
    %dma_wait3A_2869 = arith.constant 0 : i32
    %dma_wait3A_2870 = tpu.memref_slice %arg9[%arg1, %dma_wait3A_2867, %dma_wait3A_2868, %dma_wait3A_2869] : memref<16x2x32x512xf32, #tpu.memory_space<vmem_shared>> -> memref<1x2x32x512xf32, #tpu.memory_space<vmem_shared>>
    %dma_wait3A_2871 = tpu.memref_squeeze %dma_wait3A_2870 : memref<1x2x32x512xf32, #tpu.memory_space<vmem_shared>> -> memref<2x32x512xf32, #tpu.memory_space<vmem_shared>>
    %dma_wait3A_2872 = arith.constant 0 : i32
    %dma_wait3A_2873 = arith.constant 0 : i32
    %dma_wait3A_2874 = tpu.memref_slice %dma_wait3A_2871[%dma_wait3A_2863, %dma_wait3A_2872, %dma_wait3A_2873] : memref<2x32x512xf32, #tpu.memory_space<vmem_shared>> -> memref<1x32x512xf32, #tpu.memory_space<vmem_shared>>
    %dma_wait3A_2875 = tpu.memref_squeeze %dma_wait3A_2874 : memref<1x32x512xf32, #tpu.memory_space<vmem_shared>> -> memref<32x512xf32, #tpu.memory_space<vmem_shared>>
    %dma_wait3A_2876 = arith.constant 0 : i32
    %dma_wait3A_2877 = arith.constant 0 : i32
    %dma_wait3A_2878 = tpu.memref_slice %arg2[%dma_wait3A_2876, %dma_wait3A_2877] : memref<65536x512xf32, #tpu.memory_space<hbm>> -> memref<32x512xf32, #tpu.memory_space<hbm>>
    tpu.wait_dma2 semaphore(%dma_wait3A_2866 : memref<!tpu.dma_semaphore, #tpu.memory_space<semaphore_mem>>) src(%dma_wait3A_2878 : memref<32x512xf32, #tpu.memory_space<hbm>>) dst(%dma_wait3A_2875 : memref<32x512xf32, #tpu.memory_space<vmem_shared>>)
    %dma_start3A_2879 = arith.constant 0 : i32
    %dma_start3A_2880 = arith.constant 0 : i32
    %dma_start3A_2881 = tpu.memref_slice %arg13[%dma_start3A_2880] : memref<2x!tpu.dma_semaphore, #tpu.memory_space<semaphore_mem>> -> memref<1x!tpu.dma_semaphore, #tpu.memory_space<semaphore_mem>>
    %dma_start3A_2882 = tpu.memref_squeeze %dma_start3A_2881 : memref<1x!tpu.dma_semaphore, #tpu.memory_space<semaphore_mem>> -> memref<!tpu.dma_semaphore, #tpu.memory_space<semaphore_mem>>
    %dma_start3A_2883 = arith.constant 0 : i32
    %dma_start3A_2884 = tpu.memref_slice %arg5[%add3A_445, %dma_start3A_2883] : memref<65536x512xf32, #tpu.memory_space<hbm>> -> memref<32x512xf32, #tpu.memory_space<hbm>>
    %dma_start3A_2885 = arith.constant 0 : i32
    %dma_start3A_2886 = arith.constant 0 : i32
    %dma_start3A_2887 = arith.constant 0 : i32
    %dma_start3A_2888 = tpu.memref_slice %arg9[%arg1, %dma_start3A_2885, %dma_start3A_2886, %dma_start3A_2887] : memref<16x2x32x512xf32, #tpu.memory_space<vmem_shared>> -> memref<1x2x32x512xf32, #tpu.memory_space<vmem_shared>>
    %dma_start3A_2889 = tpu.memref_squeeze %dma_start3A_2888 : memref<1x2x32x512xf32, #tpu.memory_space<vmem_shared>> -> memref<2x32x512xf32, #tpu.memory_space<vmem_shared>>
    %dma_start3A_2890 = arith.constant 0 : i32
    %dma_start3A_2891 = arith.constant 0 : i32
    %dma_start3A_2892 = tpu.memref_slice %dma_start3A_2889[%dma_start3A_2879, %dma_start3A_2890, %dma_start3A_2891] : memref<2x32x512xf32, #tpu.memory_space<vmem_shared>> -> memref<1x32x512xf32, #tpu.memory_space<vmem_shared>>
    %dma_start3A_2893 = tpu.memref_squeeze %dma_start3A_2892 : memref<1x32x512xf32, #tpu.memory_space<vmem_shared>> -> memref<32x512xf32, #tpu.memory_space<vmem_shared>>
    tpu.enqueue_dma source(%dma_start3A_2893 : memref<32x512xf32, #tpu.memory_space<vmem_shared>>) target(%dma_start3A_2884 : memref<32x512xf32, #tpu.memory_space<hbm>>) target_semaphore(%dma_start3A_2882 : memref<!tpu.dma_semaphore, #tpu.memory_space<semaphore_mem>>)
    %dma_wait3A_2894 = arith.constant 1 : i32
    %dma_wait3A_2895 = arith.constant 1 : i32
    %dma_wait3A_2896 = tpu.memref_slice %arg13[%dma_wait3A_2895] : memref<2x!tpu.dma_semaphore, #tpu.memory_space<semaphore_mem>> -> memref<1x!tpu.dma_semaphore, #tpu.memory_space<semaphore_mem>>
    %dma_wait3A_2897 = tpu.memref_squeeze %dma_wait3A_2896 : memref<1x!tpu.dma_semaphore, #tpu.memory_space<semaphore_mem>> -> memref<!tpu.dma_semaphore, #tpu.memory_space<semaphore_mem>>
    %dma_wait3A_2898 = arith.constant 0 : i32
    %dma_wait3A_2899 = arith.constant 0 : i32
    %dma_wait3A_2900 = tpu.memref_slice %arg5[%dma_wait3A_2898, %dma_wait3A_2899] : memref<65536x512xf32, #tpu.memory_space<hbm>> -> memref<32x512xf32, #tpu.memory_space<hbm>>
    %dma_wait3A_2901 = arith.constant 0 : i32
    %dma_wait3A_2902 = arith.constant 0 : i32
    %dma_wait3A_2903 = arith.constant 0 : i32
    %dma_wait3A_2904 = tpu.memref_slice %arg9[%arg1, %dma_wait3A_2901, %dma_wait3A_2902, %dma_wait3A_2903] : memref<16x2x32x512xf32, #tpu.memory_space<vmem_shared>> -> memref<1x2x32x512xf32, #tpu.memory_space<vmem_shared>>
    %dma_wait3A_2905 = tpu.memref_squeeze %dma_wait3A_2904 : memref<1x2x32x512xf32, #tpu.memory_space<vmem_shared>> -> memref<2x32x512xf32, #tpu.memory_space<vmem_shared>>
    %dma_wait3A_2906 = arith.constant 0 : i32
    %dma_wait3A_2907 = arith.constant 0 : i32
    %dma_wait3A_2908 = tpu.memref_slice %dma_wait3A_2905[%dma_wait3A_2894, %dma_wait3A_2906, %dma_wait3A_2907] : memref<2x32x512xf32, #tpu.memory_space<vmem_shared>> -> memref<1x32x512xf32, #tpu.memory_space<vmem_shared>>
    %dma_wait3A_2909 = tpu.memref_squeeze %dma_wait3A_2908 : memref<1x32x512xf32, #tpu.memory_space<vmem_shared>> -> memref<32x512xf32, #tpu.memory_space<vmem_shared>>
    tpu.wait_dma2 semaphore(%dma_wait3A_2897 : memref<!tpu.dma_semaphore, #tpu.memory_space<semaphore_mem>>) src(%dma_wait3A_2909 : memref<32x512xf32, #tpu.memory_space<vmem_shared>>) dst(%dma_wait3A_2900 : memref<32x512xf32, #tpu.memory_space<hbm>>)
    %dma_start3A_2910 = arith.constant 1 : i32
    %dma_start3A_2911 = arith.constant 1 : i32
    %dma_start3A_2912 = tpu.memref_slice %arg12[%dma_start3A_2911] : memref<2x!tpu.dma_semaphore, #tpu.memory_space<semaphore_mem>> -> memref<1x!tpu.dma_semaphore, #tpu.memory_space<semaphore_mem>>
    %dma_start3A_2913 = tpu.memref_squeeze %dma_start3A_2912 : memref<1x!tpu.dma_semaphore, #tpu.memory_space<semaphore_mem>> -> memref<!tpu.dma_semaphore, #tpu.memory_space<semaphore_mem>>
    %dma_start3A_2914 = arith.constant 0 : i32
    %dma_start3A_2915 = arith.constant 0 : i32
    %dma_start3A_2916 = arith.constant 0 : i32
    %dma_start3A_2917 = tpu.memref_slice %arg9[%arg1, %dma_start3A_2914, %dma_start3A_2915, %dma_start3A_2916] : memref<16x2x32x512xf32, #tpu.memory_space<vmem_shared>> -> memref<1x2x32x512xf32, #tpu.memory_space<vmem_shared>>
    %dma_start3A_2918 = tpu.memref_squeeze %dma_start3A_2917 : memref<1x2x32x512xf32, #tpu.memory_space<vmem_shared>> -> memref<2x32x512xf32, #tpu.memory_space<vmem_shared>>
    %dma_start3A_2919 = arith.constant 0 : i32
    %dma_start3A_2920 = arith.constant 0 : i32
    %dma_start3A_2921 = tpu.memref_slice %dma_start3A_2918[%dma_start3A_2910, %dma_start3A_2919, %dma_start3A_2920] : memref<2x32x512xf32, #tpu.memory_space<vmem_shared>> -> memref<1x32x512xf32, #tpu.memory_space<vmem_shared>>
    %dma_start3A_2922 = tpu.memref_squeeze %dma_start3A_2921 : memref<1x32x512xf32, #tpu.memory_space<vmem_shared>> -> memref<32x512xf32, #tpu.memory_space<vmem_shared>>
    %dma_start3A_2923 = arith.constant 0 : i32
    %dma_start3A_2924 = tpu.memref_slice %arg2[%add3A_451, %dma_start3A_2923] : memref<65536x512xf32, #tpu.memory_space<hbm>> -> memref<32x512xf32, #tpu.memory_space<hbm>>
    tpu.enqueue_dma source(%dma_start3A_2924 : memref<32x512xf32, #tpu.memory_space<hbm>>) target(%dma_start3A_2922 : memref<32x512xf32, #tpu.memory_space<vmem_shared>>) target_semaphore(%dma_start3A_2913 : memref<!tpu.dma_semaphore, #tpu.memory_space<semaphore_mem>>)
    %dma_wait3A_2925 = arith.constant 1 : i32
    %dma_wait3A_2926 = arith.constant 1 : i32
    %dma_wait3A_2927 = arith.constant 0 : i32
    %dma_wait3A_2928 = arith.constant 0 : i32
    %dma_wait3A_2929 = tpu.memref_slice %arg8[%dma_wait3A_2925, %dma_wait3A_2927, %dma_wait3A_2928] : memref<2x64x512xf32, #tpu.memory_space<vmem>> -> memref<1x64x512xf32, #tpu.memory_space<vmem>>
    %dma_wait3A_2930 = tpu.memref_squeeze %dma_wait3A_2929 : memref<1x64x512xf32, #tpu.memory_space<vmem>> -> memref<64x512xf32, #tpu.memory_space<vmem>>
    %dma_wait3A_2931 = arith.constant 0 : i32
    %dma_wait3A_2932 = arith.constant 0 : i32
    %dma_wait3A_2933 = tpu.memref_slice %arg5[%dma_wait3A_2931, %dma_wait3A_2932] : memref<65536x512xf32, #tpu.memory_space<hbm>> -> memref<64x512xf32, #tpu.memory_space<hbm>>
    %dma_wait3A_2934 = tpu.memref_slice %arg11[%dma_wait3A_2926] : memref<2x!tpu.dma_semaphore, #tpu.memory_space<semaphore_mem>> -> memref<1x!tpu.dma_semaphore, #tpu.memory_space<semaphore_mem>>
    %dma_wait3A_2935 = tpu.memref_squeeze %dma_wait3A_2934 : memref<1x!tpu.dma_semaphore, #tpu.memory_space<semaphore_mem>> -> memref<!tpu.dma_semaphore, #tpu.memory_space<semaphore_mem>>
    %dma_wait3A_2936 = arith.constant 0 : i32
    %dma_wait3A_2937 = arith.constant 0 : i32
    %dma_wait3A_2938 = tpu.memref_slice %arg5[%dma_wait3A_2936, %dma_wait3A_2937] : memref<65536x512xf32, #tpu.memory_space<hbm>> -> memref<64x512xf32, #tpu.memory_space<hbm>>
    %dma_wait3A_2939 = arith.constant 0 : i32
    %dma_wait3A_2940 = arith.constant 0 : i32
    %dma_wait3A_2941 = tpu.memref_slice %arg8[%dma_wait3A_2925, %dma_wait3A_2939, %dma_wait3A_2940] : memref<2x64x512xf32, #tpu.memory_space<vmem>> -> memref<1x64x512xf32, #tpu.memory_space<vmem>>
    %dma_wait3A_2942 = tpu.memref_squeeze %dma_wait3A_2941 : memref<1x64x512xf32, #tpu.memory_space<vmem>> -> memref<64x512xf32, #tpu.memory_space<vmem>>
    tpu.wait_dma2 semaphore(%dma_wait3A_2935 : memref<!tpu.dma_semaphore, #tpu.memory_space<semaphore_mem>>) src(%dma_wait3A_2942 : memref<64x512xf32, #tpu.memory_space<vmem>>) dst(%dma_wait3A_2938 : memref<64x512xf32, #tpu.memory_space<hbm>>)
    %dma_start3A_2943 = arith.constant 1 : i32
    %dma_start3A_2944 = arith.constant 1 : i32
    %dma_start3A_2945 = arith.constant 0 : i32
    %dma_start3A_2946 = arith.constant 0 : i32
    %dma_start3A_2947 = tpu.memref_slice %arg8[%dma_start3A_2943, %dma_start3A_2945, %dma_start3A_2946] : memref<2x64x512xf32, #tpu.memory_space<vmem>> -> memref<1x64x512xf32, #tpu.memory_space<vmem>>
    %dma_start3A_2948 = tpu.memref_squeeze %dma_start3A_2947 : memref<1x64x512xf32, #tpu.memory_space<vmem>> -> memref<64x512xf32, #tpu.memory_space<vmem>>
    %dma_start3A_2949 = arith.constant 0 : i32
    %dma_start3A_2950 = tpu.memref_slice %arg2[%mul3A_125, %dma_start3A_2949] : memref<65536x512xf32, #tpu.memory_space<hbm>> -> memref<64x512xf32, #tpu.memory_space<hbm>>
    %dma_start3A_2951 = tpu.memref_slice %arg10[%dma_start3A_2944] : memref<2x!tpu.dma_semaphore, #tpu.memory_space<semaphore_mem>> -> memref<1x!tpu.dma_semaphore, #tpu.memory_space<semaphore_mem>>
    %dma_start3A_2952 = tpu.memref_squeeze %dma_start3A_2951 : memref<1x!tpu.dma_semaphore, #tpu.memory_space<semaphore_mem>> -> memref<!tpu.dma_semaphore, #tpu.memory_space<semaphore_mem>>
    %dma_start3A_2953 = arith.constant 0 : i32
    %dma_start3A_2954 = arith.constant 0 : i32
    %dma_start3A_2955 = tpu.memref_slice %arg8[%dma_start3A_2943, %dma_start3A_2953, %dma_start3A_2954] : memref<2x64x512xf32, #tpu.memory_space<vmem>> -> memref<1x64x512xf32, #tpu.memory_space<vmem>>
    %dma_start3A_2956 = tpu.memref_squeeze %dma_start3A_2955 : memref<1x64x512xf32, #tpu.memory_space<vmem>> -> memref<64x512xf32, #tpu.memory_space<vmem>>
    %dma_start3A_2957 = arith.constant 0 : i32
    %dma_start3A_2958 = tpu.memref_slice %arg2[%mul3A_125, %dma_start3A_2957] : memref<65536x512xf32, #tpu.memory_space<hbm>> -> memref<64x512xf32, #tpu.memory_space<hbm>>
    tpu.enqueue_dma source(%dma_start3A_2958 : memref<64x512xf32, #tpu.memory_space<hbm>>) target(%dma_start3A_2956 : memref<64x512xf32, #tpu.memory_space<vmem>>) target_semaphore(%dma_start3A_2952 : memref<!tpu.dma_semaphore, #tpu.memory_space<semaphore_mem>>)
    %dma_wait3A_2959 = arith.constant 1 : i32
    %dma_wait3A_2960 = arith.constant 1 : i32
    %dma_wait3A_2961 = tpu.memref_slice %arg12[%dma_wait3A_2960] : memref<2x!tpu.dma_semaphore, #tpu.memory_space<semaphore_mem>> -> memref<1x!tpu.dma_semaphore, #tpu.memory_space<semaphore_mem>>
    %dma_wait3A_2962 = tpu.memref_squeeze %dma_wait3A_2961 : memref<1x!tpu.dma_semaphore, #tpu.memory_space<semaphore_mem>> -> memref<!tpu.dma_semaphore, #tpu.memory_space<semaphore_mem>>
    %dma_wait3A_2963 = arith.constant 0 : i32
    %dma_wait3A_2964 = arith.constant 0 : i32
    %dma_wait3A_2965 = arith.constant 0 : i32
    %dma_wait3A_2966 = tpu.memref_slice %arg9[%arg1, %dma_wait3A_2963, %dma_wait3A_2964, %dma_wait3A_2965] : memref<16x2x32x512xf32, #tpu.memory_space<vmem_shared>> -> memref<1x2x32x512xf32, #tpu.memory_space<vmem_shared>>
    %dma_wait3A_2967 = tpu.memref_squeeze %dma_wait3A_2966 : memref<1x2x32x512xf32, #tpu.memory_space<vmem_shared>> -> memref<2x32x512xf32, #tpu.memory_space<vmem_shared>>
    %dma_wait3A_2968 = arith.constant 0 : i32
    %dma_wait3A_2969 = arith.constant 0 : i32
    %dma_wait3A_2970 = tpu.memref_slice %dma_wait3A_2967[%dma_wait3A_2959, %dma_wait3A_2968, %dma_wait3A_2969] : memref<2x32x512xf32, #tpu.memory_space<vmem_shared>> -> memref<1x32x512xf32, #tpu.memory_space<vmem_shared>>
    %dma_wait3A_2971 = tpu.memref_squeeze %dma_wait3A_2970 : memref<1x32x512xf32, #tpu.memory_space<vmem_shared>> -> memref<32x512xf32, #tpu.memory_space<vmem_shared>>
    %dma_wait3A_2972 = arith.constant 0 : i32
    %dma_wait3A_2973 = arith.constant 0 : i32
    %dma_wait3A_2974 = tpu.memref_slice %arg2[%dma_wait3A_2972, %dma_wait3A_2973] : memref<65536x512xf32, #tpu.memory_space<hbm>> -> memref<32x512xf32, #tpu.memory_space<hbm>>
    tpu.wait_dma2 semaphore(%dma_wait3A_2962 : memref<!tpu.dma_semaphore, #tpu.memory_space<semaphore_mem>>) src(%dma_wait3A_2974 : memref<32x512xf32, #tpu.memory_space<hbm>>) dst(%dma_wait3A_2971 : memref<32x512xf32, #tpu.memory_space<vmem_shared>>)
    %dma_start3A_2975 = arith.constant 1 : i32
    %dma_start3A_2976 = arith.constant 1 : i32
    %dma_start3A_2977 = tpu.memref_slice %arg13[%dma_start3A_2976] : memref<2x!tpu.dma_semaphore, #tpu.memory_space<semaphore_mem>> -> memref<1x!tpu.dma_semaphore, #tpu.memory_space<semaphore_mem>>
    %dma_start3A_2978 = tpu.memref_squeeze %dma_start3A_2977 : memref<1x!tpu.dma_semaphore, #tpu.memory_space<semaphore_mem>> -> memref<!tpu.dma_semaphore, #tpu.memory_space<semaphore_mem>>
    %dma_start3A_2979 = arith.constant 0 : i32
    %dma_start3A_2980 = tpu.memref_slice %arg5[%add3A_457, %dma_start3A_2979] : memref<65536x512xf32, #tpu.memory_space<hbm>> -> memref<32x512xf32, #tpu.memory_space<hbm>>
    %dma_start3A_2981 = arith.constant 0 : i32
    %dma_start3A_2982 = arith.constant 0 : i32
    %dma_start3A_2983 = arith.constant 0 : i32
    %dma_start3A_2984 = tpu.memref_slice %arg9[%arg1, %dma_start3A_2981, %dma_start3A_2982, %dma_start3A_2983] : memref<16x2x32x512xf32, #tpu.memory_space<vmem_shared>> -> memref<1x2x32x512xf32, #tpu.memory_space<vmem_shared>>
    %dma_start3A_2985 = tpu.memref_squeeze %dma_start3A_2984 : memref<1x2x32x512xf32, #tpu.memory_space<vmem_shared>> -> memref<2x32x512xf32, #tpu.memory_space<vmem_shared>>
    %dma_start3A_2986 = arith.constant 0 : i32
    %dma_start3A_2987 = arith.constant 0 : i32
    %dma_start3A_2988 = tpu.memref_slice %dma_start3A_2985[%dma_start3A_2975, %dma_start3A_2986, %dma_start3A_2987] : memref<2x32x512xf32, #tpu.memory_space<vmem_shared>> -> memref<1x32x512xf32, #tpu.memory_space<vmem_shared>>
    %dma_start3A_2989 = tpu.memref_squeeze %dma_start3A_2988 : memref<1x32x512xf32, #tpu.memory_space<vmem_shared>> -> memref<32x512xf32, #tpu.memory_space<vmem_shared>>
    tpu.enqueue_dma source(%dma_start3A_2989 : memref<32x512xf32, #tpu.memory_space<vmem_shared>>) target(%dma_start3A_2980 : memref<32x512xf32, #tpu.memory_space<hbm>>) target_semaphore(%dma_start3A_2978 : memref<!tpu.dma_semaphore, #tpu.memory_space<semaphore_mem>>)
    %dma_wait3A_2990 = arith.constant 0 : i32
    %dma_wait3A_2991 = arith.constant 0 : i32
    %dma_wait3A_2992 = tpu.memref_slice %arg13[%dma_wait3A_2991] : memref<2x!tpu.dma_semaphore, #tpu.memory_space<semaphore_mem>> -> memref<1x!tpu.dma_semaphore, #tpu.memory_space<semaphore_mem>>
    %dma_wait3A_2993 = tpu.memref_squeeze %dma_wait3A_2992 : memref<1x!tpu.dma_semaphore, #tpu.memory_space<semaphore_mem>> -> memref<!tpu.dma_semaphore, #tpu.memory_space<semaphore_mem>>
    %dma_wait3A_2994 = arith.constant 0 : i32
    %dma_wait3A_2995 = arith.constant 0 : i32
    %dma_wait3A_2996 = tpu.memref_slice %arg5[%dma_wait3A_2994, %dma_wait3A_2995] : memref<65536x512xf32, #tpu.memory_space<hbm>> -> memref<32x512xf32, #tpu.memory_space<hbm>>
    %dma_wait3A_2997 = arith.constant 0 : i32
    %dma_wait3A_2998 = arith.constant 0 : i32
    %dma_wait3A_2999 = arith.constant 0 : i32
    %dma_wait3A_3000 = tpu.memref_slice %arg9[%arg1, %dma_wait3A_2997, %dma_wait3A_2998, %dma_wait3A_2999] : memref<16x2x32x512xf32, #tpu.memory_space<vmem_shared>> -> memref<1x2x32x512xf32, #tpu.memory_space<vmem_shared>>
    %dma_wait3A_3001 = tpu.memref_squeeze %dma_wait3A_3000 : memref<1x2x32x512xf32, #tpu.memory_space<vmem_shared>> -> memref<2x32x512xf32, #tpu.memory_space<vmem_shared>>
    %dma_wait3A_3002 = arith.constant 0 : i32
    %dma_wait3A_3003 = arith.constant 0 : i32
    %dma_wait3A_3004 = tpu.memref_slice %dma_wait3A_3001[%dma_wait3A_2990, %dma_wait3A_3002, %dma_wait3A_3003] : memref<2x32x512xf32, #tpu.memory_space<vmem_shared>> -> memref<1x32x512xf32, #tpu.memory_space<vmem_shared>>
    %dma_wait3A_3005 = tpu.memref_squeeze %dma_wait3A_3004 : memref<1x32x512xf32, #tpu.memory_space<vmem_shared>> -> memref<32x512xf32, #tpu.memory_space<vmem_shared>>
    tpu.wait_dma2 semaphore(%dma_wait3A_2993 : memref<!tpu.dma_semaphore, #tpu.memory_space<semaphore_mem>>) src(%dma_wait3A_3005 : memref<32x512xf32, #tpu.memory_space<vmem_shared>>) dst(%dma_wait3A_2996 : memref<32x512xf32, #tpu.memory_space<hbm>>)
    %dma_start3A_3006 = arith.constant 0 : i32
    %dma_start3A_3007 = arith.constant 0 : i32
    %dma_start3A_3008 = tpu.memref_slice %arg12[%dma_start3A_3007] : memref<2x!tpu.dma_semaphore, #tpu.memory_space<semaphore_mem>> -> memref<1x!tpu.dma_semaphore, #tpu.memory_space<semaphore_mem>>
    %dma_start3A_3009 = tpu.memref_squeeze %dma_start3A_3008 : memref<1x!tpu.dma_semaphore, #tpu.memory_space<semaphore_mem>> -> memref<!tpu.dma_semaphore, #tpu.memory_space<semaphore_mem>>
    %dma_start3A_3010 = arith.constant 0 : i32
    %dma_start3A_3011 = arith.constant 0 : i32
    %dma_start3A_3012 = arith.constant 0 : i32
    %dma_start3A_3013 = tpu.memref_slice %arg9[%arg1, %dma_start3A_3010, %dma_start3A_3011, %dma_start3A_3012] : memref<16x2x32x512xf32, #tpu.memory_space<vmem_shared>> -> memref<1x2x32x512xf32, #tpu.memory_space<vmem_shared>>
    %dma_start3A_3014 = tpu.memref_squeeze %dma_start3A_3013 : memref<1x2x32x512xf32, #tpu.memory_space<vmem_shared>> -> memref<2x32x512xf32, #tpu.memory_space<vmem_shared>>
    %dma_start3A_3015 = arith.constant 0 : i32
    %dma_start3A_3016 = arith.constant 0 : i32
    %dma_start3A_3017 = tpu.memref_slice %dma_start3A_3014[%dma_start3A_3006, %dma_start3A_3015, %dma_start3A_3016] : memref<2x32x512xf32, #tpu.memory_space<vmem_shared>> -> memref<1x32x512xf32, #tpu.memory_space<vmem_shared>>
    %dma_start3A_3018 = tpu.memref_squeeze %dma_start3A_3017 : memref<1x32x512xf32, #tpu.memory_space<vmem_shared>> -> memref<32x512xf32, #tpu.memory_space<vmem_shared>>
    %dma_start3A_3019 = arith.constant 0 : i32
    %dma_start3A_3020 = tpu.memref_slice %arg2[%add3A_463, %dma_start3A_3019] : memref<65536x512xf32, #tpu.memory_space<hbm>> -> memref<32x512xf32, #tpu.memory_space<hbm>>
    tpu.enqueue_dma source(%dma_start3A_3020 : memref<32x512xf32, #tpu.memory_space<hbm>>) target(%dma_start3A_3018 : memref<32x512xf32, #tpu.memory_space<vmem_shared>>) target_semaphore(%dma_start3A_3009 : memref<!tpu.dma_semaphore, #tpu.memory_space<semaphore_mem>>)
    %dma_wait3A_3021 = arith.constant 1 : i32
    %dma_wait3A_3022 = arith.constant 1 : i32
    %dma_wait3A_3023 = arith.constant 0 : i32
    %dma_wait3A_3024 = arith.constant 0 : i32
    %dma_wait3A_3025 = tpu.memref_slice %arg8[%dma_wait3A_3021, %dma_wait3A_3023, %dma_wait3A_3024] : memref<2x64x512xf32, #tpu.memory_space<vmem>> -> memref<1x64x512xf32, #tpu.memory_space<vmem>>
    %dma_wait3A_3026 = tpu.memref_squeeze %dma_wait3A_3025 : memref<1x64x512xf32, #tpu.memory_space<vmem>> -> memref<64x512xf32, #tpu.memory_space<vmem>>
    %dma_wait3A_3027 = arith.constant 0 : i32
    %dma_wait3A_3028 = arith.constant 0 : i32
    %dma_wait3A_3029 = tpu.memref_slice %arg2[%dma_wait3A_3027, %dma_wait3A_3028] : memref<65536x512xf32, #tpu.memory_space<hbm>> -> memref<64x512xf32, #tpu.memory_space<hbm>>
    %dma_wait3A_3030 = tpu.memref_slice %arg10[%dma_wait3A_3022] : memref<2x!tpu.dma_semaphore, #tpu.memory_space<semaphore_mem>> -> memref<1x!tpu.dma_semaphore, #tpu.memory_space<semaphore_mem>>
    %dma_wait3A_3031 = tpu.memref_squeeze %dma_wait3A_3030 : memref<1x!tpu.dma_semaphore, #tpu.memory_space<semaphore_mem>> -> memref<!tpu.dma_semaphore, #tpu.memory_space<semaphore_mem>>
    %dma_wait3A_3032 = arith.constant 0 : i32
    %dma_wait3A_3033 = arith.constant 0 : i32
    %dma_wait3A_3034 = tpu.memref_slice %arg8[%dma_wait3A_3021, %dma_wait3A_3032, %dma_wait3A_3033] : memref<2x64x512xf32, #tpu.memory_space<vmem>> -> memref<1x64x512xf32, #tpu.memory_space<vmem>>
    %dma_wait3A_3035 = tpu.memref_squeeze %dma_wait3A_3034 : memref<1x64x512xf32, #tpu.memory_space<vmem>> -> memref<64x512xf32, #tpu.memory_space<vmem>>
    %dma_wait3A_3036 = arith.constant 0 : i32
    %dma_wait3A_3037 = arith.constant 0 : i32
    %dma_wait3A_3038 = tpu.memref_slice %arg2[%dma_wait3A_3036, %dma_wait3A_3037] : memref<65536x512xf32, #tpu.memory_space<hbm>> -> memref<64x512xf32, #tpu.memory_space<hbm>>
    tpu.wait_dma2 semaphore(%dma_wait3A_3031 : memref<!tpu.dma_semaphore, #tpu.memory_space<semaphore_mem>>) src(%dma_wait3A_3038 : memref<64x512xf32, #tpu.memory_space<hbm>>) dst(%dma_wait3A_3035 : memref<64x512xf32, #tpu.memory_space<vmem>>)
    %dma_start3A_3039 = arith.constant 1 : i32
    %dma_start3A_3040 = arith.constant 1 : i32
    %dma_start3A_3041 = arith.constant 0 : i32
    %dma_start3A_3042 = arith.constant 0 : i32
    %dma_start3A_3043 = tpu.memref_slice %arg8[%dma_start3A_3039, %dma_start3A_3041, %dma_start3A_3042] : memref<2x64x512xf32, #tpu.memory_space<vmem>> -> memref<1x64x512xf32, #tpu.memory_space<vmem>>
    %dma_start3A_3044 = tpu.memref_squeeze %dma_start3A_3043 : memref<1x64x512xf32, #tpu.memory_space<vmem>> -> memref<64x512xf32, #tpu.memory_space<vmem>>
    %dma_start3A_3045 = arith.constant 0 : i32
    %dma_start3A_3046 = tpu.memref_slice %arg5[%mul3A_129, %dma_start3A_3045] : memref<65536x512xf32, #tpu.memory_space<hbm>> -> memref<64x512xf32, #tpu.memory_space<hbm>>
    %dma_start3A_3047 = tpu.memref_slice %arg11[%dma_start3A_3040] : memref<2x!tpu.dma_semaphore, #tpu.memory_space<semaphore_mem>> -> memref<1x!tpu.dma_semaphore, #tpu.memory_space<semaphore_mem>>
    %dma_start3A_3048 = tpu.memref_squeeze %dma_start3A_3047 : memref<1x!tpu.dma_semaphore, #tpu.memory_space<semaphore_mem>> -> memref<!tpu.dma_semaphore, #tpu.memory_space<semaphore_mem>>
    %dma_start3A_3049 = arith.constant 0 : i32
    %dma_start3A_3050 = tpu.memref_slice %arg5[%mul3A_129, %dma_start3A_3049] : memref<65536x512xf32, #tpu.memory_space<hbm>> -> memref<64x512xf32, #tpu.memory_space<hbm>>
    %dma_start3A_3051 = arith.constant 0 : i32
    %dma_start3A_3052 = arith.constant 0 : i32
    %dma_start3A_3053 = tpu.memref_slice %arg8[%dma_start3A_3039, %dma_start3A_3051, %dma_start3A_3052] : memref<2x64x512xf32, #tpu.memory_space<vmem>> -> memref<1x64x512xf32, #tpu.memory_space<vmem>>
    %dma_start3A_3054 = tpu.memref_squeeze %dma_start3A_3053 : memref<1x64x512xf32, #tpu.memory_space<vmem>> -> memref<64x512xf32, #tpu.memory_space<vmem>>
    tpu.enqueue_dma source(%dma_start3A_3054 : memref<64x512xf32, #tpu.memory_space<vmem>>) target(%dma_start3A_3050 : memref<64x512xf32, #tpu.memory_space<hbm>>) target_semaphore(%dma_start3A_3048 : memref<!tpu.dma_semaphore, #tpu.memory_space<semaphore_mem>>)
    %dma_wait3A_3055 = arith.constant 0 : i32
    %dma_wait3A_3056 = arith.constant 0 : i32
    %dma_wait3A_3057 = tpu.memref_slice %arg12[%dma_wait3A_3056] : memref<2x!tpu.dma_semaphore, #tpu.memory_space<semaphore_mem>> -> memref<1x!tpu.dma_semaphore, #tpu.memory_space<semaphore_mem>>
    %dma_wait3A_3058 = tpu.memref_squeeze %dma_wait3A_3057 : memref<1x!tpu.dma_semaphore, #tpu.memory_space<semaphore_mem>> -> memref<!tpu.dma_semaphore, #tpu.memory_space<semaphore_mem>>
    %dma_wait3A_3059 = arith.constant 0 : i32
    %dma_wait3A_3060 = arith.constant 0 : i32
    %dma_wait3A_3061 = arith.constant 0 : i32
    %dma_wait3A_3062 = tpu.memref_slice %arg9[%arg1, %dma_wait3A_3059, %dma_wait3A_3060, %dma_wait3A_3061] : memref<16x2x32x512xf32, #tpu.memory_space<vmem_shared>> -> memref<1x2x32x512xf32, #tpu.memory_space<vmem_shared>>
    %dma_wait3A_3063 = tpu.memref_squeeze %dma_wait3A_3062 : memref<1x2x32x512xf32, #tpu.memory_space<vmem_shared>> -> memref<2x32x512xf32, #tpu.memory_space<vmem_shared>>
    %dma_wait3A_3064 = arith.constant 0 : i32
    %dma_wait3A_3065 = arith.constant 0 : i32
    %dma_wait3A_3066 = tpu.memref_slice %dma_wait3A_3063[%dma_wait3A_3055, %dma_wait3A_3064, %dma_wait3A_3065] : memref<2x32x512xf32, #tpu.memory_space<vmem_shared>> -> memref<1x32x512xf32, #tpu.memory_space<vmem_shared>>
    %dma_wait3A_3067 = tpu.memref_squeeze %dma_wait3A_3066 : memref<1x32x512xf32, #tpu.memory_space<vmem_shared>> -> memref<32x512xf32, #tpu.memory_space<vmem_shared>>
    %dma_wait3A_3068 = arith.constant 0 : i32
    %dma_wait3A_3069 = arith.constant 0 : i32
    %dma_wait3A_3070 = tpu.memref_slice %arg2[%dma_wait3A_3068, %dma_wait3A_3069] : memref<65536x512xf32, #tpu.memory_space<hbm>> -> memref<32x512xf32, #tpu.memory_space<hbm>>
    tpu.wait_dma2 semaphore(%dma_wait3A_3058 : memref<!tpu.dma_semaphore, #tpu.memory_space<semaphore_mem>>) src(%dma_wait3A_3070 : memref<32x512xf32, #tpu.memory_space<hbm>>) dst(%dma_wait3A_3067 : memref<32x512xf32, #tpu.memory_space<vmem_shared>>)
    %dma_start3A_3071 = arith.constant 0 : i32
    %dma_start3A_3072 = arith.constant 0 : i32
    %dma_start3A_3073 = tpu.memref_slice %arg13[%dma_start3A_3072] : memref<2x!tpu.dma_semaphore, #tpu.memory_space<semaphore_mem>> -> memref<1x!tpu.dma_semaphore, #tpu.memory_space<semaphore_mem>>
    %dma_start3A_3074 = tpu.memref_squeeze %dma_start3A_3073 : memref<1x!tpu.dma_semaphore, #tpu.memory_space<semaphore_mem>> -> memref<!tpu.dma_semaphore, #tpu.memory_space<semaphore_mem>>
    %dma_start3A_3075 = arith.constant 0 : i32
    %dma_start3A_3076 = tpu.memref_slice %arg5[%add3A_469, %dma_start3A_3075] : memref<65536x512xf32, #tpu.memory_space<hbm>> -> memref<32x512xf32, #tpu.memory_space<hbm>>
    %dma_start3A_3077 = arith.constant 0 : i32
    %dma_start3A_3078 = arith.constant 0 : i32
    %dma_start3A_3079 = arith.constant 0 : i32
    %dma_start3A_3080 = tpu.memref_slice %arg9[%arg1, %dma_start3A_3077, %dma_start3A_3078, %dma_start3A_3079] : memref<16x2x32x512xf32, #tpu.memory_space<vmem_shared>> -> memref<1x2x32x512xf32, #tpu.memory_space<vmem_shared>>
    %dma_start3A_3081 = tpu.memref_squeeze %dma_start3A_3080 : memref<1x2x32x512xf32, #tpu.memory_space<vmem_shared>> -> memref<2x32x512xf32, #tpu.memory_space<vmem_shared>>
    %dma_start3A_3082 = arith.constant 0 : i32
    %dma_start3A_3083 = arith.constant 0 : i32
    %dma_start3A_3084 = tpu.memref_slice %dma_start3A_3081[%dma_start3A_3071, %dma_start3A_3082, %dma_start3A_3083] : memref<2x32x512xf32, #tpu.memory_space<vmem_shared>> -> memref<1x32x512xf32, #tpu.memory_space<vmem_shared>>
    %dma_start3A_3085 = tpu.memref_squeeze %dma_start3A_3084 : memref<1x32x512xf32, #tpu.memory_space<vmem_shared>> -> memref<32x512xf32, #tpu.memory_space<vmem_shared>>
    tpu.enqueue_dma source(%dma_start3A_3085 : memref<32x512xf32, #tpu.memory_space<vmem_shared>>) target(%dma_start3A_3076 : memref<32x512xf32, #tpu.memory_space<hbm>>) target_semaphore(%dma_start3A_3074 : memref<!tpu.dma_semaphore, #tpu.memory_space<semaphore_mem>>)
    %dma_wait3A_3086 = arith.constant 1 : i32
    %dma_wait3A_3087 = arith.constant 1 : i32
    %dma_wait3A_3088 = tpu.memref_slice %arg13[%dma_wait3A_3087] : memref<2x!tpu.dma_semaphore, #tpu.memory_space<semaphore_mem>> -> memref<1x!tpu.dma_semaphore, #tpu.memory_space<semaphore_mem>>
    %dma_wait3A_3089 = tpu.memref_squeeze %dma_wait3A_3088 : memref<1x!tpu.dma_semaphore, #tpu.memory_space<semaphore_mem>> -> memref<!tpu.dma_semaphore, #tpu.memory_space<semaphore_mem>>
    %dma_wait3A_3090 = arith.constant 0 : i32
    %dma_wait3A_3091 = arith.constant 0 : i32
    %dma_wait3A_3092 = tpu.memref_slice %arg5[%dma_wait3A_3090, %dma_wait3A_3091] : memref<65536x512xf32, #tpu.memory_space<hbm>> -> memref<32x512xf32, #tpu.memory_space<hbm>>
    %dma_wait3A_3093 = arith.constant 0 : i32
    %dma_wait3A_3094 = arith.constant 0 : i32
    %dma_wait3A_3095 = arith.constant 0 : i32
    %dma_wait3A_3096 = tpu.memref_slice %arg9[%arg1, %dma_wait3A_3093, %dma_wait3A_3094, %dma_wait3A_3095] : memref<16x2x32x512xf32, #tpu.memory_space<vmem_shared>> -> memref<1x2x32x512xf32, #tpu.memory_space<vmem_shared>>
    %dma_wait3A_3097 = tpu.memref_squeeze %dma_wait3A_3096 : memref<1x2x32x512xf32, #tpu.memory_space<vmem_shared>> -> memref<2x32x512xf32, #tpu.memory_space<vmem_shared>>
    %dma_wait3A_3098 = arith.constant 0 : i32
    %dma_wait3A_3099 = arith.constant 0 : i32
    %dma_wait3A_3100 = tpu.memref_slice %dma_wait3A_3097[%dma_wait3A_3086, %dma_wait3A_3098, %dma_wait3A_3099] : memref<2x32x512xf32, #tpu.memory_space<vmem_shared>> -> memref<1x32x512xf32, #tpu.memory_space<vmem_shared>>
    %dma_wait3A_3101 = tpu.memref_squeeze %dma_wait3A_3100 : memref<1x32x512xf32, #tpu.memory_space<vmem_shared>> -> memref<32x512xf32, #tpu.memory_space<vmem_shared>>
    tpu.wait_dma2 semaphore(%dma_wait3A_3089 : memref<!tpu.dma_semaphore, #tpu.memory_space<semaphore_mem>>) src(%dma_wait3A_3101 : memref<32x512xf32, #tpu.memory_space<vmem_shared>>) dst(%dma_wait3A_3092 : memref<32x512xf32, #tpu.memory_space<hbm>>)
    %dma_start3A_3102 = arith.constant 1 : i32
    %dma_start3A_3103 = arith.constant 1 : i32
    %dma_start3A_3104 = tpu.memref_slice %arg12[%dma_start3A_3103] : memref<2x!tpu.dma_semaphore, #tpu.memory_space<semaphore_mem>> -> memref<1x!tpu.dma_semaphore, #tpu.memory_space<semaphore_mem>>
    %dma_start3A_3105 = tpu.memref_squeeze %dma_start3A_3104 : memref<1x!tpu.dma_semaphore, #tpu.memory_space<semaphore_mem>> -> memref<!tpu.dma_semaphore, #tpu.memory_space<semaphore_mem>>
    %dma_start3A_3106 = arith.constant 0 : i32
    %dma_start3A_3107 = arith.constant 0 : i32
    %dma_start3A_3108 = arith.constant 0 : i32
    %dma_start3A_3109 = tpu.memref_slice %arg9[%arg1, %dma_start3A_3106, %dma_start3A_3107, %dma_start3A_3108] : memref<16x2x32x512xf32, #tpu.memory_space<vmem_shared>> -> memref<1x2x32x512xf32, #tpu.memory_space<vmem_shared>>
    %dma_start3A_3110 = tpu.memref_squeeze %dma_start3A_3109 : memref<1x2x32x512xf32, #tpu.memory_space<vmem_shared>> -> memref<2x32x512xf32, #tpu.memory_space<vmem_shared>>
    %dma_start3A_3111 = arith.constant 0 : i32
    %dma_start3A_3112 = arith.constant 0 : i32
    %dma_start3A_3113 = tpu.memref_slice %dma_start3A_3110[%dma_start3A_3102, %dma_start3A_3111, %dma_start3A_3112] : memref<2x32x512xf32, #tpu.memory_space<vmem_shared>> -> memref<1x32x512xf32, #tpu.memory_space<vmem_shared>>
    %dma_start3A_3114 = tpu.memref_squeeze %dma_start3A_3113 : memref<1x32x512xf32, #tpu.memory_space<vmem_shared>> -> memref<32x512xf32, #tpu.memory_space<vmem_shared>>
    %dma_start3A_3115 = arith.constant 0 : i32
    %dma_start3A_3116 = tpu.memref_slice %arg2[%add3A_475, %dma_start3A_3115] : memref<65536x512xf32, #tpu.memory_space<hbm>> -> memref<32x512xf32, #tpu.memory_space<hbm>>
    tpu.enqueue_dma source(%dma_start3A_3116 : memref<32x512xf32, #tpu.memory_space<hbm>>) target(%dma_start3A_3114 : memref<32x512xf32, #tpu.memory_space<vmem_shared>>) target_semaphore(%dma_start3A_3105 : memref<!tpu.dma_semaphore, #tpu.memory_space<semaphore_mem>>)
    %dma_wait3A_3117 = arith.constant 0 : i32
    %dma_wait3A_3118 = arith.constant 0 : i32
    %dma_wait3A_3119 = arith.constant 0 : i32
    %dma_wait3A_3120 = arith.constant 0 : i32
    %dma_wait3A_3121 = tpu.memref_slice %arg8[%dma_wait3A_3117, %dma_wait3A_3119, %dma_wait3A_3120] : memref<2x64x512xf32, #tpu.memory_space<vmem>> -> memref<1x64x512xf32, #tpu.memory_space<vmem>>
    %dma_wait3A_3122 = tpu.memref_squeeze %dma_wait3A_3121 : memref<1x64x512xf32, #tpu.memory_space<vmem>> -> memref<64x512xf32, #tpu.memory_space<vmem>>
    %dma_wait3A_3123 = arith.constant 0 : i32
    %dma_wait3A_3124 = arith.constant 0 : i32
    %dma_wait3A_3125 = tpu.memref_slice %arg5[%dma_wait3A_3123, %dma_wait3A_3124] : memref<65536x512xf32, #tpu.memory_space<hbm>> -> memref<64x512xf32, #tpu.memory_space<hbm>>
    %dma_wait3A_3126 = tpu.memref_slice %arg11[%dma_wait3A_3118] : memref<2x!tpu.dma_semaphore, #tpu.memory_space<semaphore_mem>> -> memref<1x!tpu.dma_semaphore, #tpu.memory_space<semaphore_mem>>
    %dma_wait3A_3127 = tpu.memref_squeeze %dma_wait3A_3126 : memref<1x!tpu.dma_semaphore, #tpu.memory_space<semaphore_mem>> -> memref<!tpu.dma_semaphore, #tpu.memory_space<semaphore_mem>>
    %dma_wait3A_3128 = arith.constant 0 : i32
    %dma_wait3A_3129 = arith.constant 0 : i32
    %dma_wait3A_3130 = tpu.memref_slice %arg5[%dma_wait3A_3128, %dma_wait3A_3129] : memref<65536x512xf32, #tpu.memory_space<hbm>> -> memref<64x512xf32, #tpu.memory_space<hbm>>
    %dma_wait3A_3131 = arith.constant 0 : i32
    %dma_wait3A_3132 = arith.constant 0 : i32
    %dma_wait3A_3133 = tpu.memref_slice %arg8[%dma_wait3A_3117, %dma_wait3A_3131, %dma_wait3A_3132] : memref<2x64x512xf32, #tpu.memory_space<vmem>> -> memref<1x64x512xf32, #tpu.memory_space<vmem>>
    %dma_wait3A_3134 = tpu.memref_squeeze %dma_wait3A_3133 : memref<1x64x512xf32, #tpu.memory_space<vmem>> -> memref<64x512xf32, #tpu.memory_space<vmem>>
    tpu.wait_dma2 semaphore(%dma_wait3A_3127 : memref<!tpu.dma_semaphore, #tpu.memory_space<semaphore_mem>>) src(%dma_wait3A_3134 : memref<64x512xf32, #tpu.memory_space<vmem>>) dst(%dma_wait3A_3130 : memref<64x512xf32, #tpu.memory_space<hbm>>)
    %dma_start3A_3135 = arith.constant 0 : i32
    %dma_start3A_3136 = arith.constant 0 : i32
    %dma_start3A_3137 = arith.constant 0 : i32
    %dma_start3A_3138 = arith.constant 0 : i32
    %dma_start3A_3139 = tpu.memref_slice %arg8[%dma_start3A_3135, %dma_start3A_3137, %dma_start3A_3138] : memref<2x64x512xf32, #tpu.memory_space<vmem>> -> memref<1x64x512xf32, #tpu.memory_space<vmem>>
    %dma_start3A_3140 = tpu.memref_squeeze %dma_start3A_3139 : memref<1x64x512xf32, #tpu.memory_space<vmem>> -> memref<64x512xf32, #tpu.memory_space<vmem>>
    %dma_start3A_3141 = arith.constant 0 : i32
    %dma_start3A_3142 = tpu.memref_slice %arg2[%mul3A_133, %dma_start3A_3141] : memref<65536x512xf32, #tpu.memory_space<hbm>> -> memref<64x512xf32, #tpu.memory_space<hbm>>
    %dma_start3A_3143 = tpu.memref_slice %arg10[%dma_start3A_3136] : memref<2x!tpu.dma_semaphore, #tpu.memory_space<semaphore_mem>> -> memref<1x!tpu.dma_semaphore, #tpu.memory_space<semaphore_mem>>
    %dma_start3A_3144 = tpu.memref_squeeze %dma_start3A_3143 : memref<1x!tpu.dma_semaphore, #tpu.memory_space<semaphore_mem>> -> memref<!tpu.dma_semaphore, #tpu.memory_space<semaphore_mem>>
    %dma_start3A_3145 = arith.constant 0 : i32
    %dma_start3A_3146 = arith.constant 0 : i32
    %dma_start3A_3147 = tpu.memref_slice %arg8[%dma_start3A_3135, %dma_start3A_3145, %dma_start3A_3146] : memref<2x64x512xf32, #tpu.memory_space<vmem>> -> memref<1x64x512xf32, #tpu.memory_space<vmem>>
    %dma_start3A_3148 = tpu.memref_squeeze %dma_start3A_3147 : memref<1x64x512xf32, #tpu.memory_space<vmem>> -> memref<64x512xf32, #tpu.memory_space<vmem>>
    %dma_start3A_3149 = arith.constant 0 : i32
    %dma_start3A_3150 = tpu.memref_slice %arg2[%mul3A_133, %dma_start3A_3149] : memref<65536x512xf32, #tpu.memory_space<hbm>> -> memref<64x512xf32, #tpu.memory_space<hbm>>
    tpu.enqueue_dma source(%dma_start3A_3150 : memref<64x512xf32, #tpu.memory_space<hbm>>) target(%dma_start3A_3148 : memref<64x512xf32, #tpu.memory_space<vmem>>) target_semaphore(%dma_start3A_3144 : memref<!tpu.dma_semaphore, #tpu.memory_space<semaphore_mem>>)
    %dma_wait3A_3151 = arith.constant 1 : i32
    %dma_wait3A_3152 = arith.constant 1 : i32
    %dma_wait3A_3153 = tpu.memref_slice %arg12[%dma_wait3A_3152] : memref<2x!tpu.dma_semaphore, #tpu.memory_space<semaphore_mem>> -> memref<1x!tpu.dma_semaphore, #tpu.memory_space<semaphore_mem>>
    %dma_wait3A_3154 = tpu.memref_squeeze %dma_wait3A_3153 : memref<1x!tpu.dma_semaphore, #tpu.memory_space<semaphore_mem>> -> memref<!tpu.dma_semaphore, #tpu.memory_space<semaphore_mem>>
    %dma_wait3A_3155 = arith.constant 0 : i32
    %dma_wait3A_3156 = arith.constant 0 : i32
    %dma_wait3A_3157 = arith.constant 0 : i32
    %dma_wait3A_3158 = tpu.memref_slice %arg9[%arg1, %dma_wait3A_3155, %dma_wait3A_3156, %dma_wait3A_3157] : memref<16x2x32x512xf32, #tpu.memory_space<vmem_shared>> -> memref<1x2x32x512xf32, #tpu.memory_space<vmem_shared>>
    %dma_wait3A_3159 = tpu.memref_squeeze %dma_wait3A_3158 : memref<1x2x32x512xf32, #tpu.memory_space<vmem_shared>> -> memref<2x32x512xf32, #tpu.memory_space<vmem_shared>>
    %dma_wait3A_3160 = arith.constant 0 : i32
    %dma_wait3A_3161 = arith.constant 0 : i32
    %dma_wait3A_3162 = tpu.memref_slice %dma_wait3A_3159[%dma_wait3A_3151, %dma_wait3A_3160, %dma_wait3A_3161] : memref<2x32x512xf32, #tpu.memory_space<vmem_shared>> -> memref<1x32x512xf32, #tpu.memory_space<vmem_shared>>
    %dma_wait3A_3163 = tpu.memref_squeeze %dma_wait3A_3162 : memref<1x32x512xf32, #tpu.memory_space<vmem_shared>> -> memref<32x512xf32, #tpu.memory_space<vmem_shared>>
    %dma_wait3A_3164 = arith.constant 0 : i32
    %dma_wait3A_3165 = arith.constant 0 : i32
    %dma_wait3A_3166 = tpu.memref_slice %arg2[%dma_wait3A_3164, %dma_wait3A_3165] : memref<65536x512xf32, #tpu.memory_space<hbm>> -> memref<32x512xf32, #tpu.memory_space<hbm>>
    tpu.wait_dma2 semaphore(%dma_wait3A_3154 : memref<!tpu.dma_semaphore, #tpu.memory_space<semaphore_mem>>) src(%dma_wait3A_3166 : memref<32x512xf32, #tpu.memory_space<hbm>>) dst(%dma_wait3A_3163 : memref<32x512xf32, #tpu.memory_space<vmem_shared>>)
    %dma_start3A_3167 = arith.constant 1 : i32
    %dma_start3A_3168 = arith.constant 1 : i32
    %dma_start3A_3169 = tpu.memref_slice %arg13[%dma_start3A_3168] : memref<2x!tpu.dma_semaphore, #tpu.memory_space<semaphore_mem>> -> memref<1x!tpu.dma_semaphore, #tpu.memory_space<semaphore_mem>>
    %dma_start3A_3170 = tpu.memref_squeeze %dma_start3A_3169 : memref<1x!tpu.dma_semaphore, #tpu.memory_space<semaphore_mem>> -> memref<!tpu.dma_semaphore, #tpu.memory_space<semaphore_mem>>
    %dma_start3A_3171 = arith.constant 0 : i32
    %dma_start3A_3172 = tpu.memref_slice %arg5[%add3A_481, %dma_start3A_3171] : memref<65536x512xf32, #tpu.memory_space<hbm>> -> memref<32x512xf32, #tpu.memory_space<hbm>>
    %dma_start3A_3173 = arith.constant 0 : i32
    %dma_start3A_3174 = arith.constant 0 : i32
    %dma_start3A_3175 = arith.constant 0 : i32
    %dma_start3A_3176 = tpu.memref_slice %arg9[%arg1, %dma_start3A_3173, %dma_start3A_3174, %dma_start3A_3175] : memref<16x2x32x512xf32, #tpu.memory_space<vmem_shared>> -> memref<1x2x32x512xf32, #tpu.memory_space<vmem_shared>>
    %dma_start3A_3177 = tpu.memref_squeeze %dma_start3A_3176 : memref<1x2x32x512xf32, #tpu.memory_space<vmem_shared>> -> memref<2x32x512xf32, #tpu.memory_space<vmem_shared>>
    %dma_start3A_3178 = arith.constant 0 : i32
    %dma_start3A_3179 = arith.constant 0 : i32
    %dma_start3A_3180 = tpu.memref_slice %dma_start3A_3177[%dma_start3A_3167, %dma_start3A_3178, %dma_start3A_3179] : memref<2x32x512xf32, #tpu.memory_space<vmem_shared>> -> memref<1x32x512xf32, #tpu.memory_space<vmem_shared>>
    %dma_start3A_3181 = tpu.memref_squeeze %dma_start3A_3180 : memref<1x32x512xf32, #tpu.memory_space<vmem_shared>> -> memref<32x512xf32, #tpu.memory_space<vmem_shared>>
    tpu.enqueue_dma source(%dma_start3A_3181 : memref<32x512xf32, #tpu.memory_space<vmem_shared>>) target(%dma_start3A_3172 : memref<32x512xf32, #tpu.memory_space<hbm>>) target_semaphore(%dma_start3A_3170 : memref<!tpu.dma_semaphore, #tpu.memory_space<semaphore_mem>>)
    %dma_wait3A_3182 = arith.constant 0 : i32
    %dma_wait3A_3183 = arith.constant 0 : i32
    %dma_wait3A_3184 = tpu.memref_slice %arg13[%dma_wait3A_3183] : memref<2x!tpu.dma_semaphore, #tpu.memory_space<semaphore_mem>> -> memref<1x!tpu.dma_semaphore, #tpu.memory_space<semaphore_mem>>
    %dma_wait3A_3185 = tpu.memref_squeeze %dma_wait3A_3184 : memref<1x!tpu.dma_semaphore, #tpu.memory_space<semaphore_mem>> -> memref<!tpu.dma_semaphore, #tpu.memory_space<semaphore_mem>>
    %dma_wait3A_3186 = arith.constant 0 : i32
    %dma_wait3A_3187 = arith.constant 0 : i32
    %dma_wait3A_3188 = tpu.memref_slice %arg5[%dma_wait3A_3186, %dma_wait3A_3187] : memref<65536x512xf32, #tpu.memory_space<hbm>> -> memref<32x512xf32, #tpu.memory_space<hbm>>
    %dma_wait3A_3189 = arith.constant 0 : i32
    %dma_wait3A_3190 = arith.constant 0 : i32
    %dma_wait3A_3191 = arith.constant 0 : i32
    %dma_wait3A_3192 = tpu.memref_slice %arg9[%arg1, %dma_wait3A_3189, %dma_wait3A_3190, %dma_wait3A_3191] : memref<16x2x32x512xf32, #tpu.memory_space<vmem_shared>> -> memref<1x2x32x512xf32, #tpu.memory_space<vmem_shared>>
    %dma_wait3A_3193 = tpu.memref_squeeze %dma_wait3A_3192 : memref<1x2x32x512xf32, #tpu.memory_space<vmem_shared>> -> memref<2x32x512xf32, #tpu.memory_space<vmem_shared>>
    %dma_wait3A_3194 = arith.constant 0 : i32
    %dma_wait3A_3195 = arith.constant 0 : i32
    %dma_wait3A_3196 = tpu.memref_slice %dma_wait3A_3193[%dma_wait3A_3182, %dma_wait3A_3194, %dma_wait3A_3195] : memref<2x32x512xf32, #tpu.memory_space<vmem_shared>> -> memref<1x32x512xf32, #tpu.memory_space<vmem_shared>>
    %dma_wait3A_3197 = tpu.memref_squeeze %dma_wait3A_3196 : memref<1x32x512xf32, #tpu.memory_space<vmem_shared>> -> memref<32x512xf32, #tpu.memory_space<vmem_shared>>
    tpu.wait_dma2 semaphore(%dma_wait3A_3185 : memref<!tpu.dma_semaphore, #tpu.memory_space<semaphore_mem>>) src(%dma_wait3A_3197 : memref<32x512xf32, #tpu.memory_space<vmem_shared>>) dst(%dma_wait3A_3188 : memref<32x512xf32, #tpu.memory_space<hbm>>)
    %dma_start3A_3198 = arith.constant 0 : i32
    %dma_start3A_3199 = arith.constant 0 : i32
    %dma_start3A_3200 = tpu.memref_slice %arg12[%dma_start3A_3199] : memref<2x!tpu.dma_semaphore, #tpu.memory_space<semaphore_mem>> -> memref<1x!tpu.dma_semaphore, #tpu.memory_space<semaphore_mem>>
    %dma_start3A_3201 = tpu.memref_squeeze %dma_start3A_3200 : memref<1x!tpu.dma_semaphore, #tpu.memory_space<semaphore_mem>> -> memref<!tpu.dma_semaphore, #tpu.memory_space<semaphore_mem>>
    %dma_start3A_3202 = arith.constant 0 : i32
    %dma_start3A_3203 = arith.constant 0 : i32
    %dma_start3A_3204 = arith.constant 0 : i32
    %dma_start3A_3205 = tpu.memref_slice %arg9[%arg1, %dma_start3A_3202, %dma_start3A_3203, %dma_start3A_3204] : memref<16x2x32x512xf32, #tpu.memory_space<vmem_shared>> -> memref<1x2x32x512xf32, #tpu.memory_space<vmem_shared>>
    %dma_start3A_3206 = tpu.memref_squeeze %dma_start3A_3205 : memref<1x2x32x512xf32, #tpu.memory_space<vmem_shared>> -> memref<2x32x512xf32, #tpu.memory_space<vmem_shared>>
    %dma_start3A_3207 = arith.constant 0 : i32
    %dma_start3A_3208 = arith.constant 0 : i32
    %dma_start3A_3209 = tpu.memref_slice %dma_start3A_3206[%dma_start3A_3198, %dma_start3A_3207, %dma_start3A_3208] : memref<2x32x512xf32, #tpu.memory_space<vmem_shared>> -> memref<1x32x512xf32, #tpu.memory_space<vmem_shared>>
    %dma_start3A_3210 = tpu.memref_squeeze %dma_start3A_3209 : memref<1x32x512xf32, #tpu.memory_space<vmem_shared>> -> memref<32x512xf32, #tpu.memory_space<vmem_shared>>
    %dma_start3A_3211 = arith.constant 0 : i32
    %dma_start3A_3212 = tpu.memref_slice %arg2[%add3A_487, %dma_start3A_3211] : memref<65536x512xf32, #tpu.memory_space<hbm>> -> memref<32x512xf32, #tpu.memory_space<hbm>>
    tpu.enqueue_dma source(%dma_start3A_3212 : memref<32x512xf32, #tpu.memory_space<hbm>>) target(%dma_start3A_3210 : memref<32x512xf32, #tpu.memory_space<vmem_shared>>) target_semaphore(%dma_start3A_3201 : memref<!tpu.dma_semaphore, #tpu.memory_space<semaphore_mem>>)
    %dma_wait3A_3213 = arith.constant 0 : i32
    %dma_wait3A_3214 = arith.constant 0 : i32
    %dma_wait3A_3215 = arith.constant 0 : i32
    %dma_wait3A_3216 = arith.constant 0 : i32
    %dma_wait3A_3217 = tpu.memref_slice %arg8[%dma_wait3A_3213, %dma_wait3A_3215, %dma_wait3A_3216] : memref<2x64x512xf32, #tpu.memory_space<vmem>> -> memref<1x64x512xf32, #tpu.memory_space<vmem>>
    %dma_wait3A_3218 = tpu.memref_squeeze %dma_wait3A_3217 : memref<1x64x512xf32, #tpu.memory_space<vmem>> -> memref<64x512xf32, #tpu.memory_space<vmem>>
    %dma_wait3A_3219 = arith.constant 0 : i32
    %dma_wait3A_3220 = arith.constant 0 : i32
    %dma_wait3A_3221 = tpu.memref_slice %arg2[%dma_wait3A_3219, %dma_wait3A_3220] : memref<65536x512xf32, #tpu.memory_space<hbm>> -> memref<64x512xf32, #tpu.memory_space<hbm>>
    %dma_wait3A_3222 = tpu.memref_slice %arg10[%dma_wait3A_3214] : memref<2x!tpu.dma_semaphore, #tpu.memory_space<semaphore_mem>> -> memref<1x!tpu.dma_semaphore, #tpu.memory_space<semaphore_mem>>
    %dma_wait3A_3223 = tpu.memref_squeeze %dma_wait3A_3222 : memref<1x!tpu.dma_semaphore, #tpu.memory_space<semaphore_mem>> -> memref<!tpu.dma_semaphore, #tpu.memory_space<semaphore_mem>>
    %dma_wait3A_3224 = arith.constant 0 : i32
    %dma_wait3A_3225 = arith.constant 0 : i32
    %dma_wait3A_3226 = tpu.memref_slice %arg8[%dma_wait3A_3213, %dma_wait3A_3224, %dma_wait3A_3225] : memref<2x64x512xf32, #tpu.memory_space<vmem>> -> memref<1x64x512xf32, #tpu.memory_space<vmem>>
    %dma_wait3A_3227 = tpu.memref_squeeze %dma_wait3A_3226 : memref<1x64x512xf32, #tpu.memory_space<vmem>> -> memref<64x512xf32, #tpu.memory_space<vmem>>
    %dma_wait3A_3228 = arith.constant 0 : i32
    %dma_wait3A_3229 = arith.constant 0 : i32
    %dma_wait3A_3230 = tpu.memref_slice %arg2[%dma_wait3A_3228, %dma_wait3A_3229] : memref<65536x512xf32, #tpu.memory_space<hbm>> -> memref<64x512xf32, #tpu.memory_space<hbm>>
    tpu.wait_dma2 semaphore(%dma_wait3A_3223 : memref<!tpu.dma_semaphore, #tpu.memory_space<semaphore_mem>>) src(%dma_wait3A_3230 : memref<64x512xf32, #tpu.memory_space<hbm>>) dst(%dma_wait3A_3227 : memref<64x512xf32, #tpu.memory_space<vmem>>)
    %dma_start3A_3231 = arith.constant 0 : i32
    %dma_start3A_3232 = arith.constant 0 : i32
    %dma_start3A_3233 = arith.constant 0 : i32
    %dma_start3A_3234 = arith.constant 0 : i32
    %dma_start3A_3235 = tpu.memref_slice %arg8[%dma_start3A_3231, %dma_start3A_3233, %dma_start3A_3234] : memref<2x64x512xf32, #tpu.memory_space<vmem>> -> memref<1x64x512xf32, #tpu.memory_space<vmem>>
    %dma_start3A_3236 = tpu.memref_squeeze %dma_start3A_3235 : memref<1x64x512xf32, #tpu.memory_space<vmem>> -> memref<64x512xf32, #tpu.memory_space<vmem>>
    %dma_start3A_3237 = arith.constant 0 : i32
    %dma_start3A_3238 = tpu.memref_slice %arg5[%mul3A_137, %dma_start3A_3237] : memref<65536x512xf32, #tpu.memory_space<hbm>> -> memref<64x512xf32, #tpu.memory_space<hbm>>
    %dma_start3A_3239 = tpu.memref_slice %arg11[%dma_start3A_3232] : memref<2x!tpu.dma_semaphore, #tpu.memory_space<semaphore_mem>> -> memref<1x!tpu.dma_semaphore, #tpu.memory_space<semaphore_mem>>
    %dma_start3A_3240 = tpu.memref_squeeze %dma_start3A_3239 : memref<1x!tpu.dma_semaphore, #tpu.memory_space<semaphore_mem>> -> memref<!tpu.dma_semaphore, #tpu.memory_space<semaphore_mem>>
    %dma_start3A_3241 = arith.constant 0 : i32
    %dma_start3A_3242 = tpu.memref_slice %arg5[%mul3A_137, %dma_start3A_3241] : memref<65536x512xf32, #tpu.memory_space<hbm>> -> memref<64x512xf32, #tpu.memory_space<hbm>>
    %dma_start3A_3243 = arith.constant 0 : i32
    %dma_start3A_3244 = arith.constant 0 : i32
    %dma_start3A_3245 = tpu.memref_slice %arg8[%dma_start3A_3231, %dma_start3A_3243, %dma_start3A_3244] : memref<2x64x512xf32, #tpu.memory_space<vmem>> -> memref<1x64x512xf32, #tpu.memory_space<vmem>>
    %dma_start3A_3246 = tpu.memref_squeeze %dma_start3A_3245 : memref<1x64x512xf32, #tpu.memory_space<vmem>> -> memref<64x512xf32, #tpu.memory_space<vmem>>
    tpu.enqueue_dma source(%dma_start3A_3246 : memref<64x512xf32, #tpu.memory_space<vmem>>) target(%dma_start3A_3242 : memref<64x512xf32, #tpu.memory_space<hbm>>) target_semaphore(%dma_start3A_3240 : memref<!tpu.dma_semaphore, #tpu.memory_space<semaphore_mem>>)
    %dma_wait3A_3247 = arith.constant 0 : i32
    %dma_wait3A_3248 = arith.constant 0 : i32
    %dma_wait3A_3249 = tpu.memref_slice %arg12[%dma_wait3A_3248] : memref<2x!tpu.dma_semaphore, #tpu.memory_space<semaphore_mem>> -> memref<1x!tpu.dma_semaphore, #tpu.memory_space<semaphore_mem>>
    %dma_wait3A_3250 = tpu.memref_squeeze %dma_wait3A_3249 : memref<1x!tpu.dma_semaphore, #tpu.memory_space<semaphore_mem>> -> memref<!tpu.dma_semaphore, #tpu.memory_space<semaphore_mem>>
    %dma_wait3A_3251 = arith.constant 0 : i32
    %dma_wait3A_3252 = arith.constant 0 : i32
    %dma_wait3A_3253 = arith.constant 0 : i32
    %dma_wait3A_3254 = tpu.memref_slice %arg9[%arg1, %dma_wait3A_3251, %dma_wait3A_3252, %dma_wait3A_3253] : memref<16x2x32x512xf32, #tpu.memory_space<vmem_shared>> -> memref<1x2x32x512xf32, #tpu.memory_space<vmem_shared>>
    %dma_wait3A_3255 = tpu.memref_squeeze %dma_wait3A_3254 : memref<1x2x32x512xf32, #tpu.memory_space<vmem_shared>> -> memref<2x32x512xf32, #tpu.memory_space<vmem_shared>>
    %dma_wait3A_3256 = arith.constant 0 : i32
    %dma_wait3A_3257 = arith.constant 0 : i32
    %dma_wait3A_3258 = tpu.memref_slice %dma_wait3A_3255[%dma_wait3A_3247, %dma_wait3A_3256, %dma_wait3A_3257] : memref<2x32x512xf32, #tpu.memory_space<vmem_shared>> -> memref<1x32x512xf32, #tpu.memory_space<vmem_shared>>
    %dma_wait3A_3259 = tpu.memref_squeeze %dma_wait3A_3258 : memref<1x32x512xf32, #tpu.memory_space<vmem_shared>> -> memref<32x512xf32, #tpu.memory_space<vmem_shared>>
    %dma_wait3A_3260 = arith.constant 0 : i32
    %dma_wait3A_3261 = arith.constant 0 : i32
    %dma_wait3A_3262 = tpu.memref_slice %arg2[%dma_wait3A_3260, %dma_wait3A_3261] : memref<65536x512xf32, #tpu.memory_space<hbm>> -> memref<32x512xf32, #tpu.memory_space<hbm>>
    tpu.wait_dma2 semaphore(%dma_wait3A_3250 : memref<!tpu.dma_semaphore, #tpu.memory_space<semaphore_mem>>) src(%dma_wait3A_3262 : memref<32x512xf32, #tpu.memory_space<hbm>>) dst(%dma_wait3A_3259 : memref<32x512xf32, #tpu.memory_space<vmem_shared>>)
    %dma_start3A_3263 = arith.constant 0 : i32
    %dma_start3A_3264 = arith.constant 0 : i32
    %dma_start3A_3265 = tpu.memref_slice %arg13[%dma_start3A_3264] : memref<2x!tpu.dma_semaphore, #tpu.memory_space<semaphore_mem>> -> memref<1x!tpu.dma_semaphore, #tpu.memory_space<semaphore_mem>>
    %dma_start3A_3266 = tpu.memref_squeeze %dma_start3A_3265 : memref<1x!tpu.dma_semaphore, #tpu.memory_space<semaphore_mem>> -> memref<!tpu.dma_semaphore, #tpu.memory_space<semaphore_mem>>
    %dma_start3A_3267 = arith.constant 0 : i32
    %dma_start3A_3268 = tpu.memref_slice %arg5[%add3A_493, %dma_start3A_3267] : memref<65536x512xf32, #tpu.memory_space<hbm>> -> memref<32x512xf32, #tpu.memory_space<hbm>>
    %dma_start3A_3269 = arith.constant 0 : i32
    %dma_start3A_3270 = arith.constant 0 : i32
    %dma_start3A_3271 = arith.constant 0 : i32
    %dma_start3A_3272 = tpu.memref_slice %arg9[%arg1, %dma_start3A_3269, %dma_start3A_3270, %dma_start3A_3271] : memref<16x2x32x512xf32, #tpu.memory_space<vmem_shared>> -> memref<1x2x32x512xf32, #tpu.memory_space<vmem_shared>>
    %dma_start3A_3273 = tpu.memref_squeeze %dma_start3A_3272 : memref<1x2x32x512xf32, #tpu.memory_space<vmem_shared>> -> memref<2x32x512xf32, #tpu.memory_space<vmem_shared>>
    %dma_start3A_3274 = arith.constant 0 : i32
    %dma_start3A_3275 = arith.constant 0 : i32
    %dma_start3A_3276 = tpu.memref_slice %dma_start3A_3273[%dma_start3A_3263, %dma_start3A_3274, %dma_start3A_3275] : memref<2x32x512xf32, #tpu.memory_space<vmem_shared>> -> memref<1x32x512xf32, #tpu.memory_space<vmem_shared>>
    %dma_start3A_3277 = tpu.memref_squeeze %dma_start3A_3276 : memref<1x32x512xf32, #tpu.memory_space<vmem_shared>> -> memref<32x512xf32, #tpu.memory_space<vmem_shared>>
    tpu.enqueue_dma source(%dma_start3A_3277 : memref<32x512xf32, #tpu.memory_space<vmem_shared>>) target(%dma_start3A_3268 : memref<32x512xf32, #tpu.memory_space<hbm>>) target_semaphore(%dma_start3A_3266 : memref<!tpu.dma_semaphore, #tpu.memory_space<semaphore_mem>>)
    %dma_wait3A_3278 = arith.constant 1 : i32
    %dma_wait3A_3279 = arith.constant 1 : i32
    %dma_wait3A_3280 = tpu.memref_slice %arg13[%dma_wait3A_3279] : memref<2x!tpu.dma_semaphore, #tpu.memory_space<semaphore_mem>> -> memref<1x!tpu.dma_semaphore, #tpu.memory_space<semaphore_mem>>
    %dma_wait3A_3281 = tpu.memref_squeeze %dma_wait3A_3280 : memref<1x!tpu.dma_semaphore, #tpu.memory_space<semaphore_mem>> -> memref<!tpu.dma_semaphore, #tpu.memory_space<semaphore_mem>>
    %dma_wait3A_3282 = arith.constant 0 : i32
    %dma_wait3A_3283 = arith.constant 0 : i32
    %dma_wait3A_3284 = tpu.memref_slice %arg5[%dma_wait3A_3282, %dma_wait3A_3283] : memref<65536x512xf32, #tpu.memory_space<hbm>> -> memref<32x512xf32, #tpu.memory_space<hbm>>
    %dma_wait3A_3285 = arith.constant 0 : i32
    %dma_wait3A_3286 = arith.constant 0 : i32
    %dma_wait3A_3287 = arith.constant 0 : i32
    %dma_wait3A_3288 = tpu.memref_slice %arg9[%arg1, %dma_wait3A_3285, %dma_wait3A_3286, %dma_wait3A_3287] : memref<16x2x32x512xf32, #tpu.memory_space<vmem_shared>> -> memref<1x2x32x512xf32, #tpu.memory_space<vmem_shared>>
    %dma_wait3A_3289 = tpu.memref_squeeze %dma_wait3A_3288 : memref<1x2x32x512xf32, #tpu.memory_space<vmem_shared>> -> memref<2x32x512xf32, #tpu.memory_space<vmem_shared>>
    %dma_wait3A_3290 = arith.constant 0 : i32
    %dma_wait3A_3291 = arith.constant 0 : i32
    %dma_wait3A_3292 = tpu.memref_slice %dma_wait3A_3289[%dma_wait3A_3278, %dma_wait3A_3290, %dma_wait3A_3291] : memref<2x32x512xf32, #tpu.memory_space<vmem_shared>> -> memref<1x32x512xf32, #tpu.memory_space<vmem_shared>>
    %dma_wait3A_3293 = tpu.memref_squeeze %dma_wait3A_3292 : memref<1x32x512xf32, #tpu.memory_space<vmem_shared>> -> memref<32x512xf32, #tpu.memory_space<vmem_shared>>
    tpu.wait_dma2 semaphore(%dma_wait3A_3281 : memref<!tpu.dma_semaphore, #tpu.memory_space<semaphore_mem>>) src(%dma_wait3A_3293 : memref<32x512xf32, #tpu.memory_space<vmem_shared>>) dst(%dma_wait3A_3284 : memref<32x512xf32, #tpu.memory_space<hbm>>)
    %dma_start3A_3294 = arith.constant 1 : i32
    %dma_start3A_3295 = arith.constant 1 : i32
    %dma_start3A_3296 = tpu.memref_slice %arg12[%dma_start3A_3295] : memref<2x!tpu.dma_semaphore, #tpu.memory_space<semaphore_mem>> -> memref<1x!tpu.dma_semaphore, #tpu.memory_space<semaphore_mem>>
    %dma_start3A_3297 = tpu.memref_squeeze %dma_start3A_3296 : memref<1x!tpu.dma_semaphore, #tpu.memory_space<semaphore_mem>> -> memref<!tpu.dma_semaphore, #tpu.memory_space<semaphore_mem>>
    %dma_start3A_3298 = arith.constant 0 : i32
    %dma_start3A_3299 = arith.constant 0 : i32
    %dma_start3A_3300 = arith.constant 0 : i32
    %dma_start3A_3301 = tpu.memref_slice %arg9[%arg1, %dma_start3A_3298, %dma_start3A_3299, %dma_start3A_3300] : memref<16x2x32x512xf32, #tpu.memory_space<vmem_shared>> -> memref<1x2x32x512xf32, #tpu.memory_space<vmem_shared>>
    %dma_start3A_3302 = tpu.memref_squeeze %dma_start3A_3301 : memref<1x2x32x512xf32, #tpu.memory_space<vmem_shared>> -> memref<2x32x512xf32, #tpu.memory_space<vmem_shared>>
    %dma_start3A_3303 = arith.constant 0 : i32
    %dma_start3A_3304 = arith.constant 0 : i32
    %dma_start3A_3305 = tpu.memref_slice %dma_start3A_3302[%dma_start3A_3294, %dma_start3A_3303, %dma_start3A_3304] : memref<2x32x512xf32, #tpu.memory_space<vmem_shared>> -> memref<1x32x512xf32, #tpu.memory_space<vmem_shared>>
    %dma_start3A_3306 = tpu.memref_squeeze %dma_start3A_3305 : memref<1x32x512xf32, #tpu.memory_space<vmem_shared>> -> memref<32x512xf32, #tpu.memory_space<vmem_shared>>
    %dma_start3A_3307 = arith.constant 0 : i32
    %dma_start3A_3308 = tpu.memref_slice %arg2[%add3A_499, %dma_start3A_3307] : memref<65536x512xf32, #tpu.memory_space<hbm>> -> memref<32x512xf32, #tpu.memory_space<hbm>>
    tpu.enqueue_dma source(%dma_start3A_3308 : memref<32x512xf32, #tpu.memory_space<hbm>>) target(%dma_start3A_3306 : memref<32x512xf32, #tpu.memory_space<vmem_shared>>) target_semaphore(%dma_start3A_3297 : memref<!tpu.dma_semaphore, #tpu.memory_space<semaphore_mem>>)
    %dma_wait3A_3309 = arith.constant 1 : i32
    %dma_wait3A_3310 = arith.constant 1 : i32
    %dma_wait3A_3311 = arith.constant 0 : i32
    %dma_wait3A_3312 = arith.constant 0 : i32
    %dma_wait3A_3313 = tpu.memref_slice %arg8[%dma_wait3A_3309, %dma_wait3A_3311, %dma_wait3A_3312] : memref<2x64x512xf32, #tpu.memory_space<vmem>> -> memref<1x64x512xf32, #tpu.memory_space<vmem>>
    %dma_wait3A_3314 = tpu.memref_squeeze %dma_wait3A_3313 : memref<1x64x512xf32, #tpu.memory_space<vmem>> -> memref<64x512xf32, #tpu.memory_space<vmem>>
    %dma_wait3A_3315 = arith.constant 0 : i32
    %dma_wait3A_3316 = arith.constant 0 : i32
    %dma_wait3A_3317 = tpu.memref_slice %arg5[%dma_wait3A_3315, %dma_wait3A_3316] : memref<65536x512xf32, #tpu.memory_space<hbm>> -> memref<64x512xf32, #tpu.memory_space<hbm>>
    %dma_wait3A_3318 = tpu.memref_slice %arg11[%dma_wait3A_3310] : memref<2x!tpu.dma_semaphore, #tpu.memory_space<semaphore_mem>> -> memref<1x!tpu.dma_semaphore, #tpu.memory_space<semaphore_mem>>
    %dma_wait3A_3319 = tpu.memref_squeeze %dma_wait3A_3318 : memref<1x!tpu.dma_semaphore, #tpu.memory_space<semaphore_mem>> -> memref<!tpu.dma_semaphore, #tpu.memory_space<semaphore_mem>>
    %dma_wait3A_3320 = arith.constant 0 : i32
    %dma_wait3A_3321 = arith.constant 0 : i32
    %dma_wait3A_3322 = tpu.memref_slice %arg5[%dma_wait3A_3320, %dma_wait3A_3321] : memref<65536x512xf32, #tpu.memory_space<hbm>> -> memref<64x512xf32, #tpu.memory_space<hbm>>
    %dma_wait3A_3323 = arith.constant 0 : i32
    %dma_wait3A_3324 = arith.constant 0 : i32
    %dma_wait3A_3325 = tpu.memref_slice %arg8[%dma_wait3A_3309, %dma_wait3A_3323, %dma_wait3A_3324] : memref<2x64x512xf32, #tpu.memory_space<vmem>> -> memref<1x64x512xf32, #tpu.memory_space<vmem>>
    %dma_wait3A_3326 = tpu.memref_squeeze %dma_wait3A_3325 : memref<1x64x512xf32, #tpu.memory_space<vmem>> -> memref<64x512xf32, #tpu.memory_space<vmem>>
    tpu.wait_dma2 semaphore(%dma_wait3A_3319 : memref<!tpu.dma_semaphore, #tpu.memory_space<semaphore_mem>>) src(%dma_wait3A_3326 : memref<64x512xf32, #tpu.memory_space<vmem>>) dst(%dma_wait3A_3322 : memref<64x512xf32, #tpu.memory_space<hbm>>)
    %dma_start3A_3327 = arith.constant 1 : i32
    %dma_start3A_3328 = arith.constant 1 : i32
    %dma_start3A_3329 = arith.constant 0 : i32
    %dma_start3A_3330 = arith.constant 0 : i32
    %dma_start3A_3331 = tpu.memref_slice %arg8[%dma_start3A_3327, %dma_start3A_3329, %dma_start3A_3330] : memref<2x64x512xf32, #tpu.memory_space<vmem>> -> memref<1x64x512xf32, #tpu.memory_space<vmem>>
    %dma_start3A_3332 = tpu.memref_squeeze %dma_start3A_3331 : memref<1x64x512xf32, #tpu.memory_space<vmem>> -> memref<64x512xf32, #tpu.memory_space<vmem>>
    %dma_start3A_3333 = arith.constant 0 : i32
    %dma_start3A_3334 = tpu.memref_slice %arg2[%mul3A_141, %dma_start3A_3333] : memref<65536x512xf32, #tpu.memory_space<hbm>> -> memref<64x512xf32, #tpu.memory_space<hbm>>
    %dma_start3A_3335 = tpu.memref_slice %arg10[%dma_start3A_3328] : memref<2x!tpu.dma_semaphore, #tpu.memory_space<semaphore_mem>> -> memref<1x!tpu.dma_semaphore, #tpu.memory_space<semaphore_mem>>
    %dma_start3A_3336 = tpu.memref_squeeze %dma_start3A_3335 : memref<1x!tpu.dma_semaphore, #tpu.memory_space<semaphore_mem>> -> memref<!tpu.dma_semaphore, #tpu.memory_space<semaphore_mem>>
    %dma_start3A_3337 = arith.constant 0 : i32
    %dma_start3A_3338 = arith.constant 0 : i32
    %dma_start3A_3339 = tpu.memref_slice %arg8[%dma_start3A_3327, %dma_start3A_3337, %dma_start3A_3338] : memref<2x64x512xf32, #tpu.memory_space<vmem>> -> memref<1x64x512xf32, #tpu.memory_space<vmem>>
    %dma_start3A_3340 = tpu.memref_squeeze %dma_start3A_3339 : memref<1x64x512xf32, #tpu.memory_space<vmem>> -> memref<64x512xf32, #tpu.memory_space<vmem>>
    %dma_start3A_3341 = arith.constant 0 : i32
    %dma_start3A_3342 = tpu.memref_slice %arg2[%mul3A_141, %dma_start3A_3341] : memref<65536x512xf32, #tpu.memory_space<hbm>> -> memref<64x512xf32, #tpu.memory_space<hbm>>
    tpu.enqueue_dma source(%dma_start3A_3342 : memref<64x512xf32, #tpu.memory_space<hbm>>) target(%dma_start3A_3340 : memref<64x512xf32, #tpu.memory_space<vmem>>) target_semaphore(%dma_start3A_3336 : memref<!tpu.dma_semaphore, #tpu.memory_space<semaphore_mem>>)
    %dma_wait3A_3343 = arith.constant 1 : i32
    %dma_wait3A_3344 = arith.constant 1 : i32
    %dma_wait3A_3345 = tpu.memref_slice %arg12[%dma_wait3A_3344] : memref<2x!tpu.dma_semaphore, #tpu.memory_space<semaphore_mem>> -> memref<1x!tpu.dma_semaphore, #tpu.memory_space<semaphore_mem>>
    %dma_wait3A_3346 = tpu.memref_squeeze %dma_wait3A_3345 : memref<1x!tpu.dma_semaphore, #tpu.memory_space<semaphore_mem>> -> memref<!tpu.dma_semaphore, #tpu.memory_space<semaphore_mem>>
    %dma_wait3A_3347 = arith.constant 0 : i32
    %dma_wait3A_3348 = arith.constant 0 : i32
    %dma_wait3A_3349 = arith.constant 0 : i32
    %dma_wait3A_3350 = tpu.memref_slice %arg9[%arg1, %dma_wait3A_3347, %dma_wait3A_3348, %dma_wait3A_3349] : memref<16x2x32x512xf32, #tpu.memory_space<vmem_shared>> -> memref<1x2x32x512xf32, #tpu.memory_space<vmem_shared>>
    %dma_wait3A_3351 = tpu.memref_squeeze %dma_wait3A_3350 : memref<1x2x32x512xf32, #tpu.memory_space<vmem_shared>> -> memref<2x32x512xf32, #tpu.memory_space<vmem_shared>>
    %dma_wait3A_3352 = arith.constant 0 : i32
    %dma_wait3A_3353 = arith.constant 0 : i32
    %dma_wait3A_3354 = tpu.memref_slice %dma_wait3A_3351[%dma_wait3A_3343, %dma_wait3A_3352, %dma_wait3A_3353] : memref<2x32x512xf32, #tpu.memory_space<vmem_shared>> -> memref<1x32x512xf32, #tpu.memory_space<vmem_shared>>
    %dma_wait3A_3355 = tpu.memref_squeeze %dma_wait3A_3354 : memref<1x32x512xf32, #tpu.memory_space<vmem_shared>> -> memref<32x512xf32, #tpu.memory_space<vmem_shared>>
    %dma_wait3A_3356 = arith.constant 0 : i32
    %dma_wait3A_3357 = arith.constant 0 : i32
    %dma_wait3A_3358 = tpu.memref_slice %arg2[%dma_wait3A_3356, %dma_wait3A_3357] : memref<65536x512xf32, #tpu.memory_space<hbm>> -> memref<32x512xf32, #tpu.memory_space<hbm>>
    tpu.wait_dma2 semaphore(%dma_wait3A_3346 : memref<!tpu.dma_semaphore, #tpu.memory_space<semaphore_mem>>) src(%dma_wait3A_3358 : memref<32x512xf32, #tpu.memory_space<hbm>>) dst(%dma_wait3A_3355 : memref<32x512xf32, #tpu.memory_space<vmem_shared>>)
    %dma_start3A_3359 = arith.constant 1 : i32
    %dma_start3A_3360 = arith.constant 1 : i32
    %dma_start3A_3361 = tpu.memref_slice %arg13[%dma_start3A_3360] : memref<2x!tpu.dma_semaphore, #tpu.memory_space<semaphore_mem>> -> memref<1x!tpu.dma_semaphore, #tpu.memory_space<semaphore_mem>>
    %dma_start3A_3362 = tpu.memref_squeeze %dma_start3A_3361 : memref<1x!tpu.dma_semaphore, #tpu.memory_space<semaphore_mem>> -> memref<!tpu.dma_semaphore, #tpu.memory_space<semaphore_mem>>
    %dma_start3A_3363 = arith.constant 0 : i32
    %dma_start3A_3364 = tpu.memref_slice %arg5[%add3A_505, %dma_start3A_3363] : memref<65536x512xf32, #tpu.memory_space<hbm>> -> memref<32x512xf32, #tpu.memory_space<hbm>>
    %dma_start3A_3365 = arith.constant 0 : i32
    %dma_start3A_3366 = arith.constant 0 : i32
    %dma_start3A_3367 = arith.constant 0 : i32
    %dma_start3A_3368 = tpu.memref_slice %arg9[%arg1, %dma_start3A_3365, %dma_start3A_3366, %dma_start3A_3367] : memref<16x2x32x512xf32, #tpu.memory_space<vmem_shared>> -> memref<1x2x32x512xf32, #tpu.memory_space<vmem_shared>>
    %dma_start3A_3369 = tpu.memref_squeeze %dma_start3A_3368 : memref<1x2x32x512xf32, #tpu.memory_space<vmem_shared>> -> memref<2x32x512xf32, #tpu.memory_space<vmem_shared>>
    %dma_start3A_3370 = arith.constant 0 : i32
    %dma_start3A_3371 = arith.constant 0 : i32
    %dma_start3A_3372 = tpu.memref_slice %dma_start3A_3369[%dma_start3A_3359, %dma_start3A_3370, %dma_start3A_3371] : memref<2x32x512xf32, #tpu.memory_space<vmem_shared>> -> memref<1x32x512xf32, #tpu.memory_space<vmem_shared>>
    %dma_start3A_3373 = tpu.memref_squeeze %dma_start3A_3372 : memref<1x32x512xf32, #tpu.memory_space<vmem_shared>> -> memref<32x512xf32, #tpu.memory_space<vmem_shared>>
    tpu.enqueue_dma source(%dma_start3A_3373 : memref<32x512xf32, #tpu.memory_space<vmem_shared>>) target(%dma_start3A_3364 : memref<32x512xf32, #tpu.memory_space<hbm>>) target_semaphore(%dma_start3A_3362 : memref<!tpu.dma_semaphore, #tpu.memory_space<semaphore_mem>>)
    %dma_wait3A_3374 = arith.constant 0 : i32
    %dma_wait3A_3375 = arith.constant 0 : i32
    %dma_wait3A_3376 = tpu.memref_slice %arg13[%dma_wait3A_3375] : memref<2x!tpu.dma_semaphore, #tpu.memory_space<semaphore_mem>> -> memref<1x!tpu.dma_semaphore, #tpu.memory_space<semaphore_mem>>
    %dma_wait3A_3377 = tpu.memref_squeeze %dma_wait3A_3376 : memref<1x!tpu.dma_semaphore, #tpu.memory_space<semaphore_mem>> -> memref<!tpu.dma_semaphore, #tpu.memory_space<semaphore_mem>>
    %dma_wait3A_3378 = arith.constant 0 : i32
    %dma_wait3A_3379 = arith.constant 0 : i32
    %dma_wait3A_3380 = tpu.memref_slice %arg5[%dma_wait3A_3378, %dma_wait3A_3379] : memref<65536x512xf32, #tpu.memory_space<hbm>> -> memref<32x512xf32, #tpu.memory_space<hbm>>
    %dma_wait3A_3381 = arith.constant 0 : i32
    %dma_wait3A_3382 = arith.constant 0 : i32
    %dma_wait3A_3383 = arith.constant 0 : i32
    %dma_wait3A_3384 = tpu.memref_slice %arg9[%arg1, %dma_wait3A_3381, %dma_wait3A_3382, %dma_wait3A_3383] : memref<16x2x32x512xf32, #tpu.memory_space<vmem_shared>> -> memref<1x2x32x512xf32, #tpu.memory_space<vmem_shared>>
    %dma_wait3A_3385 = tpu.memref_squeeze %dma_wait3A_3384 : memref<1x2x32x512xf32, #tpu.memory_space<vmem_shared>> -> memref<2x32x512xf32, #tpu.memory_space<vmem_shared>>
    %dma_wait3A_3386 = arith.constant 0 : i32
    %dma_wait3A_3387 = arith.constant 0 : i32
    %dma_wait3A_3388 = tpu.memref_slice %dma_wait3A_3385[%dma_wait3A_3374, %dma_wait3A_3386, %dma_wait3A_3387] : memref<2x32x512xf32, #tpu.memory_space<vmem_shared>> -> memref<1x32x512xf32, #tpu.memory_space<vmem_shared>>
    %dma_wait3A_3389 = tpu.memref_squeeze %dma_wait3A_3388 : memref<1x32x512xf32, #tpu.memory_space<vmem_shared>> -> memref<32x512xf32, #tpu.memory_space<vmem_shared>>
    tpu.wait_dma2 semaphore(%dma_wait3A_3377 : memref<!tpu.dma_semaphore, #tpu.memory_space<semaphore_mem>>) src(%dma_wait3A_3389 : memref<32x512xf32, #tpu.memory_space<vmem_shared>>) dst(%dma_wait3A_3380 : memref<32x512xf32, #tpu.memory_space<hbm>>)
    %dma_start3A_3390 = arith.constant 0 : i32
    %dma_start3A_3391 = arith.constant 0 : i32
    %dma_start3A_3392 = tpu.memref_slice %arg12[%dma_start3A_3391] : memref<2x!tpu.dma_semaphore, #tpu.memory_space<semaphore_mem>> -> memref<1x!tpu.dma_semaphore, #tpu.memory_space<semaphore_mem>>
    %dma_start3A_3393 = tpu.memref_squeeze %dma_start3A_3392 : memref<1x!tpu.dma_semaphore, #tpu.memory_space<semaphore_mem>> -> memref<!tpu.dma_semaphore, #tpu.memory_space<semaphore_mem>>
    %dma_start3A_3394 = arith.constant 0 : i32
    %dma_start3A_3395 = arith.constant 0 : i32
    %dma_start3A_3396 = arith.constant 0 : i32
    %dma_start3A_3397 = tpu.memref_slice %arg9[%arg1, %dma_start3A_3394, %dma_start3A_3395, %dma_start3A_3396] : memref<16x2x32x512xf32, #tpu.memory_space<vmem_shared>> -> memref<1x2x32x512xf32, #tpu.memory_space<vmem_shared>>
    %dma_start3A_3398 = tpu.memref_squeeze %dma_start3A_3397 : memref<1x2x32x512xf32, #tpu.memory_space<vmem_shared>> -> memref<2x32x512xf32, #tpu.memory_space<vmem_shared>>
    %dma_start3A_3399 = arith.constant 0 : i32
    %dma_start3A_3400 = arith.constant 0 : i32
    %dma_start3A_3401 = tpu.memref_slice %dma_start3A_3398[%dma_start3A_3390, %dma_start3A_3399, %dma_start3A_3400] : memref<2x32x512xf32, #tpu.memory_space<vmem_shared>> -> memref<1x32x512xf32, #tpu.memory_space<vmem_shared>>
    %dma_start3A_3402 = tpu.memref_squeeze %dma_start3A_3401 : memref<1x32x512xf32, #tpu.memory_space<vmem_shared>> -> memref<32x512xf32, #tpu.memory_space<vmem_shared>>
    %dma_start3A_3403 = arith.constant 0 : i32
    %dma_start3A_3404 = tpu.memref_slice %arg2[%add3A_511, %dma_start3A_3403] : memref<65536x512xf32, #tpu.memory_space<hbm>> -> memref<32x512xf32, #tpu.memory_space<hbm>>
    tpu.enqueue_dma source(%dma_start3A_3404 : memref<32x512xf32, #tpu.memory_space<hbm>>) target(%dma_start3A_3402 : memref<32x512xf32, #tpu.memory_space<vmem_shared>>) target_semaphore(%dma_start3A_3393 : memref<!tpu.dma_semaphore, #tpu.memory_space<semaphore_mem>>)
    %dma_wait3A_3405 = arith.constant 1 : i32
    %dma_wait3A_3406 = arith.constant 1 : i32
    %dma_wait3A_3407 = arith.constant 0 : i32
    %dma_wait3A_3408 = arith.constant 0 : i32
    %dma_wait3A_3409 = tpu.memref_slice %arg8[%dma_wait3A_3405, %dma_wait3A_3407, %dma_wait3A_3408] : memref<2x64x512xf32, #tpu.memory_space<vmem>> -> memref<1x64x512xf32, #tpu.memory_space<vmem>>
    %dma_wait3A_3410 = tpu.memref_squeeze %dma_wait3A_3409 : memref<1x64x512xf32, #tpu.memory_space<vmem>> -> memref<64x512xf32, #tpu.memory_space<vmem>>
    %dma_wait3A_3411 = arith.constant 0 : i32
    %dma_wait3A_3412 = arith.constant 0 : i32
    %dma_wait3A_3413 = tpu.memref_slice %arg2[%dma_wait3A_3411, %dma_wait3A_3412] : memref<65536x512xf32, #tpu.memory_space<hbm>> -> memref<64x512xf32, #tpu.memory_space<hbm>>
    %dma_wait3A_3414 = tpu.memref_slice %arg10[%dma_wait3A_3406] : memref<2x!tpu.dma_semaphore, #tpu.memory_space<semaphore_mem>> -> memref<1x!tpu.dma_semaphore, #tpu.memory_space<semaphore_mem>>
    %dma_wait3A_3415 = tpu.memref_squeeze %dma_wait3A_3414 : memref<1x!tpu.dma_semaphore, #tpu.memory_space<semaphore_mem>> -> memref<!tpu.dma_semaphore, #tpu.memory_space<semaphore_mem>>
    %dma_wait3A_3416 = arith.constant 0 : i32
    %dma_wait3A_3417 = arith.constant 0 : i32
    %dma_wait3A_3418 = tpu.memref_slice %arg8[%dma_wait3A_3405, %dma_wait3A_3416, %dma_wait3A_3417] : memref<2x64x512xf32, #tpu.memory_space<vmem>> -> memref<1x64x512xf32, #tpu.memory_space<vmem>>
    %dma_wait3A_3419 = tpu.memref_squeeze %dma_wait3A_3418 : memref<1x64x512xf32, #tpu.memory_space<vmem>> -> memref<64x512xf32, #tpu.memory_space<vmem>>
    %dma_wait3A_3420 = arith.constant 0 : i32
    %dma_wait3A_3421 = arith.constant 0 : i32
    %dma_wait3A_3422 = tpu.memref_slice %arg2[%dma_wait3A_3420, %dma_wait3A_3421] : memref<65536x512xf32, #tpu.memory_space<hbm>> -> memref<64x512xf32, #tpu.memory_space<hbm>>
    tpu.wait_dma2 semaphore(%dma_wait3A_3415 : memref<!tpu.dma_semaphore, #tpu.memory_space<semaphore_mem>>) src(%dma_wait3A_3422 : memref<64x512xf32, #tpu.memory_space<hbm>>) dst(%dma_wait3A_3419 : memref<64x512xf32, #tpu.memory_space<vmem>>)
    %dma_start3A_3423 = arith.constant 1 : i32
    %dma_start3A_3424 = arith.constant 1 : i32
    %dma_start3A_3425 = arith.constant 0 : i32
    %dma_start3A_3426 = arith.constant 0 : i32
    %dma_start3A_3427 = tpu.memref_slice %arg8[%dma_start3A_3423, %dma_start3A_3425, %dma_start3A_3426] : memref<2x64x512xf32, #tpu.memory_space<vmem>> -> memref<1x64x512xf32, #tpu.memory_space<vmem>>
    %dma_start3A_3428 = tpu.memref_squeeze %dma_start3A_3427 : memref<1x64x512xf32, #tpu.memory_space<vmem>> -> memref<64x512xf32, #tpu.memory_space<vmem>>
    %dma_start3A_3429 = arith.constant 0 : i32
    %dma_start3A_3430 = tpu.memref_slice %arg5[%mul3A_145, %dma_start3A_3429] : memref<65536x512xf32, #tpu.memory_space<hbm>> -> memref<64x512xf32, #tpu.memory_space<hbm>>
    %dma_start3A_3431 = tpu.memref_slice %arg11[%dma_start3A_3424] : memref<2x!tpu.dma_semaphore, #tpu.memory_space<semaphore_mem>> -> memref<1x!tpu.dma_semaphore, #tpu.memory_space<semaphore_mem>>
    %dma_start3A_3432 = tpu.memref_squeeze %dma_start3A_3431 : memref<1x!tpu.dma_semaphore, #tpu.memory_space<semaphore_mem>> -> memref<!tpu.dma_semaphore, #tpu.memory_space<semaphore_mem>>
    %dma_start3A_3433 = arith.constant 0 : i32
    %dma_start3A_3434 = tpu.memref_slice %arg5[%mul3A_145, %dma_start3A_3433] : memref<65536x512xf32, #tpu.memory_space<hbm>> -> memref<64x512xf32, #tpu.memory_space<hbm>>
    %dma_start3A_3435 = arith.constant 0 : i32
    %dma_start3A_3436 = arith.constant 0 : i32
    %dma_start3A_3437 = tpu.memref_slice %arg8[%dma_start3A_3423, %dma_start3A_3435, %dma_start3A_3436] : memref<2x64x512xf32, #tpu.memory_space<vmem>> -> memref<1x64x512xf32, #tpu.memory_space<vmem>>
    %dma_start3A_3438 = tpu.memref_squeeze %dma_start3A_3437 : memref<1x64x512xf32, #tpu.memory_space<vmem>> -> memref<64x512xf32, #tpu.memory_space<vmem>>
    tpu.enqueue_dma source(%dma_start3A_3438 : memref<64x512xf32, #tpu.memory_space<vmem>>) target(%dma_start3A_3434 : memref<64x512xf32, #tpu.memory_space<hbm>>) target_semaphore(%dma_start3A_3432 : memref<!tpu.dma_semaphore, #tpu.memory_space<semaphore_mem>>)
    %dma_wait3A_3439 = arith.constant 0 : i32
    %dma_wait3A_3440 = arith.constant 0 : i32
    %dma_wait3A_3441 = tpu.memref_slice %arg12[%dma_wait3A_3440] : memref<2x!tpu.dma_semaphore, #tpu.memory_space<semaphore_mem>> -> memref<1x!tpu.dma_semaphore, #tpu.memory_space<semaphore_mem>>
    %dma_wait3A_3442 = tpu.memref_squeeze %dma_wait3A_3441 : memref<1x!tpu.dma_semaphore, #tpu.memory_space<semaphore_mem>> -> memref<!tpu.dma_semaphore, #tpu.memory_space<semaphore_mem>>
    %dma_wait3A_3443 = arith.constant 0 : i32
    %dma_wait3A_3444 = arith.constant 0 : i32
    %dma_wait3A_3445 = arith.constant 0 : i32
    %dma_wait3A_3446 = tpu.memref_slice %arg9[%arg1, %dma_wait3A_3443, %dma_wait3A_3444, %dma_wait3A_3445] : memref<16x2x32x512xf32, #tpu.memory_space<vmem_shared>> -> memref<1x2x32x512xf32, #tpu.memory_space<vmem_shared>>
    %dma_wait3A_3447 = tpu.memref_squeeze %dma_wait3A_3446 : memref<1x2x32x512xf32, #tpu.memory_space<vmem_shared>> -> memref<2x32x512xf32, #tpu.memory_space<vmem_shared>>
    %dma_wait3A_3448 = arith.constant 0 : i32
    %dma_wait3A_3449 = arith.constant 0 : i32
    %dma_wait3A_3450 = tpu.memref_slice %dma_wait3A_3447[%dma_wait3A_3439, %dma_wait3A_3448, %dma_wait3A_3449] : memref<2x32x512xf32, #tpu.memory_space<vmem_shared>> -> memref<1x32x512xf32, #tpu.memory_space<vmem_shared>>
    %dma_wait3A_3451 = tpu.memref_squeeze %dma_wait3A_3450 : memref<1x32x512xf32, #tpu.memory_space<vmem_shared>> -> memref<32x512xf32, #tpu.memory_space<vmem_shared>>
    %dma_wait3A_3452 = arith.constant 0 : i32
    %dma_wait3A_3453 = arith.constant 0 : i32
    %dma_wait3A_3454 = tpu.memref_slice %arg2[%dma_wait3A_3452, %dma_wait3A_3453] : memref<65536x512xf32, #tpu.memory_space<hbm>> -> memref<32x512xf32, #tpu.memory_space<hbm>>
    tpu.wait_dma2 semaphore(%dma_wait3A_3442 : memref<!tpu.dma_semaphore, #tpu.memory_space<semaphore_mem>>) src(%dma_wait3A_3454 : memref<32x512xf32, #tpu.memory_space<hbm>>) dst(%dma_wait3A_3451 : memref<32x512xf32, #tpu.memory_space<vmem_shared>>)
    %dma_start3A_3455 = arith.constant 0 : i32
    %dma_start3A_3456 = arith.constant 0 : i32
    %dma_start3A_3457 = tpu.memref_slice %arg13[%dma_start3A_3456] : memref<2x!tpu.dma_semaphore, #tpu.memory_space<semaphore_mem>> -> memref<1x!tpu.dma_semaphore, #tpu.memory_space<semaphore_mem>>
    %dma_start3A_3458 = tpu.memref_squeeze %dma_start3A_3457 : memref<1x!tpu.dma_semaphore, #tpu.memory_space<semaphore_mem>> -> memref<!tpu.dma_semaphore, #tpu.memory_space<semaphore_mem>>
    %dma_start3A_3459 = arith.constant 0 : i32
    %dma_start3A_3460 = tpu.memref_slice %arg5[%add3A_517, %dma_start3A_3459] : memref<65536x512xf32, #tpu.memory_space<hbm>> -> memref<32x512xf32, #tpu.memory_space<hbm>>
    %dma_start3A_3461 = arith.constant 0 : i32
    %dma_start3A_3462 = arith.constant 0 : i32
    %dma_start3A_3463 = arith.constant 0 : i32
    %dma_start3A_3464 = tpu.memref_slice %arg9[%arg1, %dma_start3A_3461, %dma_start3A_3462, %dma_start3A_3463] : memref<16x2x32x512xf32, #tpu.memory_space<vmem_shared>> -> memref<1x2x32x512xf32, #tpu.memory_space<vmem_shared>>
    %dma_start3A_3465 = tpu.memref_squeeze %dma_start3A_3464 : memref<1x2x32x512xf32, #tpu.memory_space<vmem_shared>> -> memref<2x32x512xf32, #tpu.memory_space<vmem_shared>>
    %dma_start3A_3466 = arith.constant 0 : i32
    %dma_start3A_3467 = arith.constant 0 : i32
    %dma_start3A_3468 = tpu.memref_slice %dma_start3A_3465[%dma_start3A_3455, %dma_start3A_3466, %dma_start3A_3467] : memref<2x32x512xf32, #tpu.memory_space<vmem_shared>> -> memref<1x32x512xf32, #tpu.memory_space<vmem_shared>>
    %dma_start3A_3469 = tpu.memref_squeeze %dma_start3A_3468 : memref<1x32x512xf32, #tpu.memory_space<vmem_shared>> -> memref<32x512xf32, #tpu.memory_space<vmem_shared>>
    tpu.enqueue_dma source(%dma_start3A_3469 : memref<32x512xf32, #tpu.memory_space<vmem_shared>>) target(%dma_start3A_3460 : memref<32x512xf32, #tpu.memory_space<hbm>>) target_semaphore(%dma_start3A_3458 : memref<!tpu.dma_semaphore, #tpu.memory_space<semaphore_mem>>)
    %dma_wait3A_3470 = arith.constant 1 : i32
    %dma_wait3A_3471 = arith.constant 1 : i32
    %dma_wait3A_3472 = tpu.memref_slice %arg13[%dma_wait3A_3471] : memref<2x!tpu.dma_semaphore, #tpu.memory_space<semaphore_mem>> -> memref<1x!tpu.dma_semaphore, #tpu.memory_space<semaphore_mem>>
    %dma_wait3A_3473 = tpu.memref_squeeze %dma_wait3A_3472 : memref<1x!tpu.dma_semaphore, #tpu.memory_space<semaphore_mem>> -> memref<!tpu.dma_semaphore, #tpu.memory_space<semaphore_mem>>
    %dma_wait3A_3474 = arith.constant 0 : i32
    %dma_wait3A_3475 = arith.constant 0 : i32
    %dma_wait3A_3476 = tpu.memref_slice %arg5[%dma_wait3A_3474, %dma_wait3A_3475] : memref<65536x512xf32, #tpu.memory_space<hbm>> -> memref<32x512xf32, #tpu.memory_space<hbm>>
    %dma_wait3A_3477 = arith.constant 0 : i32
    %dma_wait3A_3478 = arith.constant 0 : i32
    %dma_wait3A_3479 = arith.constant 0 : i32
    %dma_wait3A_3480 = tpu.memref_slice %arg9[%arg1, %dma_wait3A_3477, %dma_wait3A_3478, %dma_wait3A_3479] : memref<16x2x32x512xf32, #tpu.memory_space<vmem_shared>> -> memref<1x2x32x512xf32, #tpu.memory_space<vmem_shared>>
    %dma_wait3A_3481 = tpu.memref_squeeze %dma_wait3A_3480 : memref<1x2x32x512xf32, #tpu.memory_space<vmem_shared>> -> memref<2x32x512xf32, #tpu.memory_space<vmem_shared>>
    %dma_wait3A_3482 = arith.constant 0 : i32
    %dma_wait3A_3483 = arith.constant 0 : i32
    %dma_wait3A_3484 = tpu.memref_slice %dma_wait3A_3481[%dma_wait3A_3470, %dma_wait3A_3482, %dma_wait3A_3483] : memref<2x32x512xf32, #tpu.memory_space<vmem_shared>> -> memref<1x32x512xf32, #tpu.memory_space<vmem_shared>>
    %dma_wait3A_3485 = tpu.memref_squeeze %dma_wait3A_3484 : memref<1x32x512xf32, #tpu.memory_space<vmem_shared>> -> memref<32x512xf32, #tpu.memory_space<vmem_shared>>
    tpu.wait_dma2 semaphore(%dma_wait3A_3473 : memref<!tpu.dma_semaphore, #tpu.memory_space<semaphore_mem>>) src(%dma_wait3A_3485 : memref<32x512xf32, #tpu.memory_space<vmem_shared>>) dst(%dma_wait3A_3476 : memref<32x512xf32, #tpu.memory_space<hbm>>)
    %dma_start3A_3486 = arith.constant 1 : i32
    %dma_start3A_3487 = arith.constant 1 : i32
    %dma_start3A_3488 = tpu.memref_slice %arg12[%dma_start3A_3487] : memref<2x!tpu.dma_semaphore, #tpu.memory_space<semaphore_mem>> -> memref<1x!tpu.dma_semaphore, #tpu.memory_space<semaphore_mem>>
    %dma_start3A_3489 = tpu.memref_squeeze %dma_start3A_3488 : memref<1x!tpu.dma_semaphore, #tpu.memory_space<semaphore_mem>> -> memref<!tpu.dma_semaphore, #tpu.memory_space<semaphore_mem>>
    %dma_start3A_3490 = arith.constant 0 : i32
    %dma_start3A_3491 = arith.constant 0 : i32
    %dma_start3A_3492 = arith.constant 0 : i32
    %dma_start3A_3493 = tpu.memref_slice %arg9[%arg1, %dma_start3A_3490, %dma_start3A_3491, %dma_start3A_3492] : memref<16x2x32x512xf32, #tpu.memory_space<vmem_shared>> -> memref<1x2x32x512xf32, #tpu.memory_space<vmem_shared>>
    %dma_start3A_3494 = tpu.memref_squeeze %dma_start3A_3493 : memref<1x2x32x512xf32, #tpu.memory_space<vmem_shared>> -> memref<2x32x512xf32, #tpu.memory_space<vmem_shared>>
    %dma_start3A_3495 = arith.constant 0 : i32
    %dma_start3A_3496 = arith.constant 0 : i32
    %dma_start3A_3497 = tpu.memref_slice %dma_start3A_3494[%dma_start3A_3486, %dma_start3A_3495, %dma_start3A_3496] : memref<2x32x512xf32, #tpu.memory_space<vmem_shared>> -> memref<1x32x512xf32, #tpu.memory_space<vmem_shared>>
    %dma_start3A_3498 = tpu.memref_squeeze %dma_start3A_3497 : memref<1x32x512xf32, #tpu.memory_space<vmem_shared>> -> memref<32x512xf32, #tpu.memory_space<vmem_shared>>
    %dma_start3A_3499 = arith.constant 0 : i32
    %dma_start3A_3500 = tpu.memref_slice %arg2[%add3A_523, %dma_start3A_3499] : memref<65536x512xf32, #tpu.memory_space<hbm>> -> memref<32x512xf32, #tpu.memory_space<hbm>>
    tpu.enqueue_dma source(%dma_start3A_3500 : memref<32x512xf32, #tpu.memory_space<hbm>>) target(%dma_start3A_3498 : memref<32x512xf32, #tpu.memory_space<vmem_shared>>) target_semaphore(%dma_start3A_3489 : memref<!tpu.dma_semaphore, #tpu.memory_space<semaphore_mem>>)
    %dma_wait3A_3501 = arith.constant 1 : i32
    %dma_wait3A_3502 = arith.constant 1 : i32
    %dma_wait3A_3503 = tpu.memref_slice %arg12[%dma_wait3A_3502] : memref<2x!tpu.dma_semaphore, #tpu.memory_space<semaphore_mem>> -> memref<1x!tpu.dma_semaphore, #tpu.memory_space<semaphore_mem>>
    %dma_wait3A_3504 = tpu.memref_squeeze %dma_wait3A_3503 : memref<1x!tpu.dma_semaphore, #tpu.memory_space<semaphore_mem>> -> memref<!tpu.dma_semaphore, #tpu.memory_space<semaphore_mem>>
    %dma_wait3A_3505 = arith.constant 0 : i32
    %dma_wait3A_3506 = arith.constant 0 : i32
    %dma_wait3A_3507 = arith.constant 0 : i32
    %dma_wait3A_3508 = tpu.memref_slice %arg9[%arg1, %dma_wait3A_3505, %dma_wait3A_3506, %dma_wait3A_3507] : memref<16x2x32x512xf32, #tpu.memory_space<vmem_shared>> -> memref<1x2x32x512xf32, #tpu.memory_space<vmem_shared>>
    %dma_wait3A_3509 = tpu.memref_squeeze %dma_wait3A_3508 : memref<1x2x32x512xf32, #tpu.memory_space<vmem_shared>> -> memref<2x32x512xf32, #tpu.memory_space<vmem_shared>>
    %dma_wait3A_3510 = arith.constant 0 : i32
    %dma_wait3A_3511 = arith.constant 0 : i32
    %dma_wait3A_3512 = tpu.memref_slice %dma_wait3A_3509[%dma_wait3A_3501, %dma_wait3A_3510, %dma_wait3A_3511] : memref<2x32x512xf32, #tpu.memory_space<vmem_shared>> -> memref<1x32x512xf32, #tpu.memory_space<vmem_shared>>
    %dma_wait3A_3513 = tpu.memref_squeeze %dma_wait3A_3512 : memref<1x32x512xf32, #tpu.memory_space<vmem_shared>> -> memref<32x512xf32, #tpu.memory_space<vmem_shared>>
    %dma_wait3A_3514 = arith.constant 0 : i32
    %dma_wait3A_3515 = arith.constant 0 : i32
    %dma_wait3A_3516 = tpu.memref_slice %arg2[%dma_wait3A_3514, %dma_wait3A_3515] : memref<65536x512xf32, #tpu.memory_space<hbm>> -> memref<32x512xf32, #tpu.memory_space<hbm>>
    tpu.wait_dma2 semaphore(%dma_wait3A_3504 : memref<!tpu.dma_semaphore, #tpu.memory_space<semaphore_mem>>) src(%dma_wait3A_3516 : memref<32x512xf32, #tpu.memory_space<hbm>>) dst(%dma_wait3A_3513 : memref<32x512xf32, #tpu.memory_space<vmem_shared>>)
    %dma_start3A_3517 = arith.constant 1 : i32
    %dma_start3A_3518 = arith.constant 1 : i32
    %dma_start3A_3519 = tpu.memref_slice %arg13[%dma_start3A_3518] : memref<2x!tpu.dma_semaphore, #tpu.memory_space<semaphore_mem>> -> memref<1x!tpu.dma_semaphore, #tpu.memory_space<semaphore_mem>>
    %dma_start3A_3520 = tpu.memref_squeeze %dma_start3A_3519 : memref<1x!tpu.dma_semaphore, #tpu.memory_space<semaphore_mem>> -> memref<!tpu.dma_semaphore, #tpu.memory_space<semaphore_mem>>
    %dma_start3A_3521 = arith.constant 0 : i32
    %dma_start3A_3522 = tpu.memref_slice %arg5[%add3A_529, %dma_start3A_3521] : memref<65536x512xf32, #tpu.memory_space<hbm>> -> memref<32x512xf32, #tpu.memory_space<hbm>>
    %dma_start3A_3523 = arith.constant 0 : i32
    %dma_start3A_3524 = arith.constant 0 : i32
    %dma_start3A_3525 = arith.constant 0 : i32
    %dma_start3A_3526 = tpu.memref_slice %arg9[%arg1, %dma_start3A_3523, %dma_start3A_3524, %dma_start3A_3525] : memref<16x2x32x512xf32, #tpu.memory_space<vmem_shared>> -> memref<1x2x32x512xf32, #tpu.memory_space<vmem_shared>>
    %dma_start3A_3527 = tpu.memref_squeeze %dma_start3A_3526 : memref<1x2x32x512xf32, #tpu.memory_space<vmem_shared>> -> memref<2x32x512xf32, #tpu.memory_space<vmem_shared>>
    %dma_start3A_3528 = arith.constant 0 : i32
    %dma_start3A_3529 = arith.constant 0 : i32
    %dma_start3A_3530 = tpu.memref_slice %dma_start3A_3527[%dma_start3A_3517, %dma_start3A_3528, %dma_start3A_3529] : memref<2x32x512xf32, #tpu.memory_space<vmem_shared>> -> memref<1x32x512xf32, #tpu.memory_space<vmem_shared>>
    %dma_start3A_3531 = tpu.memref_squeeze %dma_start3A_3530 : memref<1x32x512xf32, #tpu.memory_space<vmem_shared>> -> memref<32x512xf32, #tpu.memory_space<vmem_shared>>
    tpu.enqueue_dma source(%dma_start3A_3531 : memref<32x512xf32, #tpu.memory_space<vmem_shared>>) target(%dma_start3A_3522 : memref<32x512xf32, #tpu.memory_space<hbm>>) target_semaphore(%dma_start3A_3520 : memref<!tpu.dma_semaphore, #tpu.memory_space<semaphore_mem>>)
    %dma_wait3A_3532 = arith.constant 1 : i32
    %dma_wait3A_3533 = arith.constant 1 : i32
    %dma_wait3A_3534 = arith.constant 0 : i32
    %dma_wait3A_3535 = arith.constant 0 : i32
    %dma_wait3A_3536 = tpu.memref_slice %arg8[%dma_wait3A_3532, %dma_wait3A_3534, %dma_wait3A_3535] : memref<2x64x512xf32, #tpu.memory_space<vmem>> -> memref<1x64x512xf32, #tpu.memory_space<vmem>>
    %dma_wait3A_3537 = tpu.memref_squeeze %dma_wait3A_3536 : memref<1x64x512xf32, #tpu.memory_space<vmem>> -> memref<64x512xf32, #tpu.memory_space<vmem>>
    %dma_wait3A_3538 = arith.constant 0 : i32
    %dma_wait3A_3539 = arith.constant 0 : i32
    %dma_wait3A_3540 = tpu.memref_slice %arg5[%dma_wait3A_3538, %dma_wait3A_3539] : memref<65536x512xf32, #tpu.memory_space<hbm>> -> memref<64x512xf32, #tpu.memory_space<hbm>>
    %dma_wait3A_3541 = tpu.memref_slice %arg11[%dma_wait3A_3533] : memref<2x!tpu.dma_semaphore, #tpu.memory_space<semaphore_mem>> -> memref<1x!tpu.dma_semaphore, #tpu.memory_space<semaphore_mem>>
    %dma_wait3A_3542 = tpu.memref_squeeze %dma_wait3A_3541 : memref<1x!tpu.dma_semaphore, #tpu.memory_space<semaphore_mem>> -> memref<!tpu.dma_semaphore, #tpu.memory_space<semaphore_mem>>
    %dma_wait3A_3543 = arith.constant 0 : i32
    %dma_wait3A_3544 = arith.constant 0 : i32
    %dma_wait3A_3545 = tpu.memref_slice %arg5[%dma_wait3A_3543, %dma_wait3A_3544] : memref<65536x512xf32, #tpu.memory_space<hbm>> -> memref<64x512xf32, #tpu.memory_space<hbm>>
    %dma_wait3A_3546 = arith.constant 0 : i32
    %dma_wait3A_3547 = arith.constant 0 : i32
    %dma_wait3A_3548 = tpu.memref_slice %arg8[%dma_wait3A_3532, %dma_wait3A_3546, %dma_wait3A_3547] : memref<2x64x512xf32, #tpu.memory_space<vmem>> -> memref<1x64x512xf32, #tpu.memory_space<vmem>>
    %dma_wait3A_3549 = tpu.memref_squeeze %dma_wait3A_3548 : memref<1x64x512xf32, #tpu.memory_space<vmem>> -> memref<64x512xf32, #tpu.memory_space<vmem>>
    tpu.wait_dma2 semaphore(%dma_wait3A_3542 : memref<!tpu.dma_semaphore, #tpu.memory_space<semaphore_mem>>) src(%dma_wait3A_3549 : memref<64x512xf32, #tpu.memory_space<vmem>>) dst(%dma_wait3A_3545 : memref<64x512xf32, #tpu.memory_space<hbm>>)
    %dma_wait3A_3550 = arith.constant 0 : i32
    %dma_wait3A_3551 = arith.constant 0 : i32
    %dma_wait3A_3552 = arith.constant 0 : i32
    %dma_wait3A_3553 = arith.constant 0 : i32
    %dma_wait3A_3554 = tpu.memref_slice %arg8[%dma_wait3A_3550, %dma_wait3A_3552, %dma_wait3A_3553] : memref<2x64x512xf32, #tpu.memory_space<vmem>> -> memref<1x64x512xf32, #tpu.memory_space<vmem>>
    %dma_wait3A_3555 = tpu.memref_squeeze %dma_wait3A_3554 : memref<1x64x512xf32, #tpu.memory_space<vmem>> -> memref<64x512xf32, #tpu.memory_space<vmem>>
    %dma_wait3A_3556 = arith.constant 0 : i32
    %dma_wait3A_3557 = arith.constant 0 : i32
    %dma_wait3A_3558 = tpu.memref_slice %arg5[%dma_wait3A_3556, %dma_wait3A_3557] : memref<65536x512xf32, #tpu.memory_space<hbm>> -> memref<64x512xf32, #tpu.memory_space<hbm>>
    %dma_wait3A_3559 = tpu.memref_slice %arg11[%dma_wait3A_3551] : memref<2x!tpu.dma_semaphore, #tpu.memory_space<semaphore_mem>> -> memref<1x!tpu.dma_semaphore, #tpu.memory_space<semaphore_mem>>
    %dma_wait3A_3560 = tpu.memref_squeeze %dma_wait3A_3559 : memref<1x!tpu.dma_semaphore, #tpu.memory_space<semaphore_mem>> -> memref<!tpu.dma_semaphore, #tpu.memory_space<semaphore_mem>>
    %dma_wait3A_3561 = arith.constant 0 : i32
    %dma_wait3A_3562 = arith.constant 0 : i32
    %dma_wait3A_3563 = tpu.memref_slice %arg5[%dma_wait3A_3561, %dma_wait3A_3562] : memref<65536x512xf32, #tpu.memory_space<hbm>> -> memref<64x512xf32, #tpu.memory_space<hbm>>
    %dma_wait3A_3564 = arith.constant 0 : i32
    %dma_wait3A_3565 = arith.constant 0 : i32
    %dma_wait3A_3566 = tpu.memref_slice %arg8[%dma_wait3A_3550, %dma_wait3A_3564, %dma_wait3A_3565] : memref<2x64x512xf32, #tpu.memory_space<vmem>> -> memref<1x64x512xf32, #tpu.memory_space<vmem>>
    %dma_wait3A_3567 = tpu.memref_squeeze %dma_wait3A_3566 : memref<1x64x512xf32, #tpu.memory_space<vmem>> -> memref<64x512xf32, #tpu.memory_space<vmem>>
    tpu.wait_dma2 semaphore(%dma_wait3A_3560 : memref<!tpu.dma_semaphore, #tpu.memory_space<semaphore_mem>>) src(%dma_wait3A_3567 : memref<64x512xf32, #tpu.memory_space<vmem>>) dst(%dma_wait3A_3563 : memref<64x512xf32, #tpu.memory_space<hbm>>)
    %dma_wait3A_3568 = arith.constant 1 : i32
    %dma_wait3A_3569 = arith.constant 1 : i32
    %dma_wait3A_3570 = tpu.memref_slice %arg13[%dma_wait3A_3569] : memref<2x!tpu.dma_semaphore, #tpu.memory_space<semaphore_mem>> -> memref<1x!tpu.dma_semaphore, #tpu.memory_space<semaphore_mem>>
    %dma_wait3A_3571 = tpu.memref_squeeze %dma_wait3A_3570 : memref<1x!tpu.dma_semaphore, #tpu.memory_space<semaphore_mem>> -> memref<!tpu.dma_semaphore, #tpu.memory_space<semaphore_mem>>
    %dma_wait3A_3572 = arith.constant 0 : i32
    %dma_wait3A_3573 = arith.constant 0 : i32
    %dma_wait3A_3574 = tpu.memref_slice %arg5[%dma_wait3A_3572, %dma_wait3A_3573] : memref<65536x512xf32, #tpu.memory_space<hbm>> -> memref<32x512xf32, #tpu.memory_space<hbm>>
    %dma_wait3A_3575 = arith.constant 0 : i32
    %dma_wait3A_3576 = arith.constant 0 : i32
    %dma_wait3A_3577 = arith.constant 0 : i32
    %dma_wait3A_3578 = tpu.memref_slice %arg9[%arg1, %dma_wait3A_3575, %dma_wait3A_3576, %dma_wait3A_3577] : memref<16x2x32x512xf32, #tpu.memory_space<vmem_shared>> -> memref<1x2x32x512xf32, #tpu.memory_space<vmem_shared>>
    %dma_wait3A_3579 = tpu.memref_squeeze %dma_wait3A_3578 : memref<1x2x32x512xf32, #tpu.memory_space<vmem_shared>> -> memref<2x32x512xf32, #tpu.memory_space<vmem_shared>>
    %dma_wait3A_3580 = arith.constant 0 : i32
    %dma_wait3A_3581 = arith.constant 0 : i32
    %dma_wait3A_3582 = tpu.memref_slice %dma_wait3A_3579[%dma_wait3A_3568, %dma_wait3A_3580, %dma_wait3A_3581] : memref<2x32x512xf32, #tpu.memory_space<vmem_shared>> -> memref<1x32x512xf32, #tpu.memory_space<vmem_shared>>
    %dma_wait3A_3583 = tpu.memref_squeeze %dma_wait3A_3582 : memref<1x32x512xf32, #tpu.memory_space<vmem_shared>> -> memref<32x512xf32, #tpu.memory_space<vmem_shared>>
    tpu.wait_dma2 semaphore(%dma_wait3A_3571 : memref<!tpu.dma_semaphore, #tpu.memory_space<semaphore_mem>>) src(%dma_wait3A_3583 : memref<32x512xf32, #tpu.memory_space<vmem_shared>>) dst(%dma_wait3A_3574 : memref<32x512xf32, #tpu.memory_space<hbm>>)
    %dma_wait3A_3584 = arith.constant 0 : i32
    %dma_wait3A_3585 = arith.constant 0 : i32
    %dma_wait3A_3586 = tpu.memref_slice %arg13[%dma_wait3A_3585] : memref<2x!tpu.dma_semaphore, #tpu.memory_space<semaphore_mem>> -> memref<1x!tpu.dma_semaphore, #tpu.memory_space<semaphore_mem>>
    %dma_wait3A_3587 = tpu.memref_squeeze %dma_wait3A_3586 : memref<1x!tpu.dma_semaphore, #tpu.memory_space<semaphore_mem>> -> memref<!tpu.dma_semaphore, #tpu.memory_space<semaphore_mem>>
    %dma_wait3A_3588 = arith.constant 0 : i32
    %dma_wait3A_3589 = arith.constant 0 : i32
    %dma_wait3A_3590 = tpu.memref_slice %arg5[%dma_wait3A_3588, %dma_wait3A_3589] : memref<65536x512xf32, #tpu.memory_space<hbm>> -> memref<32x512xf32, #tpu.memory_space<hbm>>
    %dma_wait3A_3591 = arith.constant 0 : i32
    %dma_wait3A_3592 = arith.constant 0 : i32
    %dma_wait3A_3593 = arith.constant 0 : i32
    %dma_wait3A_3594 = tpu.memref_slice %arg9[%arg1, %dma_wait3A_3591, %dma_wait3A_3592, %dma_wait3A_3593] : memref<16x2x32x512xf32, #tpu.memory_space<vmem_shared>> -> memref<1x2x32x512xf32, #tpu.memory_space<vmem_shared>>
    %dma_wait3A_3595 = tpu.memref_squeeze %dma_wait3A_3594 : memref<1x2x32x512xf32, #tpu.memory_space<vmem_shared>> -> memref<2x32x512xf32, #tpu.memory_space<vmem_shared>>
    %dma_wait3A_3596 = arith.constant 0 : i32
    %dma_wait3A_3597 = arith.constant 0 : i32
    %dma_wait3A_3598 = tpu.memref_slice %dma_wait3A_3595[%dma_wait3A_3584, %dma_wait3A_3596, %dma_wait3A_3597] : memref<2x32x512xf32, #tpu.memory_space<vmem_shared>> -> memref<1x32x512xf32, #tpu.memory_space<vmem_shared>>
    %dma_wait3A_3599 = tpu.memref_squeeze %dma_wait3A_3598 : memref<1x32x512xf32, #tpu.memory_space<vmem_shared>> -> memref<32x512xf32, #tpu.memory_space<vmem_shared>>
    tpu.wait_dma2 semaphore(%dma_wait3A_3587 : memref<!tpu.dma_semaphore, #tpu.memory_space<semaphore_mem>>) src(%dma_wait3A_3599 : memref<32x512xf32, #tpu.memory_space<vmem_shared>>) dst(%dma_wait3A_3590 : memref<32x512xf32, #tpu.memory_space<hbm>>)
    return
  }
}

</mosaic_0001>

<sc_bundles>
// kernel: kernel.3.cloned.1.call-start
scs
__scs_entry_jumppad:
0x0: {  	(pc) =	sbr.rel $0x88, $3  }
0x1: {  	(tag) =	ssettag $0x0;
	lr =	simm.s32 $0x1  }
0x2: {  	[smem:$0x3F9E] =	sst lr;
	_ =	strace $0xD0000000  }
0x3: {  	_ = 	snop  }
0x4: {  	_ = 	snop  }
0x5: {  	_ = 	snop  }
0x6: {  	_ = 	snop  }
0x7: {  	_ = 	snop  }
__scs_overlays_trampoline_lowered:
0x8: {  	[smem:$0x3FAD] =	sst s0  }
0x9: {  	[smem:$0x3FAE] =	sst s1  }
0xa: {  	[smem:$0x3FAF] =	sst s2  }
0xb: {  	[smem:$0x3FB0] =	sst s3  }
0xc: {  	[smem:$0x3FB1] =	sst s4  }
0xd: {  	[smem:$0x3FB2] =	sst s5  }
0xe: {  	[smem:$0x3FB3] =	sst s6  }
0xf: {  	[smem:$0x3FB4] =	sst s7  }
0x10: {  	[smem:$0x3FB5] =	sst s8  }
0x11: {  	[smem:$0x3FB6] =	sst s9;
	s0 =	simm.s32 @!p0 $0x0  }
0x12: {  	s1 =	sld [smem:$0x3F9C];
	s0 =	simm.s32 @p0 $0x1  }
0x13: {  	[smem:$0x3FB7] =	sst s0;
	s0 =	simm.s32 @!p1 $0x0  }
0x14: {  	s2 =	sld [smem:$0x3F9B];
	s0 =	simm.s32 @p1 $0x1  }
0x15: {  	[smem:$0x3FB8] =	sst s0;
	s0 =	simm.s32 @!p2 $0x0  }
0x16: {  	s3 =	sld [smem:$0x3FDB];
	s0 =	simm.s32 @p2 $0x1  }
0x17: {  	s4 =	simm.s32 $0x1BF5;
	[smem:$0x3FBA] =	sst s0  }
0x18: {  	s0 =	sld [smem:$0x3F9D];
	_ =	swait.ge [sflag:s4], $0x0  }
0x19: {  	s7 =	sld [smem:$0x3F9E]  }
0x1a: {  	s8 =	sadd.s32 $0xFFFFE003, lr  }
0x1b: {  	s9 =	sadd.s32 $0xFFFFFEF7, lr;
	s5 =	simm.s32 $0xFFFFFFFF;
	p2 =	slt.u32 s8, $0xFFFFF086  }
0x1c: {  	p1 =	slt.u32 s9, $0xF7A;
	s5 =	simm.s32 @!p2 $0x0  }
0x1d: {  	s5 =	simm.s32 @p1 $0x1;
	p0 =	seq.s32 s7, s2  }
0x1e: {  	s7 =	smul.u32 @!p0 $0xF7A, s2;
	p2 =	seq.s32 @!p0 s5, $0x0  }
0x1f: {  	s9 =	smul.u32 $0xF7A, s1;
	s8 =	simm.s32 @!p0 $0x1BF5;
	p2 =	por !p2, p0  }
0x20: {  	[sflag:s8] =	ssyncset.s32 @!p0 $0xFFFFF086;
	s6 =	sadd.s32 @!p0 s3, s7;
	s7 =	simm.s32 @!p0 $0x108  }
0x21: {  	s3 =	sadd.s32 s3, s9;
	s6 =	sadd.s32 @!p0 $0x88, s6;
	s7 =	simm.s32 @p2 $0x1082  }
0x22: {  	[simem:s7], [sflag:s8] =	dma.local @!p0 [hbm:s6], $0xF7A  }
0x23: {  	s9 =	sor.u32 $0xD0000000, s2;
	s6 =	simm.s32 $0x108;
	_ =	swait.ge @!p0 [sflag:s8], $0x0  }
0x24: {  	s3 =	sadd.s32 $0x88, s3;
	s6 =	simm.s32 @!p1 $0x1082;
	[sflag:s4] =	ssyncset.s32 $0xFFFFF086  }
0x25: {  	[simem:s6], [sflag:s4] =	dma.local [hbm:s3], $0xF7A  }
0x26: {  	[smem:$0x3F9E] =	sst s1;
	(tag) =	ssettag s2;
	_ =	strace s9  }
0x27: {  	s1 =	sld [smem:$0x3FAE]  }
0x28: {  	s2 =	sld [smem:$0x3FAF]  }
0x29: {  	s4 =	sld [smem:$0x3FB1]  }
0x2a: {  	p0 =	seq.s32 s5, $0x0;
	s5 =	sld [smem:$0x3FB2]  }
0x2b: {  	s6 =	sld [smem:$0x3FB3]  }
0x2c: {  	s7 =	sld [smem:$0x3FB4]  }
0x2d: {  	s3 =	simm.s32 $0x108;
	s8 =	sld [smem:$0x3FB5]  }
0x2e: {  	s3 =	simm.s32 @!p0 $0x1082;
	s9 =	sld [smem:$0x3FB6]  }
0x2f: {  	lr =	sadd.s32 s0, s3;
	s0 =	sld [smem:$0x3FAD]  }
0x30: {  	s3 =	sld [smem:$0x3FB0]  }
0x31: {  	[smem:$0x3FB9] =	sst s10  }
0x32: {  	s10 =	sld [smem:$0x3FB7];
	_ =	sdelay $0x3  }
0x33: {  	p0 =	seq.s32 s10, $0x1;
	s10 =	sld [smem:$0x3FB9];
	_ =	sdelay $0x3  }
0x34: {  	[smem:$0x3FB9] =	sst s10  }
0x35: {  	s10 =	sld [smem:$0x3FB8];
	_ =	sdelay $0x3  }
0x36: {  	p1 =	seq.s32 s10, $0x1;
	s10 =	sld [smem:$0x3FB9];
	_ =	sdelay $0x3  }
0x37: {  	[smem:$0x3FB9] =	sst s10  }
0x38: {  	s10 =	sld [smem:$0x3FBA]  }
0x39: {  	_ = 	snop;
	(pc) =	sbr.ind lr, $3  }
0x3a: {  	_ = 	snop  }
0x3b: {  	_ = 	snop  }
0x3c: {  	p2 =	seq.s32 s10, $0x1;
	s10 =	sld [smem:$0x3FB9]  }
0x3d: {  	_ =	shalt  }
0x3e: {  	_ =	shalt  }
0x3f: {  	_ =	shalt  }
0x40: {  	_ =	shalt  }
0x41: {  	_ =	shalt  }
0x42: {  	_ =	shalt  }
0x43: {  	_ =	shalt  }
0x44: {  	_ =	shalt  }
0x45: {  	_ =	shalt  }
0x46: {  	_ =	shalt  }
0x47: {  	_ =	shalt  }
0x48: {  	_ =	shalt  }
0x49: {  	_ =	shalt  }
0x4a: {  	_ =	shalt  }
0x4b: {  	_ =	shalt  }
0x4c: {  	_ =	shalt  }
0x4d: {  	_ =	shalt  }
0x4e: {  	_ =	shalt  }
0x4f: {  	_ =	shalt  }
0x50: {  	_ =	shalt  }
0x51: {  	_ =	shalt  }
0x52: {  	_ =	shalt  }
0x53: {  	_ =	shalt  }
0x54: {  	_ =	shalt  }
0x55: {  	_ =	shalt  }
0x56: {  	_ =	shalt  }
0x57: {  	_ =	shalt  }
0x58: {  	_ =	shalt  }
0x59: {  	_ =	shalt  }
0x5a: {  	_ =	shalt  }
0x5b: {  	_ =	shalt  }
0x5c: {  	_ =	shalt  }
0x5d: {  	_ =	shalt  }
0x5e: {  	_ =	shalt  }
0x5f: {  	_ =	shalt  }
0x60: {  	_ =	shalt  }
0x61: {  	_ =	shalt  }
0x62: {  	_ =	shalt  }
0x63: {  	_ =	shalt  }
0x64: {  	_ =	shalt  }
0x65: {  	_ =	shalt  }
0x66: {  	_ =	shalt  }
0x67: {  	_ =	shalt  }
0x68: {  	_ =	shalt  }
0x69: {  	_ =	shalt  }
0x6a: {  	_ =	shalt  }
0x6b: {  	_ =	shalt  }
0x6c: {  	_ =	shalt  }
0x6d: {  	_ =	shalt  }
0x6e: {  	_ =	shalt  }
0x6f: {  	_ =	shalt  }
0x70: {  	_ =	shalt  }
0x71: {  	_ =	shalt  }
0x72: {  	_ =	shalt  }
0x73: {  	_ =	shalt  }
0x74: {  	_ =	shalt  }
0x75: {  	_ =	shalt  }
0x76: {  	_ =	shalt  }
0x77: {  	_ =	shalt  }
0x78: {  	_ =	shalt  }
0x79: {  	_ =	shalt  }
0x7a: {  	_ =	shalt  }
0x7b: {  	_ =	shalt  }
0x7c: {  	_ =	shalt  }
0x7d: {  	_ =	shalt  }
0x7e: {  	_ =	shalt  }
0x7f: {  	_ =	shalt  }
0x80: {  	_ =	shalt  }
0x81: {  	_ =	shalt  }
0x82: {  	_ =	shalt  }
0x83: {  	_ =	shalt  }
0x84: {  	_ =	shalt  }
0x85: {  	_ =	shalt  }
0x86: {  	_ =	shalt  }
0x87: {  	_ =	shalt  }
.Lfunc_end0:
.L_simem_size_0:
called_computation_lowered:
.L_overlay_start_0:
0x88: {  	s2 =	sld [smem:$0x3FD9]  }
0x89: {  	s3 =	sld [smem:$0x3FFE];
	_ =	sdelay $0x1  }
0x8a: {  	s1 =	srdreg.scid  }
0x8b: {  	s0 =	sand.u32 $0x1, s1  }
0x8c: {  	s18 =	sshll.u32 s0, $0xA;
	s2 =	sadd.s32 s3, s2  }
0x8d: {  	s2 =	sadd.s32 s2, s18  }
0x8e: {  	[smem:$0x3FC5] =	sst s2  }
0x8f: {  	_ = 	snop  }
0x90: {  	s2 =	sld [smem:$0x3FC9]  }
0x91: {  	s19 =	sld [smem:$0x3FC8]  }
0x92: {  	s4 =	sld [smem:$0x3FC7]  }
0x93: {  	s5 =	sld [smem:$0x3FD0];
	(tm) =	ssettm $0x1  }
0x94: {  	s6 =	sld [smem:$0x3FFB];
	_ =	sdelay $0x3  }
0x95: {  	_ =	strace s6  }
0x96: {  	s6 =	sld [smem:$0x3FFC];
	_ =	sdelay $0x3  }
0x97: {  	_ =	strace s6  }
0x98: {  	s6 =	sld [smem:$0x3FFD];
	_ =	sdelay $0x3  }
0x99: {  	_ =	strace s6  }
0x9a: {  	_ =	strace $0x8FFFFFFF  }
0x9b: {  	s20 =	sld [smem:$0x3FDB];
	_ =	sdelay $0x1  }
0x9c: {  	s7 =	simm.s32 $_scs_section_size  }
0x9d: {  	s8 =	simm.s32 $_size__tile_overlayer_lowered;
	s9 =	simm.s32 $_tile_overlayer_lowered  }
0x9e: {  	s23 =	simm.s32 $0x1BFF;
	s22 =	sshll.u32 s9, $0x1;
	s6 =	sadd.s32 s7, s20  }
0x9f: {  	s10 =	simm.s32 $0x0;
	s21 =	sshll.u32 s8, $0x1;
	s8 =	sadd.s32 s22, s6  }
0xa0: {  	[timem:s10], [sflag:s23] =	dma.local [hbm:s8], s21  }
0xa1: {  	_ =	swait.ge [sflag:s23], s21  }
0xa2: {  	s7 =	ssub.s32 $0x0, s21;
	[sflag:s23] =	ssyncset.done $0x0  }
0xa3: {  	[sflag:s23] =	ssyncadd.s32 s7;
	_ =	sdelay $0x1  }
0xa4: {  	s24 =	simm.s32 $0x1B8B  }
0xa5: {  	_ =	swait.ge [sflag:s24], $0x1  }
0xa6: {  	[sflag:s24] =	ssyncset.done $0x0  }
0xa7: {  	s25 =	simm.s32 $0x1B8E;
	[sflag:s24] =	ssyncadd.s32 $0xFFFFFFFF  }
0xa8: {  	s26 =	simm.s32 $execute0_lowered;
	[smem:$0x3FD2] =	sst s25  }
0xa9: {  	s7 =	sshll.u32 s26, $0x1;
	_ =	strace $0x80000046;
	[dreg:$0x1] =	wrdreg $0xFFFFFFFF  }
0xaa: {  	s28 =	simm.s32 $_size_execute0_lowered;
	s6 =	sadd.s32 s6, s7;
	[dreg:$0x0] =	wrdreg $0x0  }
0xab: {  	s7 =	sshll.u32 s28, $0x1;
	[dreg:$0x2] =	wrdreg s6  }
0xac: {  	[dreg:$0x3] =	wrdreg s7  }
0xad: {  	[dreg:$0x4] =	wrdreg $0xC0  }
0xae: {  	_ =	task [dreg:s10], $0x5FFFF  }
0xaf: {  	[dreg:$0x1] =	wrdreg $0xFFFFFFFF  }
0xb0: {  	[dreg:$0x0] =	wrdreg $0x60  }
0xb1: {  	[dreg:$0x2] =	wrdreg s2  }
0xb2: {  	[dreg:$0x3] =	wrdreg s19  }
0xb3: {  	[dreg:$0x4] =	wrdreg s4  }
0xb4: {  	[dreg:$0x5] =	wrdreg s5  }
0xb5: {  	[dreg:$0x6] =	wrdreg $0x102000  }
0xb6: {  	[dreg:$0x7] =	wrdreg $0x9  }
0xb7: {  	_ =	task.clear_ibuf [dreg:s10], $0x8FFFF;
	_ =	strace $0x90000046  }
0xb8: {  	s29 =	simm.s32 $0x9;
	_ =	strace $0x80000048  }
0xb9: {  	_ =	swait.ge [sflag:s29], $0x1  }
0xba: {  	[sflag:s29] =	ssyncadd.s32 $0xFFFFFFFF  }
0xbb: {  	_ =	strace $0x90000048  }
0xbc: {  	_ =	sfence  }
0xbd: {  	s30 =	sld [smem:$0x0];
	_ =	sdelay $0x2  }
0xbe: {  	s31 =	sshll.u32 s1, $0xD;
	s1 =	sshrl.u32 s1, $0x2  }
0xbf: {  	s3 =	sand.u32 $0x4000, s31;
	s1 =	sadd.s32 s1, s30  }
0xc0: {  	s0 =	sor.u32 s3, s0;
	s1 =	sshll.u32 s1, $0x11  }
0xc1: {  	s0 =	sor.u32 s1, s0  }
0xc2: {  	s0 =	sadd.s32 $0x8F2B, s0  }
0xc3: {  	[sflag:s0] =	ssyncadd.remote.s32 $0x1  }
0xc4: {  	_ =	sfence.sel $0xFFFF  }
0xc5: {  	[dreg:$0x0] =	wrdreg $0xFFFFFFFF;
	(pc) =	sbr.abs _section_cstart, $3  }
0xc6: {  	[dreg:$0x1] =	wrdreg $0xFFFFFFFF  }
0xc7: {  	_ =	task.clear_ibuf [dreg:s10], $0x2FFFF;
	_ =	strace $0x9FFFFFFF  }
0xc8: {  	(tm) =	ssettm $0x7FFFFFFF  }
0xc9: {  	_ =	shalt  }
tec
execute0_lowered:
.L_overlay_start_1:
0x0: {  	(tag) =	ssettag $0x1  }
0x1: {  	s1 =	rddreg [dreg:$0x0]  }
0x2: {  	s0 =	rddreg [dreg:$0x3]  }
0x3: {  	s2 =	rddreg [dreg:$0x4]  }
0x4: {  	s3 =	srdreg.scid;
	s8 =	stileid.u32  }
0x5: {  	s5 =	simm.s32 $0x0;
	s3 =	sand.u32 $0x1, s3;
	s6 =	sshll.u32 s8, $0x1  }
0x6: {  	[smem:$0x7FF] =	sst s5;
	s4 =	ssub.s32 $0x2, s3;
	s3 =	sor.u32 s3, s6  }
0x7: {  	s19 =	sshll.u32 s8, $0xF;
	s7 =	sshrl.u32 s4, $0x1;
	s20 =	sshll.u32 s3, $0x11  }
0x8: {  	s2 =	sadd.s32 s19, s2;
	s4 =	ssub.s32 s4, s7;
	s7 =	sadd.s32 s0, s20  }
0x9: {  	_ =	strace $0x80000047;
	[dreg:$0x6] =	wrdreg s2;
	s21 =	sadd.s32 $0x1000, s7  }
0xa: {  	s22 =	sadd.s32 $0x1800, s7;
	[dreg:$0x7] =	wrdreg s21  }
0xb: {  	s23 =	sadd.s32 $0x2000, s7;
	[dreg:$0x8] =	wrdreg s22  }
0xc: {  	s24 =	sadd.s32 $0x3000, s7;
	[dreg:$0x9] =	wrdreg s23  }
0xd: {  	s25 =	sadd.s32 $0x3800, s7;
	[dreg:$0xa] =	wrdreg s24  }
0xe: {  	s26 =	sadd.s32 $0x4000, s7;
	[dreg:$0xb] =	wrdreg s25  }
0xf: {  	s6 =	sadd.s32 $0x5000, s7;
	[dreg:$0xc] =	wrdreg s26  }
0x10: {  	s8 =	sadd.s32 $0x5800, s7;
	[dreg:$0xd] =	wrdreg s6  }
0x11: {  	s10 =	sadd.s32 $0x6000, s7;
	[dreg:$0xe] =	wrdreg s8  }
0x12: {  	s11 =	sadd.s32 $0x7000, s7;
	[dreg:$0xf] =	wrdreg s10  }
0x13: {  	s12 =	sadd.s32 $0x7800, s7;
	[dreg:$0x10] =	wrdreg s11  }
0x14: {  	s14 =	sadd.s32 $0x8000, s7;
	[dreg:$0x11] =	wrdreg s12  }
0x15: {  	s17 =	smax.u32 s4, $0x1;
	[dreg:$0x13] =	wrdreg s14  }
0x16: {  	s18 =	sadd.s32 $0x9000, s7;
	[dreg:$0x14] =	wrdreg s17  }
0x17: {  	s19 =	sadd.s32 $0x9800, s7;
	[dreg:$0x15] =	wrdreg s18  }
0x18: {  	s15 =	sshll.u32 s3, $0x5;
	s20 =	sadd.s32 $0xA000, s7;
	[dreg:$0x16] =	wrdreg s19  }
0x19: {  	s16 =	sor.u32 $0x10, s15;
	s3 =	sadd.s32 $0xF000, s7;
	[dreg:$0x17] =	wrdreg s20  }
0x1a: {  	s13 =	sshll.u32 s16, $0xC;
	s4 =	sadd.s32 $0xF800, s7;
	[dreg:$0x1e] =	wrdreg s3  }
0x1b: {  	s0 =	sadd.s32 s0, s13;
	[dreg:$0x1f] =	wrdreg s4  }
0x1c: {  	s21 =	sadd.s32 $0xB000, s7;
	[dreg:$0x12] =	wrdreg s0  }
0x1d: {  	s22 =	sadd.s32 $0xB800, s7;
	[dreg:$0x18] =	wrdreg s21  }
0x1e: {  	s24 =	sadd.s32 $0xC000, s7;
	[dreg:$0x19] =	wrdreg s22  }
0x1f: {  	s25 =	sadd.s32 $0xD000, s7;
	[dreg:$0x1a] =	wrdreg s24  }
0x20: {  	s2 =	sadd.s32 $0x4000, s2;
	s26 =	sadd.s32 $0xD800, s7;
	[dreg:$0x1b] =	wrdreg s25  }
0x21: {  	s23 =	sshrl.u32 s2, $0x3;
	s2 =	sadd.s32 $0xE000, s7;
	[dreg:$0x1c] =	wrdreg s26  }
0x22: {  	s6 =	sadd.s32 $0x11000, s7;
	[dreg:$0x1d] =	wrdreg s2  }
0x23: {  	s8 =	sadd.s32 $0x11800, s7;
	[smem:$0x7EE] =	sst s6  }
0x24: {  	s10 =	sadd.s32 $0x12000, s7;
	[smem:$0x7EF] =	sst s8  }
0x25: {  	s11 =	sadd.s32 $0x13000, s7;
	[smem:$0x7F0] =	sst s10  }
0x26: {  	v1 =	vlaneseq.u32;
	s9 =	sadd.s32 $0x800, s1;
	s12 =	sadd.s32 $0x13800, s7;
	[smem:$0x7F1] =	sst s11  }
0x27: {  	v0 =	vor.u32 s15, v1;
	s15 =	simm.s32 $0x3;
	s13 =	sadd.s32 $0x14000, s7;
	[smem:$0x7F2] =	sst s12  }
0x28: {  	s28 =	sadd.s32 $0x1C000, s7;
	s14 =	sadd.s32 $0x15000, s7;
	[smem:$0x7F3] =	sst s13  }
0x29: {  	s29 =	sadd.s32 $0x1D000, s7;
	s17 =	sadd.s32 $0x15800, s7;
	[smem:$0x7F4] =	sst s14  }
0x2a: {  	s30 =	sadd.s32 $0x1D800, s7;
	s18 =	sadd.s32 $0x16000, s7;
	[smem:$0x7F5] =	sst s17  }
0x2b: {  	s31 =	sadd.s32 $0x1E000, s7;
	s19 =	sadd.s32 $0x17000, s7;
	[smem:$0x7F6] =	sst s18  }
0x2c: {  	v1 =	vor.u32 s16, v1;
	s16 =	simm.s32 $0x4;
	s20 =	sadd.s32 $0x17800, s7;
	[smem:$0x7F7] =	sst s19  }
0x2d: {  	s3 =	simm.s32 $0x9;
	s4 =	simm.s32 $0x200;
	[smem:$0x7F8] =	sst s20  }
0x2e: {  	s21 =	sadd.s32 $0x18000, s7;
	s22 =	sadd.s32 $0x19000, s7;
	s24 =	sadd.s32 $0x19800, s7  }
0x2f: {  	s25 =	sadd.s32 $0x1A000, s7;
	s26 =	sadd.s32 $0x1B000, s7;
	s0 =	sadd.s32 $0x1F000, s7  }
0x30: {  	s2 =	sadd.s32 $0x1F800, s7;
	s8 =	simm.s32 $0x1;
	[smem:$0x7F9] =	sst s21  }
0x31: {  	s6 =	simm.s32 $0x5;
	s10 =	simm.s32 $0x8200;
	[smem:$0x7FA] =	sst s22  }
0x32: {  	s11 =	simm.s32 $0x6;
	s12 =	simm.s32 $0x7;
	[smem:$0x7FB] =	sst s24  }
0x33: {  	s13 =	simm.s32 $0x2;
	s14 =	simm.s32 $0x8;
	[smem:$0x7FC] =	sst s25  }
0x34: {  	s17 =	simm.s32 $0x0;
	[smem:$0x7FD] =	sst s26;
	s26 =	sadd.s32 $0x1B800, s7  }
.LBB2_1:
0x35: {  	s18 =	rddreg [dreg:$0x1]  }
0x36: {  	[tilespmem:s5], [sflag:$0x9] =	stream.linear.gather [hbm4b:s18+s5], $0x100, $0x38;
	[tilespmem:$0x18200] =	vst v63  }
0x37: {  	_ =	swait.ge [sflag:s3], $0x100  }
0x38: {  	[sflag:s3] =	ssyncset.done $0x0  }
0x39: {  	[sflag:s3] =	ssyncadd.s32 $0xFFFFFF00  }
0x3a: {  	s19 =	simm.s32 $0x100;
	s24 =	rddreg [dreg:$0x2]  }
0x3b: {  	[tilespmem:s19], [sflag:$0x9] =	stream.linear.gather [hbm4b:s24+s5], $0x100, $0x38;
	[tilespmem:$0x18200] =	vst v63  }
0x3c: {  	_ =	swait.ge [sflag:s3], $0x100  }
0x3d: {  	[sflag:s3] =	ssyncset.done $0x0  }
0x3e: {  	s25 =	simm.s32 $0x0;
	[sflag:s3] =	ssyncadd.s32 $0xFFFFFF00  }
0x3f: {  	v8 =	vld [tilespmem:s25+$0x100];
	_ =	sdelay $0x3  }
0x40: {  	v2 =	vld [tilespmem:s25+$0x0]  }
0x41: {  	v4 =	vbroadcast v8, $0x0  }
0x42: {  	v9 =	vbroadcast v8, $0xF;
	v5 =	vbroadcast v8, $0x1  }
0x43: {  	v3 =	vbroadcast v8, $0xE;
	v6 =	vbroadcast v8, $0x2  }
0x44: {  	v10 =	vbroadcast v8, $0x8;
	v11 =	vbroadcast v8, $0x4  }
0x45: {  	v12 =	vbroadcast v8, $0x5;
	v13 =	vbroadcast v2, $0x1  }
0x46: {  	v7 =	vbroadcast v2, $0x9;
	v14 =	vbroadcast v8, $0x7  }
0x47: {  	v15 =	vbroadcast v2, $0x4;
	v16 =	vbroadcast v8, $0x9  }
0x48: {  	v17 =	vbroadcast v2, $0x0;
	v60 =	vbroadcast v2, $0x2  }
0x49: {  	v18 =	vbroadcast v8, $0xA;
	v20 =	vbroadcast v8, $0x6  }
0x4a: {  	v21 =	vbroadcast v8, $0xB;
	v22 =	vbroadcast v2, $0x3  }
0x4b: {  	v23 =	vbroadcast v2, $0x5;
	v61 =	vbroadcast v2, $0x6  }
0x4c: {  	v62 =	vbroadcast v2, $0x7;
	v63 =	vbroadcast v8, $0xC;
	vm0 =	veq.s32 v0, v4  }
0x4d: {  	vm1 =	veq.s32 v1, v4;
	vm5 =	veq.s32 v0, v5;
	vm6 =	veq.s32 v1, v5  }
0x4e: {  	v4 =	vbroadcast v2, $0xC;
	vm7 =	veq.s32 v0, v6;
	v5 =	vbroadcast v2, $0xB  }
0x4f: {  	vm8 =	veq.s32 v1, v6;
	v6 =	vbroadcast v2, $0xA;
	vm2 =	veq.s32 v0, v11  }
0x50: {  	vm4 =	veq.s32 v1, v11;
	v11 =	vbroadcast v2, $0x8;
	vm3 =	veq.s32 v1, v12  }
0x51: {  	vm10 =	veq.s32 v0, v12;
	vm13 =	veq.s32 v1, v9;
	vm9 =	veq.s32 v1, v10  }
0x52: {  	vm14 =	veq.s32 v0, v9;
	v9 =	vbroadcast v8, $0x3;
	v8 =	vbroadcast v8, $0xD  }
0x53: {  	vm11 =	veq.s32 v1, v14;
	v19 =	vsel vm0, v17, v0;
	v17 =	vsel vm1, v17, v1  }
0x54: {  	vm12 =	veq.s32 v0, v10;
	v19 =	vsel vm5, v13, v19;
	v13 =	vsel vm6, v13, v17  }
0x55: {  	vm5 =	veq.s32 v0, v20;
	vm6 =	veq.s32 v0, v9;
	v19 =	vsel vm7, v60, v19  }
0x56: {  	v12 =	vsel vm8, v60, v13;
	v19 =	vsel vm6, v22, v19;
	vm6 =	veq.s32 v1, v9  }
0x57: {  	vm7 =	veq.s32 v1, v20;
	vm8 =	veq.s32 v0, v14;
	v9 =	vsel vm6, v22, v12  }
0x58: {  	v19 =	vsel vm2, v15, v19;
	vm2 =	veq.s32 v0, v16;
	vm6 =	veq.s32 v1, v16  }
0x59: {  	v9 =	vsel vm4, v15, v9;
	v10 =	vsel vm10, v23, v19;
	vm4 =	veq.s32 v0, v18  }
0x5a: {  	v9 =	vsel vm3, v23, v9;
	v10 =	vsel vm5, v61, v10;
	vm3 =	veq.s32 v0, v21  }
0x5b: {  	vm5 =	veq.s32 v0, v63;
	v9 =	vsel vm7, v61, v9;
	vm7 =	veq.s32 v1, v18  }
0x5c: {  	v10 =	vsel vm8, v62, v10;
	vm8 =	veq.s32 v1, v21;
	v13 =	vsel vm11, v62, v9  }
0x5d: {  	s18 =	simm.s32 $0x40;
	v9 =	vsel vm12, v11, v10;
	v10 =	vsel vm9, v11, v13;
	vm9 =	veq.s32 v1, v63  }
.LBB2_2:
0x5e: {  	s19 =	sshra.s32 s18, $0x2;
	v11 =	vbroadcast v2, $0xD  }
0x5f: {  	v10 =	vsel vm6, v7, v10;
	vm6 =	veq.s32 v1, v8;
	v12 =	vld [tilespmem:s19+$0x100];
	v7 =	vsel vm2, v7, v9  }
0x60: {  	vm2 =	veq.s32 v0, v8;
	v9 =	vsel vm7, v6, v10;
	v6 =	vsel vm4, v6, v7  }
0x61: {  	v8 =	vld [tilespmem:s19+$0x0];
	vm4 =	veq.s32 v1, v3;
	v7 =	vsel vm8, v5, v9;
	v5 =	vsel vm3, v5, v6  }
0x62: {  	v9 =	vbroadcast v2, $0xE;
	v6 =	vsel vm9, v4, v7;
	v4 =	vsel vm5, v4, v5  }
0x63: {  	vm3 =	veq.s32 v0, v3;
	v5 =	vsel vm6, v11, v6;
	v3 =	vsel vm2, v11, v4  }
0x64: {  	v4 =	vsel vm4, v9, v5;
	v5 =	vbroadcast v2, $0xF;
	v6 =	vbroadcast v12, $0x0  }
0x65: {  	v10 =	vbroadcast v12, $0xF;
	v7 =	vbroadcast v12, $0x1  }
0x66: {  	v11 =	vsel vm3, v9, v3;
	v3 =	vbroadcast v12, $0xE;
	v2 =	vmovc v8;
	v8 =	vbroadcast v12, $0x5  }
0x67: {  	v15 =	vimm.s32 $0x0;
	v14 =	vbroadcast v2, $0x1;
	v25 =	vbroadcast v2, $0x0  }
0x68: {  	v9 =	vsel vm14, v5, v11;
	vm6 =	veq.s32 v0, v6;
	vm2 =	veq.s32 v1, v6  }
0x69: {  	v11 =	vsel vm13, v5, v4;
	vm4 =	veq.s32 v0, v7;
	v5 =	vbroadcast v12, $0x2  }
0x6a: {  	vm7 =	veq.s32 v1, v7;
	v7 =	vbroadcast v12, $0x4;
	v6 =	vimm.s32 $0x0  }
0x6b: {  	vm9 =	veq.s32 v1, v10;
	vm8 =	veq.s32 v0, v10;
	v10 =	vbroadcast v12, $0x3  }
0x6c: {  	vm3 =	veq.s32 v0, v5;
	vm0 =	veq.s32 v1, v5;
	v5 =	vimm.s32 $0x0  }
0x6d: {  	v9 =	vsel vm6, v25, v9;
	v5 =	vsel vm0, $0xFFFFFFFF, v5;
	vm0 =	veq.s32 v0, v7  }
0x6e: {  	v9 =	vsel vm4, v14, v9;
	[tilespmem:$0x1FFD0] =	vst v5;
	v6 =	vsel vm0, $0xFFFFFFFF, v6;
	vm0 =	veq.s32 v1, v8  }
0x6f: {  	vm4 =	veq.s32 v1, v10;
	v15 =	vsel vm0, $0xFFFFFFFF, v15;
	vm0 =	veq.s32 v0, v10;
	v10 =	vld [tilespmem:$0x1FFD0]  }
0x70: {  	v13 =	vbroadcast v12, $0x8;
	v63 =	vbroadcast v12, $0x7  }
0x71: {  	v18 =	vbroadcast v12, $0x9;
	v20 =	vbroadcast v12, $0xA  }
0x72: {  	v21 =	vbroadcast v12, $0xB;
	v19 =	vbroadcast v2, $0x2  }
0x73: {  	v27 =	vbroadcast v12, $0xC;
	v16 =	vbroadcast v2, $0x8;
	v11 =	vsel vm2, v25, v11  }
0x74: {  	v11 =	vsel vm7, v14, v11;
	v9 =	vsel vm3, v19, v9;
	[tilespmem:$0x1FFE0] =	vst v6;
	vm3 =	vnez.u8 v10  }
0x75: {  	v17 =	vbroadcast v2, $0x4;
	v22 =	vbroadcast v2, $0x3;
	v10 =	vsel vm3, v19, v11;
	v11 =	vld [tilespmem:$0x1FFE0]  }
0x76: {  	v23 =	vbroadcast v2, $0x5;
	v24 =	vbroadcast v2, $0x6  }
0x77: {  	v26 =	vbroadcast v2, $0x7;
	v4 =	vbroadcast v2, $0xC;
	vm12 =	veq.s32 v0, v8  }
0x78: {  	vm11 =	veq.s32 v1, v13;
	vm15 =	veq.s32 v0, v63;
	vm5 =	veq.s32 v1, v63  }
0x79: {  	vm1 =	veq.s32 v0, v13;
	vm2 =	veq.s32 v0, v18;
	vm6 =	veq.s32 v1, v18;
	[tilespmem:$0x1FFF0] =	vst v15  }
0x7a: {  	v8 =	vbroadcast v12, $0x6;
	v9 =	vsel vm0, v22, v9;
	vm0 =	vnez.u8 v11;
	v11 =	vld [tilespmem:$0x1FFF0]  }
0x7b: {  	vm10 =	veq.s32 v1, v7;
	vm7 =	veq.s32 v1, v20;
	v7 =	vbroadcast v2, $0x9  }
0x7c: {  	v5 =	vbroadcast v2, $0xB;
	v6 =	vbroadcast v2, $0xA;
	vm13 =	veq.s32 v0, v8  }
0x7d: {  	vm14 =	veq.s32 v1, v8;
	v8 =	vbroadcast v12, $0xD;
	vm3 =	veq.s32 v0, v21  }
0x7e: {  	p0 =	sne.s32 s18, $0x3C0;
	v10 =	vsel vm4, v22, v10;
	vm4 =	veq.s32 v0, v20;
	v9 =	vsel vm0, v17, v9  }
.Ltmp0:
0x7f: {  	v10 =	vsel vm10, v17, v10;
	v9 =	vsel vm12, v23, v9;
	vm0 =	vnez.u8 v11;
	(pc) =	sbr.rel @p0 .LBB2_2-.Ltmp0, $4  }
0x80: {  	v9 =	vsel vm13, v24, v9;
	vm13 =	vmmov vm9;
	v10 =	vsel vm0, v23, v10  }
0x81: {  	vm9 =	veq.s32 v1, v27;
	v9 =	vsel vm15, v26, v9;
	v10 =	vsel vm14, v24, v10  }
0x82: {  	v9 =	vsel vm1, v16, v9;
	vm14 =	vmmov vm8;
	v10 =	vsel vm5, v26, v10  }
0x83: {  	s18 =	sadd.s32 $0x40, s18;
	vm8 =	veq.s32 v1, v21;
	vm5 =	veq.s32 v0, v27;
	v10 =	vsel vm11, v16, v10  }
0x84: {  	v10 =	vsel vm6, v7, v10;
	v11 =	vbroadcast v2, $0xD;
	s18 =	simm.s32 $0x0  }
0x85: {  	vm0 =	veq.s32 v1, v8;
	v7 =	vsel vm2, v7, v9;
	v9 =	vsel vm7, v6, v10;
	v14 =	vld [tilespmem:s18+$0x100]  }
0x86: {  	vm1 =	veq.s32 v0, v8;
	v6 =	vsel vm4, v6, v7;
	v10 =	vld [tilespmem:s18+$0x0];
	v7 =	vsel vm8, v5, v9  }
0x87: {  	v8 =	vbroadcast v2, $0xE;
	v5 =	vsel vm3, v5, v6;
	v6 =	vsel vm9, v4, v7  }
0x88: {  	vm2 =	veq.s32 v0, v3;
	v4 =	vsel vm5, v4, v5;
	v5 =	vsel vm0, v11, v6  }
0x89: {  	vm0 =	veq.s32 v1, v3;
	v3 =	vsel vm1, v11, v4;
	v6 =	vbroadcast v2, $0xF  }
0x8a: {  	v5 =	vsel vm0, v8, v5;
	v3 =	vsel vm2, v8, v3;
	v8 =	vbroadcast v14, $0x1  }
0x8b: {  	v2 =	vbroadcast v14, $0xD;
	v9 =	vbroadcast v10, $0x0  }
0x8c: {  	v4 =	vbroadcast v10, $0xE;
	v11 =	vbroadcast v14, $0x0  }
0x8d: {  	v7 =	vsel vm14, v6, v3;
	v3 =	vbroadcast v14, $0xC;
	v12 =	vbroadcast v14, $0x3  }
0x8e: {  	v6 =	vsel vm13, v6, v5;
	v13 =	vbroadcast v10, $0xC;
	v5 =	vbroadcast v10, $0xD  }
0x8f: {  	v16 =	vbroadcast v14, $0x4;
	v17 =	vbroadcast v10, $0x5  }
0x90: {  	v18 =	vbroadcast v10, $0xB;
	v19 =	vbroadcast v14, $0x6  }
0x91: {  	v20 =	vbroadcast v14, $0x7;
	v62 =	vbroadcast v14, $0x2  }
0x92: {  	v21 =	vbroadcast v10, $0x7;
	v22 =	vbroadcast v10, $0x4  }
0x93: {  	v23 =	vbroadcast v14, $0x5;
	v24 =	vbroadcast v10, $0x2  }
0x94: {  	v63 =	vbroadcast v10, $0x3;
	v25 =	vbroadcast v10, $0x9  }
0x95: {  	vm0 =	veq.s32 v0, v9;
	vm1 =	veq.s32 v1, v9;
	v9 =	vbroadcast v10, $0x1  }
0x96: {  	vm4 =	veq.s32 v1, v17;
	vm5 =	veq.s32 v0, v4;
	vm3 =	veq.s32 v0, v17  }
0x97: {  	vm11 =	veq.s32 v1, v21;
	vm9 =	veq.s32 v1, v22;
	vm10 =	veq.s32 v0, v21  }
0x98: {  	vm2 =	veq.s32 v0, v24;
	vm7 =	veq.s32 v0, v63;
	vm13 =	veq.s32 v0, v22  }
0x99: {  	vm6 =	veq.s32 v0, v25;
	vm15 =	veq.s32 v1, v63;
	v15 =	vsel vm1, v11, v6  }
0x9a: {  	v6 =	vbroadcast v14, $0x9;
	v11 =	vsel vm0, v11, v7;
	vm0 =	veq.s32 v0, v9  }
0x9b: {  	vm1 =	veq.s32 v1, v9;
	v9 =	vsel vm0, v8, v11;
	v11 =	vbroadcast v10, $0xA  }
0x9c: {  	v7 =	vbroadcast v14, $0x8;
	v8 =	vsel vm1, v8, v15;
	v15 =	vbroadcast v10, $0x8  }
0x9d: {  	v9 =	vsel vm2, v62, v9;
	vm2 =	veq.s32 v1, v24;
	vm0 =	veq.s32 v1, v11  }
0x9e: {  	vm8 =	veq.s32 v0, v15;
	vm1 =	veq.s32 v1, v15;
	v15 =	vbroadcast v10, $0x6  }
0x9f: {  	v8 =	vsel vm2, v62, v8;
	vm2 =	veq.s32 v1, v25;
	v9 =	vsel vm7, v12, v9  }
0xa0: {  	vm7 =	veq.s32 v0, v11;
	v11 =	vsel vm15, v12, v8;
	v9 =	vsel vm13, v16, v9  }
0xa1: {  	v8 =	vbroadcast v14, $0xA;
	vm12 =	veq.s32 v1, v15;
	vm14 =	veq.s32 v0, v15  }
0xa2: {  	v11 =	vsel vm9, v16, v11;
	v9 =	vsel vm3, v23, v9;
	vm3 =	veq.s32 v1, v18  }
0xa3: {  	vm9 =	veq.s32 v0, v18;
	v11 =	vsel vm4, v23, v11;
	v9 =	vsel vm14, v19, v9  }
0xa4: {  	vm4 =	veq.s32 v1, v13;
	v11 =	vsel vm12, v19, v11;
	v12 =	vsel vm10, v20, v9  }
0xa5: {  	s18 =	simm.s32 $0x40;
	vm10 =	veq.s32 v0, v13;
	v9 =	vsel vm11, v20, v11;
	v11 =	vsel vm8, v7, v12  }
.LBB2_4:
0xa6: {  	s19 =	sshra.s32 s18, $0x2;
	p0 =	sne.s32 s18, $0x3C0;
	s18 =	sadd.s32 $0x40, s18;
	vm8 =	veq.s32 v1, v5;
	vm11 =	veq.s32 v1, v4;
	v12 =	vbroadcast v14, $0xF  }
0xa7: {  	v7 =	vsel vm1, v7, v9;
	v9 =	vbroadcast v14, $0xB;
	vm1 =	veq.s32 v0, v5;
	v4 =	vld [tilespmem:s19+$0x100]  }
0xa8: {  	v5 =	vsel vm6, v6, v11;
	v6 =	vsel vm2, v6, v7;
	v7 =	vbroadcast v10, $0xF;
	v10 =	vld [tilespmem:s19+$0x0]  }
0xa9: {  	v5 =	vsel vm7, v8, v5;
	v6 =	vsel vm0, v8, v6;
	v8 =	vbroadcast v14, $0xE  }
0xaa: {  	v5 =	vsel vm9, v9, v5;
	v6 =	vsel vm3, v9, v6;
	vm0 =	veq.s32 v1, v7  }
0xab: {  	v5 =	vsel vm10, v3, v5;
	vm2 =	veq.s32 v0, v7;
	v3 =	vsel vm4, v3, v6  }
0xac: {  	v3 =	vsel vm8, v2, v3;
	v9 =	vbroadcast v4, $0x1;
	v6 =	vbroadcast v4, $0xD;
	v14 =	vmovc v4  }
0xad: {  	v11 =	vsel vm11, v8, v3;
	v7 =	vbroadcast v10, $0x0;
	v4 =	vbroadcast v10, $0xE  }
0xae: {  	v5 =	vsel vm1, v2, v5;
	v13 =	vbroadcast v14, $0x0;
	v3 =	vbroadcast v14, $0xC;
	v2 =	vmovc v6  }
0xaf: {  	v6 =	vsel vm0, v12, v11;
	vm1 =	veq.s32 v0, v7;
	vm3 =	veq.s32 v1, v7  }
0xb0: {  	v15 =	vbroadcast v10, $0xC;
	v11 =	vbroadcast v14, $0x3;
	v7 =	vsel vm5, v8, v5  }
0xb1: {  	v8 =	vbroadcast v10, $0x1;
	v5 =	vbroadcast v10, $0xD;
	v7 =	vsel vm2, v12, v7  }
0xb2: {  	v16 =	vbroadcast v14, $0x4;
	v12 =	vsel vm3, v13, v6;
	v6 =	vbroadcast v14, $0x9  }
0xb3: {  	v17 =	vbroadcast v10, $0x5;
	v18 =	vbroadcast v10, $0xB;
	v13 =	vsel vm1, v13, v7  }
0xb4: {  	vm0 =	veq.s32 v0, v8;
	vm1 =	veq.s32 v1, v8;
	v7 =	vbroadcast v14, $0x8  }
0xb5: {  	vm4 =	veq.s32 v1, v17;
	v8 =	vsel vm0, v9, v13;
	v13 =	vbroadcast v10, $0xA  }
0xb6: {  	v19 =	vbroadcast v14, $0x6;
	v20 =	vbroadcast v14, $0x7;
	vm5 =	veq.s32 v0, v4  }
0xb7: {  	vm3 =	veq.s32 v0, v17;
	v9 =	vsel vm1, v9, v12;
	v12 =	vbroadcast v10, $0x8  }
0xb8: {  	v21 =	vbroadcast v10, $0x7;
	v17 =	vbroadcast v14, $0x2;
	vm0 =	veq.s32 v1, v13  }
0xb9: {  	v22 =	vbroadcast v10, $0x4;
	v23 =	vbroadcast v14, $0x5;
	vm8 =	veq.s32 v0, v12  }
0xba: {  	v24 =	vbroadcast v10, $0x2;
	vm11 =	veq.s32 v1, v21;
	vm1 =	veq.s32 v1, v12  }
0xbb: {  	vm9 =	veq.s32 v1, v22;
	vm10 =	veq.s32 v0, v21;
	v12 =	vbroadcast v10, $0x6  }
0xbc: {  	v25 =	vbroadcast v10, $0x9;
	v21 =	vbroadcast v10, $0x3;
	vm2 =	veq.s32 v0, v24  }
0xbd: {  	v8 =	vsel vm2, v17, v8;
	vm2 =	veq.s32 v1, v24;
	vm12 =	veq.s32 v1, v12  }
0xbe: {  	vm7 =	veq.s32 v0, v21;
	v9 =	vsel vm2, v17, v9;
	vm2 =	veq.s32 v1, v25  }
0xbf: {  	vm13 =	veq.s32 v0, v22;
	vm6 =	veq.s32 v0, v25;
	vm14 =	veq.s32 v0, v12  }
0xc0: {  	vm15 =	veq.s32 v1, v21;
	v8 =	vsel vm7, v11, v8;
	vm7 =	veq.s32 v0, v13  }
.Ltmp1:
0xc1: {  	v9 =	vsel vm15, v11, v9;
	v11 =	vsel vm13, v16, v8;
	v8 =	vbroadcast v14, $0xA;
	(pc) =	sbr.rel @p0 .LBB2_4-.Ltmp1, $4  }
0xc2: {  	v9 =	vsel vm9, v16, v9;
	v11 =	vsel vm3, v23, v11;
	vm3 =	veq.s32 v1, v18  }
0xc3: {  	vm9 =	veq.s32 v0, v18;
	v9 =	vsel vm4, v23, v9;
	v11 =	vsel vm14, v19, v11  }
0xc4: {  	v9 =	vsel vm12, v19, v9;
	v11 =	vsel vm10, v20, v11;
	vm10 =	veq.s32 v0, v15  }
0xc5: {  	vm4 =	veq.s32 v1, v15;
	v9 =	vsel vm11, v20, v9;
	v11 =	vsel vm8, v7, v11  }
0xc6: {  	v13 =	vbroadcast v14, $0xB;
	v11 =	vsel vm6, v6, v11  }
0xc7: {  	v11 =	vsel vm7, v8, v11  }
0xc8: {  	vm11 =	veq.s32 v0, v5;
	v15 =	vsel vm9, v13, v11  }
0xc9: {  	v60 =	vbroadcast v10, $0xF;
	v12 =	vbroadcast v14, $0xE;
	v15 =	vsel vm10, v3, v15  }
0xca: {  	v61 =	vbroadcast v14, $0xF;
	v62 =	vsel vm11, v2, v15  }
0xcb: {  	vm12 =	veq.s32 v0, v60;
	v14 =	vsel vm5, v12, v62  }
0xcc: {  	v14 =	vsel vm12, v61, v14  }
0xcd: {  	v14 =	vshll.u32 v14, $0xC  }
0xce: {  	(v2sf) =	vpush v14, $0x0  }
0xcf: {  	(v2sf) =	vpush v14, $0x1;
	_ =	sdelay $0xd  }
0xd0: {  	s22 =	stileid.u32;
	s18 =	spop (v2sf)  }
0xd1: {  	s24 =	rddreg [dreg:$0x6];
	s18 =	sand.u32 $0x1FFFF000, s18;
	s21 =	spop (v2sf)  }
0xd2: {  	s22 =	sshll.u32 s22, $0x6;
	s18 =	sadd.s32 s1, s18;
	s20 =	sand.u32 $0x1FFFF000, s21  }
0xd3: {  	[tilespmem:s4], [sflag:$0x1] =	stream.linear.gather [hbm4b:s18+s5], $0x8000, $0x38;
	[tilespmem:$0x18200] =	vst v63  }
0xd4: {  	s19 =	sor.u32 $0x1C05, s22;
	s21 =	sadd.s32 s1, s20;
	s18 =	sshrl.u32 s24, $0x3  }
0xd5: {  	[spmem:s18], [sflag:s19] =	dma.local [hbm:s21], $0x800  }
0xd6: {  	_ =	swait.ge [sflag:s8], $0x8000  }
0xd7: {  	[sflag:s8] =	ssyncset.done $0x0  }
0xd8: {  	[sflag:s8] =	ssyncadd.s32 $0xFFFF8000  }
0xd9: {  	[hbm4b:s7+s5] =	stream.linear.scatter [tilespmem:s4], [sflag:$0x3], $0x8000, $0x38;
	[tilespmem:$0x18200] =	vst v63  }
0xda: {  	_ =	swait.ge [sflag:s6], $0x800  }
0xdb: {  	s25 =	sadd.s32 s20, s9;
	s20 =	sor.u32 $0x1C06, s22;
	[sflag:s6] =	ssyncset.done $0x0  }
0xdc: {  	s21 =	sor.u32 $0x1C07, s22;
	s24 =	rddreg [dreg:$0x7];
	[sflag:s6] =	ssyncadd.s32 $0xFFFFF800  }
0xdd: {  	[hbm:s24], [sflag:s21] =	dma.local [spmem:s18], $0x800  }
0xde: {  	[spmem:s23], [sflag:s20] =	dma.local [hbm:s25], $0x800  }
0xdf: {  	(v2sf) =	vpush v14, $0x2;
	_ =	sdelay $0xe  }
0xe0: {  	s24 =	spop (v2sf)  }
0xe1: {  	s24 =	sand.u32 $0x1FFFF000, s24  }
0xe2: {  	s24 =	sadd.s32 s1, s24  }
0xe3: {  	[tilespmem:s10], [sflag:$0x2] =	stream.linear.gather [hbm4b:s24+s5], $0x8000, $0x38;
	[tilespmem:$0x18200] =	vst v63  }
0xe4: {  	_ =	swait.ge [sflag:s11], $0x800  }
0xe5: {  	[sflag:s11] =	ssyncset.done $0x0  }
0xe6: {  	s22 =	sor.u32 $0x1C08, s22;
	s25 =	rddreg [dreg:$0x8];
	[sflag:s11] =	ssyncadd.s32 $0xFFFFF800  }
0xe7: {  	[hbm:s25], [sflag:s22] =	dma.local [spmem:s23], $0x800  }
0xe8: {  	_ =	swait.ge [sflag:s12], $0x800  }
0xe9: {  	(v2sf) =	vpush v14, $0x3;
	_ =	sdelay $0xe  }
0xea: {  	s25 =	spop (v2sf)  }
0xeb: {  	[sflag:s12] =	ssyncset.done $0x0;
	s24 =	sand.u32 $0x1FFFF000, s25  }
0xec: {  	[sflag:s12] =	ssyncadd.s32 $0xFFFFF800;
	s25 =	sadd.s32 s1, s24  }
0xed: {  	[spmem:s18], [sflag:s19] =	dma.local [hbm:s25], $0x800  }
0xee: {  	_ =	swait.ge [sflag:s13], $0x8000  }
0xef: {  	[sflag:s13] =	ssyncset.done $0x0  }
0xf0: {  	s25 =	rddreg [dreg:$0x9];
	[sflag:s13] =	ssyncadd.s32 $0xFFFF8000  }
0xf1: {  	[hbm4b:s25+s5] =	stream.linear.scatter [tilespmem:s10], [sflag:$0x4], $0x8000, $0x38;
	[tilespmem:$0x18200] =	vst v63  }
0xf2: {  	_ =	swait.ge [sflag:s6], $0x800  }
0xf3: {  	[sflag:s6] =	ssyncset.done $0x0  }
0xf4: {  	s25 =	rddreg [dreg:$0xa];
	[sflag:s6] =	ssyncadd.s32 $0xFFFFF800  }
0xf5: {  	[hbm:s25], [sflag:s21] =	dma.local [spmem:s18], $0x800  }
0xf6: {  	_ =	swait.ge [sflag:s14], $0x800  }
0xf7: {  	[sflag:s14] =	ssyncset.done $0x0  }
0xf8: {  	s24 =	sadd.s32 s24, s9;
	[sflag:s14] =	ssyncadd.s32 $0xFFFFF800  }
0xf9: {  	[spmem:s23], [sflag:s20] =	dma.local [hbm:s24], $0x800  }
0xfa: {  	_ =	swait.ge [sflag:s15], $0x8000  }
0xfb: {  	(v2sf) =	vpush v14, $0x4;
	_ =	sdelay $0xe  }
0xfc: {  	s25 =	spop (v2sf)  }
0xfd: {  	[sflag:s15] =	ssyncset.done $0x0;
	s24 =	sand.u32 $0x1FFFF000, s25  }
0xfe: {  	[sflag:s15] =	ssyncadd.s32 $0xFFFF8000;
	s24 =	sadd.s32 s1, s24  }
0xff: {  	[tilespmem:s4], [sflag:$0x1] =	stream.linear.gather [hbm4b:s24+s5], $0x8000, $0x38;
	[tilespmem:$0x18200] =	vst v63  }
0x100: {  	_ =	swait.ge [sflag:s11], $0x800  }
0x101: {  	[sflag:s11] =	ssyncset.done $0x0  }
0x102: {  	s25 =	rddreg [dreg:$0xb];
	[sflag:s11] =	ssyncadd.s32 $0xFFFFF800  }
0x103: {  	[hbm:s25], [sflag:s22] =	dma.local [spmem:s23], $0x800  }
0x104: {  	_ =	swait.ge [sflag:s12], $0x800  }
0x105: {  	(v2sf) =	vpush v14, $0x5;
	_ =	sdelay $0xe  }
0x106: {  	s25 =	spop (v2sf)  }
0x107: {  	[sflag:s12] =	ssyncset.done $0x0;
	s24 =	sand.u32 $0x1FFFF000, s25  }
0x108: {  	[sflag:s12] =	ssyncadd.s32 $0xFFFFF800;
	s25 =	sadd.s32 s1, s24  }
0x109: {  	[spmem:s18], [sflag:s19] =	dma.local [hbm:s25], $0x800  }
0x10a: {  	_ =	swait.ge [sflag:s8], $0x8000  }
0x10b: {  	[sflag:s8] =	ssyncset.done $0x0  }
0x10c: {  	s25 =	rddreg [dreg:$0xc];
	[sflag:s8] =	ssyncadd.s32 $0xFFFF8000  }
0x10d: {  	[hbm4b:s25+s5] =	stream.linear.scatter [tilespmem:s4], [sflag:$0x3], $0x8000, $0x38;
	[tilespmem:$0x18200] =	vst v63  }
0x10e: {  	_ =	swait.ge [sflag:s6], $0x800  }
0x10f: {  	[sflag:s6] =	ssyncset.done $0x0  }
0x110: {  	s25 =	rddreg [dreg:$0xd];
	[sflag:s6] =	ssyncadd.s32 $0xFFFFF800  }
0x111: {  	[hbm:s25], [sflag:s21] =	dma.local [spmem:s18], $0x800  }
0x112: {  	_ =	swait.ge [sflag:s14], $0x800  }
0x113: {  	[sflag:s14] =	ssyncset.done $0x0  }
0x114: {  	s24 =	sadd.s32 s24, s9;
	[sflag:s14] =	ssyncadd.s32 $0xFFFFF800  }
0x115: {  	[spmem:s23], [sflag:s20] =	dma.local [hbm:s24], $0x800  }
0x116: {  	_ =	swait.ge [sflag:s16], $0x8000  }
0x117: {  	(v2sf) =	vpush v14, $0x6;
	_ =	sdelay $0xe  }
0x118: {  	s25 =	spop (v2sf)  }
0x119: {  	[sflag:s16] =	ssyncset.done $0x0;
	s24 =	sand.u32 $0x1FFFF000, s25  }
0x11a: {  	[sflag:s16] =	ssyncadd.s32 $0xFFFF8000;
	s24 =	sadd.s32 s1, s24  }
0x11b: {  	[tilespmem:s10], [sflag:$0x2] =	stream.linear.gather [hbm4b:s24+s5], $0x8000, $0x38;
	[tilespmem:$0x18200] =	vst v63  }
0x11c: {  	_ =	swait.ge [sflag:s11], $0x800  }
0x11d: {  	[sflag:s11] =	ssyncset.done $0x0  }
0x11e: {  	s25 =	rddreg [dreg:$0xe];
	[sflag:s11] =	ssyncadd.s32 $0xFFFFF800  }
0x11f: {  	[hbm:s25], [sflag:s22] =	dma.local [spmem:s23], $0x800  }
0x120: {  	_ =	swait.ge [sflag:s12], $0x800  }
0x121: {  	(v2sf) =	vpush v14, $0x7;
	_ =	sdelay $0xe  }
0x122: {  	s25 =	spop (v2sf)  }
0x123: {  	[sflag:s12] =	ssyncset.done $0x0;
	s24 =	sand.u32 $0x1FFFF000, s25  }
0x124: {  	[sflag:s12] =	ssyncadd.s32 $0xFFFFF800;
	s25 =	sadd.s32 s1, s24  }
0x125: {  	[spmem:s18], [sflag:s19] =	dma.local [hbm:s25], $0x800  }
0x126: {  	_ =	swait.ge [sflag:s13], $0x8000  }
0x127: {  	[sflag:s13] =	ssyncset.done $0x0  }
0x128: {  	s25 =	rddreg [dreg:$0xf];
	[sflag:s13] =	ssyncadd.s32 $0xFFFF8000  }
0x129: {  	[hbm4b:s25+s5] =	stream.linear.scatter [tilespmem:s10], [sflag:$0x4], $0x8000, $0x38;
	[tilespmem:$0x18200] =	vst v63  }
0x12a: {  	_ =	swait.ge [sflag:s6], $0x800  }
0x12b: {  	[sflag:s6] =	ssyncset.done $0x0  }
0x12c: {  	s25 =	rddreg [dreg:$0x10];
	[sflag:s6] =	ssyncadd.s32 $0xFFFFF800  }
0x12d: {  	[hbm:s25], [sflag:s21] =	dma.local [spmem:s18], $0x800  }
0x12e: {  	_ =	swait.ge [sflag:s14], $0x800  }
0x12f: {  	[sflag:s14] =	ssyncset.done $0x0  }
0x130: {  	s24 =	sadd.s32 s24, s9;
	[sflag:s14] =	ssyncadd.s32 $0xFFFFF800  }
0x131: {  	[spmem:s23], [sflag:s20] =	dma.local [hbm:s24], $0x800  }
0x132: {  	_ =	swait.ge [sflag:s15], $0x8000  }
0x133: {  	(v2sf) =	vpush v14, $0x8;
	_ =	sdelay $0xe  }
0x134: {  	s25 =	spop (v2sf)  }
0x135: {  	[sflag:s15] =	ssyncset.done $0x0;
	s24 =	sand.u32 $0x1FFFF000, s25  }
0x136: {  	[sflag:s15] =	ssyncadd.s32 $0xFFFF8000;
	s24 =	sadd.s32 s1, s24  }
0x137: {  	[tilespmem:s4], [sflag:$0x1] =	stream.linear.gather [hbm4b:s24+s5], $0x8000, $0x38;
	[tilespmem:$0x18200] =	vst v63  }
0x138: {  	_ =	swait.ge [sflag:s11], $0x800  }
0x139: {  	[sflag:s11] =	ssyncset.done $0x0  }
0x13a: {  	s25 =	rddreg [dreg:$0x11];
	[sflag:s11] =	ssyncadd.s32 $0xFFFFF800  }
0x13b: {  	[hbm:s25], [sflag:s22] =	dma.local [spmem:s23], $0x800  }
0x13c: {  	_ =	swait.ge [sflag:s12], $0x800  }
0x13d: {  	(v2sf) =	vpush v14, $0x9;
	_ =	sdelay $0xe  }
0x13e: {  	s25 =	spop (v2sf)  }
0x13f: {  	[sflag:s12] =	ssyncset.done $0x0;
	s24 =	sand.u32 $0x1FFFF000, s25  }
0x140: {  	[sflag:s12] =	ssyncadd.s32 $0xFFFFF800;
	s25 =	sadd.s32 s1, s24  }
0x141: {  	[spmem:s18], [sflag:s19] =	dma.local [hbm:s25], $0x800  }
0x142: {  	_ =	swait.ge [sflag:s8], $0x8000  }
0x143: {  	[sflag:s8] =	ssyncset.done $0x0  }
0x144: {  	s25 =	rddreg [dreg:$0x13];
	[sflag:s8] =	ssyncadd.s32 $0xFFFF8000  }
0x145: {  	[hbm4b:s25+s5] =	stream.linear.scatter [tilespmem:s4], [sflag:$0x3], $0x8000, $0x38;
	[tilespmem:$0x18200] =	vst v63  }
0x146: {  	_ =	swait.ge [sflag:s6], $0x800  }
0x147: {  	[sflag:s6] =	ssyncset.done $0x0  }
0x148: {  	s25 =	rddreg [dreg:$0x15];
	[sflag:s6] =	ssyncadd.s32 $0xFFFFF800  }
0x149: {  	[hbm:s25], [sflag:s21] =	dma.local [spmem:s18], $0x800  }
0x14a: {  	_ =	swait.ge [sflag:s14], $0x800  }
0x14b: {  	[sflag:s14] =	ssyncset.done $0x0  }
0x14c: {  	s24 =	sadd.s32 s24, s9;
	[sflag:s14] =	ssyncadd.s32 $0xFFFFF800  }
0x14d: {  	[spmem:s23], [sflag:s20] =	dma.local [hbm:s24], $0x800  }
0x14e: {  	_ =	swait.ge [sflag:s16], $0x8000  }
0x14f: {  	(v2sf) =	vpush v14, $0xA;
	_ =	sdelay $0xe  }
0x150: {  	s25 =	spop (v2sf)  }
0x151: {  	[sflag:s16] =	ssyncset.done $0x0;
	s24 =	sand.u32 $0x1FFFF000, s25  }
0x152: {  	[sflag:s16] =	ssyncadd.s32 $0xFFFF8000;
	s24 =	sadd.s32 s1, s24  }
0x153: {  	[tilespmem:s10], [sflag:$0x2] =	stream.linear.gather [hbm4b:s24+s5], $0x8000, $0x38;
	[tilespmem:$0x18200] =	vst v63  }
0x154: {  	_ =	swait.ge [sflag:s11], $0x800  }
0x155: {  	[sflag:s11] =	ssyncset.done $0x0  }
0x156: {  	s25 =	rddreg [dreg:$0x16];
	[sflag:s11] =	ssyncadd.s32 $0xFFFFF800  }
0x157: {  	[hbm:s25], [sflag:s22] =	dma.local [spmem:s23], $0x800  }
0x158: {  	_ =	swait.ge [sflag:s12], $0x800  }
0x159: {  	(v2sf) =	vpush v14, $0xB;
	_ =	sdelay $0xe  }
0x15a: {  	s25 =	spop (v2sf)  }
0x15b: {  	[sflag:s12] =	ssyncset.done $0x0;
	s24 =	sand.u32 $0x1FFFF000, s25  }
0x15c: {  	[sflag:s12] =	ssyncadd.s32 $0xFFFFF800;
	s25 =	sadd.s32 s1, s24  }
0x15d: {  	[spmem:s18], [sflag:s19] =	dma.local [hbm:s25], $0x800  }
0x15e: {  	_ =	swait.ge [sflag:s13], $0x8000  }
0x15f: {  	[sflag:s13] =	ssyncset.done $0x0  }
0x160: {  	s25 =	rddreg [dreg:$0x17];
	[sflag:s13] =	ssyncadd.s32 $0xFFFF8000  }
0x161: {  	[hbm4b:s25+s5] =	stream.linear.scatter [tilespmem:s10], [sflag:$0x4], $0x8000, $0x38;
	[tilespmem:$0x18200] =	vst v63  }
0x162: {  	_ =	swait.ge [sflag:s6], $0x800  }
0x163: {  	[sflag:s6] =	ssyncset.done $0x0  }
0x164: {  	s25 =	rddreg [dreg:$0x18];
	[sflag:s6] =	ssyncadd.s32 $0xFFFFF800  }
0x165: {  	[hbm:s25], [sflag:s21] =	dma.local [spmem:s18], $0x800  }
0x166: {  	_ =	swait.ge [sflag:s14], $0x800  }
0x167: {  	[sflag:s14] =	ssyncset.done $0x0  }
0x168: {  	s24 =	sadd.s32 s24, s9;
	[sflag:s14] =	ssyncadd.s32 $0xFFFFF800  }
0x169: {  	[spmem:s23], [sflag:s20] =	dma.local [hbm:s24], $0x800  }
0x16a: {  	_ =	swait.ge [sflag:s15], $0x8000  }
0x16b: {  	(v2sf) =	vpush v14, $0xC;
	_ =	sdelay $0xe  }
0x16c: {  	s25 =	spop (v2sf)  }
0x16d: {  	[sflag:s15] =	ssyncset.done $0x0;
	s24 =	sand.u32 $0x1FFFF000, s25  }
0x16e: {  	[sflag:s15] =	ssyncadd.s32 $0xFFFF8000;
	s24 =	sadd.s32 s1, s24  }
0x16f: {  	[tilespmem:s4], [sflag:$0x1] =	stream.linear.gather [hbm4b:s24+s5], $0x8000, $0x38;
	[tilespmem:$0x18200] =	vst v63  }
0x170: {  	_ =	swait.ge [sflag:s11], $0x800  }
0x171: {  	[sflag:s11] =	ssyncset.done $0x0  }
0x172: {  	s25 =	rddreg [dreg:$0x19];
	[sflag:s11] =	ssyncadd.s32 $0xFFFFF800  }
0x173: {  	[hbm:s25], [sflag:s22] =	dma.local [spmem:s23], $0x800  }
0x174: {  	_ =	swait.ge [sflag:s12], $0x800  }
0x175: {  	(v2sf) =	vpush v14, $0xD;
	_ =	sdelay $0xe  }
0x176: {  	s25 =	spop (v2sf)  }
0x177: {  	[sflag:s12] =	ssyncset.done $0x0;
	s24 =	sand.u32 $0x1FFFF000, s25  }
0x178: {  	[sflag:s12] =	ssyncadd.s32 $0xFFFFF800;
	s25 =	sadd.s32 s1, s24  }
0x179: {  	[spmem:s18], [sflag:s19] =	dma.local [hbm:s25], $0x800  }
0x17a: {  	_ =	swait.ge [sflag:s8], $0x8000  }
0x17b: {  	[sflag:s8] =	ssyncset.done $0x0  }
0x17c: {  	s25 =	rddreg [dreg:$0x1a];
	[sflag:s8] =	ssyncadd.s32 $0xFFFF8000  }
0x17d: {  	[hbm4b:s25+s5] =	stream.linear.scatter [tilespmem:s4], [sflag:$0x3], $0x8000, $0x38;
	[tilespmem:$0x18200] =	vst v63  }
0x17e: {  	_ =	swait.ge [sflag:s6], $0x800  }
0x17f: {  	[sflag:s6] =	ssyncset.done $0x0  }
0x180: {  	s25 =	rddreg [dreg:$0x1b];
	[sflag:s6] =	ssyncadd.s32 $0xFFFFF800  }
0x181: {  	[hbm:s25], [sflag:s21] =	dma.local [spmem:s18], $0x800  }
0x182: {  	_ =	swait.ge [sflag:s14], $0x800  }
0x183: {  	[sflag:s14] =	ssyncset.done $0x0  }
0x184: {  	s24 =	sadd.s32 s24, s9;
	[sflag:s14] =	ssyncadd.s32 $0xFFFFF800  }
0x185: {  	[spmem:s23], [sflag:s20] =	dma.local [hbm:s24], $0x800  }
0x186: {  	_ =	swait.ge [sflag:s16], $0x8000  }
0x187: {  	(v2sf) =	vpush v14, $0xE;
	_ =	sdelay $0xe  }
0x188: {  	s25 =	spop (v2sf)  }
0x189: {  	[sflag:s16] =	ssyncset.done $0x0;
	s24 =	sand.u32 $0x1FFFF000, s25  }
0x18a: {  	[sflag:s16] =	ssyncadd.s32 $0xFFFF8000;
	s24 =	sadd.s32 s1, s24  }
0x18b: {  	[tilespmem:s10], [sflag:$0x2] =	stream.linear.gather [hbm4b:s24+s5], $0x8000, $0x38;
	[tilespmem:$0x18200] =	vst v63  }
0x18c: {  	_ =	swait.ge [sflag:s11], $0x800  }
0x18d: {  	[sflag:s11] =	ssyncset.done $0x0  }
0x18e: {  	s25 =	rddreg [dreg:$0x1c];
	[sflag:s11] =	ssyncadd.s32 $0xFFFFF800  }
0x18f: {  	[hbm:s25], [sflag:s22] =	dma.local [spmem:s23], $0x800  }
0x190: {  	_ =	swait.ge [sflag:s12], $0x800  }
0x191: {  	(v2sf) =	vpush v14, $0xF;
	_ =	sdelay $0xe  }
0x192: {  	s25 =	spop (v2sf)  }
0x193: {  	[sflag:s12] =	ssyncset.done $0x0;
	s24 =	sand.u32 $0x1FFFF000, s25  }
0x194: {  	[sflag:s12] =	ssyncadd.s32 $0xFFFFF800;
	s25 =	sadd.s32 s1, s24  }
0x195: {  	[spmem:s18], [sflag:s19] =	dma.local [hbm:s25], $0x800  }
0x196: {  	_ =	swait.ge [sflag:s13], $0x8000  }
0x197: {  	[sflag:s13] =	ssyncset.done $0x0  }
0x198: {  	s25 =	rddreg [dreg:$0x1d];
	[sflag:s13] =	ssyncadd.s32 $0xFFFF8000  }
0x199: {  	[hbm4b:s25+s5] =	stream.linear.scatter [tilespmem:s10], [sflag:$0x4], $0x8000, $0x38;
	[tilespmem:$0x18200] =	vst v63  }
0x19a: {  	v7 =	vsel vm1, v7, v9;
	_ =	swait.ge [sflag:s6], $0x800  }
0x19b: {  	v63 =	vsel vm2, v6, v7;
	[sflag:s6] =	ssyncset.done $0x0  }
0x19c: {  	v6 =	vsel vm0, v8, v63;
	s25 =	rddreg [dreg:$0x1e];
	[sflag:s6] =	ssyncadd.s32 $0xFFFFF800  }
0x19d: {  	v6 =	vsel vm3, v13, v6;
	[hbm:s25], [sflag:s21] =	dma.local [spmem:s18], $0x800  }
0x19e: {  	vm13 =	veq.s32 v1, v5;
	v3 =	vsel vm4, v3, v6;
	_ =	swait.ge [sflag:s14], $0x800  }
0x19f: {  	vm14 =	veq.s32 v1, v4;
	v2 =	vsel vm13, v2, v3;
	[sflag:s14] =	ssyncset.done $0x0  }
0x1a0: {  	vm15 =	veq.s32 v1, v60;
	v2 =	vsel vm14, v12, v2;
	s24 =	sadd.s32 s24, s9;
	[sflag:s14] =	ssyncadd.s32 $0xFFFFF800  }
0x1a1: {  	v2 =	vsel vm15, v61, v2;
	[spmem:s23], [sflag:s20] =	dma.local [hbm:s24], $0x800  }
0x1a2: {  	v2 =	vshll.u32 v2, $0xC;
	_ =	swait.ge [sflag:s15], $0x8000  }
0x1a3: {  	(v2sf) =	vpush v2, $0x0;
	_ =	sdelay $0xe  }
0x1a4: {  	s25 =	spop (v2sf)  }
0x1a5: {  	[sflag:s15] =	ssyncset.done $0x0;
	s24 =	sand.u32 $0x1FFFF000, s25  }
0x1a6: {  	[sflag:s15] =	ssyncadd.s32 $0xFFFF8000;
	s24 =	sadd.s32 s1, s24  }
0x1a7: {  	[tilespmem:s4], [sflag:$0x1] =	stream.linear.gather [hbm4b:s24+s5], $0x8000, $0x38;
	[tilespmem:$0x18200] =	vst v63  }
0x1a8: {  	_ =	swait.ge [sflag:s11], $0x800  }
0x1a9: {  	[sflag:s11] =	ssyncset.done $0x0  }
0x1aa: {  	s25 =	rddreg [dreg:$0x1f];
	[sflag:s11] =	ssyncadd.s32 $0xFFFFF800  }
0x1ab: {  	[hbm:s25], [sflag:s22] =	dma.local [spmem:s23], $0x800  }
0x1ac: {  	_ =	swait.ge [sflag:s12], $0x800  }
0x1ad: {  	(v2sf) =	vpush v2, $0x1;
	_ =	sdelay $0xe  }
0x1ae: {  	s25 =	spop (v2sf)  }
0x1af: {  	[sflag:s12] =	ssyncset.done $0x0;
	s24 =	sand.u32 $0x1FFFF000, s25  }
0x1b0: {  	[sflag:s12] =	ssyncadd.s32 $0xFFFFF800;
	s25 =	sadd.s32 s1, s24  }
0x1b1: {  	[spmem:s18], [sflag:s19] =	dma.local [hbm:s25], $0x800  }
0x1b2: {  	_ =	swait.ge [sflag:s8], $0x8000  }
0x1b3: {  	[sflag:s8] =	ssyncset.done $0x0  }
0x1b4: {  	s25 =	rddreg [dreg:$0x12];
	[sflag:s8] =	ssyncadd.s32 $0xFFFF8000  }
0x1b5: {  	[hbm4b:s25+s5] =	stream.linear.scatter [tilespmem:s4], [sflag:$0x3], $0x8000, $0x38;
	[tilespmem:$0x18200] =	vst v63  }
0x1b6: {  	_ =	swait.ge [sflag:s6], $0x800  }
0x1b7: {  	s25 =	sld [smem:$0x7EE]  }
0x1b8: {  	[sflag:s6] =	ssyncset.done $0x0  }
0x1b9: {  	[sflag:s6] =	ssyncadd.s32 $0xFFFFF800  }
0x1ba: {  	[hbm:s25], [sflag:s21] =	dma.local [spmem:s18], $0x800  }
0x1bb: {  	_ =	swait.ge [sflag:s14], $0x800  }
0x1bc: {  	[sflag:s14] =	ssyncset.done $0x0  }
0x1bd: {  	s24 =	sadd.s32 s24, s9;
	[sflag:s14] =	ssyncadd.s32 $0xFFFFF800  }
0x1be: {  	[spmem:s23], [sflag:s20] =	dma.local [hbm:s24], $0x800  }
0x1bf: {  	_ =	swait.ge [sflag:s16], $0x8000  }
0x1c0: {  	(v2sf) =	vpush v2, $0x2;
	_ =	sdelay $0xe  }
0x1c1: {  	s25 =	spop (v2sf)  }
0x1c2: {  	[sflag:s16] =	ssyncset.done $0x0;
	s24 =	sand.u32 $0x1FFFF000, s25  }
0x1c3: {  	[sflag:s16] =	ssyncadd.s32 $0xFFFF8000;
	s24 =	sadd.s32 s1, s24  }
0x1c4: {  	[tilespmem:s10], [sflag:$0x2] =	stream.linear.gather [hbm4b:s24+s5], $0x8000, $0x38;
	[tilespmem:$0x18200] =	vst v63  }
0x1c5: {  	_ =	swait.ge [sflag:s11], $0x800  }
0x1c6: {  	s25 =	sld [smem:$0x7EF]  }
0x1c7: {  	[sflag:s11] =	ssyncset.done $0x0  }
0x1c8: {  	[sflag:s11] =	ssyncadd.s32 $0xFFFFF800  }
0x1c9: {  	[hbm:s25], [sflag:s22] =	dma.local [spmem:s23], $0x800  }
0x1ca: {  	_ =	swait.ge [sflag:s12], $0x800  }
0x1cb: {  	(v2sf) =	vpush v2, $0x3;
	_ =	sdelay $0xe  }
0x1cc: {  	s25 =	spop (v2sf)  }
0x1cd: {  	[sflag:s12] =	ssyncset.done $0x0;
	s24 =	sand.u32 $0x1FFFF000, s25  }
0x1ce: {  	[sflag:s12] =	ssyncadd.s32 $0xFFFFF800;
	s25 =	sadd.s32 s1, s24  }
0x1cf: {  	[spmem:s18], [sflag:s19] =	dma.local [hbm:s25], $0x800  }
0x1d0: {  	_ =	swait.ge [sflag:s13], $0x8000  }
0x1d1: {  	s25 =	sld [smem:$0x7F0]  }
0x1d2: {  	[sflag:s13] =	ssyncset.done $0x0  }
0x1d3: {  	[sflag:s13] =	ssyncadd.s32 $0xFFFF8000  }
0x1d4: {  	[hbm4b:s25+s5] =	stream.linear.scatter [tilespmem:s10], [sflag:$0x4], $0x8000, $0x38;
	[tilespmem:$0x18200] =	vst v63  }
0x1d5: {  	_ =	swait.ge [sflag:s6], $0x800  }
0x1d6: {  	s25 =	sld [smem:$0x7F1]  }
0x1d7: {  	[sflag:s6] =	ssyncset.done $0x0  }
0x1d8: {  	[sflag:s6] =	ssyncadd.s32 $0xFFFFF800  }
0x1d9: {  	[hbm:s25], [sflag:s21] =	dma.local [spmem:s18], $0x800  }
0x1da: {  	_ =	swait.ge [sflag:s14], $0x800  }
0x1db: {  	[sflag:s14] =	ssyncset.done $0x0  }
0x1dc: {  	s24 =	sadd.s32 s24, s9;
	[sflag:s14] =	ssyncadd.s32 $0xFFFFF800  }
0x1dd: {  	[spmem:s23], [sflag:s20] =	dma.local [hbm:s24], $0x800  }
0x1de: {  	_ =	swait.ge [sflag:s15], $0x8000  }
0x1df: {  	(v2sf) =	vpush v2, $0x4;
	_ =	sdelay $0xe  }
0x1e0: {  	s25 =	spop (v2sf)  }
0x1e1: {  	[sflag:s15] =	ssyncset.done $0x0;
	s24 =	sand.u32 $0x1FFFF000, s25  }
0x1e2: {  	[sflag:s15] =	ssyncadd.s32 $0xFFFF8000;
	s24 =	sadd.s32 s1, s24  }
0x1e3: {  	[tilespmem:s4], [sflag:$0x1] =	stream.linear.gather [hbm4b:s24+s5], $0x8000, $0x38;
	[tilespmem:$0x18200] =	vst v63  }
0x1e4: {  	_ =	swait.ge [sflag:s11], $0x800  }
0x1e5: {  	s25 =	sld [smem:$0x7F2]  }
0x1e6: {  	[sflag:s11] =	ssyncset.done $0x0  }
0x1e7: {  	[sflag:s11] =	ssyncadd.s32 $0xFFFFF800  }
0x1e8: {  	[hbm:s25], [sflag:s22] =	dma.local [spmem:s23], $0x800  }
0x1e9: {  	_ =	swait.ge [sflag:s12], $0x800  }
0x1ea: {  	(v2sf) =	vpush v2, $0x5;
	_ =	sdelay $0xe  }
0x1eb: {  	s25 =	spop (v2sf)  }
0x1ec: {  	[sflag:s12] =	ssyncset.done $0x0;
	s24 =	sand.u32 $0x1FFFF000, s25  }
0x1ed: {  	[sflag:s12] =	ssyncadd.s32 $0xFFFFF800;
	s25 =	sadd.s32 s1, s24  }
0x1ee: {  	[spmem:s18], [sflag:s19] =	dma.local [hbm:s25], $0x800  }
0x1ef: {  	_ =	swait.ge [sflag:s8], $0x8000  }
0x1f0: {  	s25 =	sld [smem:$0x7F3]  }
0x1f1: {  	[sflag:s8] =	ssyncset.done $0x0  }
0x1f2: {  	[sflag:s8] =	ssyncadd.s32 $0xFFFF8000  }
0x1f3: {  	[hbm4b:s25+s5] =	stream.linear.scatter [tilespmem:s4], [sflag:$0x3], $0x8000, $0x38;
	[tilespmem:$0x18200] =	vst v63  }
0x1f4: {  	_ =	swait.ge [sflag:s6], $0x800  }
0x1f5: {  	s25 =	sld [smem:$0x7F4]  }
0x1f6: {  	[sflag:s6] =	ssyncset.done $0x0  }
0x1f7: {  	[sflag:s6] =	ssyncadd.s32 $0xFFFFF800  }
0x1f8: {  	[hbm:s25], [sflag:s21] =	dma.local [spmem:s18], $0x800  }
0x1f9: {  	_ =	swait.ge [sflag:s14], $0x800  }
0x1fa: {  	[sflag:s14] =	ssyncset.done $0x0  }
0x1fb: {  	s24 =	sadd.s32 s24, s9;
	[sflag:s14] =	ssyncadd.s32 $0xFFFFF800  }
0x1fc: {  	[spmem:s23], [sflag:s20] =	dma.local [hbm:s24], $0x800  }
0x1fd: {  	_ =	swait.ge [sflag:s16], $0x8000  }
0x1fe: {  	(v2sf) =	vpush v2, $0x6;
	_ =	sdelay $0xe  }
0x1ff: {  	s25 =	spop (v2sf)  }
0x200: {  	[sflag:s16] =	ssyncset.done $0x0;
	s24 =	sand.u32 $0x1FFFF000, s25  }
0x201: {  	[sflag:s16] =	ssyncadd.s32 $0xFFFF8000;
	s24 =	sadd.s32 s1, s24  }
0x202: {  	[tilespmem:s10], [sflag:$0x2] =	stream.linear.gather [hbm4b:s24+s5], $0x8000, $0x38;
	[tilespmem:$0x18200] =	vst v63  }
0x203: {  	_ =	swait.ge [sflag:s11], $0x800  }
0x204: {  	s25 =	sld [smem:$0x7F5]  }
0x205: {  	[sflag:s11] =	ssyncset.done $0x0  }
0x206: {  	[sflag:s11] =	ssyncadd.s32 $0xFFFFF800  }
0x207: {  	[hbm:s25], [sflag:s22] =	dma.local [spmem:s23], $0x800  }
0x208: {  	_ =	swait.ge [sflag:s12], $0x800  }
0x209: {  	(v2sf) =	vpush v2, $0x7;
	_ =	sdelay $0xe  }
0x20a: {  	s25 =	spop (v2sf)  }
0x20b: {  	[sflag:s12] =	ssyncset.done $0x0;
	s24 =	sand.u32 $0x1FFFF000, s25  }
0x20c: {  	[sflag:s12] =	ssyncadd.s32 $0xFFFFF800;
	s25 =	sadd.s32 s1, s24  }
0x20d: {  	[spmem:s18], [sflag:s19] =	dma.local [hbm:s25], $0x800  }
0x20e: {  	_ =	swait.ge [sflag:s13], $0x8000  }
0x20f: {  	s25 =	sld [smem:$0x7F6]  }
0x210: {  	[sflag:s13] =	ssyncset.done $0x0  }
0x211: {  	[sflag:s13] =	ssyncadd.s32 $0xFFFF8000  }
0x212: {  	[hbm4b:s25+s5] =	stream.linear.scatter [tilespmem:s10], [sflag:$0x4], $0x8000, $0x38;
	[tilespmem:$0x18200] =	vst v63  }
0x213: {  	_ =	swait.ge [sflag:s6], $0x800  }
0x214: {  	s25 =	sld [smem:$0x7F7]  }
0x215: {  	[sflag:s6] =	ssyncset.done $0x0  }
0x216: {  	[sflag:s6] =	ssyncadd.s32 $0xFFFFF800  }
0x217: {  	[hbm:s25], [sflag:s21] =	dma.local [spmem:s18], $0x800  }
0x218: {  	_ =	swait.ge [sflag:s14], $0x800  }
0x219: {  	[sflag:s14] =	ssyncset.done $0x0  }
0x21a: {  	s24 =	sadd.s32 s24, s9;
	[sflag:s14] =	ssyncadd.s32 $0xFFFFF800  }
0x21b: {  	[spmem:s23], [sflag:s20] =	dma.local [hbm:s24], $0x800  }
0x21c: {  	_ =	swait.ge [sflag:s15], $0x8000  }
0x21d: {  	(v2sf) =	vpush v2, $0x8;
	_ =	sdelay $0xe  }
0x21e: {  	s25 =	spop (v2sf)  }
0x21f: {  	[sflag:s15] =	ssyncset.done $0x0;
	s24 =	sand.u32 $0x1FFFF000, s25  }
0x220: {  	[sflag:s15] =	ssyncadd.s32 $0xFFFF8000;
	s24 =	sadd.s32 s1, s24  }
0x221: {  	[tilespmem:s4], [sflag:$0x1] =	stream.linear.gather [hbm4b:s24+s5], $0x8000, $0x38;
	[tilespmem:$0x18200] =	vst v63  }
0x222: {  	_ =	swait.ge [sflag:s11], $0x800  }
0x223: {  	s25 =	sld [smem:$0x7F8]  }
0x224: {  	[sflag:s11] =	ssyncset.done $0x0  }
0x225: {  	[sflag:s11] =	ssyncadd.s32 $0xFFFFF800  }
0x226: {  	[hbm:s25], [sflag:s22] =	dma.local [spmem:s23], $0x800  }
0x227: {  	_ =	swait.ge [sflag:s12], $0x800  }
0x228: {  	(v2sf) =	vpush v2, $0x9;
	_ =	sdelay $0xe  }
0x229: {  	s25 =	spop (v2sf)  }
0x22a: {  	[sflag:s12] =	ssyncset.done $0x0;
	s24 =	sand.u32 $0x1FFFF000, s25  }
0x22b: {  	[sflag:s12] =	ssyncadd.s32 $0xFFFFF800;
	s25 =	sadd.s32 s1, s24  }
0x22c: {  	[spmem:s18], [sflag:s19] =	dma.local [hbm:s25], $0x800  }
0x22d: {  	_ =	swait.ge [sflag:s8], $0x8000  }
0x22e: {  	s25 =	sld [smem:$0x7F9]  }
0x22f: {  	[sflag:s8] =	ssyncset.done $0x0  }
0x230: {  	[sflag:s8] =	ssyncadd.s32 $0xFFFF8000  }
0x231: {  	[hbm4b:s25+s5] =	stream.linear.scatter [tilespmem:s4], [sflag:$0x3], $0x8000, $0x38;
	[tilespmem:$0x18200] =	vst v63  }
0x232: {  	_ =	swait.ge [sflag:s6], $0x800  }
0x233: {  	s25 =	sld [smem:$0x7FA]  }
0x234: {  	[sflag:s6] =	ssyncset.done $0x0  }
0x235: {  	[sflag:s6] =	ssyncadd.s32 $0xFFFFF800  }
0x236: {  	[hbm:s25], [sflag:s21] =	dma.local [spmem:s18], $0x800  }
0x237: {  	_ =	swait.ge [sflag:s14], $0x800  }
0x238: {  	[sflag:s14] =	ssyncset.done $0x0  }
0x239: {  	s24 =	sadd.s32 s24, s9;
	[sflag:s14] =	ssyncadd.s32 $0xFFFFF800  }
0x23a: {  	[spmem:s23], [sflag:s20] =	dma.local [hbm:s24], $0x800  }
0x23b: {  	_ =	swait.ge [sflag:s16], $0x8000  }
0x23c: {  	(v2sf) =	vpush v2, $0xA;
	_ =	sdelay $0xe  }
0x23d: {  	s25 =	spop (v2sf)  }
0x23e: {  	[sflag:s16] =	ssyncset.done $0x0;
	s24 =	sand.u32 $0x1FFFF000, s25  }
0x23f: {  	[sflag:s16] =	ssyncadd.s32 $0xFFFF8000;
	s24 =	sadd.s32 s1, s24  }
0x240: {  	[tilespmem:s10], [sflag:$0x2] =	stream.linear.gather [hbm4b:s24+s5], $0x8000, $0x38;
	[tilespmem:$0x18200] =	vst v63  }
0x241: {  	_ =	swait.ge [sflag:s11], $0x800  }
0x242: {  	s25 =	sld [smem:$0x7FB]  }
0x243: {  	[sflag:s11] =	ssyncset.done $0x0  }
0x244: {  	[sflag:s11] =	ssyncadd.s32 $0xFFFFF800  }
0x245: {  	[hbm:s25], [sflag:s22] =	dma.local [spmem:s23], $0x800  }
0x246: {  	_ =	swait.ge [sflag:s12], $0x800  }
0x247: {  	(v2sf) =	vpush v2, $0xB;
	_ =	sdelay $0xe  }
0x248: {  	s25 =	spop (v2sf)  }
0x249: {  	[sflag:s12] =	ssyncset.done $0x0;
	s24 =	sand.u32 $0x1FFFF000, s25  }
0x24a: {  	[sflag:s12] =	ssyncadd.s32 $0xFFFFF800;
	s25 =	sadd.s32 s1, s24  }
0x24b: {  	[spmem:s18], [sflag:s19] =	dma.local [hbm:s25], $0x800  }
0x24c: {  	_ =	swait.ge [sflag:s13], $0x8000  }
0x24d: {  	s25 =	sld [smem:$0x7FC]  }
0x24e: {  	[sflag:s13] =	ssyncset.done $0x0  }
0x24f: {  	[sflag:s13] =	ssyncadd.s32 $0xFFFF8000  }
0x250: {  	[hbm4b:s25+s5] =	stream.linear.scatter [tilespmem:s10], [sflag:$0x4], $0x8000, $0x38;
	[tilespmem:$0x18200] =	vst v63  }
0x251: {  	_ =	swait.ge [sflag:s6], $0x800  }
0x252: {  	s25 =	sld [smem:$0x7FD]  }
0x253: {  	[sflag:s6] =	ssyncset.done $0x0  }
0x254: {  	[sflag:s6] =	ssyncadd.s32 $0xFFFFF800  }
0x255: {  	[hbm:s25], [sflag:s21] =	dma.local [spmem:s18], $0x800  }
0x256: {  	_ =	swait.ge [sflag:s14], $0x800  }
0x257: {  	[sflag:s14] =	ssyncset.done $0x0  }
0x258: {  	s24 =	sadd.s32 s24, s9;
	[sflag:s14] =	ssyncadd.s32 $0xFFFFF800  }
0x259: {  	[spmem:s23], [sflag:s20] =	dma.local [hbm:s24], $0x800  }
0x25a: {  	_ =	swait.ge [sflag:s15], $0x8000  }
0x25b: {  	(v2sf) =	vpush v2, $0xC;
	_ =	sdelay $0xe  }
0x25c: {  	s25 =	spop (v2sf)  }
0x25d: {  	[sflag:s15] =	ssyncset.done $0x0;
	s24 =	sand.u32 $0x1FFFF000, s25  }
0x25e: {  	[sflag:s15] =	ssyncadd.s32 $0xFFFF8000;
	s24 =	sadd.s32 s1, s24  }
0x25f: {  	[tilespmem:s4], [sflag:$0x1] =	stream.linear.gather [hbm4b:s24+s5], $0x8000, $0x38;
	[tilespmem:$0x18200] =	vst v63  }
0x260: {  	_ =	swait.ge [sflag:s11], $0x800  }
0x261: {  	[sflag:s11] =	ssyncset.done $0x0  }
0x262: {  	[sflag:s11] =	ssyncadd.s32 $0xFFFFF800  }
0x263: {  	[hbm:s26], [sflag:s22] =	dma.local [spmem:s23], $0x800  }
0x264: {  	_ =	swait.ge [sflag:s12], $0x800  }
0x265: {  	(v2sf) =	vpush v2, $0xD;
	_ =	sdelay $0xe  }
0x266: {  	s25 =	spop (v2sf)  }
0x267: {  	[sflag:s12] =	ssyncset.done $0x0;
	s24 =	sand.u32 $0x1FFFF000, s25  }
0x268: {  	[sflag:s12] =	ssyncadd.s32 $0xFFFFF800;
	s25 =	sadd.s32 s1, s24  }
0x269: {  	[spmem:s18], [sflag:s19] =	dma.local [hbm:s25], $0x800  }
0x26a: {  	_ =	swait.ge [sflag:s8], $0x8000  }
0x26b: {  	[sflag:s8] =	ssyncset.done $0x0  }
0x26c: {  	[sflag:s8] =	ssyncadd.s32 $0xFFFF8000  }
0x26d: {  	[hbm4b:s28+s5] =	stream.linear.scatter [tilespmem:s4], [sflag:$0x3], $0x8000, $0x38;
	[tilespmem:$0x18200] =	vst v63  }
0x26e: {  	_ =	swait.ge [sflag:s6], $0x800  }
0x26f: {  	[sflag:s6] =	ssyncset.done $0x0  }
0x270: {  	[sflag:s6] =	ssyncadd.s32 $0xFFFFF800  }
0x271: {  	[hbm:s29], [sflag:s21] =	dma.local [spmem:s18], $0x800  }
0x272: {  	_ =	swait.ge [sflag:s14], $0x800  }
0x273: {  	[sflag:s14] =	ssyncset.done $0x0  }
0x274: {  	s24 =	sadd.s32 s24, s9;
	[sflag:s14] =	ssyncadd.s32 $0xFFFFF800  }
0x275: {  	[spmem:s23], [sflag:s20] =	dma.local [hbm:s24], $0x800  }
0x276: {  	_ =	swait.ge [sflag:s16], $0x8000  }
0x277: {  	(v2sf) =	vpush v2, $0xE;
	_ =	sdelay $0xe  }
0x278: {  	s25 =	spop (v2sf)  }
0x279: {  	[sflag:s16] =	ssyncset.done $0x0;
	s24 =	sand.u32 $0x1FFFF000, s25  }
0x27a: {  	[sflag:s16] =	ssyncadd.s32 $0xFFFF8000;
	s24 =	sadd.s32 s1, s24  }
0x27b: {  	[tilespmem:s10], [sflag:$0x2] =	stream.linear.gather [hbm4b:s24+s5], $0x8000, $0x38;
	[tilespmem:$0x18200] =	vst v63  }
0x27c: {  	_ =	swait.ge [sflag:s11], $0x800  }
0x27d: {  	[sflag:s11] =	ssyncset.done $0x0  }
0x27e: {  	[sflag:s11] =	ssyncadd.s32 $0xFFFFF800  }
0x27f: {  	[hbm:s30], [sflag:s22] =	dma.local [spmem:s23], $0x800  }
0x280: {  	_ =	swait.ge [sflag:s12], $0x800  }
0x281: {  	(v2sf) =	vpush v2, $0xF;
	_ =	sdelay $0xe  }
0x282: {  	s25 =	spop (v2sf)  }
0x283: {  	[sflag:s12] =	ssyncset.done $0x0;
	s24 =	sand.u32 $0x1FFFF000, s25  }
0x284: {  	[sflag:s12] =	ssyncadd.s32 $0xFFFFF800;
	s25 =	sadd.s32 s1, s24  }
0x285: {  	[spmem:s18], [sflag:s19] =	dma.local [hbm:s25], $0x800  }
0x286: {  	_ =	swait.ge [sflag:s13], $0x8000  }
0x287: {  	[sflag:s13] =	ssyncset.done $0x0  }
0x288: {  	[sflag:s13] =	ssyncadd.s32 $0xFFFF8000  }
0x289: {  	[hbm4b:s31+s5] =	stream.linear.scatter [tilespmem:s10], [sflag:$0x4], $0x8000, $0x38;
	[tilespmem:$0x18200] =	vst v63  }
0x28a: {  	_ =	swait.ge [sflag:s6], $0x800  }
0x28b: {  	[sflag:s6] =	ssyncset.done $0x0  }
0x28c: {  	[sflag:s6] =	ssyncadd.s32 $0xFFFFF800  }
0x28d: {  	[hbm:s0], [sflag:s21] =	dma.local [spmem:s18], $0x800  }
0x28e: {  	_ =	swait.ge [sflag:s14], $0x800  }
0x28f: {  	[sflag:s14] =	ssyncset.done $0x0  }
0x290: {  	s24 =	sadd.s32 s24, s9;
	[sflag:s14] =	ssyncadd.s32 $0xFFFFF800  }
0x291: {  	[spmem:s23], [sflag:s20] =	dma.local [hbm:s24], $0x800  }
0x292: {  	_ =	swait.ge [sflag:s11], $0x800  }
0x293: {  	[sflag:s11] =	ssyncset.done $0x0  }
0x294: {  	[sflag:s11] =	ssyncadd.s32 $0xFFFFF800  }
0x295: {  	[hbm:s2], [sflag:s22] =	dma.local [spmem:s23], $0x800  }
0x296: {  	_ =	swait.ge [sflag:s16], $0x8000  }
0x297: {  	[sflag:s16] =	ssyncset.done $0x0  }
0x298: {  	[sflag:s16] =	ssyncadd.s32 $0xFFFF8000  }
0x299: {  	_ =	swait.ge [sflag:s15], $0x8000  }
0x29a: {  	[sflag:s15] =	ssyncset.done $0x0  }
0x29b: {  	[sflag:s15] =	ssyncadd.s32 $0xFFFF8000  }
0x29c: {  	_ =	swait.ge [sflag:s14], $0x800  }
0x29d: {  	[sflag:s14] =	ssyncset.done $0x0  }
0x29e: {  	[sflag:s14] =	ssyncadd.s32 $0xFFFFF800  }
0x29f: {  	_ =	swait.ge [sflag:s12], $0x800  }
0x2a0: {  	s17 =	sadd.s32 $0x1, s17;
	s25 =	rddreg [dreg:$0x14]  }
0x2a1: {  	p0 =	sne.s32 s17, s25  }
.Ltmp2:
0x2a2: {  	_ = 	snop;
	(pc) =	sbr.rel @p0 .LBB2_1-.Ltmp2, $3  }
0x2a3: {  	_ =	sdelay $0x1  }
0x2a4: {  	[sflag:s12] =	ssyncset.done $0x0  }
0x2a5: {  	[sflag:s12] =	ssyncadd.s32 $0xFFFFF800  }
0x2a6: {  	_ =	sfence.sel $0x180000  }
0x2a7: {  	[bflag:$0x0] =	sbarrier.arrive $0xFFFF  }
0x2a8: {  	_ =	strace $0x90000047  }
0x2a9: {  	s0 =	stileid.u32;
	[bflag:$0x2] =	sbarrier.arrive $0xFFFF  }
0x2aa: {  	p0 =	sne.s32 s0, $0x0;
	s0 =	rddreg [dreg:$0x5]  }
0x2ab: {  	s0 =	sadd.s32 @!p0 $0x100000, s0  }
0x2ac: {  	[sflag:s0] =	ssyncadd.tile.s32 @!p0 $0x1;
	_ =	shalt  }
.Lfunc_end2:
_tile_overlayer_lowered:
.L_overlay_start_2:
0x2ad: {  	(tag) =	ssettag $0x2  }
0x2ae: {  	s0 =	rddreg [dreg:$0x0];
	s2 =	stileid.u32  }
0x2af: {  	s1 =	rddreg [dreg:$0x1];
	p0 =	sne.s32 s2, $0x0  }
0x2b0: {  	s3 =	rddreg [dreg:$0x2];
	[bflag:$0x3] =	sbarrier.arrive $0xFFFF;
	s2 =	simm.s32 @!p0 $0x1C09  }
0x2b1: {  	[timem:s3], [sflag:s2] =	dma.local @!p0 [hbm:s0], s1  }
0x2b2: {  	s0 =	simm.s32 @!p0 $0x9  }
0x2b3: {  	_ =	swait.ge @!p0 [sflag:s0], s1  }
0x2b4: {  	s1 =	ssub.s32 @!p0 $0x0, s1;
	[sflag:s0] =	ssyncset.done @!p0 $0x0  }
0x2b5: {  	[sflag:s0] =	ssyncadd.s32 @!p0 s1  }
0x2b6: {  	[bflag:$0x3] =	sbarrier.arrive $0xFFFF  }
0x2b7: {  	_ =	shalt  }

</sc_bundles>
